<compile_context>
chip_gen: v7x
topology: tpu7x:2x2x1
jax: 0.10.2.dev20260603
libtpu: 0.0.44.dev20260713+nightly
codegen_flags: <defaults>
</compile_context>

<pallas_src>
import functools

import jax
import jax.numpy as jnp
import numpy as np
from jax import lax
from jax.experimental import pallas as pl
from jax.experimental.pallas import tpu as pltpu
from jax.experimental.pallas import tpu_sc as plsc

N = 100000
D = 256
L = 64
HID = 128
H1, H2 = 128, 512
SUB = 50000
INV_TEMP_DIV = np.float32(0.01 * 0.1)

_NC, _NS = 2, 16
_NW = _NC * _NS
_CPW = 1568
_PADDED = _NW * _CPW
_PAD = _PADDED - SUB
_G = 128
_NFULL = _CPW // _G
_REM = _CPW - _NFULL * _G
_NCHUNKS = _NFULL + 1


def _sc_gather_partials(node_emb, idx_pad):
    mesh = plsc.VectorSubcoreMesh(core_axis_name="c", subcore_axis_name="s")

    @functools.partial(
        pl.kernel,
        out_type=jax.ShapeDtypeStruct((_NW, D), jnp.float32),
        mesh=mesh,
        scratch_types=[
            pltpu.VMEM((_CPW,), jnp.int32),
            pltpu.VMEM((_G, D), jnp.float32),
            pltpu.VMEM((_G, D), jnp.float32),
            pltpu.VMEM((1, D), jnp.float32),
            pltpu.SemaphoreType.DMA,
            pltpu.SemaphoreType.DMA,
        ],
    )
    def k(table_hbm, idx_hbm, out_hbm, idx_v, rows0, rows1, acc_v, sem0, sem1):
        wid = lax.axis_index("s") * _NC + lax.axis_index("c")
        base = wid * _CPW
        pltpu.sync_copy(idx_hbm.at[pl.ds(base, _CPW)], idx_v)

        bufs = (rows0, rows1)
        sems = (sem0, sem1)

        def chunk_size(j):
            return _G if j < _NFULL else _REM

        pending = {}
        pending[0] = pltpu.async_copy(
            table_hbm.at[idx_v.at[pl.ds(0, _G)]], rows0, sem0
        )

        acc = tuple(jnp.zeros((16,), jnp.float32) for _ in range(D // 16))
        for j in range(_NCHUNKS):
            if j + 1 < _NCHUNKS:
                nsz = chunk_size(j + 1)
                pending[j + 1] = pltpu.async_copy(
                    table_hbm.at[idx_v.at[pl.ds((j + 1) * _G, nsz)]],
                    bufs[(j + 1) % 2].at[pl.ds(0, nsz)],
                    sems[(j + 1) % 2],
                )
            pending[j].wait()
            buf = bufs[j % 2]

            def rbody(r, a):
                return tuple(
                    a[c] + buf[r, pl.ds(c * 16, 16)] for c in range(D // 16)
                )

            acc = lax.fori_loop(0, chunk_size(j), rbody, acc)

        for c in range(D // 16):
            acc_v[0, pl.ds(c * 16, 16)] = acc[c]
        pltpu.sync_copy(acc_v, out_hbm.at[pl.ds(wid, 1)])

    return k(node_emb, idx_pad)


def _tc_body(scalars_ref, partials_ref, feat_t_ref, emb_t_ref, emb0_ref,
             wlabel_ref, wsec_ref, w1_ref, w2_ref, l1w_ref, l1b_ref,
             l2w_ref, l2b_ref, l3w_ref, l3b_ref, out_ref):
    budget = scalars_ref[1]
    sub8 = lax.rem(scalars_ref[0], 8)

    row_iota = lax.broadcasted_iota(jnp.int32, (8, D), 0)

    def pick_row(blk, r):
        sel = jnp.where(row_iota == r, blk, 0.0)
        return jnp.sum(sel, axis=0, keepdims=True)

    feat_t = pick_row(feat_t_ref[...], sub8)
    emb_t = pick_row(emb_t_ref[...], sub8)
    emb0 = pick_row(emb0_ref[...], 0)

    sub_sum = jnp.sum(partials_ref[...], axis=0, keepdims=True)
    sub_mean = (sub_sum - np.float32(_PAD) * emb0) / np.float32(SUB)

    tmp_emb = jnp.dot(feat_t, w1_ref[...],
                      preferred_element_type=jnp.float32)
    tmp_emb = jnp.maximum(tmp_emb, 0.0)
    tarfeat = jnp.dot(tmp_emb, w2_ref[...],
                      preferred_element_type=jnp.float32)

    l1w = l1w_ref[...]
    h = jnp.dot(sub_mean, l1w[0:D, :], preferred_element_type=jnp.float32)
    h = h + jnp.dot(emb_t, l1w[D:2 * D, :],
                    preferred_element_type=jnp.float32)
    h = h + jnp.dot(tarfeat, l1w[2 * D:2 * D + L, :],
                    preferred_element_type=jnp.float32)
    h = h + jnp.dot(wlabel_ref[...], l1w[2 * D + L:2 * D + 2 * L, :],
                    preferred_element_type=jnp.float32)
    h = h + jnp.dot(wsec_ref[...], l1w[2 * D + 2 * L:2 * D + 3 * L, :],
                    preferred_element_type=jnp.float32)
    h = h + l1b_ref[...]
    h = jnp.where(h >= 0.0, h, 0.01 * h)

    h = jnp.dot(h, l2w_ref[...], preferred_element_type=jnp.float32) + l2b_ref[...]
    h = jnp.where(h >= 0.0, h, 0.01 * h)

    logits = jnp.dot(h, l3w_ref[...],
                     preferred_element_type=jnp.float32) + l3b_ref[...]

    iota = lax.broadcasted_iota(jnp.int32, (1, D), 1)
    zeros = jnp.zeros((1, D), jnp.float32)

    def body(i, carry):
        mask, disc, tmp = carry
        m = jnp.max(tmp)
        idx = jnp.min(jnp.where(tmp == m, iota, D))
        mask = jnp.where(jnp.logical_and(i != 0, iota == idx),
                         np.float32(9999.0), mask)
        t = (logits - mask) / INV_TEMP_DIV
        t = t - jnp.max(t)
        e = jnp.exp(t)
        tmp = e / jnp.sum(e)
        return (mask, disc + tmp, tmp)

    _, disc, _ = lax.fori_loop(0, budget, body, (zeros, zeros, zeros))
    out_ref[...] = disc


def _tc_mlp_topk(scalars, partials, feat, node_emb, wlabel, wsec,
                 weight1, weight2, l1_w, l1_b, l2_w, l2_b, l3_w, l3_b):
    full = lambda shape: pl.BlockSpec(shape, lambda i, s: (0, 0))
    grid_spec = pltpu.PrefetchScalarGridSpec(
        num_scalar_prefetch=1,
        grid=(1,),
        in_specs=[
            full((_NW, D)),
            pl.BlockSpec((8, D), lambda i, s: (s[0] // 8, 0)),
            pl.BlockSpec((8, D), lambda i, s: (s[0] // 8, 0)),
            pl.BlockSpec((8, D), lambda i, s: (0, 0)),
            full((1, L)),
            full((1, L)),
            full((D, HID)),
            full((HID, L)),
            full((2 * D + 3 * L, H1)),
            full((1, H1)),
            full((H1, H2)),
            full((1, H2)),
            full((H2, D)),
            full((1, D)),
        ],
        out_specs=pl.BlockSpec((1, D), lambda i, s: (0, 0)),
    )
    return pl.pallas_call(
        _tc_body,
        grid_spec=grid_spec,
        out_shape=jax.ShapeDtypeStruct((1, D), jnp.float32),
    )(scalars, partials, feat, node_emb, node_emb, wlabel, wsec,
      weight1, weight2, l1_w, l1_b.reshape(1, H1), l2_w, l2_b.reshape(1, H2),
      l3_w, l3_b.reshape(1, D))


_PH = 5
_PR = N // _PH


def _copy_body(feat_hbm, out_hbm, vbuf, sem):
    for p in range(_PH):
        pltpu.async_copy(
            feat_hbm.at[pl.ds(p * _PR, _PR)], vbuf, sem).wait()
        pltpu.async_copy(
            vbuf, out_hbm.at[pl.ds(p * _PR, _PR)], sem).wait()


def _phase_copy(feat):
    return pl.pallas_call(
        _copy_body,
        in_specs=[pl.BlockSpec(memory_space=pltpu.MemorySpace.HBM)],
        out_specs=pl.BlockSpec(memory_space=pltpu.MemorySpace.HBM),
        out_shape=jax.ShapeDtypeStruct((N + 1, D), jnp.float32),
        scratch_shapes=[
            pltpu.VMEM((_PR, D), jnp.float32),
            pltpu.SemaphoreType.DMA,
        ],
    )(feat)


def _tail_body(big_ref, inj_hbm, out_ref, vbuf, sem):
    pltpu.async_copy(inj_hbm, vbuf, sem).wait()
    pltpu.async_copy(vbuf, out_ref.at[pl.ds(N, 1)], sem).wait()


def _tail_write(big, inj2d):
    return pl.pallas_call(
        _tail_body,
        in_specs=[
            pl.BlockSpec(memory_space=pltpu.MemorySpace.HBM),
            pl.BlockSpec(memory_space=pltpu.MemorySpace.HBM),
        ],
        out_specs=pl.BlockSpec(memory_space=pltpu.MemorySpace.HBM),
        out_shape=jax.ShapeDtypeStruct((N + 1, D), jnp.float32),
        input_output_aliases={0: 0},
        scratch_shapes=[
            pltpu.VMEM((1, D), jnp.float32),
            pltpu.SemaphoreType.DMA,
        ],
    )(big, inj2d)


def kernel(target, feat, sub_graph_nodes, node_emb, wlabel, wsec, feat_num,
           weight1, weight2, l1_w, l1_b, l2_w, l2_b, l3_w, l3_b):
    idx_pad = jnp.concatenate(
        [sub_graph_nodes.astype(jnp.int32),
         jnp.zeros((_PAD,), jnp.int32)])
    partials = _sc_gather_partials(node_emb, idx_pad)
    big = _phase_copy(feat)

    scalars = jnp.stack(
        [target.astype(jnp.int32)[0], jnp.asarray(feat_num, jnp.int32)])
    inj2d = _tc_mlp_topk(scalars, partials, feat, node_emb, wlabel, wsec,
                         weight1, weight2, l1_w, l1_b, l2_w, l2_b, l3_w, l3_b)

    new_feat = _tail_write(big, inj2d)
    return (new_feat, inj2d[0])

# --- scband reference (transcript-rebuilt; emitter-appended) ---
"""Pipeline reference for scband-attr-generation-47510928228698 (READ-ONLY COPY).

The authoritative reference and input builder live on the scoring server;
editing this copy changes nothing except your own understanding.
"""

import jax, jax.numpy as jnp
import numpy as np

N = 100000
D = 256          # feat_dim == node_emb dim
L = 64           # label_dim = labels.max()+1
HID = 128        # weight1 hidden dim
H1, H2 = 128, 512
TAU = 0.1
SUB = 50000
IN_DIM = 3 * L + 2 * D  # 704


def setup_inputs(seed: int = 0) -> dict:
    key = jax.random.key(seed)
    ks = jax.random.split(key, 14)
    inp = {}
    inp["target"] = jax.random.randint(ks[0], (1,), 0, N)
    inp["feat"] = jax.random.normal(ks[1], (N, D), dtype=jnp.float32)
    inp["sub_graph_nodes"] = jax.random.randint(ks[2], (SUB,), 0, N)
    inp["node_emb"] = jax.random.normal(ks[3], (N, D), dtype=jnp.float32)
    inp["wlabel"] = jax.random.normal(ks[4], (1, L), dtype=jnp.float32)
    inp["wsec"] = jax.random.normal(ks[5], (1, L), dtype=jnp.float32)
    inp["feat_num"] = 64
    # learned parameters
    inp["weight1"] = jax.random.normal(ks[6], (D, HID), dtype=jnp.float32) * 0.05
    inp["weight2"] = jax.random.normal(ks[7], (HID, L), dtype=jnp.float32) * 0.05
    inp["l1_w"] = jax.random.normal(ks[8], (IN_DIM, H1), dtype=jnp.float32) * (2.0 / IN_DIM) ** 0.5
    inp["l1_b"] = jnp.zeros((H1,), dtype=jnp.float32)
    inp["l2_w"] = jax.random.normal(ks[9], (H1, H2), dtype=jnp.float32) * (2.0 / H1) ** 0.5
    inp["l2_b"] = jnp.zeros((H2,), dtype=jnp.float32)
    inp["l3_w"] = jax.random.normal(ks[10], (H2, D), dtype=jnp.float32) * (2.0 / H2) ** 0.5
    inp["l3_b"] = jnp.zeros((D,), dtype=jnp.float32)
    return inp


def _gumbel_softmax_det(logits):
    # train_flag=False path: softmax(logits / (0.01 * tau))
    return jax.nn.softmax(logits / (0.01 * TAU), axis=-1)


def _gumbel_topk(logits, budget):
    mask = jnp.zeros_like(logits)
    discrete = jnp.zeros_like(logits)
    tmp = jnp.zeros_like(logits)

    def body(i, carry):
        mask, discrete, tmp = carry
        tmp_idx = jnp.argmax(tmp, axis=0)
        mask = jnp.where(i != 0, mask.at[tmp_idx].set(9999.0), mask)
        cur = logits - mask
        tmp = _gumbel_softmax_det(cur)
        discrete = discrete + tmp
        return (mask, discrete, tmp)

    mask, discrete, tmp = jax.lax.fori_loop(0, budget, body, (mask, discrete, tmp))
    return discrete


def reference(target, feat, sub_graph_nodes, node_emb, wlabel, wsec, feat_num,
              weight1, weight2, l1_w, l1_b, l2_w, l2_b, l3_w, l3_b):
    # pool_func (tar_num == 1)
    sub_graph_emb = jnp.take(node_emb, sub_graph_nodes, axis=0).mean(axis=0)  # [D]
    tmp_emb = jax.nn.relu(jnp.take(feat, target, axis=0) @ weight1)           # [1, HID]
    tarfeat_emb = tmp_emb @ weight2                                           # [1, L]
    graph_emb = jnp.concatenate(
        (sub_graph_emb[None, :], jnp.take(node_emb, target, axis=0), tarfeat_emb, wlabel, wsec),
        axis=1,
    )                                                                          # [1, 3L+2D]
    # MLP obtain_feat
    h = jax.nn.leaky_relu(graph_emb @ l1_w + l1_b)
    h = jax.nn.leaky_relu(h @ l2_w + l2_b)
    add_feat = (h @ l3_w + l3_b).squeeze(0)                                   # [D]
    # discrete == True -> gumbel_topk
    inj_feat = _gumbel_topk(add_feat, feat_num)
    new_feat = jnp.concatenate((feat, inj_feat[None, :]), axis=0)             # [N+1, D]
    return (new_feat, inj_feat)

if __name__ == "__main__":
    import jax
    _d = setup_inputs()
    print(jax.jit(kernel)(*tuple(_d.values())))

</pallas_src>

<mosaic_0001>
#map = affine_map<(d0, d1) -> (0, 0)>
#map1 = affine_map<(d0, d1) -> (0)>
module attributes {stable_mosaic.version = 14 : i64} {
  func.func @k(%arg0: i32, %arg1: i32, %arg2: memref<100000x256xf32, #tpu.memory_space<hbm>>, %arg3: memref<50176xi32, #tpu.memory_space<hbm>>, %arg4: memref<32x256xf32, #tpu.memory_space<hbm>>, %arg5: memref<1568xi32, #tpu.memory_space<vmem>>, %arg6: memref<128x256xf32, #tpu.memory_space<vmem>>, %arg7: memref<128x256xf32, #tpu.memory_space<vmem>>, %arg8: memref<1x256xf32, #tpu.memory_space<vmem>>, %arg9: memref<!tpu.dma_semaphore, #tpu.memory_space<semaphore_mem>>, %arg10: memref<!tpu.dma_semaphore, #tpu.memory_space<semaphore_mem>>) attributes {dimension_semantics = [#tpu.dimension_semantics<core_parallel>, #tpu.dimension_semantics<subcore_parallel>], iteration_bounds = array<i64: 2, 16>, scalar_prefetch = 0 : i64, scratch_operands = 6 : i64, tpu.core_type = #tpu.core_type<sc_vector_subcore>, window_params = [{transform_indices = #map}, {transform_indices = #map1}, {transform_indices = #map}]} {
    %mul3A = arith.constant 2 : i32
    %mul3A_0 = arith.muli %arg1, %mul3A : i32
    %add3A = arith.addi %mul3A_0, %arg0 : i32
    %mul3A_1 = arith.constant 1568 : i32
    %mul3A_2 = arith.muli %add3A, %mul3A_1 : i32
    "tpu.region"() ({
      %run_scoped3A = tpu.sem_alloc : memref<!tpu.dma_semaphore, #tpu.memory_space<semaphore_mem>>
      %dma_start3A_406 = tpu.memref_slice %arg3[%mul3A_2] : memref<50176xi32, #tpu.memory_space<hbm>> -> memref<1568xi32, #tpu.memory_space<hbm>>
      %dma_start3A_407 = tpu.memref_slice %arg3[%mul3A_2] : memref<50176xi32, #tpu.memory_space<hbm>> -> memref<1568xi32, #tpu.memory_space<hbm>>
      tpu.enqueue_dma source(%dma_start3A_407 : memref<1568xi32, #tpu.memory_space<hbm>>) target(%arg5 : memref<1568xi32, #tpu.memory_space<vmem>>) target_semaphore(%run_scoped3A : memref<!tpu.dma_semaphore, #tpu.memory_space<semaphore_mem>>)
      %dma_wait3A_408 = tpu.memref_slice %arg3[%mul3A_2] : memref<50176xi32, #tpu.memory_space<hbm>> -> memref<1568xi32, #tpu.memory_space<hbm>>
      %dma_wait3A_409 = tpu.memref_slice %arg3[%mul3A_2] : memref<50176xi32, #tpu.memory_space<hbm>> -> memref<1568xi32, #tpu.memory_space<hbm>>
      tpu.wait_dma2 semaphore(%run_scoped3A : memref<!tpu.dma_semaphore, #tpu.memory_space<semaphore_mem>>) src(%dma_wait3A_409 : memref<1568xi32, #tpu.memory_space<hbm>>) dst(%arg5 : memref<1568xi32, #tpu.memory_space<vmem>>)
      tpu.yield
    }) : () -> ()
    %dma_start3A = arith.constant 0 : i32
    %dma_start3A_3 = tpu.memref_slice %arg5[%dma_start3A] : memref<1568xi32, #tpu.memory_space<vmem>> -> memref<128xi32, #tpu.memory_space<vmem>>
    %dma_start3A_4 = arith.constant 0 : i32
    %dma_start3A_5 = arith.constant 0 : i32
    %dma_start3A_6 = tpu.memref_slice %arg2[%dma_start3A_4, %dma_start3A_5] : memref<100000x256xf32, #tpu.memory_space<hbm>> -> memref<100000x256xf32, #tpu.memory_space<hbm>>
    tpu.enqueue_indirect_dma source(%dma_start3A_6 : memref<100000x256xf32, #tpu.memory_space<hbm>>) target(%arg6 : memref<128x256xf32, #tpu.memory_space<vmem>>) offsets(%dma_start3A_3 : memref<128xi32, #tpu.memory_space<vmem>>) semaphore(%arg9 : memref<!tpu.dma_semaphore, #tpu.memory_space<semaphore_mem>>)
    %broadcast_in_dim3A = arith.constant 0.000000e+00 : f32
    %broadcast_in_dim3A_7 = vector.broadcast %broadcast_in_dim3A : f32 to vector<16xf32>
    %broadcast_in_dim3A_8 = arith.constant 0.000000e+00 : f32
    %broadcast_in_dim3A_9 = vector.broadcast %broadcast_in_dim3A_8 : f32 to vector<16xf32>
    %broadcast_in_dim3A_10 = arith.constant 0.000000e+00 : f32
    %broadcast_in_dim3A_11 = vector.broadcast %broadcast_in_dim3A_10 : f32 to vector<16xf32>
    %broadcast_in_dim3A_12 = arith.constant 0.000000e+00 : f32
    %broadcast_in_dim3A_13 = vector.broadcast %broadcast_in_dim3A_12 : f32 to vector<16xf32>
    %broadcast_in_dim3A_14 = arith.constant 0.000000e+00 : f32
    %broadcast_in_dim3A_15 = vector.broadcast %broadcast_in_dim3A_14 : f32 to vector<16xf32>
    %broadcast_in_dim3A_16 = arith.constant 0.000000e+00 : f32
    %broadcast_in_dim3A_17 = vector.broadcast %broadcast_in_dim3A_16 : f32 to vector<16xf32>
    %broadcast_in_dim3A_18 = arith.constant 0.000000e+00 : f32
    %broadcast_in_dim3A_19 = vector.broadcast %broadcast_in_dim3A_18 : f32 to vector<16xf32>
    %broadcast_in_dim3A_20 = arith.constant 0.000000e+00 : f32
    %broadcast_in_dim3A_21 = vector.broadcast %broadcast_in_dim3A_20 : f32 to vector<16xf32>
    %broadcast_in_dim3A_22 = arith.constant 0.000000e+00 : f32
    %broadcast_in_dim3A_23 = vector.broadcast %broadcast_in_dim3A_22 : f32 to vector<16xf32>
    %broadcast_in_dim3A_24 = arith.constant 0.000000e+00 : f32
    %broadcast_in_dim3A_25 = vector.broadcast %broadcast_in_dim3A_24 : f32 to vector<16xf32>
    %broadcast_in_dim3A_26 = arith.constant 0.000000e+00 : f32
    %broadcast_in_dim3A_27 = vector.broadcast %broadcast_in_dim3A_26 : f32 to vector<16xf32>
    %broadcast_in_dim3A_28 = arith.constant 0.000000e+00 : f32
    %broadcast_in_dim3A_29 = vector.broadcast %broadcast_in_dim3A_28 : f32 to vector<16xf32>
    %broadcast_in_dim3A_30 = arith.constant 0.000000e+00 : f32
    %broadcast_in_dim3A_31 = vector.broadcast %broadcast_in_dim3A_30 : f32 to vector<16xf32>
    %broadcast_in_dim3A_32 = arith.constant 0.000000e+00 : f32
    %broadcast_in_dim3A_33 = vector.broadcast %broadcast_in_dim3A_32 : f32 to vector<16xf32>
    %broadcast_in_dim3A_34 = arith.constant 0.000000e+00 : f32
    %broadcast_in_dim3A_35 = vector.broadcast %broadcast_in_dim3A_34 : f32 to vector<16xf32>
    %broadcast_in_dim3A_36 = arith.constant 0.000000e+00 : f32
    %broadcast_in_dim3A_37 = vector.broadcast %broadcast_in_dim3A_36 : f32 to vector<16xf32>
    %dma_start3A_38 = arith.constant 0 : i32
    %dma_start3A_39 = arith.constant 0 : i32
    %dma_start3A_40 = tpu.memref_slice %arg7[%dma_start3A_38, %dma_start3A_39] : memref<128x256xf32, #tpu.memory_space<vmem>> -> memref<128x256xf32, #tpu.memory_space<vmem>>
    %dma_start3A_41 = arith.constant 128 : i32
    %dma_start3A_42 = tpu.memref_slice %arg5[%dma_start3A_41] : memref<1568xi32, #tpu.memory_space<vmem>> -> memref<128xi32, #tpu.memory_space<vmem>>
    %dma_start3A_43 = arith.constant 0 : i32
    %dma_start3A_44 = arith.constant 0 : i32
    %dma_start3A_45 = tpu.memref_slice %arg2[%dma_start3A_43, %dma_start3A_44] : memref<100000x256xf32, #tpu.memory_space<hbm>> -> memref<100000x256xf32, #tpu.memory_space<hbm>>
    tpu.enqueue_indirect_dma source(%dma_start3A_45 : memref<100000x256xf32, #tpu.memory_space<hbm>>) target(%dma_start3A_40 : memref<128x256xf32, #tpu.memory_space<vmem>>) offsets(%dma_start3A_42 : memref<128xi32, #tpu.memory_space<vmem>>) semaphore(%arg10 : memref<!tpu.dma_semaphore, #tpu.memory_space<semaphore_mem>>)
    %dma_wait3A = arith.constant 0 : i32
    %dma_wait3A_46 = tpu.memref_slice %arg5[%dma_wait3A] : memref<1568xi32, #tpu.memory_space<vmem>> -> memref<128xi32, #tpu.memory_space<vmem>>
    %dma_wait3A_47 = arith.constant 0 : i32
    %dma_wait3A_48 = arith.constant 0 : i32
    %dma_wait3A_49 = tpu.memref_slice %arg2[%dma_wait3A_47, %dma_wait3A_48] : memref<100000x256xf32, #tpu.memory_space<hbm>> -> memref<100000x256xf32, #tpu.memory_space<hbm>>
    tpu.wait_indirect_dma semaphore(%arg9 : memref<!tpu.dma_semaphore, #tpu.memory_space<semaphore_mem>>) src(%dma_wait3A_49 : memref<100000x256xf32, #tpu.memory_space<hbm>>) dst(%arg6 : memref<128x256xf32, #tpu.memory_space<vmem>>)
    %scan3A = arith.constant 0 : i32
    %scan3A_50 = arith.constant 128 : i32
    %scan3A_51 = arith.addi %scan3A, %scan3A_50 : i32
    %scan3A_52 = arith.constant 1 : i32
    %scan3A_53:16 = scf.for %scan3A_406 = %scan3A to %scan3A_51 step %scan3A_52 iter_args(%scan3A_407 = %broadcast_in_dim3A_7, %scan3A_408 = %broadcast_in_dim3A_9, %scan3A_409 = %broadcast_in_dim3A_11, %scan3A_410 = %broadcast_in_dim3A_13, %scan3A_411 = %broadcast_in_dim3A_15, %scan3A_412 = %broadcast_in_dim3A_17, %scan3A_413 = %broadcast_in_dim3A_19, %scan3A_414 = %broadcast_in_dim3A_21, %scan3A_415 = %broadcast_in_dim3A_23, %scan3A_416 = %broadcast_in_dim3A_25, %scan3A_417 = %broadcast_in_dim3A_27, %scan3A_418 = %broadcast_in_dim3A_29, %scan3A_419 = %broadcast_in_dim3A_31, %scan3A_420 = %broadcast_in_dim3A_33, %scan3A_421 = %broadcast_in_dim3A_35, %scan3A_422 = %broadcast_in_dim3A_37) -> (vector<16xf32>, vector<16xf32>, vector<16xf32>, vector<16xf32>, vector<16xf32>, vector<16xf32>, vector<16xf32>, vector<16xf32>, vector<16xf32>, vector<16xf32>, vector<16xf32>, vector<16xf32>, vector<16xf32>, vector<16xf32>, vector<16xf32>, vector<16xf32>)  : i32 {
      %get3A = arith.index_cast %scan3A_406 : i32 to index
      %get3A_423 = arith.constant 0 : index
      %get3A_424 = tpu.vector_load %arg6[%get3A, %get3A_423] {strides = array<i32>} : memref<128x256xf32, #tpu.memory_space<vmem>>, vector<1x16xf32>,
      %get3A_425 = vector.shape_cast %get3A_424 : vector<1x16xf32> to vector<16xf32>
      %add3A_426 = arith.addf %scan3A_407, %get3A_425 : vector<16xf32>
      %get3A_427 = arith.index_cast %scan3A_406 : i32 to index
      %get3A_428 = arith.constant 16 : index
      %get3A_429 = tpu.vector_load %arg6[%get3A_427, %get3A_428] {strides = array<i32>} : memref<128x256xf32, #tpu.memory_space<vmem>>, vector<1x16xf32>,
      %get3A_430 = vector.shape_cast %get3A_429 : vector<1x16xf32> to vector<16xf32>
      %add3A_431 = arith.addf %scan3A_408, %get3A_430 : vector<16xf32>
      %get3A_432 = arith.index_cast %scan3A_406 : i32 to index
      %get3A_433 = arith.constant 32 : index
      %get3A_434 = tpu.vector_load %arg6[%get3A_432, %get3A_433] {strides = array<i32>} : memref<128x256xf32, #tpu.memory_space<vmem>>, vector<1x16xf32>,
      %get3A_435 = vector.shape_cast %get3A_434 : vector<1x16xf32> to vector<16xf32>
      %add3A_436 = arith.addf %scan3A_409, %get3A_435 : vector<16xf32>
      %get3A_437 = arith.index_cast %scan3A_406 : i32 to index
      %get3A_438 = arith.constant 48 : index
      %get3A_439 = tpu.vector_load %arg6[%get3A_437, %get3A_438] {strides = array<i32>} : memref<128x256xf32, #tpu.memory_space<vmem>>, vector<1x16xf32>,
      %get3A_440 = vector.shape_cast %get3A_439 : vector<1x16xf32> to vector<16xf32>
      %add3A_441 = arith.addf %scan3A_410, %get3A_440 : vector<16xf32>
      %get3A_442 = arith.index_cast %scan3A_406 : i32 to index
      %get3A_443 = arith.constant 64 : index
      %get3A_444 = tpu.vector_load %arg6[%get3A_442, %get3A_443] {strides = array<i32>} : memref<128x256xf32, #tpu.memory_space<vmem>>, vector<1x16xf32>,
      %get3A_445 = vector.shape_cast %get3A_444 : vector<1x16xf32> to vector<16xf32>
      %add3A_446 = arith.addf %scan3A_411, %get3A_445 : vector<16xf32>
      %get3A_447 = arith.index_cast %scan3A_406 : i32 to index
      %get3A_448 = arith.constant 80 : index
      %get3A_449 = tpu.vector_load %arg6[%get3A_447, %get3A_448] {strides = array<i32>} : memref<128x256xf32, #tpu.memory_space<vmem>>, vector<1x16xf32>,
      %get3A_450 = vector.shape_cast %get3A_449 : vector<1x16xf32> to vector<16xf32>
      %add3A_451 = arith.addf %scan3A_412, %get3A_450 : vector<16xf32>
      %get3A_452 = arith.index_cast %scan3A_406 : i32 to index
      %get3A_453 = arith.constant 96 : index
      %get3A_454 = tpu.vector_load %arg6[%get3A_452, %get3A_453] {strides = array<i32>} : memref<128x256xf32, #tpu.memory_space<vmem>>, vector<1x16xf32>,
      %get3A_455 = vector.shape_cast %get3A_454 : vector<1x16xf32> to vector<16xf32>
      %add3A_456 = arith.addf %scan3A_413, %get3A_455 : vector<16xf32>
      %get3A_457 = arith.index_cast %scan3A_406 : i32 to index
      %get3A_458 = arith.constant 112 : index
      %get3A_459 = tpu.vector_load %arg6[%get3A_457, %get3A_458] {strides = array<i32>} : memref<128x256xf32, #tpu.memory_space<vmem>>, vector<1x16xf32>,
      %get3A_460 = vector.shape_cast %get3A_459 : vector<1x16xf32> to vector<16xf32>
      %add3A_461 = arith.addf %scan3A_414, %get3A_460 : vector<16xf32>
      %get3A_462 = arith.index_cast %scan3A_406 : i32 to index
      %get3A_463 = arith.constant 128 : index
      %get3A_464 = tpu.vector_load %arg6[%get3A_462, %get3A_463] {strides = array<i32>} : memref<128x256xf32, #tpu.memory_space<vmem>>, vector<1x16xf32>,
      %get3A_465 = vector.shape_cast %get3A_464 : vector<1x16xf32> to vector<16xf32>
      %add3A_466 = arith.addf %scan3A_415, %get3A_465 : vector<16xf32>
      %get3A_467 = arith.index_cast %scan3A_406 : i32 to index
      %get3A_468 = arith.constant 144 : index
      %get3A_469 = tpu.vector_load %arg6[%get3A_467, %get3A_468] {strides = array<i32>} : memref<128x256xf32, #tpu.memory_space<vmem>>, vector<1x16xf32>,
      %get3A_470 = vector.shape_cast %get3A_469 : vector<1x16xf32> to vector<16xf32>
      %add3A_471 = arith.addf %scan3A_416, %get3A_470 : vector<16xf32>
      %get3A_472 = arith.index_cast %scan3A_406 : i32 to index
      %get3A_473 = arith.constant 160 : index
      %get3A_474 = tpu.vector_load %arg6[%get3A_472, %get3A_473] {strides = array<i32>} : memref<128x256xf32, #tpu.memory_space<vmem>>, vector<1x16xf32>,
      %get3A_475 = vector.shape_cast %get3A_474 : vector<1x16xf32> to vector<16xf32>
      %add3A_476 = arith.addf %scan3A_417, %get3A_475 : vector<16xf32>
      %get3A_477 = arith.index_cast %scan3A_406 : i32 to index
      %get3A_478 = arith.constant 176 : index
      %get3A_479 = tpu.vector_load %arg6[%get3A_477, %get3A_478] {strides = array<i32>} : memref<128x256xf32, #tpu.memory_space<vmem>>, vector<1x16xf32>,
      %get3A_480 = vector.shape_cast %get3A_479 : vector<1x16xf32> to vector<16xf32>
      %add3A_481 = arith.addf %scan3A_418, %get3A_480 : vector<16xf32>
      %get3A_482 = arith.index_cast %scan3A_406 : i32 to index
      %get3A_483 = arith.constant 192 : index
      %get3A_484 = tpu.vector_load %arg6[%get3A_482, %get3A_483] {strides = array<i32>} : memref<128x256xf32, #tpu.memory_space<vmem>>, vector<1x16xf32>,
      %get3A_485 = vector.shape_cast %get3A_484 : vector<1x16xf32> to vector<16xf32>
      %add3A_486 = arith.addf %scan3A_419, %get3A_485 : vector<16xf32>
      %get3A_487 = arith.index_cast %scan3A_406 : i32 to index
      %get3A_488 = arith.constant 208 : index
      %get3A_489 = tpu.vector_load %arg6[%get3A_487, %get3A_488] {strides = array<i32>} : memref<128x256xf32, #tpu.memory_space<vmem>>, vector<1x16xf32>,
      %get3A_490 = vector.shape_cast %get3A_489 : vector<1x16xf32> to vector<16xf32>
      %add3A_491 = arith.addf %scan3A_420, %get3A_490 : vector<16xf32>
      %get3A_492 = arith.index_cast %scan3A_406 : i32 to index
      %get3A_493 = arith.constant 224 : index
      %get3A_494 = tpu.vector_load %arg6[%get3A_492, %get3A_493] {strides = array<i32>} : memref<128x256xf32, #tpu.memory_space<vmem>>, vector<1x16xf32>,
      %get3A_495 = vector.shape_cast %get3A_494 : vector<1x16xf32> to vector<16xf32>
      %add3A_496 = arith.addf %scan3A_421, %get3A_495 : vector<16xf32>
      %get3A_497 = arith.index_cast %scan3A_406 : i32 to index
      %get3A_498 = arith.constant 240 : index
      %get3A_499 = tpu.vector_load %arg6[%get3A_497, %get3A_498] {strides = array<i32>} : memref<128x256xf32, #tpu.memory_space<vmem>>, vector<1x16xf32>,
      %get3A_500 = vector.shape_cast %get3A_499 : vector<1x16xf32> to vector<16xf32>
      %add3A_501 = arith.addf %scan3A_422, %get3A_500 : vector<16xf32>
      scf.yield %add3A_426, %add3A_431, %add3A_436, %add3A_441, %add3A_446, %add3A_451, %add3A_456, %add3A_461, %add3A_466, %add3A_471, %add3A_476, %add3A_481, %add3A_486, %add3A_491, %add3A_496, %add3A_501 : vector<16xf32>, vector<16xf32>, vector<16xf32>, vector<16xf32>, vector<16xf32>, vector<16xf32>, vector<16xf32>, vector<16xf32>, vector<16xf32>, vector<16xf32>, vector<16xf32>, vector<16xf32>, vector<16xf32>, vector<16xf32>, vector<16xf32>, vector<16xf32>
    }
    %scan3A_54 = arith.constant 128 : i32
    %dma_start3A_55 = arith.constant 0 : i32
    %dma_start3A_56 = arith.constant 0 : i32
    %dma_start3A_57 = tpu.memref_slice %arg6[%dma_start3A_55, %dma_start3A_56] : memref<128x256xf32, #tpu.memory_space<vmem>> -> memref<128x256xf32, #tpu.memory_space<vmem>>
    %dma_start3A_58 = arith.constant 256 : i32
    %dma_start3A_59 = tpu.memref_slice %arg5[%dma_start3A_58] : memref<1568xi32, #tpu.memory_space<vmem>> -> memref<128xi32, #tpu.memory_space<vmem>>
    %dma_start3A_60 = arith.constant 0 : i32
    %dma_start3A_61 = arith.constant 0 : i32
    %dma_start3A_62 = tpu.memref_slice %arg2[%dma_start3A_60, %dma_start3A_61] : memref<100000x256xf32, #tpu.memory_space<hbm>> -> memref<100000x256xf32, #tpu.memory_space<hbm>>
    tpu.enqueue_indirect_dma source(%dma_start3A_62 : memref<100000x256xf32, #tpu.memory_space<hbm>>) target(%dma_start3A_57 : memref<128x256xf32, #tpu.memory_space<vmem>>) offsets(%dma_start3A_59 : memref<128xi32, #tpu.memory_space<vmem>>) semaphore(%arg9 : memref<!tpu.dma_semaphore, #tpu.memory_space<semaphore_mem>>)
    %dma_wait3A_63 = arith.constant 0 : i32
    %dma_wait3A_64 = arith.constant 0 : i32
    %dma_wait3A_65 = tpu.memref_slice %arg7[%dma_wait3A_63, %dma_wait3A_64] : memref<128x256xf32, #tpu.memory_space<vmem>> -> memref<128x256xf32, #tpu.memory_space<vmem>>
    %dma_wait3A_66 = arith.constant 128 : i32
    %dma_wait3A_67 = tpu.memref_slice %arg5[%dma_wait3A_66] : memref<1568xi32, #tpu.memory_space<vmem>> -> memref<128xi32, #tpu.memory_space<vmem>>
    %dma_wait3A_68 = arith.constant 0 : i32
    %dma_wait3A_69 = arith.constant 0 : i32
    %dma_wait3A_70 = tpu.memref_slice %arg2[%dma_wait3A_68, %dma_wait3A_69] : memref<100000x256xf32, #tpu.memory_space<hbm>> -> memref<100000x256xf32, #tpu.memory_space<hbm>>
    tpu.wait_indirect_dma semaphore(%arg10 : memref<!tpu.dma_semaphore, #tpu.memory_space<semaphore_mem>>) src(%dma_wait3A_70 : memref<100000x256xf32, #tpu.memory_space<hbm>>) dst(%dma_wait3A_65 : memref<128x256xf32, #tpu.memory_space<vmem>>)
    %scan3A_71 = arith.constant 0 : i32
    %scan3A_72 = arith.constant 128 : i32
    %scan3A_73 = arith.addi %scan3A_71, %scan3A_72 : i32
    %scan3A_74 = arith.constant 1 : i32
    %scan3A_75:16 = scf.for %scan3A_406 = %scan3A_71 to %scan3A_73 step %scan3A_74 iter_args(%scan3A_407 = %scan3A_53#0, %scan3A_408 = %scan3A_53#1, %scan3A_409 = %scan3A_53#2, %scan3A_410 = %scan3A_53#3, %scan3A_411 = %scan3A_53#4, %scan3A_412 = %scan3A_53#5, %scan3A_413 = %scan3A_53#6, %scan3A_414 = %scan3A_53#7, %scan3A_415 = %scan3A_53#8, %scan3A_416 = %scan3A_53#9, %scan3A_417 = %scan3A_53#10, %scan3A_418 = %scan3A_53#11, %scan3A_419 = %scan3A_53#12, %scan3A_420 = %scan3A_53#13, %scan3A_421 = %scan3A_53#14, %scan3A_422 = %scan3A_53#15) -> (vector<16xf32>, vector<16xf32>, vector<16xf32>, vector<16xf32>, vector<16xf32>, vector<16xf32>, vector<16xf32>, vector<16xf32>, vector<16xf32>, vector<16xf32>, vector<16xf32>, vector<16xf32>, vector<16xf32>, vector<16xf32>, vector<16xf32>, vector<16xf32>)  : i32 {
      %get3A = arith.index_cast %scan3A_406 : i32 to index
      %get3A_423 = arith.constant 0 : index
      %get3A_424 = tpu.vector_load %arg7[%get3A, %get3A_423] {strides = array<i32>} : memref<128x256xf32, #tpu.memory_space<vmem>>, vector<1x16xf32>,
      %get3A_425 = vector.shape_cast %get3A_424 : vector<1x16xf32> to vector<16xf32>
      %add3A_426 = arith.addf %scan3A_407, %get3A_425 : vector<16xf32>
      %get3A_427 = arith.index_cast %scan3A_406 : i32 to index
      %get3A_428 = arith.constant 16 : index
      %get3A_429 = tpu.vector_load %arg7[%get3A_427, %get3A_428] {strides = array<i32>} : memref<128x256xf32, #tpu.memory_space<vmem>>, vector<1x16xf32>,
      %get3A_430 = vector.shape_cast %get3A_429 : vector<1x16xf32> to vector<16xf32>
      %add3A_431 = arith.addf %scan3A_408, %get3A_430 : vector<16xf32>
      %get3A_432 = arith.index_cast %scan3A_406 : i32 to index
      %get3A_433 = arith.constant 32 : index
      %get3A_434 = tpu.vector_load %arg7[%get3A_432, %get3A_433] {strides = array<i32>} : memref<128x256xf32, #tpu.memory_space<vmem>>, vector<1x16xf32>,
      %get3A_435 = vector.shape_cast %get3A_434 : vector<1x16xf32> to vector<16xf32>
      %add3A_436 = arith.addf %scan3A_409, %get3A_435 : vector<16xf32>
      %get3A_437 = arith.index_cast %scan3A_406 : i32 to index
      %get3A_438 = arith.constant 48 : index
      %get3A_439 = tpu.vector_load %arg7[%get3A_437, %get3A_438] {strides = array<i32>} : memref<128x256xf32, #tpu.memory_space<vmem>>, vector<1x16xf32>,
      %get3A_440 = vector.shape_cast %get3A_439 : vector<1x16xf32> to vector<16xf32>
      %add3A_441 = arith.addf %scan3A_410, %get3A_440 : vector<16xf32>
      %get3A_442 = arith.index_cast %scan3A_406 : i32 to index
      %get3A_443 = arith.constant 64 : index
      %get3A_444 = tpu.vector_load %arg7[%get3A_442, %get3A_443] {strides = array<i32>} : memref<128x256xf32, #tpu.memory_space<vmem>>, vector<1x16xf32>,
      %get3A_445 = vector.shape_cast %get3A_444 : vector<1x16xf32> to vector<16xf32>
      %add3A_446 = arith.addf %scan3A_411, %get3A_445 : vector<16xf32>
      %get3A_447 = arith.index_cast %scan3A_406 : i32 to index
      %get3A_448 = arith.constant 80 : index
      %get3A_449 = tpu.vector_load %arg7[%get3A_447, %get3A_448] {strides = array<i32>} : memref<128x256xf32, #tpu.memory_space<vmem>>, vector<1x16xf32>,
      %get3A_450 = vector.shape_cast %get3A_449 : vector<1x16xf32> to vector<16xf32>
      %add3A_451 = arith.addf %scan3A_412, %get3A_450 : vector<16xf32>
      %get3A_452 = arith.index_cast %scan3A_406 : i32 to index
      %get3A_453 = arith.constant 96 : index
      %get3A_454 = tpu.vector_load %arg7[%get3A_452, %get3A_453] {strides = array<i32>} : memref<128x256xf32, #tpu.memory_space<vmem>>, vector<1x16xf32>,
      %get3A_455 = vector.shape_cast %get3A_454 : vector<1x16xf32> to vector<16xf32>
      %add3A_456 = arith.addf %scan3A_413, %get3A_455 : vector<16xf32>
      %get3A_457 = arith.index_cast %scan3A_406 : i32 to index
      %get3A_458 = arith.constant 112 : index
      %get3A_459 = tpu.vector_load %arg7[%get3A_457, %get3A_458] {strides = array<i32>} : memref<128x256xf32, #tpu.memory_space<vmem>>, vector<1x16xf32>,
      %get3A_460 = vector.shape_cast %get3A_459 : vector<1x16xf32> to vector<16xf32>
      %add3A_461 = arith.addf %scan3A_414, %get3A_460 : vector<16xf32>
      %get3A_462 = arith.index_cast %scan3A_406 : i32 to index
      %get3A_463 = arith.constant 128 : index
      %get3A_464 = tpu.vector_load %arg7[%get3A_462, %get3A_463] {strides = array<i32>} : memref<128x256xf32, #tpu.memory_space<vmem>>, vector<1x16xf32>,
      %get3A_465 = vector.shape_cast %get3A_464 : vector<1x16xf32> to vector<16xf32>
      %add3A_466 = arith.addf %scan3A_415, %get3A_465 : vector<16xf32>
      %get3A_467 = arith.index_cast %scan3A_406 : i32 to index
      %get3A_468 = arith.constant 144 : index
      %get3A_469 = tpu.vector_load %arg7[%get3A_467, %get3A_468] {strides = array<i32>} : memref<128x256xf32, #tpu.memory_space<vmem>>, vector<1x16xf32>,
      %get3A_470 = vector.shape_cast %get3A_469 : vector<1x16xf32> to vector<16xf32>
      %add3A_471 = arith.addf %scan3A_416, %get3A_470 : vector<16xf32>
      %get3A_472 = arith.index_cast %scan3A_406 : i32 to index
      %get3A_473 = arith.constant 160 : index
      %get3A_474 = tpu.vector_load %arg7[%get3A_472, %get3A_473] {strides = array<i32>} : memref<128x256xf32, #tpu.memory_space<vmem>>, vector<1x16xf32>,
      %get3A_475 = vector.shape_cast %get3A_474 : vector<1x16xf32> to vector<16xf32>
      %add3A_476 = arith.addf %scan3A_417, %get3A_475 : vector<16xf32>
      %get3A_477 = arith.index_cast %scan3A_406 : i32 to index
      %get3A_478 = arith.constant 176 : index
      %get3A_479 = tpu.vector_load %arg7[%get3A_477, %get3A_478] {strides = array<i32>} : memref<128x256xf32, #tpu.memory_space<vmem>>, vector<1x16xf32>,
      %get3A_480 = vector.shape_cast %get3A_479 : vector<1x16xf32> to vector<16xf32>
      %add3A_481 = arith.addf %scan3A_418, %get3A_480 : vector<16xf32>
      %get3A_482 = arith.index_cast %scan3A_406 : i32 to index
      %get3A_483 = arith.constant 192 : index
      %get3A_484 = tpu.vector_load %arg7[%get3A_482, %get3A_483] {strides = array<i32>} : memref<128x256xf32, #tpu.memory_space<vmem>>, vector<1x16xf32>,
      %get3A_485 = vector.shape_cast %get3A_484 : vector<1x16xf32> to vector<16xf32>
      %add3A_486 = arith.addf %scan3A_419, %get3A_485 : vector<16xf32>
      %get3A_487 = arith.index_cast %scan3A_406 : i32 to index
      %get3A_488 = arith.constant 208 : index
      %get3A_489 = tpu.vector_load %arg7[%get3A_487, %get3A_488] {strides = array<i32>} : memref<128x256xf32, #tpu.memory_space<vmem>>, vector<1x16xf32>,
      %get3A_490 = vector.shape_cast %get3A_489 : vector<1x16xf32> to vector<16xf32>
      %add3A_491 = arith.addf %scan3A_420, %get3A_490 : vector<16xf32>
      %get3A_492 = arith.index_cast %scan3A_406 : i32 to index
      %get3A_493 = arith.constant 224 : index
      %get3A_494 = tpu.vector_load %arg7[%get3A_492, %get3A_493] {strides = array<i32>} : memref<128x256xf32, #tpu.memory_space<vmem>>, vector<1x16xf32>,
      %get3A_495 = vector.shape_cast %get3A_494 : vector<1x16xf32> to vector<16xf32>
      %add3A_496 = arith.addf %scan3A_421, %get3A_495 : vector<16xf32>
      %get3A_497 = arith.index_cast %scan3A_406 : i32 to index
      %get3A_498 = arith.constant 240 : index
      %get3A_499 = tpu.vector_load %arg7[%get3A_497, %get3A_498] {strides = array<i32>} : memref<128x256xf32, #tpu.memory_space<vmem>>, vector<1x16xf32>,
      %get3A_500 = vector.shape_cast %get3A_499 : vector<1x16xf32> to vector<16xf32>
      %add3A_501 = arith.addf %scan3A_422, %get3A_500 : vector<16xf32>
      scf.yield %add3A_426, %add3A_431, %add3A_436, %add3A_441, %add3A_446, %add3A_451, %add3A_456, %add3A_461, %add3A_466, %add3A_471, %add3A_476, %add3A_481, %add3A_486, %add3A_491, %add3A_496, %add3A_501 : vector<16xf32>, vector<16xf32>, vector<16xf32>, vector<16xf32>, vector<16xf32>, vector<16xf32>, vector<16xf32>, vector<16xf32>, vector<16xf32>, vector<16xf32>, vector<16xf32>, vector<16xf32>, vector<16xf32>, vector<16xf32>, vector<16xf32>, vector<16xf32>
    }
    %scan3A_76 = arith.constant 128 : i32
    %dma_start3A_77 = arith.constant 0 : i32
    %dma_start3A_78 = arith.constant 0 : i32
    %dma_start3A_79 = tpu.memref_slice %arg7[%dma_start3A_77, %dma_start3A_78] : memref<128x256xf32, #tpu.memory_space<vmem>> -> memref<128x256xf32, #tpu.memory_space<vmem>>
    %dma_start3A_80 = arith.constant 384 : i32
    %dma_start3A_81 = tpu.memref_slice %arg5[%dma_start3A_80] : memref<1568xi32, #tpu.memory_space<vmem>> -> memref<128xi32, #tpu.memory_space<vmem>>
    %dma_start3A_82 = arith.constant 0 : i32
    %dma_start3A_83 = arith.constant 0 : i32
    %dma_start3A_84 = tpu.memref_slice %arg2[%dma_start3A_82, %dma_start3A_83] : memref<100000x256xf32, #tpu.memory_space<hbm>> -> memref<100000x256xf32, #tpu.memory_space<hbm>>
    tpu.enqueue_indirect_dma source(%dma_start3A_84 : memref<100000x256xf32, #tpu.memory_space<hbm>>) target(%dma_start3A_79 : memref<128x256xf32, #tpu.memory_space<vmem>>) offsets(%dma_start3A_81 : memref<128xi32, #tpu.memory_space<vmem>>) semaphore(%arg10 : memref<!tpu.dma_semaphore, #tpu.memory_space<semaphore_mem>>)
    %dma_wait3A_85 = arith.constant 0 : i32
    %dma_wait3A_86 = arith.constant 0 : i32
    %dma_wait3A_87 = tpu.memref_slice %arg6[%dma_wait3A_85, %dma_wait3A_86] : memref<128x256xf32, #tpu.memory_space<vmem>> -> memref<128x256xf32, #tpu.memory_space<vmem>>
    %dma_wait3A_88 = arith.constant 256 : i32
    %dma_wait3A_89 = tpu.memref_slice %arg5[%dma_wait3A_88] : memref<1568xi32, #tpu.memory_space<vmem>> -> memref<128xi32, #tpu.memory_space<vmem>>
    %dma_wait3A_90 = arith.constant 0 : i32
    %dma_wait3A_91 = arith.constant 0 : i32
    %dma_wait3A_92 = tpu.memref_slice %arg2[%dma_wait3A_90, %dma_wait3A_91] : memref<100000x256xf32, #tpu.memory_space<hbm>> -> memref<100000x256xf32, #tpu.memory_space<hbm>>
    tpu.wait_indirect_dma semaphore(%arg9 : memref<!tpu.dma_semaphore, #tpu.memory_space<semaphore_mem>>) src(%dma_wait3A_92 : memref<100000x256xf32, #tpu.memory_space<hbm>>) dst(%dma_wait3A_87 : memref<128x256xf32, #tpu.memory_space<vmem>>)
    %scan3A_93 = arith.constant 0 : i32
    %scan3A_94 = arith.constant 128 : i32
    %scan3A_95 = arith.addi %scan3A_93, %scan3A_94 : i32
    %scan3A_96 = arith.constant 1 : i32
    %scan3A_97:16 = scf.for %scan3A_406 = %scan3A_93 to %scan3A_95 step %scan3A_96 iter_args(%scan3A_407 = %scan3A_75#0, %scan3A_408 = %scan3A_75#1, %scan3A_409 = %scan3A_75#2, %scan3A_410 = %scan3A_75#3, %scan3A_411 = %scan3A_75#4, %scan3A_412 = %scan3A_75#5, %scan3A_413 = %scan3A_75#6, %scan3A_414 = %scan3A_75#7, %scan3A_415 = %scan3A_75#8, %scan3A_416 = %scan3A_75#9, %scan3A_417 = %scan3A_75#10, %scan3A_418 = %scan3A_75#11, %scan3A_419 = %scan3A_75#12, %scan3A_420 = %scan3A_75#13, %scan3A_421 = %scan3A_75#14, %scan3A_422 = %scan3A_75#15) -> (vector<16xf32>, vector<16xf32>, vector<16xf32>, vector<16xf32>, vector<16xf32>, vector<16xf32>, vector<16xf32>, vector<16xf32>, vector<16xf32>, vector<16xf32>, vector<16xf32>, vector<16xf32>, vector<16xf32>, vector<16xf32>, vector<16xf32>, vector<16xf32>)  : i32 {
      %get3A = arith.index_cast %scan3A_406 : i32 to index
      %get3A_423 = arith.constant 0 : index
      %get3A_424 = tpu.vector_load %arg6[%get3A, %get3A_423] {strides = array<i32>} : memref<128x256xf32, #tpu.memory_space<vmem>>, vector<1x16xf32>,
      %get3A_425 = vector.shape_cast %get3A_424 : vector<1x16xf32> to vector<16xf32>
      %add3A_426 = arith.addf %scan3A_407, %get3A_425 : vector<16xf32>
      %get3A_427 = arith.index_cast %scan3A_406 : i32 to index
      %get3A_428 = arith.constant 16 : index
      %get3A_429 = tpu.vector_load %arg6[%get3A_427, %get3A_428] {strides = array<i32>} : memref<128x256xf32, #tpu.memory_space<vmem>>, vector<1x16xf32>,
      %get3A_430 = vector.shape_cast %get3A_429 : vector<1x16xf32> to vector<16xf32>
      %add3A_431 = arith.addf %scan3A_408, %get3A_430 : vector<16xf32>
      %get3A_432 = arith.index_cast %scan3A_406 : i32 to index
      %get3A_433 = arith.constant 32 : index
      %get3A_434 = tpu.vector_load %arg6[%get3A_432, %get3A_433] {strides = array<i32>} : memref<128x256xf32, #tpu.memory_space<vmem>>, vector<1x16xf32>,
      %get3A_435 = vector.shape_cast %get3A_434 : vector<1x16xf32> to vector<16xf32>
      %add3A_436 = arith.addf %scan3A_409, %get3A_435 : vector<16xf32>
      %get3A_437 = arith.index_cast %scan3A_406 : i32 to index
      %get3A_438 = arith.constant 48 : index
      %get3A_439 = tpu.vector_load %arg6[%get3A_437, %get3A_438] {strides = array<i32>} : memref<128x256xf32, #tpu.memory_space<vmem>>, vector<1x16xf32>,
      %get3A_440 = vector.shape_cast %get3A_439 : vector<1x16xf32> to vector<16xf32>
      %add3A_441 = arith.addf %scan3A_410, %get3A_440 : vector<16xf32>
      %get3A_442 = arith.index_cast %scan3A_406 : i32 to index
      %get3A_443 = arith.constant 64 : index
      %get3A_444 = tpu.vector_load %arg6[%get3A_442, %get3A_443] {strides = array<i32>} : memref<128x256xf32, #tpu.memory_space<vmem>>, vector<1x16xf32>,
      %get3A_445 = vector.shape_cast %get3A_444 : vector<1x16xf32> to vector<16xf32>
      %add3A_446 = arith.addf %scan3A_411, %get3A_445 : vector<16xf32>
      %get3A_447 = arith.index_cast %scan3A_406 : i32 to index
      %get3A_448 = arith.constant 80 : index
      %get3A_449 = tpu.vector_load %arg6[%get3A_447, %get3A_448] {strides = array<i32>} : memref<128x256xf32, #tpu.memory_space<vmem>>, vector<1x16xf32>,
      %get3A_450 = vector.shape_cast %get3A_449 : vector<1x16xf32> to vector<16xf32>
      %add3A_451 = arith.addf %scan3A_412, %get3A_450 : vector<16xf32>
      %get3A_452 = arith.index_cast %scan3A_406 : i32 to index
      %get3A_453 = arith.constant 96 : index
      %get3A_454 = tpu.vector_load %arg6[%get3A_452, %get3A_453] {strides = array<i32>} : memref<128x256xf32, #tpu.memory_space<vmem>>, vector<1x16xf32>,
      %get3A_455 = vector.shape_cast %get3A_454 : vector<1x16xf32> to vector<16xf32>
      %add3A_456 = arith.addf %scan3A_413, %get3A_455 : vector<16xf32>
      %get3A_457 = arith.index_cast %scan3A_406 : i32 to index
      %get3A_458 = arith.constant 112 : index
      %get3A_459 = tpu.vector_load %arg6[%get3A_457, %get3A_458] {strides = array<i32>} : memref<128x256xf32, #tpu.memory_space<vmem>>, vector<1x16xf32>,
      %get3A_460 = vector.shape_cast %get3A_459 : vector<1x16xf32> to vector<16xf32>
      %add3A_461 = arith.addf %scan3A_414, %get3A_460 : vector<16xf32>
      %get3A_462 = arith.index_cast %scan3A_406 : i32 to index
      %get3A_463 = arith.constant 128 : index
      %get3A_464 = tpu.vector_load %arg6[%get3A_462, %get3A_463] {strides = array<i32>} : memref<128x256xf32, #tpu.memory_space<vmem>>, vector<1x16xf32>,
      %get3A_465 = vector.shape_cast %get3A_464 : vector<1x16xf32> to vector<16xf32>
      %add3A_466 = arith.addf %scan3A_415, %get3A_465 : vector<16xf32>
      %get3A_467 = arith.index_cast %scan3A_406 : i32 to index
      %get3A_468 = arith.constant 144 : index
      %get3A_469 = tpu.vector_load %arg6[%get3A_467, %get3A_468] {strides = array<i32>} : memref<128x256xf32, #tpu.memory_space<vmem>>, vector<1x16xf32>,
      %get3A_470 = vector.shape_cast %get3A_469 : vector<1x16xf32> to vector<16xf32>
      %add3A_471 = arith.addf %scan3A_416, %get3A_470 : vector<16xf32>
      %get3A_472 = arith.index_cast %scan3A_406 : i32 to index
      %get3A_473 = arith.constant 160 : index
      %get3A_474 = tpu.vector_load %arg6[%get3A_472, %get3A_473] {strides = array<i32>} : memref<128x256xf32, #tpu.memory_space<vmem>>, vector<1x16xf32>,
      %get3A_475 = vector.shape_cast %get3A_474 : vector<1x16xf32> to vector<16xf32>
      %add3A_476 = arith.addf %scan3A_417, %get3A_475 : vector<16xf32>
      %get3A_477 = arith.index_cast %scan3A_406 : i32 to index
      %get3A_478 = arith.constant 176 : index
      %get3A_479 = tpu.vector_load %arg6[%get3A_477, %get3A_478] {strides = array<i32>} : memref<128x256xf32, #tpu.memory_space<vmem>>, vector<1x16xf32>,
      %get3A_480 = vector.shape_cast %get3A_479 : vector<1x16xf32> to vector<16xf32>
      %add3A_481 = arith.addf %scan3A_418, %get3A_480 : vector<16xf32>
      %get3A_482 = arith.index_cast %scan3A_406 : i32 to index
      %get3A_483 = arith.constant 192 : index
      %get3A_484 = tpu.vector_load %arg6[%get3A_482, %get3A_483] {strides = array<i32>} : memref<128x256xf32, #tpu.memory_space<vmem>>, vector<1x16xf32>,
      %get3A_485 = vector.shape_cast %get3A_484 : vector<1x16xf32> to vector<16xf32>
      %add3A_486 = arith.addf %scan3A_419, %get3A_485 : vector<16xf32>
      %get3A_487 = arith.index_cast %scan3A_406 : i32 to index
      %get3A_488 = arith.constant 208 : index
      %get3A_489 = tpu.vector_load %arg6[%get3A_487, %get3A_488] {strides = array<i32>} : memref<128x256xf32, #tpu.memory_space<vmem>>, vector<1x16xf32>,
      %get3A_490 = vector.shape_cast %get3A_489 : vector<1x16xf32> to vector<16xf32>
      %add3A_491 = arith.addf %scan3A_420, %get3A_490 : vector<16xf32>
      %get3A_492 = arith.index_cast %scan3A_406 : i32 to index
      %get3A_493 = arith.constant 224 : index
      %get3A_494 = tpu.vector_load %arg6[%get3A_492, %get3A_493] {strides = array<i32>} : memref<128x256xf32, #tpu.memory_space<vmem>>, vector<1x16xf32>,
      %get3A_495 = vector.shape_cast %get3A_494 : vector<1x16xf32> to vector<16xf32>
      %add3A_496 = arith.addf %scan3A_421, %get3A_495 : vector<16xf32>
      %get3A_497 = arith.index_cast %scan3A_406 : i32 to index
      %get3A_498 = arith.constant 240 : index
      %get3A_499 = tpu.vector_load %arg6[%get3A_497, %get3A_498] {strides = array<i32>} : memref<128x256xf32, #tpu.memory_space<vmem>>, vector<1x16xf32>,
      %get3A_500 = vector.shape_cast %get3A_499 : vector<1x16xf32> to vector<16xf32>
      %add3A_501 = arith.addf %scan3A_422, %get3A_500 : vector<16xf32>
      scf.yield %add3A_426, %add3A_431, %add3A_436, %add3A_441, %add3A_446, %add3A_451, %add3A_456, %add3A_461, %add3A_466, %add3A_471, %add3A_476, %add3A_481, %add3A_486, %add3A_491, %add3A_496, %add3A_501 : vector<16xf32>, vector<16xf32>, vector<16xf32>, vector<16xf32>, vector<16xf32>, vector<16xf32>, vector<16xf32>, vector<16xf32>, vector<16xf32>, vector<16xf32>, vector<16xf32>, vector<16xf32>, vector<16xf32>, vector<16xf32>, vector<16xf32>, vector<16xf32>
    }
    %scan3A_98 = arith.constant 128 : i32
    %dma_start3A_99 = arith.constant 0 : i32
    %dma_start3A_100 = arith.constant 0 : i32
    %dma_start3A_101 = tpu.memref_slice %arg6[%dma_start3A_99, %dma_start3A_100] : memref<128x256xf32, #tpu.memory_space<vmem>> -> memref<128x256xf32, #tpu.memory_space<vmem>>
    %dma_start3A_102 = arith.constant 512 : i32
    %dma_start3A_103 = tpu.memref_slice %arg5[%dma_start3A_102] : memref<1568xi32, #tpu.memory_space<vmem>> -> memref<128xi32, #tpu.memory_space<vmem>>
    %dma_start3A_104 = arith.constant 0 : i32
    %dma_start3A_105 = arith.constant 0 : i32
    %dma_start3A_106 = tpu.memref_slice %arg2[%dma_start3A_104, %dma_start3A_105] : memref<100000x256xf32, #tpu.memory_space<hbm>> -> memref<100000x256xf32, #tpu.memory_space<hbm>>
    tpu.enqueue_indirect_dma source(%dma_start3A_106 : memref<100000x256xf32, #tpu.memory_space<hbm>>) target(%dma_start3A_101 : memref<128x256xf32, #tpu.memory_space<vmem>>) offsets(%dma_start3A_103 : memref<128xi32, #tpu.memory_space<vmem>>) semaphore(%arg9 : memref<!tpu.dma_semaphore, #tpu.memory_space<semaphore_mem>>)
    %dma_wait3A_107 = arith.constant 0 : i32
    %dma_wait3A_108 = arith.constant 0 : i32
    %dma_wait3A_109 = tpu.memref_slice %arg7[%dma_wait3A_107, %dma_wait3A_108] : memref<128x256xf32, #tpu.memory_space<vmem>> -> memref<128x256xf32, #tpu.memory_space<vmem>>
    %dma_wait3A_110 = arith.constant 384 : i32
    %dma_wait3A_111 = tpu.memref_slice %arg5[%dma_wait3A_110] : memref<1568xi32, #tpu.memory_space<vmem>> -> memref<128xi32, #tpu.memory_space<vmem>>
    %dma_wait3A_112 = arith.constant 0 : i32
    %dma_wait3A_113 = arith.constant 0 : i32
    %dma_wait3A_114 = tpu.memref_slice %arg2[%dma_wait3A_112, %dma_wait3A_113] : memref<100000x256xf32, #tpu.memory_space<hbm>> -> memref<100000x256xf32, #tpu.memory_space<hbm>>
    tpu.wait_indirect_dma semaphore(%arg10 : memref<!tpu.dma_semaphore, #tpu.memory_space<semaphore_mem>>) src(%dma_wait3A_114 : memref<100000x256xf32, #tpu.memory_space<hbm>>) dst(%dma_wait3A_109 : memref<128x256xf32, #tpu.memory_space<vmem>>)
    %scan3A_115 = arith.constant 0 : i32
    %scan3A_116 = arith.constant 128 : i32
    %scan3A_117 = arith.addi %scan3A_115, %scan3A_116 : i32
    %scan3A_118 = arith.constant 1 : i32
    %scan3A_119:16 = scf.for %scan3A_406 = %scan3A_115 to %scan3A_117 step %scan3A_118 iter_args(%scan3A_407 = %scan3A_97#0, %scan3A_408 = %scan3A_97#1, %scan3A_409 = %scan3A_97#2, %scan3A_410 = %scan3A_97#3, %scan3A_411 = %scan3A_97#4, %scan3A_412 = %scan3A_97#5, %scan3A_413 = %scan3A_97#6, %scan3A_414 = %scan3A_97#7, %scan3A_415 = %scan3A_97#8, %scan3A_416 = %scan3A_97#9, %scan3A_417 = %scan3A_97#10, %scan3A_418 = %scan3A_97#11, %scan3A_419 = %scan3A_97#12, %scan3A_420 = %scan3A_97#13, %scan3A_421 = %scan3A_97#14, %scan3A_422 = %scan3A_97#15) -> (vector<16xf32>, vector<16xf32>, vector<16xf32>, vector<16xf32>, vector<16xf32>, vector<16xf32>, vector<16xf32>, vector<16xf32>, vector<16xf32>, vector<16xf32>, vector<16xf32>, vector<16xf32>, vector<16xf32>, vector<16xf32>, vector<16xf32>, vector<16xf32>)  : i32 {
      %get3A = arith.index_cast %scan3A_406 : i32 to index
      %get3A_423 = arith.constant 0 : index
      %get3A_424 = tpu.vector_load %arg7[%get3A, %get3A_423] {strides = array<i32>} : memref<128x256xf32, #tpu.memory_space<vmem>>, vector<1x16xf32>,
      %get3A_425 = vector.shape_cast %get3A_424 : vector<1x16xf32> to vector<16xf32>
      %add3A_426 = arith.addf %scan3A_407, %get3A_425 : vector<16xf32>
      %get3A_427 = arith.index_cast %scan3A_406 : i32 to index
      %get3A_428 = arith.constant 16 : index
      %get3A_429 = tpu.vector_load %arg7[%get3A_427, %get3A_428] {strides = array<i32>} : memref<128x256xf32, #tpu.memory_space<vmem>>, vector<1x16xf32>,
      %get3A_430 = vector.shape_cast %get3A_429 : vector<1x16xf32> to vector<16xf32>
      %add3A_431 = arith.addf %scan3A_408, %get3A_430 : vector<16xf32>
      %get3A_432 = arith.index_cast %scan3A_406 : i32 to index
      %get3A_433 = arith.constant 32 : index
      %get3A_434 = tpu.vector_load %arg7[%get3A_432, %get3A_433] {strides = array<i32>} : memref<128x256xf32, #tpu.memory_space<vmem>>, vector<1x16xf32>,
      %get3A_435 = vector.shape_cast %get3A_434 : vector<1x16xf32> to vector<16xf32>
      %add3A_436 = arith.addf %scan3A_409, %get3A_435 : vector<16xf32>
      %get3A_437 = arith.index_cast %scan3A_406 : i32 to index
      %get3A_438 = arith.constant 48 : index
      %get3A_439 = tpu.vector_load %arg7[%get3A_437, %get3A_438] {strides = array<i32>} : memref<128x256xf32, #tpu.memory_space<vmem>>, vector<1x16xf32>,
      %get3A_440 = vector.shape_cast %get3A_439 : vector<1x16xf32> to vector<16xf32>
      %add3A_441 = arith.addf %scan3A_410, %get3A_440 : vector<16xf32>
      %get3A_442 = arith.index_cast %scan3A_406 : i32 to index
      %get3A_443 = arith.constant 64 : index
      %get3A_444 = tpu.vector_load %arg7[%get3A_442, %get3A_443] {strides = array<i32>} : memref<128x256xf32, #tpu.memory_space<vmem>>, vector<1x16xf32>,
      %get3A_445 = vector.shape_cast %get3A_444 : vector<1x16xf32> to vector<16xf32>
      %add3A_446 = arith.addf %scan3A_411, %get3A_445 : vector<16xf32>
      %get3A_447 = arith.index_cast %scan3A_406 : i32 to index
      %get3A_448 = arith.constant 80 : index
      %get3A_449 = tpu.vector_load %arg7[%get3A_447, %get3A_448] {strides = array<i32>} : memref<128x256xf32, #tpu.memory_space<vmem>>, vector<1x16xf32>,
      %get3A_450 = vector.shape_cast %get3A_449 : vector<1x16xf32> to vector<16xf32>
      %add3A_451 = arith.addf %scan3A_412, %get3A_450 : vector<16xf32>
      %get3A_452 = arith.index_cast %scan3A_406 : i32 to index
      %get3A_453 = arith.constant 96 : index
      %get3A_454 = tpu.vector_load %arg7[%get3A_452, %get3A_453] {strides = array<i32>} : memref<128x256xf32, #tpu.memory_space<vmem>>, vector<1x16xf32>,
      %get3A_455 = vector.shape_cast %get3A_454 : vector<1x16xf32> to vector<16xf32>
      %add3A_456 = arith.addf %scan3A_413, %get3A_455 : vector<16xf32>
      %get3A_457 = arith.index_cast %scan3A_406 : i32 to index
      %get3A_458 = arith.constant 112 : index
      %get3A_459 = tpu.vector_load %arg7[%get3A_457, %get3A_458] {strides = array<i32>} : memref<128x256xf32, #tpu.memory_space<vmem>>, vector<1x16xf32>,
      %get3A_460 = vector.shape_cast %get3A_459 : vector<1x16xf32> to vector<16xf32>
      %add3A_461 = arith.addf %scan3A_414, %get3A_460 : vector<16xf32>
      %get3A_462 = arith.index_cast %scan3A_406 : i32 to index
      %get3A_463 = arith.constant 128 : index
      %get3A_464 = tpu.vector_load %arg7[%get3A_462, %get3A_463] {strides = array<i32>} : memref<128x256xf32, #tpu.memory_space<vmem>>, vector<1x16xf32>,
      %get3A_465 = vector.shape_cast %get3A_464 : vector<1x16xf32> to vector<16xf32>
      %add3A_466 = arith.addf %scan3A_415, %get3A_465 : vector<16xf32>
      %get3A_467 = arith.index_cast %scan3A_406 : i32 to index
      %get3A_468 = arith.constant 144 : index
      %get3A_469 = tpu.vector_load %arg7[%get3A_467, %get3A_468] {strides = array<i32>} : memref<128x256xf32, #tpu.memory_space<vmem>>, vector<1x16xf32>,
      %get3A_470 = vector.shape_cast %get3A_469 : vector<1x16xf32> to vector<16xf32>
      %add3A_471 = arith.addf %scan3A_416, %get3A_470 : vector<16xf32>
      %get3A_472 = arith.index_cast %scan3A_406 : i32 to index
      %get3A_473 = arith.constant 160 : index
      %get3A_474 = tpu.vector_load %arg7[%get3A_472, %get3A_473] {strides = array<i32>} : memref<128x256xf32, #tpu.memory_space<vmem>>, vector<1x16xf32>,
      %get3A_475 = vector.shape_cast %get3A_474 : vector<1x16xf32> to vector<16xf32>
      %add3A_476 = arith.addf %scan3A_417, %get3A_475 : vector<16xf32>
      %get3A_477 = arith.index_cast %scan3A_406 : i32 to index
      %get3A_478 = arith.constant 176 : index
      %get3A_479 = tpu.vector_load %arg7[%get3A_477, %get3A_478] {strides = array<i32>} : memref<128x256xf32, #tpu.memory_space<vmem>>, vector<1x16xf32>,
      %get3A_480 = vector.shape_cast %get3A_479 : vector<1x16xf32> to vector<16xf32>
      %add3A_481 = arith.addf %scan3A_418, %get3A_480 : vector<16xf32>
      %get3A_482 = arith.index_cast %scan3A_406 : i32 to index
      %get3A_483 = arith.constant 192 : index
      %get3A_484 = tpu.vector_load %arg7[%get3A_482, %get3A_483] {strides = array<i32>} : memref<128x256xf32, #tpu.memory_space<vmem>>, vector<1x16xf32>,
      %get3A_485 = vector.shape_cast %get3A_484 : vector<1x16xf32> to vector<16xf32>
      %add3A_486 = arith.addf %scan3A_419, %get3A_485 : vector<16xf32>
      %get3A_487 = arith.index_cast %scan3A_406 : i32 to index
      %get3A_488 = arith.constant 208 : index
      %get3A_489 = tpu.vector_load %arg7[%get3A_487, %get3A_488] {strides = array<i32>} : memref<128x256xf32, #tpu.memory_space<vmem>>, vector<1x16xf32>,
      %get3A_490 = vector.shape_cast %get3A_489 : vector<1x16xf32> to vector<16xf32>
      %add3A_491 = arith.addf %scan3A_420, %get3A_490 : vector<16xf32>
      %get3A_492 = arith.index_cast %scan3A_406 : i32 to index
      %get3A_493 = arith.constant 224 : index
      %get3A_494 = tpu.vector_load %arg7[%get3A_492, %get3A_493] {strides = array<i32>} : memref<128x256xf32, #tpu.memory_space<vmem>>, vector<1x16xf32>,
      %get3A_495 = vector.shape_cast %get3A_494 : vector<1x16xf32> to vector<16xf32>
      %add3A_496 = arith.addf %scan3A_421, %get3A_495 : vector<16xf32>
      %get3A_497 = arith.index_cast %scan3A_406 : i32 to index
      %get3A_498 = arith.constant 240 : index
      %get3A_499 = tpu.vector_load %arg7[%get3A_497, %get3A_498] {strides = array<i32>} : memref<128x256xf32, #tpu.memory_space<vmem>>, vector<1x16xf32>,
      %get3A_500 = vector.shape_cast %get3A_499 : vector<1x16xf32> to vector<16xf32>
      %add3A_501 = arith.addf %scan3A_422, %get3A_500 : vector<16xf32>
      scf.yield %add3A_426, %add3A_431, %add3A_436, %add3A_441, %add3A_446, %add3A_451, %add3A_456, %add3A_461, %add3A_466, %add3A_471, %add3A_476, %add3A_481, %add3A_486, %add3A_491, %add3A_496, %add3A_501 : vector<16xf32>, vector<16xf32>, vector<16xf32>, vector<16xf32>, vector<16xf32>, vector<16xf32>, vector<16xf32>, vector<16xf32>, vector<16xf32>, vector<16xf32>, vector<16xf32>, vector<16xf32>, vector<16xf32>, vector<16xf32>, vector<16xf32>, vector<16xf32>
    }
    %scan3A_120 = arith.constant 128 : i32
    %dma_start3A_121 = arith.constant 0 : i32
    %dma_start3A_122 = arith.constant 0 : i32
    %dma_start3A_123 = tpu.memref_slice %arg7[%dma_start3A_121, %dma_start3A_122] : memref<128x256xf32, #tpu.memory_space<vmem>> -> memref<128x256xf32, #tpu.memory_space<vmem>>
    %dma_start3A_124 = arith.constant 640 : i32
    %dma_start3A_125 = tpu.memref_slice %arg5[%dma_start3A_124] : memref<1568xi32, #tpu.memory_space<vmem>> -> memref<128xi32, #tpu.memory_space<vmem>>
    %dma_start3A_126 = arith.constant 0 : i32
    %dma_start3A_127 = arith.constant 0 : i32
    %dma_start3A_128 = tpu.memref_slice %arg2[%dma_start3A_126, %dma_start3A_127] : memref<100000x256xf32, #tpu.memory_space<hbm>> -> memref<100000x256xf32, #tpu.memory_space<hbm>>
    tpu.enqueue_indirect_dma source(%dma_start3A_128 : memref<100000x256xf32, #tpu.memory_space<hbm>>) target(%dma_start3A_123 : memref<128x256xf32, #tpu.memory_space<vmem>>) offsets(%dma_start3A_125 : memref<128xi32, #tpu.memory_space<vmem>>) semaphore(%arg10 : memref<!tpu.dma_semaphore, #tpu.memory_space<semaphore_mem>>)
    %dma_wait3A_129 = arith.constant 0 : i32
    %dma_wait3A_130 = arith.constant 0 : i32
    %dma_wait3A_131 = tpu.memref_slice %arg6[%dma_wait3A_129, %dma_wait3A_130] : memref<128x256xf32, #tpu.memory_space<vmem>> -> memref<128x256xf32, #tpu.memory_space<vmem>>
    %dma_wait3A_132 = arith.constant 512 : i32
    %dma_wait3A_133 = tpu.memref_slice %arg5[%dma_wait3A_132] : memref<1568xi32, #tpu.memory_space<vmem>> -> memref<128xi32, #tpu.memory_space<vmem>>
    %dma_wait3A_134 = arith.constant 0 : i32
    %dma_wait3A_135 = arith.constant 0 : i32
    %dma_wait3A_136 = tpu.memref_slice %arg2[%dma_wait3A_134, %dma_wait3A_135] : memref<100000x256xf32, #tpu.memory_space<hbm>> -> memref<100000x256xf32, #tpu.memory_space<hbm>>
    tpu.wait_indirect_dma semaphore(%arg9 : memref<!tpu.dma_semaphore, #tpu.memory_space<semaphore_mem>>) src(%dma_wait3A_136 : memref<100000x256xf32, #tpu.memory_space<hbm>>) dst(%dma_wait3A_131 : memref<128x256xf32, #tpu.memory_space<vmem>>)
    %scan3A_137 = arith.constant 0 : i32
    %scan3A_138 = arith.constant 128 : i32
    %scan3A_139 = arith.addi %scan3A_137, %scan3A_138 : i32
    %scan3A_140 = arith.constant 1 : i32
    %scan3A_141:16 = scf.for %scan3A_406 = %scan3A_137 to %scan3A_139 step %scan3A_140 iter_args(%scan3A_407 = %scan3A_119#0, %scan3A_408 = %scan3A_119#1, %scan3A_409 = %scan3A_119#2, %scan3A_410 = %scan3A_119#3, %scan3A_411 = %scan3A_119#4, %scan3A_412 = %scan3A_119#5, %scan3A_413 = %scan3A_119#6, %scan3A_414 = %scan3A_119#7, %scan3A_415 = %scan3A_119#8, %scan3A_416 = %scan3A_119#9, %scan3A_417 = %scan3A_119#10, %scan3A_418 = %scan3A_119#11, %scan3A_419 = %scan3A_119#12, %scan3A_420 = %scan3A_119#13, %scan3A_421 = %scan3A_119#14, %scan3A_422 = %scan3A_119#15) -> (vector<16xf32>, vector<16xf32>, vector<16xf32>, vector<16xf32>, vector<16xf32>, vector<16xf32>, vector<16xf32>, vector<16xf32>, vector<16xf32>, vector<16xf32>, vector<16xf32>, vector<16xf32>, vector<16xf32>, vector<16xf32>, vector<16xf32>, vector<16xf32>)  : i32 {
      %get3A = arith.index_cast %scan3A_406 : i32 to index
      %get3A_423 = arith.constant 0 : index
      %get3A_424 = tpu.vector_load %arg6[%get3A, %get3A_423] {strides = array<i32>} : memref<128x256xf32, #tpu.memory_space<vmem>>, vector<1x16xf32>,
      %get3A_425 = vector.shape_cast %get3A_424 : vector<1x16xf32> to vector<16xf32>
      %add3A_426 = arith.addf %scan3A_407, %get3A_425 : vector<16xf32>
      %get3A_427 = arith.index_cast %scan3A_406 : i32 to index
      %get3A_428 = arith.constant 16 : index
      %get3A_429 = tpu.vector_load %arg6[%get3A_427, %get3A_428] {strides = array<i32>} : memref<128x256xf32, #tpu.memory_space<vmem>>, vector<1x16xf32>,
      %get3A_430 = vector.shape_cast %get3A_429 : vector<1x16xf32> to vector<16xf32>
      %add3A_431 = arith.addf %scan3A_408, %get3A_430 : vector<16xf32>
      %get3A_432 = arith.index_cast %scan3A_406 : i32 to index
      %get3A_433 = arith.constant 32 : index
      %get3A_434 = tpu.vector_load %arg6[%get3A_432, %get3A_433] {strides = array<i32>} : memref<128x256xf32, #tpu.memory_space<vmem>>, vector<1x16xf32>,
      %get3A_435 = vector.shape_cast %get3A_434 : vector<1x16xf32> to vector<16xf32>
      %add3A_436 = arith.addf %scan3A_409, %get3A_435 : vector<16xf32>
      %get3A_437 = arith.index_cast %scan3A_406 : i32 to index
      %get3A_438 = arith.constant 48 : index
      %get3A_439 = tpu.vector_load %arg6[%get3A_437, %get3A_438] {strides = array<i32>} : memref<128x256xf32, #tpu.memory_space<vmem>>, vector<1x16xf32>,
      %get3A_440 = vector.shape_cast %get3A_439 : vector<1x16xf32> to vector<16xf32>
      %add3A_441 = arith.addf %scan3A_410, %get3A_440 : vector<16xf32>
      %get3A_442 = arith.index_cast %scan3A_406 : i32 to index
      %get3A_443 = arith.constant 64 : index
      %get3A_444 = tpu.vector_load %arg6[%get3A_442, %get3A_443] {strides = array<i32>} : memref<128x256xf32, #tpu.memory_space<vmem>>, vector<1x16xf32>,
      %get3A_445 = vector.shape_cast %get3A_444 : vector<1x16xf32> to vector<16xf32>
      %add3A_446 = arith.addf %scan3A_411, %get3A_445 : vector<16xf32>
      %get3A_447 = arith.index_cast %scan3A_406 : i32 to index
      %get3A_448 = arith.constant 80 : index
      %get3A_449 = tpu.vector_load %arg6[%get3A_447, %get3A_448] {strides = array<i32>} : memref<128x256xf32, #tpu.memory_space<vmem>>, vector<1x16xf32>,
      %get3A_450 = vector.shape_cast %get3A_449 : vector<1x16xf32> to vector<16xf32>
      %add3A_451 = arith.addf %scan3A_412, %get3A_450 : vector<16xf32>
      %get3A_452 = arith.index_cast %scan3A_406 : i32 to index
      %get3A_453 = arith.constant 96 : index
      %get3A_454 = tpu.vector_load %arg6[%get3A_452, %get3A_453] {strides = array<i32>} : memref<128x256xf32, #tpu.memory_space<vmem>>, vector<1x16xf32>,
      %get3A_455 = vector.shape_cast %get3A_454 : vector<1x16xf32> to vector<16xf32>
      %add3A_456 = arith.addf %scan3A_413, %get3A_455 : vector<16xf32>
      %get3A_457 = arith.index_cast %scan3A_406 : i32 to index
      %get3A_458 = arith.constant 112 : index
      %get3A_459 = tpu.vector_load %arg6[%get3A_457, %get3A_458] {strides = array<i32>} : memref<128x256xf32, #tpu.memory_space<vmem>>, vector<1x16xf32>,
      %get3A_460 = vector.shape_cast %get3A_459 : vector<1x16xf32> to vector<16xf32>
      %add3A_461 = arith.addf %scan3A_414, %get3A_460 : vector<16xf32>
      %get3A_462 = arith.index_cast %scan3A_406 : i32 to index
      %get3A_463 = arith.constant 128 : index
      %get3A_464 = tpu.vector_load %arg6[%get3A_462, %get3A_463] {strides = array<i32>} : memref<128x256xf32, #tpu.memory_space<vmem>>, vector<1x16xf32>,
      %get3A_465 = vector.shape_cast %get3A_464 : vector<1x16xf32> to vector<16xf32>
      %add3A_466 = arith.addf %scan3A_415, %get3A_465 : vector<16xf32>
      %get3A_467 = arith.index_cast %scan3A_406 : i32 to index
      %get3A_468 = arith.constant 144 : index
      %get3A_469 = tpu.vector_load %arg6[%get3A_467, %get3A_468] {strides = array<i32>} : memref<128x256xf32, #tpu.memory_space<vmem>>, vector<1x16xf32>,
      %get3A_470 = vector.shape_cast %get3A_469 : vector<1x16xf32> to vector<16xf32>
      %add3A_471 = arith.addf %scan3A_416, %get3A_470 : vector<16xf32>
      %get3A_472 = arith.index_cast %scan3A_406 : i32 to index
      %get3A_473 = arith.constant 160 : index
      %get3A_474 = tpu.vector_load %arg6[%get3A_472, %get3A_473] {strides = array<i32>} : memref<128x256xf32, #tpu.memory_space<vmem>>, vector<1x16xf32>,
      %get3A_475 = vector.shape_cast %get3A_474 : vector<1x16xf32> to vector<16xf32>
      %add3A_476 = arith.addf %scan3A_417, %get3A_475 : vector<16xf32>
      %get3A_477 = arith.index_cast %scan3A_406 : i32 to index
      %get3A_478 = arith.constant 176 : index
      %get3A_479 = tpu.vector_load %arg6[%get3A_477, %get3A_478] {strides = array<i32>} : memref<128x256xf32, #tpu.memory_space<vmem>>, vector<1x16xf32>,
      %get3A_480 = vector.shape_cast %get3A_479 : vector<1x16xf32> to vector<16xf32>
      %add3A_481 = arith.addf %scan3A_418, %get3A_480 : vector<16xf32>
      %get3A_482 = arith.index_cast %scan3A_406 : i32 to index
      %get3A_483 = arith.constant 192 : index
      %get3A_484 = tpu.vector_load %arg6[%get3A_482, %get3A_483] {strides = array<i32>} : memref<128x256xf32, #tpu.memory_space<vmem>>, vector<1x16xf32>,
      %get3A_485 = vector.shape_cast %get3A_484 : vector<1x16xf32> to vector<16xf32>
      %add3A_486 = arith.addf %scan3A_419, %get3A_485 : vector<16xf32>
      %get3A_487 = arith.index_cast %scan3A_406 : i32 to index
      %get3A_488 = arith.constant 208 : index
      %get3A_489 = tpu.vector_load %arg6[%get3A_487, %get3A_488] {strides = array<i32>} : memref<128x256xf32, #tpu.memory_space<vmem>>, vector<1x16xf32>,
      %get3A_490 = vector.shape_cast %get3A_489 : vector<1x16xf32> to vector<16xf32>
      %add3A_491 = arith.addf %scan3A_420, %get3A_490 : vector<16xf32>
      %get3A_492 = arith.index_cast %scan3A_406 : i32 to index
      %get3A_493 = arith.constant 224 : index
      %get3A_494 = tpu.vector_load %arg6[%get3A_492, %get3A_493] {strides = array<i32>} : memref<128x256xf32, #tpu.memory_space<vmem>>, vector<1x16xf32>,
      %get3A_495 = vector.shape_cast %get3A_494 : vector<1x16xf32> to vector<16xf32>
      %add3A_496 = arith.addf %scan3A_421, %get3A_495 : vector<16xf32>
      %get3A_497 = arith.index_cast %scan3A_406 : i32 to index
      %get3A_498 = arith.constant 240 : index
      %get3A_499 = tpu.vector_load %arg6[%get3A_497, %get3A_498] {strides = array<i32>} : memref<128x256xf32, #tpu.memory_space<vmem>>, vector<1x16xf32>,
      %get3A_500 = vector.shape_cast %get3A_499 : vector<1x16xf32> to vector<16xf32>
      %add3A_501 = arith.addf %scan3A_422, %get3A_500 : vector<16xf32>
      scf.yield %add3A_426, %add3A_431, %add3A_436, %add3A_441, %add3A_446, %add3A_451, %add3A_456, %add3A_461, %add3A_466, %add3A_471, %add3A_476, %add3A_481, %add3A_486, %add3A_491, %add3A_496, %add3A_501 : vector<16xf32>, vector<16xf32>, vector<16xf32>, vector<16xf32>, vector<16xf32>, vector<16xf32>, vector<16xf32>, vector<16xf32>, vector<16xf32>, vector<16xf32>, vector<16xf32>, vector<16xf32>, vector<16xf32>, vector<16xf32>, vector<16xf32>, vector<16xf32>
    }
    %scan3A_142 = arith.constant 128 : i32
    %dma_start3A_143 = arith.constant 0 : i32
    %dma_start3A_144 = arith.constant 0 : i32
    %dma_start3A_145 = tpu.memref_slice %arg6[%dma_start3A_143, %dma_start3A_144] : memref<128x256xf32, #tpu.memory_space<vmem>> -> memref<128x256xf32, #tpu.memory_space<vmem>>
    %dma_start3A_146 = arith.constant 768 : i32
    %dma_start3A_147 = tpu.memref_slice %arg5[%dma_start3A_146] : memref<1568xi32, #tpu.memory_space<vmem>> -> memref<128xi32, #tpu.memory_space<vmem>>
    %dma_start3A_148 = arith.constant 0 : i32
    %dma_start3A_149 = arith.constant 0 : i32
    %dma_start3A_150 = tpu.memref_slice %arg2[%dma_start3A_148, %dma_start3A_149] : memref<100000x256xf32, #tpu.memory_space<hbm>> -> memref<100000x256xf32, #tpu.memory_space<hbm>>
    tpu.enqueue_indirect_dma source(%dma_start3A_150 : memref<100000x256xf32, #tpu.memory_space<hbm>>) target(%dma_start3A_145 : memref<128x256xf32, #tpu.memory_space<vmem>>) offsets(%dma_start3A_147 : memref<128xi32, #tpu.memory_space<vmem>>) semaphore(%arg9 : memref<!tpu.dma_semaphore, #tpu.memory_space<semaphore_mem>>)
    %dma_wait3A_151 = arith.constant 0 : i32
    %dma_wait3A_152 = arith.constant 0 : i32
    %dma_wait3A_153 = tpu.memref_slice %arg7[%dma_wait3A_151, %dma_wait3A_152] : memref<128x256xf32, #tpu.memory_space<vmem>> -> memref<128x256xf32, #tpu.memory_space<vmem>>
    %dma_wait3A_154 = arith.constant 640 : i32
    %dma_wait3A_155 = tpu.memref_slice %arg5[%dma_wait3A_154] : memref<1568xi32, #tpu.memory_space<vmem>> -> memref<128xi32, #tpu.memory_space<vmem>>
    %dma_wait3A_156 = arith.constant 0 : i32
    %dma_wait3A_157 = arith.constant 0 : i32
    %dma_wait3A_158 = tpu.memref_slice %arg2[%dma_wait3A_156, %dma_wait3A_157] : memref<100000x256xf32, #tpu.memory_space<hbm>> -> memref<100000x256xf32, #tpu.memory_space<hbm>>
    tpu.wait_indirect_dma semaphore(%arg10 : memref<!tpu.dma_semaphore, #tpu.memory_space<semaphore_mem>>) src(%dma_wait3A_158 : memref<100000x256xf32, #tpu.memory_space<hbm>>) dst(%dma_wait3A_153 : memref<128x256xf32, #tpu.memory_space<vmem>>)
    %scan3A_159 = arith.constant 0 : i32
    %scan3A_160 = arith.constant 128 : i32
    %scan3A_161 = arith.addi %scan3A_159, %scan3A_160 : i32
    %scan3A_162 = arith.constant 1 : i32
    %scan3A_163:16 = scf.for %scan3A_406 = %scan3A_159 to %scan3A_161 step %scan3A_162 iter_args(%scan3A_407 = %scan3A_141#0, %scan3A_408 = %scan3A_141#1, %scan3A_409 = %scan3A_141#2, %scan3A_410 = %scan3A_141#3, %scan3A_411 = %scan3A_141#4, %scan3A_412 = %scan3A_141#5, %scan3A_413 = %scan3A_141#6, %scan3A_414 = %scan3A_141#7, %scan3A_415 = %scan3A_141#8, %scan3A_416 = %scan3A_141#9, %scan3A_417 = %scan3A_141#10, %scan3A_418 = %scan3A_141#11, %scan3A_419 = %scan3A_141#12, %scan3A_420 = %scan3A_141#13, %scan3A_421 = %scan3A_141#14, %scan3A_422 = %scan3A_141#15) -> (vector<16xf32>, vector<16xf32>, vector<16xf32>, vector<16xf32>, vector<16xf32>, vector<16xf32>, vector<16xf32>, vector<16xf32>, vector<16xf32>, vector<16xf32>, vector<16xf32>, vector<16xf32>, vector<16xf32>, vector<16xf32>, vector<16xf32>, vector<16xf32>)  : i32 {
      %get3A = arith.index_cast %scan3A_406 : i32 to index
      %get3A_423 = arith.constant 0 : index
      %get3A_424 = tpu.vector_load %arg7[%get3A, %get3A_423] {strides = array<i32>} : memref<128x256xf32, #tpu.memory_space<vmem>>, vector<1x16xf32>,
      %get3A_425 = vector.shape_cast %get3A_424 : vector<1x16xf32> to vector<16xf32>
      %add3A_426 = arith.addf %scan3A_407, %get3A_425 : vector<16xf32>
      %get3A_427 = arith.index_cast %scan3A_406 : i32 to index
      %get3A_428 = arith.constant 16 : index
      %get3A_429 = tpu.vector_load %arg7[%get3A_427, %get3A_428] {strides = array<i32>} : memref<128x256xf32, #tpu.memory_space<vmem>>, vector<1x16xf32>,
      %get3A_430 = vector.shape_cast %get3A_429 : vector<1x16xf32> to vector<16xf32>
      %add3A_431 = arith.addf %scan3A_408, %get3A_430 : vector<16xf32>
      %get3A_432 = arith.index_cast %scan3A_406 : i32 to index
      %get3A_433 = arith.constant 32 : index
      %get3A_434 = tpu.vector_load %arg7[%get3A_432, %get3A_433] {strides = array<i32>} : memref<128x256xf32, #tpu.memory_space<vmem>>, vector<1x16xf32>,
      %get3A_435 = vector.shape_cast %get3A_434 : vector<1x16xf32> to vector<16xf32>
      %add3A_436 = arith.addf %scan3A_409, %get3A_435 : vector<16xf32>
      %get3A_437 = arith.index_cast %scan3A_406 : i32 to index
      %get3A_438 = arith.constant 48 : index
      %get3A_439 = tpu.vector_load %arg7[%get3A_437, %get3A_438] {strides = array<i32>} : memref<128x256xf32, #tpu.memory_space<vmem>>, vector<1x16xf32>,
      %get3A_440 = vector.shape_cast %get3A_439 : vector<1x16xf32> to vector<16xf32>
      %add3A_441 = arith.addf %scan3A_410, %get3A_440 : vector<16xf32>
      %get3A_442 = arith.index_cast %scan3A_406 : i32 to index
      %get3A_443 = arith.constant 64 : index
      %get3A_444 = tpu.vector_load %arg7[%get3A_442, %get3A_443] {strides = array<i32>} : memref<128x256xf32, #tpu.memory_space<vmem>>, vector<1x16xf32>,
      %get3A_445 = vector.shape_cast %get3A_444 : vector<1x16xf32> to vector<16xf32>
      %add3A_446 = arith.addf %scan3A_411, %get3A_445 : vector<16xf32>
      %get3A_447 = arith.index_cast %scan3A_406 : i32 to index
      %get3A_448 = arith.constant 80 : index
      %get3A_449 = tpu.vector_load %arg7[%get3A_447, %get3A_448] {strides = array<i32>} : memref<128x256xf32, #tpu.memory_space<vmem>>, vector<1x16xf32>,
      %get3A_450 = vector.shape_cast %get3A_449 : vector<1x16xf32> to vector<16xf32>
      %add3A_451 = arith.addf %scan3A_412, %get3A_450 : vector<16xf32>
      %get3A_452 = arith.index_cast %scan3A_406 : i32 to index
      %get3A_453 = arith.constant 96 : index
      %get3A_454 = tpu.vector_load %arg7[%get3A_452, %get3A_453] {strides = array<i32>} : memref<128x256xf32, #tpu.memory_space<vmem>>, vector<1x16xf32>,
      %get3A_455 = vector.shape_cast %get3A_454 : vector<1x16xf32> to vector<16xf32>
      %add3A_456 = arith.addf %scan3A_413, %get3A_455 : vector<16xf32>
      %get3A_457 = arith.index_cast %scan3A_406 : i32 to index
      %get3A_458 = arith.constant 112 : index
      %get3A_459 = tpu.vector_load %arg7[%get3A_457, %get3A_458] {strides = array<i32>} : memref<128x256xf32, #tpu.memory_space<vmem>>, vector<1x16xf32>,
      %get3A_460 = vector.shape_cast %get3A_459 : vector<1x16xf32> to vector<16xf32>
      %add3A_461 = arith.addf %scan3A_414, %get3A_460 : vector<16xf32>
      %get3A_462 = arith.index_cast %scan3A_406 : i32 to index
      %get3A_463 = arith.constant 128 : index
      %get3A_464 = tpu.vector_load %arg7[%get3A_462, %get3A_463] {strides = array<i32>} : memref<128x256xf32, #tpu.memory_space<vmem>>, vector<1x16xf32>,
      %get3A_465 = vector.shape_cast %get3A_464 : vector<1x16xf32> to vector<16xf32>
      %add3A_466 = arith.addf %scan3A_415, %get3A_465 : vector<16xf32>
      %get3A_467 = arith.index_cast %scan3A_406 : i32 to index
      %get3A_468 = arith.constant 144 : index
      %get3A_469 = tpu.vector_load %arg7[%get3A_467, %get3A_468] {strides = array<i32>} : memref<128x256xf32, #tpu.memory_space<vmem>>, vector<1x16xf32>,
      %get3A_470 = vector.shape_cast %get3A_469 : vector<1x16xf32> to vector<16xf32>
      %add3A_471 = arith.addf %scan3A_416, %get3A_470 : vector<16xf32>
      %get3A_472 = arith.index_cast %scan3A_406 : i32 to index
      %get3A_473 = arith.constant 160 : index
      %get3A_474 = tpu.vector_load %arg7[%get3A_472, %get3A_473] {strides = array<i32>} : memref<128x256xf32, #tpu.memory_space<vmem>>, vector<1x16xf32>,
      %get3A_475 = vector.shape_cast %get3A_474 : vector<1x16xf32> to vector<16xf32>
      %add3A_476 = arith.addf %scan3A_417, %get3A_475 : vector<16xf32>
      %get3A_477 = arith.index_cast %scan3A_406 : i32 to index
      %get3A_478 = arith.constant 176 : index
      %get3A_479 = tpu.vector_load %arg7[%get3A_477, %get3A_478] {strides = array<i32>} : memref<128x256xf32, #tpu.memory_space<vmem>>, vector<1x16xf32>,
      %get3A_480 = vector.shape_cast %get3A_479 : vector<1x16xf32> to vector<16xf32>
      %add3A_481 = arith.addf %scan3A_418, %get3A_480 : vector<16xf32>
      %get3A_482 = arith.index_cast %scan3A_406 : i32 to index
      %get3A_483 = arith.constant 192 : index
      %get3A_484 = tpu.vector_load %arg7[%get3A_482, %get3A_483] {strides = array<i32>} : memref<128x256xf32, #tpu.memory_space<vmem>>, vector<1x16xf32>,
      %get3A_485 = vector.shape_cast %get3A_484 : vector<1x16xf32> to vector<16xf32>
      %add3A_486 = arith.addf %scan3A_419, %get3A_485 : vector<16xf32>
      %get3A_487 = arith.index_cast %scan3A_406 : i32 to index
      %get3A_488 = arith.constant 208 : index
      %get3A_489 = tpu.vector_load %arg7[%get3A_487, %get3A_488] {strides = array<i32>} : memref<128x256xf32, #tpu.memory_space<vmem>>, vector<1x16xf32>,
      %get3A_490 = vector.shape_cast %get3A_489 : vector<1x16xf32> to vector<16xf32>
      %add3A_491 = arith.addf %scan3A_420, %get3A_490 : vector<16xf32>
      %get3A_492 = arith.index_cast %scan3A_406 : i32 to index
      %get3A_493 = arith.constant 224 : index
      %get3A_494 = tpu.vector_load %arg7[%get3A_492, %get3A_493] {strides = array<i32>} : memref<128x256xf32, #tpu.memory_space<vmem>>, vector<1x16xf32>,
      %get3A_495 = vector.shape_cast %get3A_494 : vector<1x16xf32> to vector<16xf32>
      %add3A_496 = arith.addf %scan3A_421, %get3A_495 : vector<16xf32>
      %get3A_497 = arith.index_cast %scan3A_406 : i32 to index
      %get3A_498 = arith.constant 240 : index
      %get3A_499 = tpu.vector_load %arg7[%get3A_497, %get3A_498] {strides = array<i32>} : memref<128x256xf32, #tpu.memory_space<vmem>>, vector<1x16xf32>,
      %get3A_500 = vector.shape_cast %get3A_499 : vector<1x16xf32> to vector<16xf32>
      %add3A_501 = arith.addf %scan3A_422, %get3A_500 : vector<16xf32>
      scf.yield %add3A_426, %add3A_431, %add3A_436, %add3A_441, %add3A_446, %add3A_451, %add3A_456, %add3A_461, %add3A_466, %add3A_471, %add3A_476, %add3A_481, %add3A_486, %add3A_491, %add3A_496, %add3A_501 : vector<16xf32>, vector<16xf32>, vector<16xf32>, vector<16xf32>, vector<16xf32>, vector<16xf32>, vector<16xf32>, vector<16xf32>, vector<16xf32>, vector<16xf32>, vector<16xf32>, vector<16xf32>, vector<16xf32>, vector<16xf32>, vector<16xf32>, vector<16xf32>
    }
    %scan3A_164 = arith.constant 128 : i32
    %dma_start3A_165 = arith.constant 0 : i32
    %dma_start3A_166 = arith.constant 0 : i32
    %dma_start3A_167 = tpu.memref_slice %arg7[%dma_start3A_165, %dma_start3A_166] : memref<128x256xf32, #tpu.memory_space<vmem>> -> memref<128x256xf32, #tpu.memory_space<vmem>>
    %dma_start3A_168 = arith.constant 896 : i32
    %dma_start3A_169 = tpu.memref_slice %arg5[%dma_start3A_168] : memref<1568xi32, #tpu.memory_space<vmem>> -> memref<128xi32, #tpu.memory_space<vmem>>
    %dma_start3A_170 = arith.constant 0 : i32
    %dma_start3A_171 = arith.constant 0 : i32
    %dma_start3A_172 = tpu.memref_slice %arg2[%dma_start3A_170, %dma_start3A_171] : memref<100000x256xf32, #tpu.memory_space<hbm>> -> memref<100000x256xf32, #tpu.memory_space<hbm>>
    tpu.enqueue_indirect_dma source(%dma_start3A_172 : memref<100000x256xf32, #tpu.memory_space<hbm>>) target(%dma_start3A_167 : memref<128x256xf32, #tpu.memory_space<vmem>>) offsets(%dma_start3A_169 : memref<128xi32, #tpu.memory_space<vmem>>) semaphore(%arg10 : memref<!tpu.dma_semaphore, #tpu.memory_space<semaphore_mem>>)
    %dma_wait3A_173 = arith.constant 0 : i32
    %dma_wait3A_174 = arith.constant 0 : i32
    %dma_wait3A_175 = tpu.memref_slice %arg6[%dma_wait3A_173, %dma_wait3A_174] : memref<128x256xf32, #tpu.memory_space<vmem>> -> memref<128x256xf32, #tpu.memory_space<vmem>>
    %dma_wait3A_176 = arith.constant 768 : i32
    %dma_wait3A_177 = tpu.memref_slice %arg5[%dma_wait3A_176] : memref<1568xi32, #tpu.memory_space<vmem>> -> memref<128xi32, #tpu.memory_space<vmem>>
    %dma_wait3A_178 = arith.constant 0 : i32
    %dma_wait3A_179 = arith.constant 0 : i32
    %dma_wait3A_180 = tpu.memref_slice %arg2[%dma_wait3A_178, %dma_wait3A_179] : memref<100000x256xf32, #tpu.memory_space<hbm>> -> memref<100000x256xf32, #tpu.memory_space<hbm>>
    tpu.wait_indirect_dma semaphore(%arg9 : memref<!tpu.dma_semaphore, #tpu.memory_space<semaphore_mem>>) src(%dma_wait3A_180 : memref<100000x256xf32, #tpu.memory_space<hbm>>) dst(%dma_wait3A_175 : memref<128x256xf32, #tpu.memory_space<vmem>>)
    %scan3A_181 = arith.constant 0 : i32
    %scan3A_182 = arith.constant 128 : i32
    %scan3A_183 = arith.addi %scan3A_181, %scan3A_182 : i32
    %scan3A_184 = arith.constant 1 : i32
    %scan3A_185:16 = scf.for %scan3A_406 = %scan3A_181 to %scan3A_183 step %scan3A_184 iter_args(%scan3A_407 = %scan3A_163#0, %scan3A_408 = %scan3A_163#1, %scan3A_409 = %scan3A_163#2, %scan3A_410 = %scan3A_163#3, %scan3A_411 = %scan3A_163#4, %scan3A_412 = %scan3A_163#5, %scan3A_413 = %scan3A_163#6, %scan3A_414 = %scan3A_163#7, %scan3A_415 = %scan3A_163#8, %scan3A_416 = %scan3A_163#9, %scan3A_417 = %scan3A_163#10, %scan3A_418 = %scan3A_163#11, %scan3A_419 = %scan3A_163#12, %scan3A_420 = %scan3A_163#13, %scan3A_421 = %scan3A_163#14, %scan3A_422 = %scan3A_163#15) -> (vector<16xf32>, vector<16xf32>, vector<16xf32>, vector<16xf32>, vector<16xf32>, vector<16xf32>, vector<16xf32>, vector<16xf32>, vector<16xf32>, vector<16xf32>, vector<16xf32>, vector<16xf32>, vector<16xf32>, vector<16xf32>, vector<16xf32>, vector<16xf32>)  : i32 {
      %get3A = arith.index_cast %scan3A_406 : i32 to index
      %get3A_423 = arith.constant 0 : index
      %get3A_424 = tpu.vector_load %arg6[%get3A, %get3A_423] {strides = array<i32>} : memref<128x256xf32, #tpu.memory_space<vmem>>, vector<1x16xf32>,
      %get3A_425 = vector.shape_cast %get3A_424 : vector<1x16xf32> to vector<16xf32>
      %add3A_426 = arith.addf %scan3A_407, %get3A_425 : vector<16xf32>
      %get3A_427 = arith.index_cast %scan3A_406 : i32 to index
      %get3A_428 = arith.constant 16 : index
      %get3A_429 = tpu.vector_load %arg6[%get3A_427, %get3A_428] {strides = array<i32>} : memref<128x256xf32, #tpu.memory_space<vmem>>, vector<1x16xf32>,
      %get3A_430 = vector.shape_cast %get3A_429 : vector<1x16xf32> to vector<16xf32>
      %add3A_431 = arith.addf %scan3A_408, %get3A_430 : vector<16xf32>
      %get3A_432 = arith.index_cast %scan3A_406 : i32 to index
      %get3A_433 = arith.constant 32 : index
      %get3A_434 = tpu.vector_load %arg6[%get3A_432, %get3A_433] {strides = array<i32>} : memref<128x256xf32, #tpu.memory_space<vmem>>, vector<1x16xf32>,
      %get3A_435 = vector.shape_cast %get3A_434 : vector<1x16xf32> to vector<16xf32>
      %add3A_436 = arith.addf %scan3A_409, %get3A_435 : vector<16xf32>
      %get3A_437 = arith.index_cast %scan3A_406 : i32 to index
      %get3A_438 = arith.constant 48 : index
      %get3A_439 = tpu.vector_load %arg6[%get3A_437, %get3A_438] {strides = array<i32>} : memref<128x256xf32, #tpu.memory_space<vmem>>, vector<1x16xf32>,
      %get3A_440 = vector.shape_cast %get3A_439 : vector<1x16xf32> to vector<16xf32>
      %add3A_441 = arith.addf %scan3A_410, %get3A_440 : vector<16xf32>
      %get3A_442 = arith.index_cast %scan3A_406 : i32 to index
      %get3A_443 = arith.constant 64 : index
      %get3A_444 = tpu.vector_load %arg6[%get3A_442, %get3A_443] {strides = array<i32>} : memref<128x256xf32, #tpu.memory_space<vmem>>, vector<1x16xf32>,
      %get3A_445 = vector.shape_cast %get3A_444 : vector<1x16xf32> to vector<16xf32>
      %add3A_446 = arith.addf %scan3A_411, %get3A_445 : vector<16xf32>
      %get3A_447 = arith.index_cast %scan3A_406 : i32 to index
      %get3A_448 = arith.constant 80 : index
      %get3A_449 = tpu.vector_load %arg6[%get3A_447, %get3A_448] {strides = array<i32>} : memref<128x256xf32, #tpu.memory_space<vmem>>, vector<1x16xf32>,
      %get3A_450 = vector.shape_cast %get3A_449 : vector<1x16xf32> to vector<16xf32>
      %add3A_451 = arith.addf %scan3A_412, %get3A_450 : vector<16xf32>
      %get3A_452 = arith.index_cast %scan3A_406 : i32 to index
      %get3A_453 = arith.constant 96 : index
      %get3A_454 = tpu.vector_load %arg6[%get3A_452, %get3A_453] {strides = array<i32>} : memref<128x256xf32, #tpu.memory_space<vmem>>, vector<1x16xf32>,
      %get3A_455 = vector.shape_cast %get3A_454 : vector<1x16xf32> to vector<16xf32>
      %add3A_456 = arith.addf %scan3A_413, %get3A_455 : vector<16xf32>
      %get3A_457 = arith.index_cast %scan3A_406 : i32 to index
      %get3A_458 = arith.constant 112 : index
      %get3A_459 = tpu.vector_load %arg6[%get3A_457, %get3A_458] {strides = array<i32>} : memref<128x256xf32, #tpu.memory_space<vmem>>, vector<1x16xf32>,
      %get3A_460 = vector.shape_cast %get3A_459 : vector<1x16xf32> to vector<16xf32>
      %add3A_461 = arith.addf %scan3A_414, %get3A_460 : vector<16xf32>
      %get3A_462 = arith.index_cast %scan3A_406 : i32 to index
      %get3A_463 = arith.constant 128 : index
      %get3A_464 = tpu.vector_load %arg6[%get3A_462, %get3A_463] {strides = array<i32>} : memref<128x256xf32, #tpu.memory_space<vmem>>, vector<1x16xf32>,
      %get3A_465 = vector.shape_cast %get3A_464 : vector<1x16xf32> to vector<16xf32>
      %add3A_466 = arith.addf %scan3A_415, %get3A_465 : vector<16xf32>
      %get3A_467 = arith.index_cast %scan3A_406 : i32 to index
      %get3A_468 = arith.constant 144 : index
      %get3A_469 = tpu.vector_load %arg6[%get3A_467, %get3A_468] {strides = array<i32>} : memref<128x256xf32, #tpu.memory_space<vmem>>, vector<1x16xf32>,
      %get3A_470 = vector.shape_cast %get3A_469 : vector<1x16xf32> to vector<16xf32>
      %add3A_471 = arith.addf %scan3A_416, %get3A_470 : vector<16xf32>
      %get3A_472 = arith.index_cast %scan3A_406 : i32 to index
      %get3A_473 = arith.constant 160 : index
      %get3A_474 = tpu.vector_load %arg6[%get3A_472, %get3A_473] {strides = array<i32>} : memref<128x256xf32, #tpu.memory_space<vmem>>, vector<1x16xf32>,
      %get3A_475 = vector.shape_cast %get3A_474 : vector<1x16xf32> to vector<16xf32>
      %add3A_476 = arith.addf %scan3A_417, %get3A_475 : vector<16xf32>
      %get3A_477 = arith.index_cast %scan3A_406 : i32 to index
      %get3A_478 = arith.constant 176 : index
      %get3A_479 = tpu.vector_load %arg6[%get3A_477, %get3A_478] {strides = array<i32>} : memref<128x256xf32, #tpu.memory_space<vmem>>, vector<1x16xf32>,
      %get3A_480 = vector.shape_cast %get3A_479 : vector<1x16xf32> to vector<16xf32>
      %add3A_481 = arith.addf %scan3A_418, %get3A_480 : vector<16xf32>
      %get3A_482 = arith.index_cast %scan3A_406 : i32 to index
      %get3A_483 = arith.constant 192 : index
      %get3A_484 = tpu.vector_load %arg6[%get3A_482, %get3A_483] {strides = array<i32>} : memref<128x256xf32, #tpu.memory_space<vmem>>, vector<1x16xf32>,
      %get3A_485 = vector.shape_cast %get3A_484 : vector<1x16xf32> to vector<16xf32>
      %add3A_486 = arith.addf %scan3A_419, %get3A_485 : vector<16xf32>
      %get3A_487 = arith.index_cast %scan3A_406 : i32 to index
      %get3A_488 = arith.constant 208 : index
      %get3A_489 = tpu.vector_load %arg6[%get3A_487, %get3A_488] {strides = array<i32>} : memref<128x256xf32, #tpu.memory_space<vmem>>, vector<1x16xf32>,
      %get3A_490 = vector.shape_cast %get3A_489 : vector<1x16xf32> to vector<16xf32>
      %add3A_491 = arith.addf %scan3A_420, %get3A_490 : vector<16xf32>
      %get3A_492 = arith.index_cast %scan3A_406 : i32 to index
      %get3A_493 = arith.constant 224 : index
      %get3A_494 = tpu.vector_load %arg6[%get3A_492, %get3A_493] {strides = array<i32>} : memref<128x256xf32, #tpu.memory_space<vmem>>, vector<1x16xf32>,
      %get3A_495 = vector.shape_cast %get3A_494 : vector<1x16xf32> to vector<16xf32>
      %add3A_496 = arith.addf %scan3A_421, %get3A_495 : vector<16xf32>
      %get3A_497 = arith.index_cast %scan3A_406 : i32 to index
      %get3A_498 = arith.constant 240 : index
      %get3A_499 = tpu.vector_load %arg6[%get3A_497, %get3A_498] {strides = array<i32>} : memref<128x256xf32, #tpu.memory_space<vmem>>, vector<1x16xf32>,
      %get3A_500 = vector.shape_cast %get3A_499 : vector<1x16xf32> to vector<16xf32>
      %add3A_501 = arith.addf %scan3A_422, %get3A_500 : vector<16xf32>
      scf.yield %add3A_426, %add3A_431, %add3A_436, %add3A_441, %add3A_446, %add3A_451, %add3A_456, %add3A_461, %add3A_466, %add3A_471, %add3A_476, %add3A_481, %add3A_486, %add3A_491, %add3A_496, %add3A_501 : vector<16xf32>, vector<16xf32>, vector<16xf32>, vector<16xf32>, vector<16xf32>, vector<16xf32>, vector<16xf32>, vector<16xf32>, vector<16xf32>, vector<16xf32>, vector<16xf32>, vector<16xf32>, vector<16xf32>, vector<16xf32>, vector<16xf32>, vector<16xf32>
    }
    %scan3A_186 = arith.constant 128 : i32
    %dma_start3A_187 = arith.constant 0 : i32
    %dma_start3A_188 = arith.constant 0 : i32
    %dma_start3A_189 = tpu.memref_slice %arg6[%dma_start3A_187, %dma_start3A_188] : memref<128x256xf32, #tpu.memory_space<vmem>> -> memref<128x256xf32, #tpu.memory_space<vmem>>
    %dma_start3A_190 = arith.constant 1024 : i32
    %dma_start3A_191 = tpu.memref_slice %arg5[%dma_start3A_190] : memref<1568xi32, #tpu.memory_space<vmem>> -> memref<128xi32, #tpu.memory_space<vmem>>
    %dma_start3A_192 = arith.constant 0 : i32
    %dma_start3A_193 = arith.constant 0 : i32
    %dma_start3A_194 = tpu.memref_slice %arg2[%dma_start3A_192, %dma_start3A_193] : memref<100000x256xf32, #tpu.memory_space<hbm>> -> memref<100000x256xf32, #tpu.memory_space<hbm>>
    tpu.enqueue_indirect_dma source(%dma_start3A_194 : memref<100000x256xf32, #tpu.memory_space<hbm>>) target(%dma_start3A_189 : memref<128x256xf32, #tpu.memory_space<vmem>>) offsets(%dma_start3A_191 : memref<128xi32, #tpu.memory_space<vmem>>) semaphore(%arg9 : memref<!tpu.dma_semaphore, #tpu.memory_space<semaphore_mem>>)
    %dma_wait3A_195 = arith.constant 0 : i32
    %dma_wait3A_196 = arith.constant 0 : i32
    %dma_wait3A_197 = tpu.memref_slice %arg7[%dma_wait3A_195, %dma_wait3A_196] : memref<128x256xf32, #tpu.memory_space<vmem>> -> memref<128x256xf32, #tpu.memory_space<vmem>>
    %dma_wait3A_198 = arith.constant 896 : i32
    %dma_wait3A_199 = tpu.memref_slice %arg5[%dma_wait3A_198] : memref<1568xi32, #tpu.memory_space<vmem>> -> memref<128xi32, #tpu.memory_space<vmem>>
    %dma_wait3A_200 = arith.constant 0 : i32
    %dma_wait3A_201 = arith.constant 0 : i32
    %dma_wait3A_202 = tpu.memref_slice %arg2[%dma_wait3A_200, %dma_wait3A_201] : memref<100000x256xf32, #tpu.memory_space<hbm>> -> memref<100000x256xf32, #tpu.memory_space<hbm>>
    tpu.wait_indirect_dma semaphore(%arg10 : memref<!tpu.dma_semaphore, #tpu.memory_space<semaphore_mem>>) src(%dma_wait3A_202 : memref<100000x256xf32, #tpu.memory_space<hbm>>) dst(%dma_wait3A_197 : memref<128x256xf32, #tpu.memory_space<vmem>>)
    %scan3A_203 = arith.constant 0 : i32
    %scan3A_204 = arith.constant 128 : i32
    %scan3A_205 = arith.addi %scan3A_203, %scan3A_204 : i32
    %scan3A_206 = arith.constant 1 : i32
    %scan3A_207:16 = scf.for %scan3A_406 = %scan3A_203 to %scan3A_205 step %scan3A_206 iter_args(%scan3A_407 = %scan3A_185#0, %scan3A_408 = %scan3A_185#1, %scan3A_409 = %scan3A_185#2, %scan3A_410 = %scan3A_185#3, %scan3A_411 = %scan3A_185#4, %scan3A_412 = %scan3A_185#5, %scan3A_413 = %scan3A_185#6, %scan3A_414 = %scan3A_185#7, %scan3A_415 = %scan3A_185#8, %scan3A_416 = %scan3A_185#9, %scan3A_417 = %scan3A_185#10, %scan3A_418 = %scan3A_185#11, %scan3A_419 = %scan3A_185#12, %scan3A_420 = %scan3A_185#13, %scan3A_421 = %scan3A_185#14, %scan3A_422 = %scan3A_185#15) -> (vector<16xf32>, vector<16xf32>, vector<16xf32>, vector<16xf32>, vector<16xf32>, vector<16xf32>, vector<16xf32>, vector<16xf32>, vector<16xf32>, vector<16xf32>, vector<16xf32>, vector<16xf32>, vector<16xf32>, vector<16xf32>, vector<16xf32>, vector<16xf32>)  : i32 {
      %get3A = arith.index_cast %scan3A_406 : i32 to index
      %get3A_423 = arith.constant 0 : index
      %get3A_424 = tpu.vector_load %arg7[%get3A, %get3A_423] {strides = array<i32>} : memref<128x256xf32, #tpu.memory_space<vmem>>, vector<1x16xf32>,
      %get3A_425 = vector.shape_cast %get3A_424 : vector<1x16xf32> to vector<16xf32>
      %add3A_426 = arith.addf %scan3A_407, %get3A_425 : vector<16xf32>
      %get3A_427 = arith.index_cast %scan3A_406 : i32 to index
      %get3A_428 = arith.constant 16 : index
      %get3A_429 = tpu.vector_load %arg7[%get3A_427, %get3A_428] {strides = array<i32>} : memref<128x256xf32, #tpu.memory_space<vmem>>, vector<1x16xf32>,
      %get3A_430 = vector.shape_cast %get3A_429 : vector<1x16xf32> to vector<16xf32>
      %add3A_431 = arith.addf %scan3A_408, %get3A_430 : vector<16xf32>
      %get3A_432 = arith.index_cast %scan3A_406 : i32 to index
      %get3A_433 = arith.constant 32 : index
      %get3A_434 = tpu.vector_load %arg7[%get3A_432, %get3A_433] {strides = array<i32>} : memref<128x256xf32, #tpu.memory_space<vmem>>, vector<1x16xf32>,
      %get3A_435 = vector.shape_cast %get3A_434 : vector<1x16xf32> to vector<16xf32>
      %add3A_436 = arith.addf %scan3A_409, %get3A_435 : vector<16xf32>
      %get3A_437 = arith.index_cast %scan3A_406 : i32 to index
      %get3A_438 = arith.constant 48 : index
      %get3A_439 = tpu.vector_load %arg7[%get3A_437, %get3A_438] {strides = array<i32>} : memref<128x256xf32, #tpu.memory_space<vmem>>, vector<1x16xf32>,
      %get3A_440 = vector.shape_cast %get3A_439 : vector<1x16xf32> to vector<16xf32>
      %add3A_441 = arith.addf %scan3A_410, %get3A_440 : vector<16xf32>
      %get3A_442 = arith.index_cast %scan3A_406 : i32 to index
      %get3A_443 = arith.constant 64 : index
      %get3A_444 = tpu.vector_load %arg7[%get3A_442, %get3A_443] {strides = array<i32>} : memref<128x256xf32, #tpu.memory_space<vmem>>, vector<1x16xf32>,
      %get3A_445 = vector.shape_cast %get3A_444 : vector<1x16xf32> to vector<16xf32>
      %add3A_446 = arith.addf %scan3A_411, %get3A_445 : vector<16xf32>
      %get3A_447 = arith.index_cast %scan3A_406 : i32 to index
      %get3A_448 = arith.constant 80 : index
      %get3A_449 = tpu.vector_load %arg7[%get3A_447, %get3A_448] {strides = array<i32>} : memref<128x256xf32, #tpu.memory_space<vmem>>, vector<1x16xf32>,
      %get3A_450 = vector.shape_cast %get3A_449 : vector<1x16xf32> to vector<16xf32>
      %add3A_451 = arith.addf %scan3A_412, %get3A_450 : vector<16xf32>
      %get3A_452 = arith.index_cast %scan3A_406 : i32 to index
      %get3A_453 = arith.constant 96 : index
      %get3A_454 = tpu.vector_load %arg7[%get3A_452, %get3A_453] {strides = array<i32>} : memref<128x256xf32, #tpu.memory_space<vmem>>, vector<1x16xf32>,
      %get3A_455 = vector.shape_cast %get3A_454 : vector<1x16xf32> to vector<16xf32>
      %add3A_456 = arith.addf %scan3A_413, %get3A_455 : vector<16xf32>
      %get3A_457 = arith.index_cast %scan3A_406 : i32 to index
      %get3A_458 = arith.constant 112 : index
      %get3A_459 = tpu.vector_load %arg7[%get3A_457, %get3A_458] {strides = array<i32>} : memref<128x256xf32, #tpu.memory_space<vmem>>, vector<1x16xf32>,
      %get3A_460 = vector.shape_cast %get3A_459 : vector<1x16xf32> to vector<16xf32>
      %add3A_461 = arith.addf %scan3A_414, %get3A_460 : vector<16xf32>
      %get3A_462 = arith.index_cast %scan3A_406 : i32 to index
      %get3A_463 = arith.constant 128 : index
      %get3A_464 = tpu.vector_load %arg7[%get3A_462, %get3A_463] {strides = array<i32>} : memref<128x256xf32, #tpu.memory_space<vmem>>, vector<1x16xf32>,
      %get3A_465 = vector.shape_cast %get3A_464 : vector<1x16xf32> to vector<16xf32>
      %add3A_466 = arith.addf %scan3A_415, %get3A_465 : vector<16xf32>
      %get3A_467 = arith.index_cast %scan3A_406 : i32 to index
      %get3A_468 = arith.constant 144 : index
      %get3A_469 = tpu.vector_load %arg7[%get3A_467, %get3A_468] {strides = array<i32>} : memref<128x256xf32, #tpu.memory_space<vmem>>, vector<1x16xf32>,
      %get3A_470 = vector.shape_cast %get3A_469 : vector<1x16xf32> to vector<16xf32>
      %add3A_471 = arith.addf %scan3A_416, %get3A_470 : vector<16xf32>
      %get3A_472 = arith.index_cast %scan3A_406 : i32 to index
      %get3A_473 = arith.constant 160 : index
      %get3A_474 = tpu.vector_load %arg7[%get3A_472, %get3A_473] {strides = array<i32>} : memref<128x256xf32, #tpu.memory_space<vmem>>, vector<1x16xf32>,
      %get3A_475 = vector.shape_cast %get3A_474 : vector<1x16xf32> to vector<16xf32>
      %add3A_476 = arith.addf %scan3A_417, %get3A_475 : vector<16xf32>
      %get3A_477 = arith.index_cast %scan3A_406 : i32 to index
      %get3A_478 = arith.constant 176 : index
      %get3A_479 = tpu.vector_load %arg7[%get3A_477, %get3A_478] {strides = array<i32>} : memref<128x256xf32, #tpu.memory_space<vmem>>, vector<1x16xf32>,
      %get3A_480 = vector.shape_cast %get3A_479 : vector<1x16xf32> to vector<16xf32>
      %add3A_481 = arith.addf %scan3A_418, %get3A_480 : vector<16xf32>
      %get3A_482 = arith.index_cast %scan3A_406 : i32 to index
      %get3A_483 = arith.constant 192 : index
      %get3A_484 = tpu.vector_load %arg7[%get3A_482, %get3A_483] {strides = array<i32>} : memref<128x256xf32, #tpu.memory_space<vmem>>, vector<1x16xf32>,
      %get3A_485 = vector.shape_cast %get3A_484 : vector<1x16xf32> to vector<16xf32>
      %add3A_486 = arith.addf %scan3A_419, %get3A_485 : vector<16xf32>
      %get3A_487 = arith.index_cast %scan3A_406 : i32 to index
      %get3A_488 = arith.constant 208 : index
      %get3A_489 = tpu.vector_load %arg7[%get3A_487, %get3A_488] {strides = array<i32>} : memref<128x256xf32, #tpu.memory_space<vmem>>, vector<1x16xf32>,
      %get3A_490 = vector.shape_cast %get3A_489 : vector<1x16xf32> to vector<16xf32>
      %add3A_491 = arith.addf %scan3A_420, %get3A_490 : vector<16xf32>
      %get3A_492 = arith.index_cast %scan3A_406 : i32 to index
      %get3A_493 = arith.constant 224 : index
      %get3A_494 = tpu.vector_load %arg7[%get3A_492, %get3A_493] {strides = array<i32>} : memref<128x256xf32, #tpu.memory_space<vmem>>, vector<1x16xf32>,
      %get3A_495 = vector.shape_cast %get3A_494 : vector<1x16xf32> to vector<16xf32>
      %add3A_496 = arith.addf %scan3A_421, %get3A_495 : vector<16xf32>
      %get3A_497 = arith.index_cast %scan3A_406 : i32 to index
      %get3A_498 = arith.constant 240 : index
      %get3A_499 = tpu.vector_load %arg7[%get3A_497, %get3A_498] {strides = array<i32>} : memref<128x256xf32, #tpu.memory_space<vmem>>, vector<1x16xf32>,
      %get3A_500 = vector.shape_cast %get3A_499 : vector<1x16xf32> to vector<16xf32>
      %add3A_501 = arith.addf %scan3A_422, %get3A_500 : vector<16xf32>
      scf.yield %add3A_426, %add3A_431, %add3A_436, %add3A_441, %add3A_446, %add3A_451, %add3A_456, %add3A_461, %add3A_466, %add3A_471, %add3A_476, %add3A_481, %add3A_486, %add3A_491, %add3A_496, %add3A_501 : vector<16xf32>, vector<16xf32>, vector<16xf32>, vector<16xf32>, vector<16xf32>, vector<16xf32>, vector<16xf32>, vector<16xf32>, vector<16xf32>, vector<16xf32>, vector<16xf32>, vector<16xf32>, vector<16xf32>, vector<16xf32>, vector<16xf32>, vector<16xf32>
    }
    %scan3A_208 = arith.constant 128 : i32
    %dma_start3A_209 = arith.constant 0 : i32
    %dma_start3A_210 = arith.constant 0 : i32
    %dma_start3A_211 = tpu.memref_slice %arg7[%dma_start3A_209, %dma_start3A_210] : memref<128x256xf32, #tpu.memory_space<vmem>> -> memref<128x256xf32, #tpu.memory_space<vmem>>
    %dma_start3A_212 = arith.constant 1152 : i32
    %dma_start3A_213 = tpu.memref_slice %arg5[%dma_start3A_212] : memref<1568xi32, #tpu.memory_space<vmem>> -> memref<128xi32, #tpu.memory_space<vmem>>
    %dma_start3A_214 = arith.constant 0 : i32
    %dma_start3A_215 = arith.constant 0 : i32
    %dma_start3A_216 = tpu.memref_slice %arg2[%dma_start3A_214, %dma_start3A_215] : memref<100000x256xf32, #tpu.memory_space<hbm>> -> memref<100000x256xf32, #tpu.memory_space<hbm>>
    tpu.enqueue_indirect_dma source(%dma_start3A_216 : memref<100000x256xf32, #tpu.memory_space<hbm>>) target(%dma_start3A_211 : memref<128x256xf32, #tpu.memory_space<vmem>>) offsets(%dma_start3A_213 : memref<128xi32, #tpu.memory_space<vmem>>) semaphore(%arg10 : memref<!tpu.dma_semaphore, #tpu.memory_space<semaphore_mem>>)
    %dma_wait3A_217 = arith.constant 0 : i32
    %dma_wait3A_218 = arith.constant 0 : i32
    %dma_wait3A_219 = tpu.memref_slice %arg6[%dma_wait3A_217, %dma_wait3A_218] : memref<128x256xf32, #tpu.memory_space<vmem>> -> memref<128x256xf32, #tpu.memory_space<vmem>>
    %dma_wait3A_220 = arith.constant 1024 : i32
    %dma_wait3A_221 = tpu.memref_slice %arg5[%dma_wait3A_220] : memref<1568xi32, #tpu.memory_space<vmem>> -> memref<128xi32, #tpu.memory_space<vmem>>
    %dma_wait3A_222 = arith.constant 0 : i32
    %dma_wait3A_223 = arith.constant 0 : i32
    %dma_wait3A_224 = tpu.memref_slice %arg2[%dma_wait3A_222, %dma_wait3A_223] : memref<100000x256xf32, #tpu.memory_space<hbm>> -> memref<100000x256xf32, #tpu.memory_space<hbm>>
    tpu.wait_indirect_dma semaphore(%arg9 : memref<!tpu.dma_semaphore, #tpu.memory_space<semaphore_mem>>) src(%dma_wait3A_224 : memref<100000x256xf32, #tpu.memory_space<hbm>>) dst(%dma_wait3A_219 : memref<128x256xf32, #tpu.memory_space<vmem>>)
    %scan3A_225 = arith.constant 0 : i32
    %scan3A_226 = arith.constant 128 : i32
    %scan3A_227 = arith.addi %scan3A_225, %scan3A_226 : i32
    %scan3A_228 = arith.constant 1 : i32
    %scan3A_229:16 = scf.for %scan3A_406 = %scan3A_225 to %scan3A_227 step %scan3A_228 iter_args(%scan3A_407 = %scan3A_207#0, %scan3A_408 = %scan3A_207#1, %scan3A_409 = %scan3A_207#2, %scan3A_410 = %scan3A_207#3, %scan3A_411 = %scan3A_207#4, %scan3A_412 = %scan3A_207#5, %scan3A_413 = %scan3A_207#6, %scan3A_414 = %scan3A_207#7, %scan3A_415 = %scan3A_207#8, %scan3A_416 = %scan3A_207#9, %scan3A_417 = %scan3A_207#10, %scan3A_418 = %scan3A_207#11, %scan3A_419 = %scan3A_207#12, %scan3A_420 = %scan3A_207#13, %scan3A_421 = %scan3A_207#14, %scan3A_422 = %scan3A_207#15) -> (vector<16xf32>, vector<16xf32>, vector<16xf32>, vector<16xf32>, vector<16xf32>, vector<16xf32>, vector<16xf32>, vector<16xf32>, vector<16xf32>, vector<16xf32>, vector<16xf32>, vector<16xf32>, vector<16xf32>, vector<16xf32>, vector<16xf32>, vector<16xf32>)  : i32 {
      %get3A = arith.index_cast %scan3A_406 : i32 to index
      %get3A_423 = arith.constant 0 : index
      %get3A_424 = tpu.vector_load %arg6[%get3A, %get3A_423] {strides = array<i32>} : memref<128x256xf32, #tpu.memory_space<vmem>>, vector<1x16xf32>,
      %get3A_425 = vector.shape_cast %get3A_424 : vector<1x16xf32> to vector<16xf32>
      %add3A_426 = arith.addf %scan3A_407, %get3A_425 : vector<16xf32>
      %get3A_427 = arith.index_cast %scan3A_406 : i32 to index
      %get3A_428 = arith.constant 16 : index
      %get3A_429 = tpu.vector_load %arg6[%get3A_427, %get3A_428] {strides = array<i32>} : memref<128x256xf32, #tpu.memory_space<vmem>>, vector<1x16xf32>,
      %get3A_430 = vector.shape_cast %get3A_429 : vector<1x16xf32> to vector<16xf32>
      %add3A_431 = arith.addf %scan3A_408, %get3A_430 : vector<16xf32>
      %get3A_432 = arith.index_cast %scan3A_406 : i32 to index
      %get3A_433 = arith.constant 32 : index
      %get3A_434 = tpu.vector_load %arg6[%get3A_432, %get3A_433] {strides = array<i32>} : memref<128x256xf32, #tpu.memory_space<vmem>>, vector<1x16xf32>,
      %get3A_435 = vector.shape_cast %get3A_434 : vector<1x16xf32> to vector<16xf32>
      %add3A_436 = arith.addf %scan3A_409, %get3A_435 : vector<16xf32>
      %get3A_437 = arith.index_cast %scan3A_406 : i32 to index
      %get3A_438 = arith.constant 48 : index
      %get3A_439 = tpu.vector_load %arg6[%get3A_437, %get3A_438] {strides = array<i32>} : memref<128x256xf32, #tpu.memory_space<vmem>>, vector<1x16xf32>,
      %get3A_440 = vector.shape_cast %get3A_439 : vector<1x16xf32> to vector<16xf32>
      %add3A_441 = arith.addf %scan3A_410, %get3A_440 : vector<16xf32>
      %get3A_442 = arith.index_cast %scan3A_406 : i32 to index
      %get3A_443 = arith.constant 64 : index
      %get3A_444 = tpu.vector_load %arg6[%get3A_442, %get3A_443] {strides = array<i32>} : memref<128x256xf32, #tpu.memory_space<vmem>>, vector<1x16xf32>,
      %get3A_445 = vector.shape_cast %get3A_444 : vector<1x16xf32> to vector<16xf32>
      %add3A_446 = arith.addf %scan3A_411, %get3A_445 : vector<16xf32>
      %get3A_447 = arith.index_cast %scan3A_406 : i32 to index
      %get3A_448 = arith.constant 80 : index
      %get3A_449 = tpu.vector_load %arg6[%get3A_447, %get3A_448] {strides = array<i32>} : memref<128x256xf32, #tpu.memory_space<vmem>>, vector<1x16xf32>,
      %get3A_450 = vector.shape_cast %get3A_449 : vector<1x16xf32> to vector<16xf32>
      %add3A_451 = arith.addf %scan3A_412, %get3A_450 : vector<16xf32>
      %get3A_452 = arith.index_cast %scan3A_406 : i32 to index
      %get3A_453 = arith.constant 96 : index
      %get3A_454 = tpu.vector_load %arg6[%get3A_452, %get3A_453] {strides = array<i32>} : memref<128x256xf32, #tpu.memory_space<vmem>>, vector<1x16xf32>,
      %get3A_455 = vector.shape_cast %get3A_454 : vector<1x16xf32> to vector<16xf32>
      %add3A_456 = arith.addf %scan3A_413, %get3A_455 : vector<16xf32>
      %get3A_457 = arith.index_cast %scan3A_406 : i32 to index
      %get3A_458 = arith.constant 112 : index
      %get3A_459 = tpu.vector_load %arg6[%get3A_457, %get3A_458] {strides = array<i32>} : memref<128x256xf32, #tpu.memory_space<vmem>>, vector<1x16xf32>,
      %get3A_460 = vector.shape_cast %get3A_459 : vector<1x16xf32> to vector<16xf32>
      %add3A_461 = arith.addf %scan3A_414, %get3A_460 : vector<16xf32>
      %get3A_462 = arith.index_cast %scan3A_406 : i32 to index
      %get3A_463 = arith.constant 128 : index
      %get3A_464 = tpu.vector_load %arg6[%get3A_462, %get3A_463] {strides = array<i32>} : memref<128x256xf32, #tpu.memory_space<vmem>>, vector<1x16xf32>,
      %get3A_465 = vector.shape_cast %get3A_464 : vector<1x16xf32> to vector<16xf32>
      %add3A_466 = arith.addf %scan3A_415, %get3A_465 : vector<16xf32>
      %get3A_467 = arith.index_cast %scan3A_406 : i32 to index
      %get3A_468 = arith.constant 144 : index
      %get3A_469 = tpu.vector_load %arg6[%get3A_467, %get3A_468] {strides = array<i32>} : memref<128x256xf32, #tpu.memory_space<vmem>>, vector<1x16xf32>,
      %get3A_470 = vector.shape_cast %get3A_469 : vector<1x16xf32> to vector<16xf32>
      %add3A_471 = arith.addf %scan3A_416, %get3A_470 : vector<16xf32>
      %get3A_472 = arith.index_cast %scan3A_406 : i32 to index
      %get3A_473 = arith.constant 160 : index
      %get3A_474 = tpu.vector_load %arg6[%get3A_472, %get3A_473] {strides = array<i32>} : memref<128x256xf32, #tpu.memory_space<vmem>>, vector<1x16xf32>,
      %get3A_475 = vector.shape_cast %get3A_474 : vector<1x16xf32> to vector<16xf32>
      %add3A_476 = arith.addf %scan3A_417, %get3A_475 : vector<16xf32>
      %get3A_477 = arith.index_cast %scan3A_406 : i32 to index
      %get3A_478 = arith.constant 176 : index
      %get3A_479 = tpu.vector_load %arg6[%get3A_477, %get3A_478] {strides = array<i32>} : memref<128x256xf32, #tpu.memory_space<vmem>>, vector<1x16xf32>,
      %get3A_480 = vector.shape_cast %get3A_479 : vector<1x16xf32> to vector<16xf32>
      %add3A_481 = arith.addf %scan3A_418, %get3A_480 : vector<16xf32>
      %get3A_482 = arith.index_cast %scan3A_406 : i32 to index
      %get3A_483 = arith.constant 192 : index
      %get3A_484 = tpu.vector_load %arg6[%get3A_482, %get3A_483] {strides = array<i32>} : memref<128x256xf32, #tpu.memory_space<vmem>>, vector<1x16xf32>,
      %get3A_485 = vector.shape_cast %get3A_484 : vector<1x16xf32> to vector<16xf32>
      %add3A_486 = arith.addf %scan3A_419, %get3A_485 : vector<16xf32>
      %get3A_487 = arith.index_cast %scan3A_406 : i32 to index
      %get3A_488 = arith.constant 208 : index
      %get3A_489 = tpu.vector_load %arg6[%get3A_487, %get3A_488] {strides = array<i32>} : memref<128x256xf32, #tpu.memory_space<vmem>>, vector<1x16xf32>,
      %get3A_490 = vector.shape_cast %get3A_489 : vector<1x16xf32> to vector<16xf32>
      %add3A_491 = arith.addf %scan3A_420, %get3A_490 : vector<16xf32>
      %get3A_492 = arith.index_cast %scan3A_406 : i32 to index
      %get3A_493 = arith.constant 224 : index
      %get3A_494 = tpu.vector_load %arg6[%get3A_492, %get3A_493] {strides = array<i32>} : memref<128x256xf32, #tpu.memory_space<vmem>>, vector<1x16xf32>,
      %get3A_495 = vector.shape_cast %get3A_494 : vector<1x16xf32> to vector<16xf32>
      %add3A_496 = arith.addf %scan3A_421, %get3A_495 : vector<16xf32>
      %get3A_497 = arith.index_cast %scan3A_406 : i32 to index
      %get3A_498 = arith.constant 240 : index
      %get3A_499 = tpu.vector_load %arg6[%get3A_497, %get3A_498] {strides = array<i32>} : memref<128x256xf32, #tpu.memory_space<vmem>>, vector<1x16xf32>,
      %get3A_500 = vector.shape_cast %get3A_499 : vector<1x16xf32> to vector<16xf32>
      %add3A_501 = arith.addf %scan3A_422, %get3A_500 : vector<16xf32>
      scf.yield %add3A_426, %add3A_431, %add3A_436, %add3A_441, %add3A_446, %add3A_451, %add3A_456, %add3A_461, %add3A_466, %add3A_471, %add3A_476, %add3A_481, %add3A_486, %add3A_491, %add3A_496, %add3A_501 : vector<16xf32>, vector<16xf32>, vector<16xf32>, vector<16xf32>, vector<16xf32>, vector<16xf32>, vector<16xf32>, vector<16xf32>, vector<16xf32>, vector<16xf32>, vector<16xf32>, vector<16xf32>, vector<16xf32>, vector<16xf32>, vector<16xf32>, vector<16xf32>
    }
    %scan3A_230 = arith.constant 128 : i32
    %dma_start3A_231 = arith.constant 0 : i32
    %dma_start3A_232 = arith.constant 0 : i32
    %dma_start3A_233 = tpu.memref_slice %arg6[%dma_start3A_231, %dma_start3A_232] : memref<128x256xf32, #tpu.memory_space<vmem>> -> memref<128x256xf32, #tpu.memory_space<vmem>>
    %dma_start3A_234 = arith.constant 1280 : i32
    %dma_start3A_235 = tpu.memref_slice %arg5[%dma_start3A_234] : memref<1568xi32, #tpu.memory_space<vmem>> -> memref<128xi32, #tpu.memory_space<vmem>>
    %dma_start3A_236 = arith.constant 0 : i32
    %dma_start3A_237 = arith.constant 0 : i32
    %dma_start3A_238 = tpu.memref_slice %arg2[%dma_start3A_236, %dma_start3A_237] : memref<100000x256xf32, #tpu.memory_space<hbm>> -> memref<100000x256xf32, #tpu.memory_space<hbm>>
    tpu.enqueue_indirect_dma source(%dma_start3A_238 : memref<100000x256xf32, #tpu.memory_space<hbm>>) target(%dma_start3A_233 : memref<128x256xf32, #tpu.memory_space<vmem>>) offsets(%dma_start3A_235 : memref<128xi32, #tpu.memory_space<vmem>>) semaphore(%arg9 : memref<!tpu.dma_semaphore, #tpu.memory_space<semaphore_mem>>)
    %dma_wait3A_239 = arith.constant 0 : i32
    %dma_wait3A_240 = arith.constant 0 : i32
    %dma_wait3A_241 = tpu.memref_slice %arg7[%dma_wait3A_239, %dma_wait3A_240] : memref<128x256xf32, #tpu.memory_space<vmem>> -> memref<128x256xf32, #tpu.memory_space<vmem>>
    %dma_wait3A_242 = arith.constant 1152 : i32
    %dma_wait3A_243 = tpu.memref_slice %arg5[%dma_wait3A_242] : memref<1568xi32, #tpu.memory_space<vmem>> -> memref<128xi32, #tpu.memory_space<vmem>>
    %dma_wait3A_244 = arith.constant 0 : i32
    %dma_wait3A_245 = arith.constant 0 : i32
    %dma_wait3A_246 = tpu.memref_slice %arg2[%dma_wait3A_244, %dma_wait3A_245] : memref<100000x256xf32, #tpu.memory_space<hbm>> -> memref<100000x256xf32, #tpu.memory_space<hbm>>
    tpu.wait_indirect_dma semaphore(%arg10 : memref<!tpu.dma_semaphore, #tpu.memory_space<semaphore_mem>>) src(%dma_wait3A_246 : memref<100000x256xf32, #tpu.memory_space<hbm>>) dst(%dma_wait3A_241 : memref<128x256xf32, #tpu.memory_space<vmem>>)
    %scan3A_247 = arith.constant 0 : i32
    %scan3A_248 = arith.constant 128 : i32
    %scan3A_249 = arith.addi %scan3A_247, %scan3A_248 : i32
    %scan3A_250 = arith.constant 1 : i32
    %scan3A_251:16 = scf.for %scan3A_406 = %scan3A_247 to %scan3A_249 step %scan3A_250 iter_args(%scan3A_407 = %scan3A_229#0, %scan3A_408 = %scan3A_229#1, %scan3A_409 = %scan3A_229#2, %scan3A_410 = %scan3A_229#3, %scan3A_411 = %scan3A_229#4, %scan3A_412 = %scan3A_229#5, %scan3A_413 = %scan3A_229#6, %scan3A_414 = %scan3A_229#7, %scan3A_415 = %scan3A_229#8, %scan3A_416 = %scan3A_229#9, %scan3A_417 = %scan3A_229#10, %scan3A_418 = %scan3A_229#11, %scan3A_419 = %scan3A_229#12, %scan3A_420 = %scan3A_229#13, %scan3A_421 = %scan3A_229#14, %scan3A_422 = %scan3A_229#15) -> (vector<16xf32>, vector<16xf32>, vector<16xf32>, vector<16xf32>, vector<16xf32>, vector<16xf32>, vector<16xf32>, vector<16xf32>, vector<16xf32>, vector<16xf32>, vector<16xf32>, vector<16xf32>, vector<16xf32>, vector<16xf32>, vector<16xf32>, vector<16xf32>)  : i32 {
      %get3A = arith.index_cast %scan3A_406 : i32 to index
      %get3A_423 = arith.constant 0 : index
      %get3A_424 = tpu.vector_load %arg7[%get3A, %get3A_423] {strides = array<i32>} : memref<128x256xf32, #tpu.memory_space<vmem>>, vector<1x16xf32>,
      %get3A_425 = vector.shape_cast %get3A_424 : vector<1x16xf32> to vector<16xf32>
      %add3A_426 = arith.addf %scan3A_407, %get3A_425 : vector<16xf32>
      %get3A_427 = arith.index_cast %scan3A_406 : i32 to index
      %get3A_428 = arith.constant 16 : index
      %get3A_429 = tpu.vector_load %arg7[%get3A_427, %get3A_428] {strides = array<i32>} : memref<128x256xf32, #tpu.memory_space<vmem>>, vector<1x16xf32>,
      %get3A_430 = vector.shape_cast %get3A_429 : vector<1x16xf32> to vector<16xf32>
      %add3A_431 = arith.addf %scan3A_408, %get3A_430 : vector<16xf32>
      %get3A_432 = arith.index_cast %scan3A_406 : i32 to index
      %get3A_433 = arith.constant 32 : index
      %get3A_434 = tpu.vector_load %arg7[%get3A_432, %get3A_433] {strides = array<i32>} : memref<128x256xf32, #tpu.memory_space<vmem>>, vector<1x16xf32>,
      %get3A_435 = vector.shape_cast %get3A_434 : vector<1x16xf32> to vector<16xf32>
      %add3A_436 = arith.addf %scan3A_409, %get3A_435 : vector<16xf32>
      %get3A_437 = arith.index_cast %scan3A_406 : i32 to index
      %get3A_438 = arith.constant 48 : index
      %get3A_439 = tpu.vector_load %arg7[%get3A_437, %get3A_438] {strides = array<i32>} : memref<128x256xf32, #tpu.memory_space<vmem>>, vector<1x16xf32>,
      %get3A_440 = vector.shape_cast %get3A_439 : vector<1x16xf32> to vector<16xf32>
      %add3A_441 = arith.addf %scan3A_410, %get3A_440 : vector<16xf32>
      %get3A_442 = arith.index_cast %scan3A_406 : i32 to index
      %get3A_443 = arith.constant 64 : index
      %get3A_444 = tpu.vector_load %arg7[%get3A_442, %get3A_443] {strides = array<i32>} : memref<128x256xf32, #tpu.memory_space<vmem>>, vector<1x16xf32>,
      %get3A_445 = vector.shape_cast %get3A_444 : vector<1x16xf32> to vector<16xf32>
      %add3A_446 = arith.addf %scan3A_411, %get3A_445 : vector<16xf32>
      %get3A_447 = arith.index_cast %scan3A_406 : i32 to index
      %get3A_448 = arith.constant 80 : index
      %get3A_449 = tpu.vector_load %arg7[%get3A_447, %get3A_448] {strides = array<i32>} : memref<128x256xf32, #tpu.memory_space<vmem>>, vector<1x16xf32>,
      %get3A_450 = vector.shape_cast %get3A_449 : vector<1x16xf32> to vector<16xf32>
      %add3A_451 = arith.addf %scan3A_412, %get3A_450 : vector<16xf32>
      %get3A_452 = arith.index_cast %scan3A_406 : i32 to index
      %get3A_453 = arith.constant 96 : index
      %get3A_454 = tpu.vector_load %arg7[%get3A_452, %get3A_453] {strides = array<i32>} : memref<128x256xf32, #tpu.memory_space<vmem>>, vector<1x16xf32>,
      %get3A_455 = vector.shape_cast %get3A_454 : vector<1x16xf32> to vector<16xf32>
      %add3A_456 = arith.addf %scan3A_413, %get3A_455 : vector<16xf32>
      %get3A_457 = arith.index_cast %scan3A_406 : i32 to index
      %get3A_458 = arith.constant 112 : index
      %get3A_459 = tpu.vector_load %arg7[%get3A_457, %get3A_458] {strides = array<i32>} : memref<128x256xf32, #tpu.memory_space<vmem>>, vector<1x16xf32>,
      %get3A_460 = vector.shape_cast %get3A_459 : vector<1x16xf32> to vector<16xf32>
      %add3A_461 = arith.addf %scan3A_414, %get3A_460 : vector<16xf32>
      %get3A_462 = arith.index_cast %scan3A_406 : i32 to index
      %get3A_463 = arith.constant 128 : index
      %get3A_464 = tpu.vector_load %arg7[%get3A_462, %get3A_463] {strides = array<i32>} : memref<128x256xf32, #tpu.memory_space<vmem>>, vector<1x16xf32>,
      %get3A_465 = vector.shape_cast %get3A_464 : vector<1x16xf32> to vector<16xf32>
      %add3A_466 = arith.addf %scan3A_415, %get3A_465 : vector<16xf32>
      %get3A_467 = arith.index_cast %scan3A_406 : i32 to index
      %get3A_468 = arith.constant 144 : index
      %get3A_469 = tpu.vector_load %arg7[%get3A_467, %get3A_468] {strides = array<i32>} : memref<128x256xf32, #tpu.memory_space<vmem>>, vector<1x16xf32>,
      %get3A_470 = vector.shape_cast %get3A_469 : vector<1x16xf32> to vector<16xf32>
      %add3A_471 = arith.addf %scan3A_416, %get3A_470 : vector<16xf32>
      %get3A_472 = arith.index_cast %scan3A_406 : i32 to index
      %get3A_473 = arith.constant 160 : index
      %get3A_474 = tpu.vector_load %arg7[%get3A_472, %get3A_473] {strides = array<i32>} : memref<128x256xf32, #tpu.memory_space<vmem>>, vector<1x16xf32>,
      %get3A_475 = vector.shape_cast %get3A_474 : vector<1x16xf32> to vector<16xf32>
      %add3A_476 = arith.addf %scan3A_417, %get3A_475 : vector<16xf32>
      %get3A_477 = arith.index_cast %scan3A_406 : i32 to index
      %get3A_478 = arith.constant 176 : index
      %get3A_479 = tpu.vector_load %arg7[%get3A_477, %get3A_478] {strides = array<i32>} : memref<128x256xf32, #tpu.memory_space<vmem>>, vector<1x16xf32>,
      %get3A_480 = vector.shape_cast %get3A_479 : vector<1x16xf32> to vector<16xf32>
      %add3A_481 = arith.addf %scan3A_418, %get3A_480 : vector<16xf32>
      %get3A_482 = arith.index_cast %scan3A_406 : i32 to index
      %get3A_483 = arith.constant 192 : index
      %get3A_484 = tpu.vector_load %arg7[%get3A_482, %get3A_483] {strides = array<i32>} : memref<128x256xf32, #tpu.memory_space<vmem>>, vector<1x16xf32>,
      %get3A_485 = vector.shape_cast %get3A_484 : vector<1x16xf32> to vector<16xf32>
      %add3A_486 = arith.addf %scan3A_419, %get3A_485 : vector<16xf32>
      %get3A_487 = arith.index_cast %scan3A_406 : i32 to index
      %get3A_488 = arith.constant 208 : index
      %get3A_489 = tpu.vector_load %arg7[%get3A_487, %get3A_488] {strides = array<i32>} : memref<128x256xf32, #tpu.memory_space<vmem>>, vector<1x16xf32>,
      %get3A_490 = vector.shape_cast %get3A_489 : vector<1x16xf32> to vector<16xf32>
      %add3A_491 = arith.addf %scan3A_420, %get3A_490 : vector<16xf32>
      %get3A_492 = arith.index_cast %scan3A_406 : i32 to index
      %get3A_493 = arith.constant 224 : index
      %get3A_494 = tpu.vector_load %arg7[%get3A_492, %get3A_493] {strides = array<i32>} : memref<128x256xf32, #tpu.memory_space<vmem>>, vector<1x16xf32>,
      %get3A_495 = vector.shape_cast %get3A_494 : vector<1x16xf32> to vector<16xf32>
      %add3A_496 = arith.addf %scan3A_421, %get3A_495 : vector<16xf32>
      %get3A_497 = arith.index_cast %scan3A_406 : i32 to index
      %get3A_498 = arith.constant 240 : index
      %get3A_499 = tpu.vector_load %arg7[%get3A_497, %get3A_498] {strides = array<i32>} : memref<128x256xf32, #tpu.memory_space<vmem>>, vector<1x16xf32>,
      %get3A_500 = vector.shape_cast %get3A_499 : vector<1x16xf32> to vector<16xf32>
      %add3A_501 = arith.addf %scan3A_422, %get3A_500 : vector<16xf32>
      scf.yield %add3A_426, %add3A_431, %add3A_436, %add3A_441, %add3A_446, %add3A_451, %add3A_456, %add3A_461, %add3A_466, %add3A_471, %add3A_476, %add3A_481, %add3A_486, %add3A_491, %add3A_496, %add3A_501 : vector<16xf32>, vector<16xf32>, vector<16xf32>, vector<16xf32>, vector<16xf32>, vector<16xf32>, vector<16xf32>, vector<16xf32>, vector<16xf32>, vector<16xf32>, vector<16xf32>, vector<16xf32>, vector<16xf32>, vector<16xf32>, vector<16xf32>, vector<16xf32>
    }
    %scan3A_252 = arith.constant 128 : i32
    %dma_start3A_253 = arith.constant 0 : i32
    %dma_start3A_254 = arith.constant 0 : i32
    %dma_start3A_255 = tpu.memref_slice %arg7[%dma_start3A_253, %dma_start3A_254] : memref<128x256xf32, #tpu.memory_space<vmem>> -> memref<128x256xf32, #tpu.memory_space<vmem>>
    %dma_start3A_256 = arith.constant 1408 : i32
    %dma_start3A_257 = tpu.memref_slice %arg5[%dma_start3A_256] : memref<1568xi32, #tpu.memory_space<vmem>> -> memref<128xi32, #tpu.memory_space<vmem>>
    %dma_start3A_258 = arith.constant 0 : i32
    %dma_start3A_259 = arith.constant 0 : i32
    %dma_start3A_260 = tpu.memref_slice %arg2[%dma_start3A_258, %dma_start3A_259] : memref<100000x256xf32, #tpu.memory_space<hbm>> -> memref<100000x256xf32, #tpu.memory_space<hbm>>
    tpu.enqueue_indirect_dma source(%dma_start3A_260 : memref<100000x256xf32, #tpu.memory_space<hbm>>) target(%dma_start3A_255 : memref<128x256xf32, #tpu.memory_space<vmem>>) offsets(%dma_start3A_257 : memref<128xi32, #tpu.memory_space<vmem>>) semaphore(%arg10 : memref<!tpu.dma_semaphore, #tpu.memory_space<semaphore_mem>>)
    %dma_wait3A_261 = arith.constant 0 : i32
    %dma_wait3A_262 = arith.constant 0 : i32
    %dma_wait3A_263 = tpu.memref_slice %arg6[%dma_wait3A_261, %dma_wait3A_262] : memref<128x256xf32, #tpu.memory_space<vmem>> -> memref<128x256xf32, #tpu.memory_space<vmem>>
    %dma_wait3A_264 = arith.constant 1280 : i32
    %dma_wait3A_265 = tpu.memref_slice %arg5[%dma_wait3A_264] : memref<1568xi32, #tpu.memory_space<vmem>> -> memref<128xi32, #tpu.memory_space<vmem>>
    %dma_wait3A_266 = arith.constant 0 : i32
    %dma_wait3A_267 = arith.constant 0 : i32
    %dma_wait3A_268 = tpu.memref_slice %arg2[%dma_wait3A_266, %dma_wait3A_267] : memref<100000x256xf32, #tpu.memory_space<hbm>> -> memref<100000x256xf32, #tpu.memory_space<hbm>>
    tpu.wait_indirect_dma semaphore(%arg9 : memref<!tpu.dma_semaphore, #tpu.memory_space<semaphore_mem>>) src(%dma_wait3A_268 : memref<100000x256xf32, #tpu.memory_space<hbm>>) dst(%dma_wait3A_263 : memref<128x256xf32, #tpu.memory_space<vmem>>)
    %scan3A_269 = arith.constant 0 : i32
    %scan3A_270 = arith.constant 128 : i32
    %scan3A_271 = arith.addi %scan3A_269, %scan3A_270 : i32
    %scan3A_272 = arith.constant 1 : i32
    %scan3A_273:16 = scf.for %scan3A_406 = %scan3A_269 to %scan3A_271 step %scan3A_272 iter_args(%scan3A_407 = %scan3A_251#0, %scan3A_408 = %scan3A_251#1, %scan3A_409 = %scan3A_251#2, %scan3A_410 = %scan3A_251#3, %scan3A_411 = %scan3A_251#4, %scan3A_412 = %scan3A_251#5, %scan3A_413 = %scan3A_251#6, %scan3A_414 = %scan3A_251#7, %scan3A_415 = %scan3A_251#8, %scan3A_416 = %scan3A_251#9, %scan3A_417 = %scan3A_251#10, %scan3A_418 = %scan3A_251#11, %scan3A_419 = %scan3A_251#12, %scan3A_420 = %scan3A_251#13, %scan3A_421 = %scan3A_251#14, %scan3A_422 = %scan3A_251#15) -> (vector<16xf32>, vector<16xf32>, vector<16xf32>, vector<16xf32>, vector<16xf32>, vector<16xf32>, vector<16xf32>, vector<16xf32>, vector<16xf32>, vector<16xf32>, vector<16xf32>, vector<16xf32>, vector<16xf32>, vector<16xf32>, vector<16xf32>, vector<16xf32>)  : i32 {
      %get3A = arith.index_cast %scan3A_406 : i32 to index
      %get3A_423 = arith.constant 0 : index
      %get3A_424 = tpu.vector_load %arg6[%get3A, %get3A_423] {strides = array<i32>} : memref<128x256xf32, #tpu.memory_space<vmem>>, vector<1x16xf32>,
      %get3A_425 = vector.shape_cast %get3A_424 : vector<1x16xf32> to vector<16xf32>
      %add3A_426 = arith.addf %scan3A_407, %get3A_425 : vector<16xf32>
      %get3A_427 = arith.index_cast %scan3A_406 : i32 to index
      %get3A_428 = arith.constant 16 : index
      %get3A_429 = tpu.vector_load %arg6[%get3A_427, %get3A_428] {strides = array<i32>} : memref<128x256xf32, #tpu.memory_space<vmem>>, vector<1x16xf32>,
      %get3A_430 = vector.shape_cast %get3A_429 : vector<1x16xf32> to vector<16xf32>
      %add3A_431 = arith.addf %scan3A_408, %get3A_430 : vector<16xf32>
      %get3A_432 = arith.index_cast %scan3A_406 : i32 to index
      %get3A_433 = arith.constant 32 : index
      %get3A_434 = tpu.vector_load %arg6[%get3A_432, %get3A_433] {strides = array<i32>} : memref<128x256xf32, #tpu.memory_space<vmem>>, vector<1x16xf32>,
      %get3A_435 = vector.shape_cast %get3A_434 : vector<1x16xf32> to vector<16xf32>
      %add3A_436 = arith.addf %scan3A_409, %get3A_435 : vector<16xf32>
      %get3A_437 = arith.index_cast %scan3A_406 : i32 to index
      %get3A_438 = arith.constant 48 : index
      %get3A_439 = tpu.vector_load %arg6[%get3A_437, %get3A_438] {strides = array<i32>} : memref<128x256xf32, #tpu.memory_space<vmem>>, vector<1x16xf32>,
      %get3A_440 = vector.shape_cast %get3A_439 : vector<1x16xf32> to vector<16xf32>
      %add3A_441 = arith.addf %scan3A_410, %get3A_440 : vector<16xf32>
      %get3A_442 = arith.index_cast %scan3A_406 : i32 to index
      %get3A_443 = arith.constant 64 : index
      %get3A_444 = tpu.vector_load %arg6[%get3A_442, %get3A_443] {strides = array<i32>} : memref<128x256xf32, #tpu.memory_space<vmem>>, vector<1x16xf32>,
      %get3A_445 = vector.shape_cast %get3A_444 : vector<1x16xf32> to vector<16xf32>
      %add3A_446 = arith.addf %scan3A_411, %get3A_445 : vector<16xf32>
      %get3A_447 = arith.index_cast %scan3A_406 : i32 to index
      %get3A_448 = arith.constant 80 : index
      %get3A_449 = tpu.vector_load %arg6[%get3A_447, %get3A_448] {strides = array<i32>} : memref<128x256xf32, #tpu.memory_space<vmem>>, vector<1x16xf32>,
      %get3A_450 = vector.shape_cast %get3A_449 : vector<1x16xf32> to vector<16xf32>
      %add3A_451 = arith.addf %scan3A_412, %get3A_450 : vector<16xf32>
      %get3A_452 = arith.index_cast %scan3A_406 : i32 to index
      %get3A_453 = arith.constant 96 : index
      %get3A_454 = tpu.vector_load %arg6[%get3A_452, %get3A_453] {strides = array<i32>} : memref<128x256xf32, #tpu.memory_space<vmem>>, vector<1x16xf32>,
      %get3A_455 = vector.shape_cast %get3A_454 : vector<1x16xf32> to vector<16xf32>
      %add3A_456 = arith.addf %scan3A_413, %get3A_455 : vector<16xf32>
      %get3A_457 = arith.index_cast %scan3A_406 : i32 to index
      %get3A_458 = arith.constant 112 : index
      %get3A_459 = tpu.vector_load %arg6[%get3A_457, %get3A_458] {strides = array<i32>} : memref<128x256xf32, #tpu.memory_space<vmem>>, vector<1x16xf32>,
      %get3A_460 = vector.shape_cast %get3A_459 : vector<1x16xf32> to vector<16xf32>
      %add3A_461 = arith.addf %scan3A_414, %get3A_460 : vector<16xf32>
      %get3A_462 = arith.index_cast %scan3A_406 : i32 to index
      %get3A_463 = arith.constant 128 : index
      %get3A_464 = tpu.vector_load %arg6[%get3A_462, %get3A_463] {strides = array<i32>} : memref<128x256xf32, #tpu.memory_space<vmem>>, vector<1x16xf32>,
      %get3A_465 = vector.shape_cast %get3A_464 : vector<1x16xf32> to vector<16xf32>
      %add3A_466 = arith.addf %scan3A_415, %get3A_465 : vector<16xf32>
      %get3A_467 = arith.index_cast %scan3A_406 : i32 to index
      %get3A_468 = arith.constant 144 : index
      %get3A_469 = tpu.vector_load %arg6[%get3A_467, %get3A_468] {strides = array<i32>} : memref<128x256xf32, #tpu.memory_space<vmem>>, vector<1x16xf32>,
      %get3A_470 = vector.shape_cast %get3A_469 : vector<1x16xf32> to vector<16xf32>
      %add3A_471 = arith.addf %scan3A_416, %get3A_470 : vector<16xf32>
      %get3A_472 = arith.index_cast %scan3A_406 : i32 to index
      %get3A_473 = arith.constant 160 : index
      %get3A_474 = tpu.vector_load %arg6[%get3A_472, %get3A_473] {strides = array<i32>} : memref<128x256xf32, #tpu.memory_space<vmem>>, vector<1x16xf32>,
      %get3A_475 = vector.shape_cast %get3A_474 : vector<1x16xf32> to vector<16xf32>
      %add3A_476 = arith.addf %scan3A_417, %get3A_475 : vector<16xf32>
      %get3A_477 = arith.index_cast %scan3A_406 : i32 to index
      %get3A_478 = arith.constant 176 : index
      %get3A_479 = tpu.vector_load %arg6[%get3A_477, %get3A_478] {strides = array<i32>} : memref<128x256xf32, #tpu.memory_space<vmem>>, vector<1x16xf32>,
      %get3A_480 = vector.shape_cast %get3A_479 : vector<1x16xf32> to vector<16xf32>
      %add3A_481 = arith.addf %scan3A_418, %get3A_480 : vector<16xf32>
      %get3A_482 = arith.index_cast %scan3A_406 : i32 to index
      %get3A_483 = arith.constant 192 : index
      %get3A_484 = tpu.vector_load %arg6[%get3A_482, %get3A_483] {strides = array<i32>} : memref<128x256xf32, #tpu.memory_space<vmem>>, vector<1x16xf32>,
      %get3A_485 = vector.shape_cast %get3A_484 : vector<1x16xf32> to vector<16xf32>
      %add3A_486 = arith.addf %scan3A_419, %get3A_485 : vector<16xf32>
      %get3A_487 = arith.index_cast %scan3A_406 : i32 to index
      %get3A_488 = arith.constant 208 : index
      %get3A_489 = tpu.vector_load %arg6[%get3A_487, %get3A_488] {strides = array<i32>} : memref<128x256xf32, #tpu.memory_space<vmem>>, vector<1x16xf32>,
      %get3A_490 = vector.shape_cast %get3A_489 : vector<1x16xf32> to vector<16xf32>
      %add3A_491 = arith.addf %scan3A_420, %get3A_490 : vector<16xf32>
      %get3A_492 = arith.index_cast %scan3A_406 : i32 to index
      %get3A_493 = arith.constant 224 : index
      %get3A_494 = tpu.vector_load %arg6[%get3A_492, %get3A_493] {strides = array<i32>} : memref<128x256xf32, #tpu.memory_space<vmem>>, vector<1x16xf32>,
      %get3A_495 = vector.shape_cast %get3A_494 : vector<1x16xf32> to vector<16xf32>
      %add3A_496 = arith.addf %scan3A_421, %get3A_495 : vector<16xf32>
      %get3A_497 = arith.index_cast %scan3A_406 : i32 to index
      %get3A_498 = arith.constant 240 : index
      %get3A_499 = tpu.vector_load %arg6[%get3A_497, %get3A_498] {strides = array<i32>} : memref<128x256xf32, #tpu.memory_space<vmem>>, vector<1x16xf32>,
      %get3A_500 = vector.shape_cast %get3A_499 : vector<1x16xf32> to vector<16xf32>
      %add3A_501 = arith.addf %scan3A_422, %get3A_500 : vector<16xf32>
      scf.yield %add3A_426, %add3A_431, %add3A_436, %add3A_441, %add3A_446, %add3A_451, %add3A_456, %add3A_461, %add3A_466, %add3A_471, %add3A_476, %add3A_481, %add3A_486, %add3A_491, %add3A_496, %add3A_501 : vector<16xf32>, vector<16xf32>, vector<16xf32>, vector<16xf32>, vector<16xf32>, vector<16xf32>, vector<16xf32>, vector<16xf32>, vector<16xf32>, vector<16xf32>, vector<16xf32>, vector<16xf32>, vector<16xf32>, vector<16xf32>, vector<16xf32>, vector<16xf32>
    }
    %scan3A_274 = arith.constant 128 : i32
    %dma_start3A_275 = arith.constant 0 : i32
    %dma_start3A_276 = arith.constant 0 : i32
    %dma_start3A_277 = tpu.memref_slice %arg6[%dma_start3A_275, %dma_start3A_276] : memref<128x256xf32, #tpu.memory_space<vmem>> -> memref<32x256xf32, #tpu.memory_space<vmem>>
    %dma_start3A_278 = arith.constant 1536 : i32
    %dma_start3A_279 = tpu.memref_slice %arg5[%dma_start3A_278] : memref<1568xi32, #tpu.memory_space<vmem>> -> memref<32xi32, #tpu.memory_space<vmem>>
    %dma_start3A_280 = arith.constant 0 : i32
    %dma_start3A_281 = arith.constant 0 : i32
    %dma_start3A_282 = tpu.memref_slice %arg2[%dma_start3A_280, %dma_start3A_281] : memref<100000x256xf32, #tpu.memory_space<hbm>> -> memref<100000x256xf32, #tpu.memory_space<hbm>>
    tpu.enqueue_indirect_dma source(%dma_start3A_282 : memref<100000x256xf32, #tpu.memory_space<hbm>>) target(%dma_start3A_277 : memref<32x256xf32, #tpu.memory_space<vmem>>) offsets(%dma_start3A_279 : memref<32xi32, #tpu.memory_space<vmem>>) semaphore(%arg9 : memref<!tpu.dma_semaphore, #tpu.memory_space<semaphore_mem>>)
    %dma_wait3A_283 = arith.constant 0 : i32
    %dma_wait3A_284 = arith.constant 0 : i32
    %dma_wait3A_285 = tpu.memref_slice %arg7[%dma_wait3A_283, %dma_wait3A_284] : memref<128x256xf32, #tpu.memory_space<vmem>> -> memref<128x256xf32, #tpu.memory_space<vmem>>
    %dma_wait3A_286 = arith.constant 1408 : i32
    %dma_wait3A_287 = tpu.memref_slice %arg5[%dma_wait3A_286] : memref<1568xi32, #tpu.memory_space<vmem>> -> memref<128xi32, #tpu.memory_space<vmem>>
    %dma_wait3A_288 = arith.constant 0 : i32
    %dma_wait3A_289 = arith.constant 0 : i32
    %dma_wait3A_290 = tpu.memref_slice %arg2[%dma_wait3A_288, %dma_wait3A_289] : memref<100000x256xf32, #tpu.memory_space<hbm>> -> memref<100000x256xf32, #tpu.memory_space<hbm>>
    tpu.wait_indirect_dma semaphore(%arg10 : memref<!tpu.dma_semaphore, #tpu.memory_space<semaphore_mem>>) src(%dma_wait3A_290 : memref<100000x256xf32, #tpu.memory_space<hbm>>) dst(%dma_wait3A_285 : memref<128x256xf32, #tpu.memory_space<vmem>>)
    %scan3A_291 = arith.constant 0 : i32
    %scan3A_292 = arith.constant 128 : i32
    %scan3A_293 = arith.addi %scan3A_291, %scan3A_292 : i32
    %scan3A_294 = arith.constant 1 : i32
    %scan3A_295:16 = scf.for %scan3A_406 = %scan3A_291 to %scan3A_293 step %scan3A_294 iter_args(%scan3A_407 = %scan3A_273#0, %scan3A_408 = %scan3A_273#1, %scan3A_409 = %scan3A_273#2, %scan3A_410 = %scan3A_273#3, %scan3A_411 = %scan3A_273#4, %scan3A_412 = %scan3A_273#5, %scan3A_413 = %scan3A_273#6, %scan3A_414 = %scan3A_273#7, %scan3A_415 = %scan3A_273#8, %scan3A_416 = %scan3A_273#9, %scan3A_417 = %scan3A_273#10, %scan3A_418 = %scan3A_273#11, %scan3A_419 = %scan3A_273#12, %scan3A_420 = %scan3A_273#13, %scan3A_421 = %scan3A_273#14, %scan3A_422 = %scan3A_273#15) -> (vector<16xf32>, vector<16xf32>, vector<16xf32>, vector<16xf32>, vector<16xf32>, vector<16xf32>, vector<16xf32>, vector<16xf32>, vector<16xf32>, vector<16xf32>, vector<16xf32>, vector<16xf32>, vector<16xf32>, vector<16xf32>, vector<16xf32>, vector<16xf32>)  : i32 {
      %get3A = arith.index_cast %scan3A_406 : i32 to index
      %get3A_423 = arith.constant 0 : index
      %get3A_424 = tpu.vector_load %arg7[%get3A, %get3A_423] {strides = array<i32>} : memref<128x256xf32, #tpu.memory_space<vmem>>, vector<1x16xf32>,
      %get3A_425 = vector.shape_cast %get3A_424 : vector<1x16xf32> to vector<16xf32>
      %add3A_426 = arith.addf %scan3A_407, %get3A_425 : vector<16xf32>
      %get3A_427 = arith.index_cast %scan3A_406 : i32 to index
      %get3A_428 = arith.constant 16 : index
      %get3A_429 = tpu.vector_load %arg7[%get3A_427, %get3A_428] {strides = array<i32>} : memref<128x256xf32, #tpu.memory_space<vmem>>, vector<1x16xf32>,
      %get3A_430 = vector.shape_cast %get3A_429 : vector<1x16xf32> to vector<16xf32>
      %add3A_431 = arith.addf %scan3A_408, %get3A_430 : vector<16xf32>
      %get3A_432 = arith.index_cast %scan3A_406 : i32 to index
      %get3A_433 = arith.constant 32 : index
      %get3A_434 = tpu.vector_load %arg7[%get3A_432, %get3A_433] {strides = array<i32>} : memref<128x256xf32, #tpu.memory_space<vmem>>, vector<1x16xf32>,
      %get3A_435 = vector.shape_cast %get3A_434 : vector<1x16xf32> to vector<16xf32>
      %add3A_436 = arith.addf %scan3A_409, %get3A_435 : vector<16xf32>
      %get3A_437 = arith.index_cast %scan3A_406 : i32 to index
      %get3A_438 = arith.constant 48 : index
      %get3A_439 = tpu.vector_load %arg7[%get3A_437, %get3A_438] {strides = array<i32>} : memref<128x256xf32, #tpu.memory_space<vmem>>, vector<1x16xf32>,
      %get3A_440 = vector.shape_cast %get3A_439 : vector<1x16xf32> to vector<16xf32>
      %add3A_441 = arith.addf %scan3A_410, %get3A_440 : vector<16xf32>
      %get3A_442 = arith.index_cast %scan3A_406 : i32 to index
      %get3A_443 = arith.constant 64 : index
      %get3A_444 = tpu.vector_load %arg7[%get3A_442, %get3A_443] {strides = array<i32>} : memref<128x256xf32, #tpu.memory_space<vmem>>, vector<1x16xf32>,
      %get3A_445 = vector.shape_cast %get3A_444 : vector<1x16xf32> to vector<16xf32>
      %add3A_446 = arith.addf %scan3A_411, %get3A_445 : vector<16xf32>
      %get3A_447 = arith.index_cast %scan3A_406 : i32 to index
      %get3A_448 = arith.constant 80 : index
      %get3A_449 = tpu.vector_load %arg7[%get3A_447, %get3A_448] {strides = array<i32>} : memref<128x256xf32, #tpu.memory_space<vmem>>, vector<1x16xf32>,
      %get3A_450 = vector.shape_cast %get3A_449 : vector<1x16xf32> to vector<16xf32>
      %add3A_451 = arith.addf %scan3A_412, %get3A_450 : vector<16xf32>
      %get3A_452 = arith.index_cast %scan3A_406 : i32 to index
      %get3A_453 = arith.constant 96 : index
      %get3A_454 = tpu.vector_load %arg7[%get3A_452, %get3A_453] {strides = array<i32>} : memref<128x256xf32, #tpu.memory_space<vmem>>, vector<1x16xf32>,
      %get3A_455 = vector.shape_cast %get3A_454 : vector<1x16xf32> to vector<16xf32>
      %add3A_456 = arith.addf %scan3A_413, %get3A_455 : vector<16xf32>
      %get3A_457 = arith.index_cast %scan3A_406 : i32 to index
      %get3A_458 = arith.constant 112 : index
      %get3A_459 = tpu.vector_load %arg7[%get3A_457, %get3A_458] {strides = array<i32>} : memref<128x256xf32, #tpu.memory_space<vmem>>, vector<1x16xf32>,
      %get3A_460 = vector.shape_cast %get3A_459 : vector<1x16xf32> to vector<16xf32>
      %add3A_461 = arith.addf %scan3A_414, %get3A_460 : vector<16xf32>
      %get3A_462 = arith.index_cast %scan3A_406 : i32 to index
      %get3A_463 = arith.constant 128 : index
      %get3A_464 = tpu.vector_load %arg7[%get3A_462, %get3A_463] {strides = array<i32>} : memref<128x256xf32, #tpu.memory_space<vmem>>, vector<1x16xf32>,
      %get3A_465 = vector.shape_cast %get3A_464 : vector<1x16xf32> to vector<16xf32>
      %add3A_466 = arith.addf %scan3A_415, %get3A_465 : vector<16xf32>
      %get3A_467 = arith.index_cast %scan3A_406 : i32 to index
      %get3A_468 = arith.constant 144 : index
      %get3A_469 = tpu.vector_load %arg7[%get3A_467, %get3A_468] {strides = array<i32>} : memref<128x256xf32, #tpu.memory_space<vmem>>, vector<1x16xf32>,
      %get3A_470 = vector.shape_cast %get3A_469 : vector<1x16xf32> to vector<16xf32>
      %add3A_471 = arith.addf %scan3A_416, %get3A_470 : vector<16xf32>
      %get3A_472 = arith.index_cast %scan3A_406 : i32 to index
      %get3A_473 = arith.constant 160 : index
      %get3A_474 = tpu.vector_load %arg7[%get3A_472, %get3A_473] {strides = array<i32>} : memref<128x256xf32, #tpu.memory_space<vmem>>, vector<1x16xf32>,
      %get3A_475 = vector.shape_cast %get3A_474 : vector<1x16xf32> to vector<16xf32>
      %add3A_476 = arith.addf %scan3A_417, %get3A_475 : vector<16xf32>
      %get3A_477 = arith.index_cast %scan3A_406 : i32 to index
      %get3A_478 = arith.constant 176 : index
      %get3A_479 = tpu.vector_load %arg7[%get3A_477, %get3A_478] {strides = array<i32>} : memref<128x256xf32, #tpu.memory_space<vmem>>, vector<1x16xf32>,
      %get3A_480 = vector.shape_cast %get3A_479 : vector<1x16xf32> to vector<16xf32>
      %add3A_481 = arith.addf %scan3A_418, %get3A_480 : vector<16xf32>
      %get3A_482 = arith.index_cast %scan3A_406 : i32 to index
      %get3A_483 = arith.constant 192 : index
      %get3A_484 = tpu.vector_load %arg7[%get3A_482, %get3A_483] {strides = array<i32>} : memref<128x256xf32, #tpu.memory_space<vmem>>, vector<1x16xf32>,
      %get3A_485 = vector.shape_cast %get3A_484 : vector<1x16xf32> to vector<16xf32>
      %add3A_486 = arith.addf %scan3A_419, %get3A_485 : vector<16xf32>
      %get3A_487 = arith.index_cast %scan3A_406 : i32 to index
      %get3A_488 = arith.constant 208 : index
      %get3A_489 = tpu.vector_load %arg7[%get3A_487, %get3A_488] {strides = array<i32>} : memref<128x256xf32, #tpu.memory_space<vmem>>, vector<1x16xf32>,
      %get3A_490 = vector.shape_cast %get3A_489 : vector<1x16xf32> to vector<16xf32>
      %add3A_491 = arith.addf %scan3A_420, %get3A_490 : vector<16xf32>
      %get3A_492 = arith.index_cast %scan3A_406 : i32 to index
      %get3A_493 = arith.constant 224 : index
      %get3A_494 = tpu.vector_load %arg7[%get3A_492, %get3A_493] {strides = array<i32>} : memref<128x256xf32, #tpu.memory_space<vmem>>, vector<1x16xf32>,
      %get3A_495 = vector.shape_cast %get3A_494 : vector<1x16xf32> to vector<16xf32>
      %add3A_496 = arith.addf %scan3A_421, %get3A_495 : vector<16xf32>
      %get3A_497 = arith.index_cast %scan3A_406 : i32 to index
      %get3A_498 = arith.constant 240 : index
      %get3A_499 = tpu.vector_load %arg7[%get3A_497, %get3A_498] {strides = array<i32>} : memref<128x256xf32, #tpu.memory_space<vmem>>, vector<1x16xf32>,
      %get3A_500 = vector.shape_cast %get3A_499 : vector<1x16xf32> to vector<16xf32>
      %add3A_501 = arith.addf %scan3A_422, %get3A_500 : vector<16xf32>
      scf.yield %add3A_426, %add3A_431, %add3A_436, %add3A_441, %add3A_446, %add3A_451, %add3A_456, %add3A_461, %add3A_466, %add3A_471, %add3A_476, %add3A_481, %add3A_486, %add3A_491, %add3A_496, %add3A_501 : vector<16xf32>, vector<16xf32>, vector<16xf32>, vector<16xf32>, vector<16xf32>, vector<16xf32>, vector<16xf32>, vector<16xf32>, vector<16xf32>, vector<16xf32>, vector<16xf32>, vector<16xf32>, vector<16xf32>, vector<16xf32>, vector<16xf32>, vector<16xf32>
    }
    %scan3A_296 = arith.constant 128 : i32
    %dma_wait3A_297 = arith.constant 0 : i32
    %dma_wait3A_298 = arith.constant 0 : i32
    %dma_wait3A_299 = tpu.memref_slice %arg6[%dma_wait3A_297, %dma_wait3A_298] : memref<128x256xf32, #tpu.memory_space<vmem>> -> memref<32x256xf32, #tpu.memory_space<vmem>>
    %dma_wait3A_300 = arith.constant 1536 : i32
    %dma_wait3A_301 = tpu.memref_slice %arg5[%dma_wait3A_300] : memref<1568xi32, #tpu.memory_space<vmem>> -> memref<32xi32, #tpu.memory_space<vmem>>
    %dma_wait3A_302 = arith.constant 0 : i32
    %dma_wait3A_303 = arith.constant 0 : i32
    %dma_wait3A_304 = tpu.memref_slice %arg2[%dma_wait3A_302, %dma_wait3A_303] : memref<100000x256xf32, #tpu.memory_space<hbm>> -> memref<100000x256xf32, #tpu.memory_space<hbm>>
    tpu.wait_indirect_dma semaphore(%arg9 : memref<!tpu.dma_semaphore, #tpu.memory_space<semaphore_mem>>) src(%dma_wait3A_304 : memref<100000x256xf32, #tpu.memory_space<hbm>>) dst(%dma_wait3A_299 : memref<32x256xf32, #tpu.memory_space<vmem>>)
    %scan3A_305 = arith.constant 0 : i32
    %scan3A_306 = arith.constant 32 : i32
    %scan3A_307 = arith.addi %scan3A_305, %scan3A_306 : i32
    %scan3A_308 = arith.constant 1 : i32
    %scan3A_309:16 = scf.for %scan3A_406 = %scan3A_305 to %scan3A_307 step %scan3A_308 iter_args(%scan3A_407 = %scan3A_295#0, %scan3A_408 = %scan3A_295#1, %scan3A_409 = %scan3A_295#2, %scan3A_410 = %scan3A_295#3, %scan3A_411 = %scan3A_295#4, %scan3A_412 = %scan3A_295#5, %scan3A_413 = %scan3A_295#6, %scan3A_414 = %scan3A_295#7, %scan3A_415 = %scan3A_295#8, %scan3A_416 = %scan3A_295#9, %scan3A_417 = %scan3A_295#10, %scan3A_418 = %scan3A_295#11, %scan3A_419 = %scan3A_295#12, %scan3A_420 = %scan3A_295#13, %scan3A_421 = %scan3A_295#14, %scan3A_422 = %scan3A_295#15) -> (vector<16xf32>, vector<16xf32>, vector<16xf32>, vector<16xf32>, vector<16xf32>, vector<16xf32>, vector<16xf32>, vector<16xf32>, vector<16xf32>, vector<16xf32>, vector<16xf32>, vector<16xf32>, vector<16xf32>, vector<16xf32>, vector<16xf32>, vector<16xf32>)  : i32 {
      %get3A = arith.index_cast %scan3A_406 : i32 to index
      %get3A_423 = arith.constant 0 : index
      %get3A_424 = tpu.vector_load %arg6[%get3A, %get3A_423] {strides = array<i32>} : memref<128x256xf32, #tpu.memory_space<vmem>>, vector<1x16xf32>,
      %get3A_425 = vector.shape_cast %get3A_424 : vector<1x16xf32> to vector<16xf32>
      %add3A_426 = arith.addf %scan3A_407, %get3A_425 : vector<16xf32>
      %get3A_427 = arith.index_cast %scan3A_406 : i32 to index
      %get3A_428 = arith.constant 16 : index
      %get3A_429 = tpu.vector_load %arg6[%get3A_427, %get3A_428] {strides = array<i32>} : memref<128x256xf32, #tpu.memory_space<vmem>>, vector<1x16xf32>,
      %get3A_430 = vector.shape_cast %get3A_429 : vector<1x16xf32> to vector<16xf32>
      %add3A_431 = arith.addf %scan3A_408, %get3A_430 : vector<16xf32>
      %get3A_432 = arith.index_cast %scan3A_406 : i32 to index
      %get3A_433 = arith.constant 32 : index
      %get3A_434 = tpu.vector_load %arg6[%get3A_432, %get3A_433] {strides = array<i32>} : memref<128x256xf32, #tpu.memory_space<vmem>>, vector<1x16xf32>,
      %get3A_435 = vector.shape_cast %get3A_434 : vector<1x16xf32> to vector<16xf32>
      %add3A_436 = arith.addf %scan3A_409, %get3A_435 : vector<16xf32>
      %get3A_437 = arith.index_cast %scan3A_406 : i32 to index
      %get3A_438 = arith.constant 48 : index
      %get3A_439 = tpu.vector_load %arg6[%get3A_437, %get3A_438] {strides = array<i32>} : memref<128x256xf32, #tpu.memory_space<vmem>>, vector<1x16xf32>,
      %get3A_440 = vector.shape_cast %get3A_439 : vector<1x16xf32> to vector<16xf32>
      %add3A_441 = arith.addf %scan3A_410, %get3A_440 : vector<16xf32>
      %get3A_442 = arith.index_cast %scan3A_406 : i32 to index
      %get3A_443 = arith.constant 64 : index
      %get3A_444 = tpu.vector_load %arg6[%get3A_442, %get3A_443] {strides = array<i32>} : memref<128x256xf32, #tpu.memory_space<vmem>>, vector<1x16xf32>,
      %get3A_445 = vector.shape_cast %get3A_444 : vector<1x16xf32> to vector<16xf32>
      %add3A_446 = arith.addf %scan3A_411, %get3A_445 : vector<16xf32>
      %get3A_447 = arith.index_cast %scan3A_406 : i32 to index
      %get3A_448 = arith.constant 80 : index
      %get3A_449 = tpu.vector_load %arg6[%get3A_447, %get3A_448] {strides = array<i32>} : memref<128x256xf32, #tpu.memory_space<vmem>>, vector<1x16xf32>,
      %get3A_450 = vector.shape_cast %get3A_449 : vector<1x16xf32> to vector<16xf32>
      %add3A_451 = arith.addf %scan3A_412, %get3A_450 : vector<16xf32>
      %get3A_452 = arith.index_cast %scan3A_406 : i32 to index
      %get3A_453 = arith.constant 96 : index
      %get3A_454 = tpu.vector_load %arg6[%get3A_452, %get3A_453] {strides = array<i32>} : memref<128x256xf32, #tpu.memory_space<vmem>>, vector<1x16xf32>,
      %get3A_455 = vector.shape_cast %get3A_454 : vector<1x16xf32> to vector<16xf32>
      %add3A_456 = arith.addf %scan3A_413, %get3A_455 : vector<16xf32>
      %get3A_457 = arith.index_cast %scan3A_406 : i32 to index
      %get3A_458 = arith.constant 112 : index
      %get3A_459 = tpu.vector_load %arg6[%get3A_457, %get3A_458] {strides = array<i32>} : memref<128x256xf32, #tpu.memory_space<vmem>>, vector<1x16xf32>,
      %get3A_460 = vector.shape_cast %get3A_459 : vector<1x16xf32> to vector<16xf32>
      %add3A_461 = arith.addf %scan3A_414, %get3A_460 : vector<16xf32>
      %get3A_462 = arith.index_cast %scan3A_406 : i32 to index
      %get3A_463 = arith.constant 128 : index
      %get3A_464 = tpu.vector_load %arg6[%get3A_462, %get3A_463] {strides = array<i32>} : memref<128x256xf32, #tpu.memory_space<vmem>>, vector<1x16xf32>,
      %get3A_465 = vector.shape_cast %get3A_464 : vector<1x16xf32> to vector<16xf32>
      %add3A_466 = arith.addf %scan3A_415, %get3A_465 : vector<16xf32>
      %get3A_467 = arith.index_cast %scan3A_406 : i32 to index
      %get3A_468 = arith.constant 144 : index
      %get3A_469 = tpu.vector_load %arg6[%get3A_467, %get3A_468] {strides = array<i32>} : memref<128x256xf32, #tpu.memory_space<vmem>>, vector<1x16xf32>,
      %get3A_470 = vector.shape_cast %get3A_469 : vector<1x16xf32> to vector<16xf32>
      %add3A_471 = arith.addf %scan3A_416, %get3A_470 : vector<16xf32>
      %get3A_472 = arith.index_cast %scan3A_406 : i32 to index
      %get3A_473 = arith.constant 160 : index
      %get3A_474 = tpu.vector_load %arg6[%get3A_472, %get3A_473] {strides = array<i32>} : memref<128x256xf32, #tpu.memory_space<vmem>>, vector<1x16xf32>,
      %get3A_475 = vector.shape_cast %get3A_474 : vector<1x16xf32> to vector<16xf32>
      %add3A_476 = arith.addf %scan3A_417, %get3A_475 : vector<16xf32>
      %get3A_477 = arith.index_cast %scan3A_406 : i32 to index
      %get3A_478 = arith.constant 176 : index
      %get3A_479 = tpu.vector_load %arg6[%get3A_477, %get3A_478] {strides = array<i32>} : memref<128x256xf32, #tpu.memory_space<vmem>>, vector<1x16xf32>,
      %get3A_480 = vector.shape_cast %get3A_479 : vector<1x16xf32> to vector<16xf32>
      %add3A_481 = arith.addf %scan3A_418, %get3A_480 : vector<16xf32>
      %get3A_482 = arith.index_cast %scan3A_406 : i32 to index
      %get3A_483 = arith.constant 192 : index
      %get3A_484 = tpu.vector_load %arg6[%get3A_482, %get3A_483] {strides = array<i32>} : memref<128x256xf32, #tpu.memory_space<vmem>>, vector<1x16xf32>,
      %get3A_485 = vector.shape_cast %get3A_484 : vector<1x16xf32> to vector<16xf32>
      %add3A_486 = arith.addf %scan3A_419, %get3A_485 : vector<16xf32>
      %get3A_487 = arith.index_cast %scan3A_406 : i32 to index
      %get3A_488 = arith.constant 208 : index
      %get3A_489 = tpu.vector_load %arg6[%get3A_487, %get3A_488] {strides = array<i32>} : memref<128x256xf32, #tpu.memory_space<vmem>>, vector<1x16xf32>,
      %get3A_490 = vector.shape_cast %get3A_489 : vector<1x16xf32> to vector<16xf32>
      %add3A_491 = arith.addf %scan3A_420, %get3A_490 : vector<16xf32>
      %get3A_492 = arith.index_cast %scan3A_406 : i32 to index
      %get3A_493 = arith.constant 224 : index
      %get3A_494 = tpu.vector_load %arg6[%get3A_492, %get3A_493] {strides = array<i32>} : memref<128x256xf32, #tpu.memory_space<vmem>>, vector<1x16xf32>,
      %get3A_495 = vector.shape_cast %get3A_494 : vector<1x16xf32> to vector<16xf32>
      %add3A_496 = arith.addf %scan3A_421, %get3A_495 : vector<16xf32>
      %get3A_497 = arith.index_cast %scan3A_406 : i32 to index
      %get3A_498 = arith.constant 240 : index
      %get3A_499 = tpu.vector_load %arg6[%get3A_497, %get3A_498] {strides = array<i32>} : memref<128x256xf32, #tpu.memory_space<vmem>>, vector<1x16xf32>,
      %get3A_500 = vector.shape_cast %get3A_499 : vector<1x16xf32> to vector<16xf32>
      %add3A_501 = arith.addf %scan3A_422, %get3A_500 : vector<16xf32>
      scf.yield %add3A_426, %add3A_431, %add3A_436, %add3A_441, %add3A_446, %add3A_451, %add3A_456, %add3A_461, %add3A_466, %add3A_471, %add3A_476, %add3A_481, %add3A_486, %add3A_491, %add3A_496, %add3A_501 : vector<16xf32>, vector<16xf32>, vector<16xf32>, vector<16xf32>, vector<16xf32>, vector<16xf32>, vector<16xf32>, vector<16xf32>, vector<16xf32>, vector<16xf32>, vector<16xf32>, vector<16xf32>, vector<16xf32>, vector<16xf32>, vector<16xf32>, vector<16xf32>
    }
    %scan3A_310 = arith.constant 32 : i32
    %swap3A = arith.constant 0 : i32
    %swap3A_311 = arith.index_cast %swap3A : i32 to index
    %swap3A_312 = arith.constant 0 : index
    %swap3A_313 = tpu.vector_load %arg8[%swap3A_311, %swap3A_312] {strides = array<i32>} : memref<1x256xf32, #tpu.memory_space<vmem>>, vector<1x16xf32>,
    %swap3A_314 = vector.shape_cast %swap3A_313 : vector<1x16xf32> to vector<16xf32>
    %swap3A_315 = vector.shape_cast %scan3A_309#0 : vector<16xf32> to vector<1x16xf32>
    tpu.vector_store %arg8[%swap3A_311, %swap3A_312], %swap3A_315 {strides = array<i32>} : memref<1x256xf32, #tpu.memory_space<vmem>>, vector<1x16xf32>,
    %swap3A_316 = arith.constant 0 : i32
    %swap3A_317 = arith.index_cast %swap3A_316 : i32 to index
    %swap3A_318 = arith.constant 16 : index
    %swap3A_319 = tpu.vector_load %arg8[%swap3A_317, %swap3A_318] {strides = array<i32>} : memref<1x256xf32, #tpu.memory_space<vmem>>, vector<1x16xf32>,
    %swap3A_320 = vector.shape_cast %swap3A_319 : vector<1x16xf32> to vector<16xf32>
    %swap3A_321 = vector.shape_cast %scan3A_309#1 : vector<16xf32> to vector<1x16xf32>
    tpu.vector_store %arg8[%swap3A_317, %swap3A_318], %swap3A_321 {strides = array<i32>} : memref<1x256xf32, #tpu.memory_space<vmem>>, vector<1x16xf32>,
    %swap3A_322 = arith.constant 0 : i32
    %swap3A_323 = arith.index_cast %swap3A_322 : i32 to index
    %swap3A_324 = arith.constant 32 : index
    %swap3A_325 = tpu.vector_load %arg8[%swap3A_323, %swap3A_324] {strides = array<i32>} : memref<1x256xf32, #tpu.memory_space<vmem>>, vector<1x16xf32>,
    %swap3A_326 = vector.shape_cast %swap3A_325 : vector<1x16xf32> to vector<16xf32>
    %swap3A_327 = vector.shape_cast %scan3A_309#2 : vector<16xf32> to vector<1x16xf32>
    tpu.vector_store %arg8[%swap3A_323, %swap3A_324], %swap3A_327 {strides = array<i32>} : memref<1x256xf32, #tpu.memory_space<vmem>>, vector<1x16xf32>,
    %swap3A_328 = arith.constant 0 : i32
    %swap3A_329 = arith.index_cast %swap3A_328 : i32 to index
    %swap3A_330 = arith.constant 48 : index
    %swap3A_331 = tpu.vector_load %arg8[%swap3A_329, %swap3A_330] {strides = array<i32>} : memref<1x256xf32, #tpu.memory_space<vmem>>, vector<1x16xf32>,
    %swap3A_332 = vector.shape_cast %swap3A_331 : vector<1x16xf32> to vector<16xf32>
    %swap3A_333 = vector.shape_cast %scan3A_309#3 : vector<16xf32> to vector<1x16xf32>
    tpu.vector_store %arg8[%swap3A_329, %swap3A_330], %swap3A_333 {strides = array<i32>} : memref<1x256xf32, #tpu.memory_space<vmem>>, vector<1x16xf32>,
    %swap3A_334 = arith.constant 0 : i32
    %swap3A_335 = arith.index_cast %swap3A_334 : i32 to index
    %swap3A_336 = arith.constant 64 : index
    %swap3A_337 = tpu.vector_load %arg8[%swap3A_335, %swap3A_336] {strides = array<i32>} : memref<1x256xf32, #tpu.memory_space<vmem>>, vector<1x16xf32>,
    %swap3A_338 = vector.shape_cast %swap3A_337 : vector<1x16xf32> to vector<16xf32>
    %swap3A_339 = vector.shape_cast %scan3A_309#4 : vector<16xf32> to vector<1x16xf32>
    tpu.vector_store %arg8[%swap3A_335, %swap3A_336], %swap3A_339 {strides = array<i32>} : memref<1x256xf32, #tpu.memory_space<vmem>>, vector<1x16xf32>,
    %swap3A_340 = arith.constant 0 : i32
    %swap3A_341 = arith.index_cast %swap3A_340 : i32 to index
    %swap3A_342 = arith.constant 80 : index
    %swap3A_343 = tpu.vector_load %arg8[%swap3A_341, %swap3A_342] {strides = array<i32>} : memref<1x256xf32, #tpu.memory_space<vmem>>, vector<1x16xf32>,
    %swap3A_344 = vector.shape_cast %swap3A_343 : vector<1x16xf32> to vector<16xf32>
    %swap3A_345 = vector.shape_cast %scan3A_309#5 : vector<16xf32> to vector<1x16xf32>
    tpu.vector_store %arg8[%swap3A_341, %swap3A_342], %swap3A_345 {strides = array<i32>} : memref<1x256xf32, #tpu.memory_space<vmem>>, vector<1x16xf32>,
    %swap3A_346 = arith.constant 0 : i32
    %swap3A_347 = arith.index_cast %swap3A_346 : i32 to index
    %swap3A_348 = arith.constant 96 : index
    %swap3A_349 = tpu.vector_load %arg8[%swap3A_347, %swap3A_348] {strides = array<i32>} : memref<1x256xf32, #tpu.memory_space<vmem>>, vector<1x16xf32>,
    %swap3A_350 = vector.shape_cast %swap3A_349 : vector<1x16xf32> to vector<16xf32>
    %swap3A_351 = vector.shape_cast %scan3A_309#6 : vector<16xf32> to vector<1x16xf32>
    tpu.vector_store %arg8[%swap3A_347, %swap3A_348], %swap3A_351 {strides = array<i32>} : memref<1x256xf32, #tpu.memory_space<vmem>>, vector<1x16xf32>,
    %swap3A_352 = arith.constant 0 : i32
    %swap3A_353 = arith.index_cast %swap3A_352 : i32 to index
    %swap3A_354 = arith.constant 112 : index
    %swap3A_355 = tpu.vector_load %arg8[%swap3A_353, %swap3A_354] {strides = array<i32>} : memref<1x256xf32, #tpu.memory_space<vmem>>, vector<1x16xf32>,
    %swap3A_356 = vector.shape_cast %swap3A_355 : vector<1x16xf32> to vector<16xf32>
    %swap3A_357 = vector.shape_cast %scan3A_309#7 : vector<16xf32> to vector<1x16xf32>
    tpu.vector_store %arg8[%swap3A_353, %swap3A_354], %swap3A_357 {strides = array<i32>} : memref<1x256xf32, #tpu.memory_space<vmem>>, vector<1x16xf32>,
    %swap3A_358 = arith.constant 0 : i32
    %swap3A_359 = arith.index_cast %swap3A_358 : i32 to index
    %swap3A_360 = arith.constant 128 : index
    %swap3A_361 = tpu.vector_load %arg8[%swap3A_359, %swap3A_360] {strides = array<i32>} : memref<1x256xf32, #tpu.memory_space<vmem>>, vector<1x16xf32>,
    %swap3A_362 = vector.shape_cast %swap3A_361 : vector<1x16xf32> to vector<16xf32>
    %swap3A_363 = vector.shape_cast %scan3A_309#8 : vector<16xf32> to vector<1x16xf32>
    tpu.vector_store %arg8[%swap3A_359, %swap3A_360], %swap3A_363 {strides = array<i32>} : memref<1x256xf32, #tpu.memory_space<vmem>>, vector<1x16xf32>,
    %swap3A_364 = arith.constant 0 : i32
    %swap3A_365 = arith.index_cast %swap3A_364 : i32 to index
    %swap3A_366 = arith.constant 144 : index
    %swap3A_367 = tpu.vector_load %arg8[%swap3A_365, %swap3A_366] {strides = array<i32>} : memref<1x256xf32, #tpu.memory_space<vmem>>, vector<1x16xf32>,
    %swap3A_368 = vector.shape_cast %swap3A_367 : vector<1x16xf32> to vector<16xf32>
    %swap3A_369 = vector.shape_cast %scan3A_309#9 : vector<16xf32> to vector<1x16xf32>
    tpu.vector_store %arg8[%swap3A_365, %swap3A_366], %swap3A_369 {strides = array<i32>} : memref<1x256xf32, #tpu.memory_space<vmem>>, vector<1x16xf32>,
    %swap3A_370 = arith.constant 0 : i32
    %swap3A_371 = arith.index_cast %swap3A_370 : i32 to index
    %swap3A_372 = arith.constant 160 : index
    %swap3A_373 = tpu.vector_load %arg8[%swap3A_371, %swap3A_372] {strides = array<i32>} : memref<1x256xf32, #tpu.memory_space<vmem>>, vector<1x16xf32>,
    %swap3A_374 = vector.shape_cast %swap3A_373 : vector<1x16xf32> to vector<16xf32>
    %swap3A_375 = vector.shape_cast %scan3A_309#10 : vector<16xf32> to vector<1x16xf32>
    tpu.vector_store %arg8[%swap3A_371, %swap3A_372], %swap3A_375 {strides = array<i32>} : memref<1x256xf32, #tpu.memory_space<vmem>>, vector<1x16xf32>,
    %swap3A_376 = arith.constant 0 : i32
    %swap3A_377 = arith.index_cast %swap3A_376 : i32 to index
    %swap3A_378 = arith.constant 176 : index
    %swap3A_379 = tpu.vector_load %arg8[%swap3A_377, %swap3A_378] {strides = array<i32>} : memref<1x256xf32, #tpu.memory_space<vmem>>, vector<1x16xf32>,
    %swap3A_380 = vector.shape_cast %swap3A_379 : vector<1x16xf32> to vector<16xf32>
    %swap3A_381 = vector.shape_cast %scan3A_309#11 : vector<16xf32> to vector<1x16xf32>
    tpu.vector_store %arg8[%swap3A_377, %swap3A_378], %swap3A_381 {strides = array<i32>} : memref<1x256xf32, #tpu.memory_space<vmem>>, vector<1x16xf32>,
    %swap3A_382 = arith.constant 0 : i32
    %swap3A_383 = arith.index_cast %swap3A_382 : i32 to index
    %swap3A_384 = arith.constant 192 : index
    %swap3A_385 = tpu.vector_load %arg8[%swap3A_383, %swap3A_384] {strides = array<i32>} : memref<1x256xf32, #tpu.memory_space<vmem>>, vector<1x16xf32>,
    %swap3A_386 = vector.shape_cast %swap3A_385 : vector<1x16xf32> to vector<16xf32>
    %swap3A_387 = vector.shape_cast %scan3A_309#12 : vector<16xf32> to vector<1x16xf32>
    tpu.vector_store %arg8[%swap3A_383, %swap3A_384], %swap3A_387 {strides = array<i32>} : memref<1x256xf32, #tpu.memory_space<vmem>>, vector<1x16xf32>,
    %swap3A_388 = arith.constant 0 : i32
    %swap3A_389 = arith.index_cast %swap3A_388 : i32 to index
    %swap3A_390 = arith.constant 208 : index
    %swap3A_391 = tpu.vector_load %arg8[%swap3A_389, %swap3A_390] {strides = array<i32>} : memref<1x256xf32, #tpu.memory_space<vmem>>, vector<1x16xf32>,
    %swap3A_392 = vector.shape_cast %swap3A_391 : vector<1x16xf32> to vector<16xf32>
    %swap3A_393 = vector.shape_cast %scan3A_309#13 : vector<16xf32> to vector<1x16xf32>
    tpu.vector_store %arg8[%swap3A_389, %swap3A_390], %swap3A_393 {strides = array<i32>} : memref<1x256xf32, #tpu.memory_space<vmem>>, vector<1x16xf32>,
    %swap3A_394 = arith.constant 0 : i32
    %swap3A_395 = arith.index_cast %swap3A_394 : i32 to index
    %swap3A_396 = arith.constant 224 : index
    %swap3A_397 = tpu.vector_load %arg8[%swap3A_395, %swap3A_396] {strides = array<i32>} : memref<1x256xf32, #tpu.memory_space<vmem>>, vector<1x16xf32>,
    %swap3A_398 = vector.shape_cast %swap3A_397 : vector<1x16xf32> to vector<16xf32>
    %swap3A_399 = vector.shape_cast %scan3A_309#14 : vector<16xf32> to vector<1x16xf32>
    tpu.vector_store %arg8[%swap3A_395, %swap3A_396], %swap3A_399 {strides = array<i32>} : memref<1x256xf32, #tpu.memory_space<vmem>>, vector<1x16xf32>,
    %swap3A_400 = arith.constant 0 : i32
    %swap3A_401 = arith.index_cast %swap3A_400 : i32 to index
    %swap3A_402 = arith.constant 240 : index
    %swap3A_403 = tpu.vector_load %arg8[%swap3A_401, %swap3A_402] {strides = array<i32>} : memref<1x256xf32, #tpu.memory_space<vmem>>, vector<1x16xf32>,
    %swap3A_404 = vector.shape_cast %swap3A_403 : vector<1x16xf32> to vector<16xf32>
    %swap3A_405 = vector.shape_cast %scan3A_309#15 : vector<16xf32> to vector<1x16xf32>
    tpu.vector_store %arg8[%swap3A_401, %swap3A_402], %swap3A_405 {strides = array<i32>} : memref<1x256xf32, #tpu.memory_space<vmem>>, vector<1x16xf32>,
    "tpu.region"() ({
      %run_scoped3A = tpu.sem_alloc : memref<!tpu.dma_semaphore, #tpu.memory_space<semaphore_mem>>
      %dma_start3A_406 = arith.constant 0 : i32
      %dma_start3A_407 = tpu.memref_slice %arg4[%add3A, %dma_start3A_406] : memref<32x256xf32, #tpu.memory_space<hbm>> -> memref<1x256xf32, #tpu.memory_space<hbm>>
      %dma_start3A_408 = arith.constant 0 : i32
      %dma_start3A_409 = tpu.memref_slice %arg4[%add3A, %dma_start3A_408] : memref<32x256xf32, #tpu.memory_space<hbm>> -> memref<1x256xf32, #tpu.memory_space<hbm>>
      tpu.enqueue_dma source(%arg8 : memref<1x256xf32, #tpu.memory_space<vmem>>) target(%dma_start3A_409 : memref<1x256xf32, #tpu.memory_space<hbm>>) target_semaphore(%run_scoped3A : memref<!tpu.dma_semaphore, #tpu.memory_space<semaphore_mem>>)
      %dma_wait3A_410 = arith.constant 0 : i32
      %dma_wait3A_411 = tpu.memref_slice %arg4[%add3A, %dma_wait3A_410] : memref<32x256xf32, #tpu.memory_space<hbm>> -> memref<1x256xf32, #tpu.memory_space<hbm>>
      %dma_wait3A_412 = arith.constant 0 : i32
      %dma_wait3A_413 = tpu.memref_slice %arg4[%add3A, %dma_wait3A_412] : memref<32x256xf32, #tpu.memory_space<hbm>> -> memref<1x256xf32, #tpu.memory_space<hbm>>
      tpu.wait_dma2 semaphore(%run_scoped3A : memref<!tpu.dma_semaphore, #tpu.memory_space<semaphore_mem>>) src(%arg8 : memref<1x256xf32, #tpu.memory_space<vmem>>) dst(%dma_wait3A_413 : memref<1x256xf32, #tpu.memory_space<hbm>>)
      tpu.yield
    }) : () -> ()
    return
  }
}

module attributes {stable_mosaic.version = 14 : i64} {
  func.func @_copy_body(%arg0: memref<100000x256xf32, #tpu.memory_space<hbm>>, %arg1: memref<100001x256xf32, #tpu.memory_space<hbm>>, %arg2: memref<20000x256xf32, #tpu.memory_space<vmem>>, %arg3: memref<!tpu.dma_semaphore, #tpu.memory_space<semaphore_mem>>) attributes {dimension_semantics = [], scalar_prefetch = 0 : i64, scratch_operands = 2 : i64, tpu.core_type = #tpu.core_type<tc>} {
    %dma_start3A = arith.constant 0 : i32
    %dma_start3A_0 = arith.constant 0 : i32
    %dma_start3A_1 = tpu.memref_slice %arg0[%dma_start3A, %dma_start3A_0] : memref<100000x256xf32, #tpu.memory_space<hbm>> -> memref<20000x256xf32, #tpu.memory_space<hbm>>
    tpu.enqueue_dma source(%dma_start3A_1 : memref<20000x256xf32, #tpu.memory_space<hbm>>) target(%arg2 : memref<20000x256xf32, #tpu.memory_space<vmem>>) target_semaphore(%arg3 : memref<!tpu.dma_semaphore, #tpu.memory_space<semaphore_mem>>)
    %dma_wait3A = arith.constant 0 : i32
    %dma_wait3A_2 = arith.constant 0 : i32
    %dma_wait3A_3 = tpu.memref_slice %arg0[%dma_wait3A, %dma_wait3A_2] : memref<100000x256xf32, #tpu.memory_space<hbm>> -> memref<20000x256xf32, #tpu.memory_space<hbm>>
    tpu.wait_dma2 semaphore(%arg3 : memref<!tpu.dma_semaphore, #tpu.memory_space<semaphore_mem>>) src(%dma_wait3A_3 : memref<20000x256xf32, #tpu.memory_space<hbm>>) dst(%arg2 : memref<20000x256xf32, #tpu.memory_space<vmem>>)
    %dma_start3A_4 = arith.constant 0 : i32
    %dma_start3A_5 = arith.constant 0 : i32
    %dma_start3A_6 = tpu.memref_slice %arg1[%dma_start3A_4, %dma_start3A_5] : memref<100001x256xf32, #tpu.memory_space<hbm>> -> memref<20000x256xf32, #tpu.memory_space<hbm>>
    tpu.enqueue_dma source(%arg2 : memref<20000x256xf32, #tpu.memory_space<vmem>>) target(%dma_start3A_6 : memref<20000x256xf32, #tpu.memory_space<hbm>>) target_semaphore(%arg3 : memref<!tpu.dma_semaphore, #tpu.memory_space<semaphore_mem>>)
    %dma_wait3A_7 = arith.constant 0 : i32
    %dma_wait3A_8 = arith.constant 0 : i32
    %dma_wait3A_9 = tpu.memref_slice %arg1[%dma_wait3A_7, %dma_wait3A_8] : memref<100001x256xf32, #tpu.memory_space<hbm>> -> memref<20000x256xf32, #tpu.memory_space<hbm>>
    tpu.wait_dma2 semaphore(%arg3 : memref<!tpu.dma_semaphore, #tpu.memory_space<semaphore_mem>>) src(%arg2 : memref<20000x256xf32, #tpu.memory_space<vmem>>) dst(%dma_wait3A_9 : memref<20000x256xf32, #tpu.memory_space<hbm>>)
    %dma_start3A_10 = arith.constant 20000 : i32
    %dma_start3A_11 = arith.constant 0 : i32
    %dma_start3A_12 = tpu.memref_slice %arg0[%dma_start3A_10, %dma_start3A_11] : memref<100000x256xf32, #tpu.memory_space<hbm>> -> memref<20000x256xf32, #tpu.memory_space<hbm>>
    tpu.enqueue_dma source(%dma_start3A_12 : memref<20000x256xf32, #tpu.memory_space<hbm>>) target(%arg2 : memref<20000x256xf32, #tpu.memory_space<vmem>>) target_semaphore(%arg3 : memref<!tpu.dma_semaphore, #tpu.memory_space<semaphore_mem>>)
    %dma_wait3A_13 = arith.constant 20000 : i32
    %dma_wait3A_14 = arith.constant 0 : i32
    %dma_wait3A_15 = tpu.memref_slice %arg0[%dma_wait3A_13, %dma_wait3A_14] : memref<100000x256xf32, #tpu.memory_space<hbm>> -> memref<20000x256xf32, #tpu.memory_space<hbm>>
    tpu.wait_dma2 semaphore(%arg3 : memref<!tpu.dma_semaphore, #tpu.memory_space<semaphore_mem>>) src(%dma_wait3A_15 : memref<20000x256xf32, #tpu.memory_space<hbm>>) dst(%arg2 : memref<20000x256xf32, #tpu.memory_space<vmem>>)
    %dma_start3A_16 = arith.constant 20000 : i32
    %dma_start3A_17 = arith.constant 0 : i32
    %dma_start3A_18 = tpu.memref_slice %arg1[%dma_start3A_16, %dma_start3A_17] : memref<100001x256xf32, #tpu.memory_space<hbm>> -> memref<20000x256xf32, #tpu.memory_space<hbm>>
    tpu.enqueue_dma source(%arg2 : memref<20000x256xf32, #tpu.memory_space<vmem>>) target(%dma_start3A_18 : memref<20000x256xf32, #tpu.memory_space<hbm>>) target_semaphore(%arg3 : memref<!tpu.dma_semaphore, #tpu.memory_space<semaphore_mem>>)
    %dma_wait3A_19 = arith.constant 20000 : i32
    %dma_wait3A_20 = arith.constant 0 : i32
    %dma_wait3A_21 = tpu.memref_slice %arg1[%dma_wait3A_19, %dma_wait3A_20] : memref<100001x256xf32, #tpu.memory_space<hbm>> -> memref<20000x256xf32, #tpu.memory_space<hbm>>
    tpu.wait_dma2 semaphore(%arg3 : memref<!tpu.dma_semaphore, #tpu.memory_space<semaphore_mem>>) src(%arg2 : memref<20000x256xf32, #tpu.memory_space<vmem>>) dst(%dma_wait3A_21 : memref<20000x256xf32, #tpu.memory_space<hbm>>)
    %dma_start3A_22 = arith.constant 40000 : i32
    %dma_start3A_23 = arith.constant 0 : i32
    %dma_start3A_24 = tpu.memref_slice %arg0[%dma_start3A_22, %dma_start3A_23] : memref<100000x256xf32, #tpu.memory_space<hbm>> -> memref<20000x256xf32, #tpu.memory_space<hbm>>
    tpu.enqueue_dma source(%dma_start3A_24 : memref<20000x256xf32, #tpu.memory_space<hbm>>) target(%arg2 : memref<20000x256xf32, #tpu.memory_space<vmem>>) target_semaphore(%arg3 : memref<!tpu.dma_semaphore, #tpu.memory_space<semaphore_mem>>)
    %dma_wait3A_25 = arith.constant 40000 : i32
    %dma_wait3A_26 = arith.constant 0 : i32
    %dma_wait3A_27 = tpu.memref_slice %arg0[%dma_wait3A_25, %dma_wait3A_26] : memref<100000x256xf32, #tpu.memory_space<hbm>> -> memref<20000x256xf32, #tpu.memory_space<hbm>>
    tpu.wait_dma2 semaphore(%arg3 : memref<!tpu.dma_semaphore, #tpu.memory_space<semaphore_mem>>) src(%dma_wait3A_27 : memref<20000x256xf32, #tpu.memory_space<hbm>>) dst(%arg2 : memref<20000x256xf32, #tpu.memory_space<vmem>>)
    %dma_start3A_28 = arith.constant 40000 : i32
    %dma_start3A_29 = arith.constant 0 : i32
    %dma_start3A_30 = tpu.memref_slice %arg1[%dma_start3A_28, %dma_start3A_29] : memref<100001x256xf32, #tpu.memory_space<hbm>> -> memref<20000x256xf32, #tpu.memory_space<hbm>>
    tpu.enqueue_dma source(%arg2 : memref<20000x256xf32, #tpu.memory_space<vmem>>) target(%dma_start3A_30 : memref<20000x256xf32, #tpu.memory_space<hbm>>) target_semaphore(%arg3 : memref<!tpu.dma_semaphore, #tpu.memory_space<semaphore_mem>>)
    %dma_wait3A_31 = arith.constant 40000 : i32
    %dma_wait3A_32 = arith.constant 0 : i32
    %dma_wait3A_33 = tpu.memref_slice %arg1[%dma_wait3A_31, %dma_wait3A_32] : memref<100001x256xf32, #tpu.memory_space<hbm>> -> memref<20000x256xf32, #tpu.memory_space<hbm>>
    tpu.wait_dma2 semaphore(%arg3 : memref<!tpu.dma_semaphore, #tpu.memory_space<semaphore_mem>>) src(%arg2 : memref<20000x256xf32, #tpu.memory_space<vmem>>) dst(%dma_wait3A_33 : memref<20000x256xf32, #tpu.memory_space<hbm>>)
    %dma_start3A_34 = arith.constant 60000 : i32
    %dma_start3A_35 = arith.constant 0 : i32
    %dma_start3A_36 = tpu.memref_slice %arg0[%dma_start3A_34, %dma_start3A_35] : memref<100000x256xf32, #tpu.memory_space<hbm>> -> memref<20000x256xf32, #tpu.memory_space<hbm>>
    tpu.enqueue_dma source(%dma_start3A_36 : memref<20000x256xf32, #tpu.memory_space<hbm>>) target(%arg2 : memref<20000x256xf32, #tpu.memory_space<vmem>>) target_semaphore(%arg3 : memref<!tpu.dma_semaphore, #tpu.memory_space<semaphore_mem>>)
    %dma_wait3A_37 = arith.constant 60000 : i32
    %dma_wait3A_38 = arith.constant 0 : i32
    %dma_wait3A_39 = tpu.memref_slice %arg0[%dma_wait3A_37, %dma_wait3A_38] : memref<100000x256xf32, #tpu.memory_space<hbm>> -> memref<20000x256xf32, #tpu.memory_space<hbm>>
    tpu.wait_dma2 semaphore(%arg3 : memref<!tpu.dma_semaphore, #tpu.memory_space<semaphore_mem>>) src(%dma_wait3A_39 : memref<20000x256xf32, #tpu.memory_space<hbm>>) dst(%arg2 : memref<20000x256xf32, #tpu.memory_space<vmem>>)
    %dma_start3A_40 = arith.constant 60000 : i32
    %dma_start3A_41 = arith.constant 0 : i32
    %dma_start3A_42 = tpu.memref_slice %arg1[%dma_start3A_40, %dma_start3A_41] : memref<100001x256xf32, #tpu.memory_space<hbm>> -> memref<20000x256xf32, #tpu.memory_space<hbm>>
    tpu.enqueue_dma source(%arg2 : memref<20000x256xf32, #tpu.memory_space<vmem>>) target(%dma_start3A_42 : memref<20000x256xf32, #tpu.memory_space<hbm>>) target_semaphore(%arg3 : memref<!tpu.dma_semaphore, #tpu.memory_space<semaphore_mem>>)
    %dma_wait3A_43 = arith.constant 60000 : i32
    %dma_wait3A_44 = arith.constant 0 : i32
    %dma_wait3A_45 = tpu.memref_slice %arg1[%dma_wait3A_43, %dma_wait3A_44] : memref<100001x256xf32, #tpu.memory_space<hbm>> -> memref<20000x256xf32, #tpu.memory_space<hbm>>
    tpu.wait_dma2 semaphore(%arg3 : memref<!tpu.dma_semaphore, #tpu.memory_space<semaphore_mem>>) src(%arg2 : memref<20000x256xf32, #tpu.memory_space<vmem>>) dst(%dma_wait3A_45 : memref<20000x256xf32, #tpu.memory_space<hbm>>)
    %dma_start3A_46 = arith.constant 80000 : i32
    %dma_start3A_47 = arith.constant 0 : i32
    %dma_start3A_48 = tpu.memref_slice %arg0[%dma_start3A_46, %dma_start3A_47] : memref<100000x256xf32, #tpu.memory_space<hbm>> -> memref<20000x256xf32, #tpu.memory_space<hbm>>
    tpu.enqueue_dma source(%dma_start3A_48 : memref<20000x256xf32, #tpu.memory_space<hbm>>) target(%arg2 : memref<20000x256xf32, #tpu.memory_space<vmem>>) target_semaphore(%arg3 : memref<!tpu.dma_semaphore, #tpu.memory_space<semaphore_mem>>)
    %dma_wait3A_49 = arith.constant 80000 : i32
    %dma_wait3A_50 = arith.constant 0 : i32
    %dma_wait3A_51 = tpu.memref_slice %arg0[%dma_wait3A_49, %dma_wait3A_50] : memref<100000x256xf32, #tpu.memory_space<hbm>> -> memref<20000x256xf32, #tpu.memory_space<hbm>>
    tpu.wait_dma2 semaphore(%arg3 : memref<!tpu.dma_semaphore, #tpu.memory_space<semaphore_mem>>) src(%dma_wait3A_51 : memref<20000x256xf32, #tpu.memory_space<hbm>>) dst(%arg2 : memref<20000x256xf32, #tpu.memory_space<vmem>>)
    %dma_start3A_52 = arith.constant 80000 : i32
    %dma_start3A_53 = arith.constant 0 : i32
    %dma_start3A_54 = tpu.memref_slice %arg1[%dma_start3A_52, %dma_start3A_53] : memref<100001x256xf32, #tpu.memory_space<hbm>> -> memref<20000x256xf32, #tpu.memory_space<hbm>>
    tpu.enqueue_dma source(%arg2 : memref<20000x256xf32, #tpu.memory_space<vmem>>) target(%dma_start3A_54 : memref<20000x256xf32, #tpu.memory_space<hbm>>) target_semaphore(%arg3 : memref<!tpu.dma_semaphore, #tpu.memory_space<semaphore_mem>>)
    %dma_wait3A_55 = arith.constant 80000 : i32
    %dma_wait3A_56 = arith.constant 0 : i32
    %dma_wait3A_57 = tpu.memref_slice %arg1[%dma_wait3A_55, %dma_wait3A_56] : memref<100001x256xf32, #tpu.memory_space<hbm>> -> memref<20000x256xf32, #tpu.memory_space<hbm>>
    tpu.wait_dma2 semaphore(%arg3 : memref<!tpu.dma_semaphore, #tpu.memory_space<semaphore_mem>>) src(%arg2 : memref<20000x256xf32, #tpu.memory_space<vmem>>) dst(%dma_wait3A_57 : memref<20000x256xf32, #tpu.memory_space<hbm>>)
    return
  }
}

module attributes {stable_mosaic.version = 14 : i64} {
  func.func @_tail_body(%arg0: memref<100001x256xf32, #tpu.memory_space<hbm>>, %arg1: memref<1x256xf32, #tpu.memory_space<hbm>>, %arg2: memref<100001x256xf32, #tpu.memory_space<hbm>>, %arg3: memref<1x256xf32, #tpu.memory_space<vmem>>, %arg4: memref<!tpu.dma_semaphore, #tpu.memory_space<semaphore_mem>>) attributes {dimension_semantics = [], scalar_prefetch = 0 : i64, scratch_operands = 2 : i64, tpu.core_type = #tpu.core_type<tc>} {
    tpu.enqueue_dma source(%arg1 : memref<1x256xf32, #tpu.memory_space<hbm>>) target(%arg3 : memref<1x256xf32, #tpu.memory_space<vmem>>) target_semaphore(%arg4 : memref<!tpu.dma_semaphore, #tpu.memory_space<semaphore_mem>>)
    tpu.wait_dma2 semaphore(%arg4 : memref<!tpu.dma_semaphore, #tpu.memory_space<semaphore_mem>>) src(%arg1 : memref<1x256xf32, #tpu.memory_space<hbm>>) dst(%arg3 : memref<1x256xf32, #tpu.memory_space<vmem>>)
    %dma_start3A = arith.constant 100000 : i32
    %dma_start3A_0 = arith.constant 0 : i32
    %dma_start3A_1 = tpu.memref_slice %arg2[%dma_start3A, %dma_start3A_0] : memref<100001x256xf32, #tpu.memory_space<hbm>> -> memref<1x256xf32, #tpu.memory_space<hbm>>
    tpu.enqueue_dma source(%arg3 : memref<1x256xf32, #tpu.memory_space<vmem>>) target(%dma_start3A_1 : memref<1x256xf32, #tpu.memory_space<hbm>>) target_semaphore(%arg4 : memref<!tpu.dma_semaphore, #tpu.memory_space<semaphore_mem>>)
    %dma_wait3A = arith.constant 100000 : i32
    %dma_wait3A_2 = arith.constant 0 : i32
    %dma_wait3A_3 = tpu.memref_slice %arg2[%dma_wait3A, %dma_wait3A_2] : memref<100001x256xf32, #tpu.memory_space<hbm>> -> memref<1x256xf32, #tpu.memory_space<hbm>>
    tpu.wait_dma2 semaphore(%arg4 : memref<!tpu.dma_semaphore, #tpu.memory_space<semaphore_mem>>) src(%arg3 : memref<1x256xf32, #tpu.memory_space<vmem>>) dst(%dma_wait3A_3 : memref<1x256xf32, #tpu.memory_space<hbm>>)
    return
  }
}

module attributes {stable_mosaic.version = 14 : i64} {
  func.func @_tc_body(%arg0: i32, %arg1: memref<2xi32, #tpu.memory_space<smem>>, %arg2: memref<32x256xf32, #tpu.memory_space<vmem>>, %arg3: memref<8x256xf32, #tpu.memory_space<vmem>>, %arg4: memref<8x256xf32, #tpu.memory_space<vmem>>, %arg5: memref<8x256xf32, #tpu.memory_space<vmem>>, %arg6: memref<1x64xf32, #tpu.memory_space<vmem>>, %arg7: memref<1x64xf32, #tpu.memory_space<vmem>>, %arg8: memref<256x128xf32, #tpu.memory_space<vmem>>, %arg9: memref<128x64xf32, #tpu.memory_space<vmem>>, %arg10: memref<704x128xf32, #tpu.memory_space<vmem>>, %arg11: memref<1x128xf32, #tpu.memory_space<vmem>>, %arg12: memref<128x512xf32, #tpu.memory_space<vmem>>, %arg13: memref<1x512xf32, #tpu.memory_space<vmem>>, %arg14: memref<512x256xf32, #tpu.memory_space<vmem>>, %arg15: memref<1x256xf32, #tpu.memory_space<vmem>>, %arg16: memref<1x256xf32, #tpu.memory_space<vmem>>) attributes {dimension_semantics = [#tpu.dimension_semantics<arbitrary>], iteration_bounds = array<i64: 1>, scalar_prefetch = 1 : i64, scratch_operands = 0 : i64, tpu.core_type = #tpu.core_type<tc>, window_params = [{pipeline_mode = #tpu.pipeline_mode<synchronous>, transform_indices = @transform_0, window_bounds = array<i64: 32, 256>}, {transform_indices = @transform_1, window_bounds = array<i64: 8, 256>}, {transform_indices = @transform_2, window_bounds = array<i64: 8, 256>}, {transform_indices = @transform_3, window_bounds = array<i64: 8, 256>}, {pipeline_mode = #tpu.pipeline_mode<synchronous>, transform_indices = @transform_4, window_bounds = array<i64: 1, 64>}, {pipeline_mode = #tpu.pipeline_mode<synchronous>, transform_indices = @transform_5, window_bounds = array<i64: 1, 64>}, {pipeline_mode = #tpu.pipeline_mode<synchronous>, transform_indices = @transform_6, window_bounds = array<i64: 256, 128>}, {pipeline_mode = #tpu.pipeline_mode<synchronous>, transform_indices = @transform_7, window_bounds = array<i64: 128, 64>}, {pipeline_mode = #tpu.pipeline_mode<synchronous>, transform_indices = @transform_8, window_bounds = array<i64: 704, 128>}, {pipeline_mode = #tpu.pipeline_mode<synchronous>, transform_indices = @transform_9, window_bounds = array<i64: 1, 128>}, {pipeline_mode = #tpu.pipeline_mode<synchronous>, transform_indices = @transform_10, window_bounds = array<i64: 128, 512>}, {pipeline_mode = #tpu.pipeline_mode<synchronous>, transform_indices = @transform_11, window_bounds = array<i64: 1, 512>}, {pipeline_mode = #tpu.pipeline_mode<synchronous>, transform_indices = @transform_12, window_bounds = array<i64: 512, 256>}, {pipeline_mode = #tpu.pipeline_mode<synchronous>, transform_indices = @transform_13, window_bounds = array<i64: 1, 256>}, {pipeline_mode = #tpu.pipeline_mode<synchronous>, transform_indices = @transform_14, window_bounds = array<i64: 1, 256>}]} {
    %get3A = arith.constant 1 : index
    %get3A_0 = memref.load %arg1[%get3A] : memref<2xi32, #tpu.memory_space<smem>>
    %get3A_1 = arith.constant 0 : index
    %get3A_2 = memref.load %arg1[%get3A_1] : memref<2xi32, #tpu.memory_space<smem>>
    %rem3A = arith.constant 8 : i32
    %rem3A_3 = arith.remsi %get3A_2, %rem3A : i32
    %iota3A = tpu.iota {dimensions = array<i32: 0>} : vector<8x256xi32>
    %get3A_4 = arith.constant 0 : index
    %get3A_5 = arith.constant 0 : index
    %get3A_6 = vector.load %arg3[%get3A_4, %get3A_5] : memref<8x256xf32, #tpu.memory_space<vmem>>, vector<8x256xf32>
    %eq3A = vector.broadcast %rem3A_3 : i32 to vector<8x256xi32>
    %eq3A_7 = arith.cmpi eq, %iota3A, %eq3A : vector<8x256xi32>
    %jit3A = arith.constant 0.000000e+00 : f32
    %broadcast_in_dim3A = vector.broadcast %jit3A : f32 to vector<8x256xf32>
    %select_n3A = arith.select %eq3A_7, %get3A_6, %broadcast_in_dim3A : vector<8x256xi1>, vector<8x256xf32>
    %reduce_sum3A = arith.constant dense<0.000000e+00> : vector<256xf32>
    %reduce_sum3A_8 = vector.multi_reduction <add>, %select_n3A, %reduce_sum3A [0] : vector<8x256xf32> to vector<256xf32>
    %broadcast_in_dim3A_9 = vector.shape_cast %reduce_sum3A_8 : vector<256xf32> to vector<1x256xf32>
    %get3A_10 = arith.constant 0 : index
    %get3A_11 = arith.constant 0 : index
    %get3A_12 = vector.load %arg4[%get3A_10, %get3A_11] : memref<8x256xf32, #tpu.memory_space<vmem>>, vector<8x256xf32>
    %eq3A_13 = vector.broadcast %rem3A_3 : i32 to vector<8x256xi32>
    %eq3A_14 = arith.cmpi eq, %iota3A, %eq3A_13 : vector<8x256xi32>
    %jit3A_15 = arith.constant 0.000000e+00 : f32
    %broadcast_in_dim3A_16 = vector.broadcast %jit3A_15 : f32 to vector<8x256xf32>
    %select_n3A_17 = arith.select %eq3A_14, %get3A_12, %broadcast_in_dim3A_16 : vector<8x256xi1>, vector<8x256xf32>
    %reduce_sum3A_18 = arith.constant dense<0.000000e+00> : vector<256xf32>
    %reduce_sum3A_19 = vector.multi_reduction <add>, %select_n3A_17, %reduce_sum3A_18 [0] : vector<8x256xf32> to vector<256xf32>
    %broadcast_in_dim3A_20 = vector.shape_cast %reduce_sum3A_19 : vector<256xf32> to vector<1x256xf32>
    %get3A_21 = arith.constant 0 : index
    %get3A_22 = arith.constant 0 : index
    %get3A_23 = vector.load %arg5[%get3A_21, %get3A_22] : memref<8x256xf32, #tpu.memory_space<vmem>>, vector<8x256xf32>
    %eq3A_24 = arith.constant 0 : i32
    %eq3A_25 = vector.broadcast %eq3A_24 : i32 to vector<8x256xi32>
    %eq3A_26 = arith.cmpi eq, %iota3A, %eq3A_25 : vector<8x256xi32>
    %jit3A_27 = arith.constant 0.000000e+00 : f32
    %broadcast_in_dim3A_28 = vector.broadcast %jit3A_27 : f32 to vector<8x256xf32>
    %select_n3A_29 = arith.select %eq3A_26, %get3A_23, %broadcast_in_dim3A_28 : vector<8x256xi1>, vector<8x256xf32>
    %reduce_sum3A_30 = arith.constant dense<0.000000e+00> : vector<256xf32>
    %reduce_sum3A_31 = vector.multi_reduction <add>, %select_n3A_29, %reduce_sum3A_30 [0] : vector<8x256xf32> to vector<256xf32>
    %broadcast_in_dim3A_32 = vector.shape_cast %reduce_sum3A_31 : vector<256xf32> to vector<1x256xf32>
    %get3A_33 = arith.constant 0 : index
    %get3A_34 = arith.constant 0 : index
    %get3A_35 = vector.load %arg2[%get3A_33, %get3A_34] : memref<32x256xf32, #tpu.memory_space<vmem>>, vector<32x256xf32>
    %reduce_sum3A_36 = arith.constant dense<0.000000e+00> : vector<256xf32>
    %reduce_sum3A_37 = vector.multi_reduction <add>, %get3A_35, %reduce_sum3A_36 [0] : vector<32x256xf32> to vector<256xf32>
    %broadcast_in_dim3A_38 = vector.shape_cast %reduce_sum3A_37 : vector<256xf32> to vector<1x256xf32>
    %mul3A = arith.constant 1.760000e+02 : f32
    %mul3A_39 = vector.broadcast %mul3A : f32 to vector<1x256xf32>
    %mul3A_40 = arith.mulf %mul3A_39, %broadcast_in_dim3A_32 : vector<1x256xf32>
    %sub3A = arith.subf %broadcast_in_dim3A_38, %mul3A_40 : vector<1x256xf32>
    %div3A = arith.constant 5.000000e+04 : f32
    %div3A_41 = vector.broadcast %div3A : f32 to vector<1x256xf32>
    %div3A_42 = arith.divf %sub3A, %div3A_41 : vector<1x256xf32>
    %get3A_43 = arith.constant 0 : index
    %get3A_44 = arith.constant 0 : index
    %get3A_45 = vector.load %arg8[%get3A_43, %get3A_44] : memref<256x128xf32, #tpu.memory_space<vmem>>, vector<256x128xf32>
    %dot_general3A = arith.constant dense<0.000000e+00> : vector<1x128xf32>
    %dot_general3A_46 = tpu.matmul %broadcast_in_dim3A_9, %get3A_45, %dot_general3A {dimension_numbers = #tpu.dot_dimension_numbers<[1], [0], [0], [1], [0, 0, 1, 1], [], []>, transpose_lhs_hint = false} : vector<1x256xf32>, vector<256x128xf32>, vector<1x128xf32> -> vector<1x128xf32>
    %max3A = arith.constant 0.000000e+00 : f32
    %max3A_47 = vector.broadcast %max3A : f32 to vector<1x128xf32>
    %max3A_48 = arith.maximumf %dot_general3A_46, %max3A_47 : vector<1x128xf32>
    %get3A_49 = arith.constant 0 : index
    %get3A_50 = arith.constant 0 : index
    %get3A_51 = vector.load %arg9[%get3A_49, %get3A_50] : memref<128x64xf32, #tpu.memory_space<vmem>>, vector<128x64xf32>
    %dot_general3A_52 = arith.constant dense<0.000000e+00> : vector<1x64xf32>
    %dot_general3A_53 = tpu.matmul %max3A_48, %get3A_51, %dot_general3A_52 {dimension_numbers = #tpu.dot_dimension_numbers<[1], [0], [0], [1], [0, 0, 1, 1], [], []>, transpose_lhs_hint = false} : vector<1x128xf32>, vector<128x64xf32>, vector<1x64xf32> -> vector<1x64xf32>
    %get3A_54 = arith.constant 0 : index
    %get3A_55 = arith.constant 0 : index
    %get3A_56 = vector.load %arg10[%get3A_54, %get3A_55] : memref<704x128xf32, #tpu.memory_space<vmem>>, vector<704x128xf32>
    %slice3A = vector.extract_strided_slice %get3A_56 {offsets = [0, 0], sizes = [256, 128], strides = [1, 1]} : vector<704x128xf32> to vector<256x128xf32>
    %dot_general3A_57 = arith.constant dense<0.000000e+00> : vector<1x128xf32>
    %dot_general3A_58 = tpu.matmul %div3A_42, %slice3A, %dot_general3A_57 {dimension_numbers = #tpu.dot_dimension_numbers<[1], [0], [0], [1], [0, 0, 1, 1], [], []>, transpose_lhs_hint = false} : vector<1x256xf32>, vector<256x128xf32>, vector<1x128xf32> -> vector<1x128xf32>
    %slice3A_59 = vector.extract_strided_slice %get3A_56 {offsets = [256, 0], sizes = [256, 128], strides = [1, 1]} : vector<704x128xf32> to vector<256x128xf32>
    %dot_general3A_60 = arith.constant dense<0.000000e+00> : vector<1x128xf32>
    %dot_general3A_61 = tpu.matmul %broadcast_in_dim3A_20, %slice3A_59, %dot_general3A_60 {dimension_numbers = #tpu.dot_dimension_numbers<[1], [0], [0], [1], [0, 0, 1, 1], [], []>, transpose_lhs_hint = false} : vector<1x256xf32>, vector<256x128xf32>, vector<1x128xf32> -> vector<1x128xf32>
    %add3A = arith.addf %dot_general3A_58, %dot_general3A_61 : vector<1x128xf32>
    %slice3A_62 = vector.extract_strided_slice %get3A_56 {offsets = [512, 0], sizes = [64, 128], strides = [1, 1]} : vector<704x128xf32> to vector<64x128xf32>
    %dot_general3A_63 = arith.constant dense<0.000000e+00> : vector<1x128xf32>
    %dot_general3A_64 = tpu.matmul %dot_general3A_53, %slice3A_62, %dot_general3A_63 {dimension_numbers = #tpu.dot_dimension_numbers<[1], [0], [0], [1], [0, 0, 1, 1], [], []>, transpose_lhs_hint = false} : vector<1x64xf32>, vector<64x128xf32>, vector<1x128xf32> -> vector<1x128xf32>
    %add3A_65 = arith.addf %add3A, %dot_general3A_64 : vector<1x128xf32>
    %get3A_66 = arith.constant 0 : index
    %get3A_67 = arith.constant 0 : index
    %get3A_68 = vector.load %arg6[%get3A_66, %get3A_67] : memref<1x64xf32, #tpu.memory_space<vmem>>, vector<1x64xf32>
    %slice3A_69 = vector.extract_strided_slice %get3A_56 {offsets = [576, 0], sizes = [64, 128], strides = [1, 1]} : vector<704x128xf32> to vector<64x128xf32>
    %dot_general3A_70 = arith.constant dense<0.000000e+00> : vector<1x128xf32>
    %dot_general3A_71 = tpu.matmul %get3A_68, %slice3A_69, %dot_general3A_70 {dimension_numbers = #tpu.dot_dimension_numbers<[1], [0], [0], [1], [0, 0, 1, 1], [], []>, transpose_lhs_hint = false} : vector<1x64xf32>, vector<64x128xf32>, vector<1x128xf32> -> vector<1x128xf32>
    %add3A_72 = arith.addf %add3A_65, %dot_general3A_71 : vector<1x128xf32>
    %get3A_73 = arith.constant 0 : index
    %get3A_74 = arith.constant 0 : index
    %get3A_75 = vector.load %arg7[%get3A_73, %get3A_74] : memref<1x64xf32, #tpu.memory_space<vmem>>, vector<1x64xf32>
    %slice3A_76 = vector.extract_strided_slice %get3A_56 {offsets = [640, 0], sizes = [64, 128], strides = [1, 1]} : vector<704x128xf32> to vector<64x128xf32>
    %dot_general3A_77 = arith.constant dense<0.000000e+00> : vector<1x128xf32>
    %dot_general3A_78 = tpu.matmul %get3A_75, %slice3A_76, %dot_general3A_77 {dimension_numbers = #tpu.dot_dimension_numbers<[1], [0], [0], [1], [0, 0, 1, 1], [], []>, transpose_lhs_hint = false} : vector<1x64xf32>, vector<64x128xf32>, vector<1x128xf32> -> vector<1x128xf32>
    %add3A_79 = arith.addf %add3A_72, %dot_general3A_78 : vector<1x128xf32>
    %get3A_80 = arith.constant 0 : index
    %get3A_81 = arith.constant 0 : index
    %get3A_82 = vector.load %arg11[%get3A_80, %get3A_81] : memref<1x128xf32, #tpu.memory_space<vmem>>, vector<1x128xf32>
    %add3A_83 = arith.addf %add3A_79, %get3A_82 : vector<1x128xf32>
    %ge3A = arith.constant 0.000000e+00 : f32
    %ge3A_84 = vector.broadcast %ge3A : f32 to vector<1x128xf32>
    %ge3A_85 = arith.cmpf oge, %add3A_83, %ge3A_84 : vector<1x128xf32>
    %mul3A_86 = arith.constant 0.00999999977 : f32
    %mul3A_87 = vector.broadcast %mul3A_86 : f32 to vector<1x128xf32>
    %mul3A_88 = arith.mulf %mul3A_87, %add3A_83 : vector<1x128xf32>
    %select_n3A_89 = arith.select %ge3A_85, %add3A_83, %mul3A_88 : vector<1x128xi1>, vector<1x128xf32>
    %get3A_90 = arith.constant 0 : index
    %get3A_91 = arith.constant 0 : index
    %get3A_92 = vector.load %arg12[%get3A_90, %get3A_91] : memref<128x512xf32, #tpu.memory_space<vmem>>, vector<128x512xf32>
    %dot_general3A_93 = arith.constant dense<0.000000e+00> : vector<1x512xf32>
    %dot_general3A_94 = tpu.matmul %select_n3A_89, %get3A_92, %dot_general3A_93 {dimension_numbers = #tpu.dot_dimension_numbers<[1], [0], [0], [1], [0, 0, 1, 1], [], []>, transpose_lhs_hint = false} : vector<1x128xf32>, vector<128x512xf32>, vector<1x512xf32> -> vector<1x512xf32>
    %get3A_95 = arith.constant 0 : index
    %get3A_96 = arith.constant 0 : index
    %get3A_97 = vector.load %arg13[%get3A_95, %get3A_96] : memref<1x512xf32, #tpu.memory_space<vmem>>, vector<1x512xf32>
    %add3A_98 = arith.addf %dot_general3A_94, %get3A_97 : vector<1x512xf32>
    %ge3A_99 = arith.constant 0.000000e+00 : f32
    %ge3A_100 = vector.broadcast %ge3A_99 : f32 to vector<1x512xf32>
    %ge3A_101 = arith.cmpf oge, %add3A_98, %ge3A_100 : vector<1x512xf32>
    %mul3A_102 = arith.constant 0.00999999977 : f32
    %mul3A_103 = vector.broadcast %mul3A_102 : f32 to vector<1x512xf32>
    %mul3A_104 = arith.mulf %mul3A_103, %add3A_98 : vector<1x512xf32>
    %select_n3A_105 = arith.select %ge3A_101, %add3A_98, %mul3A_104 : vector<1x512xi1>, vector<1x512xf32>
    %get3A_106 = arith.constant 0 : index
    %get3A_107 = arith.constant 0 : index
    %get3A_108 = vector.load %arg14[%get3A_106, %get3A_107] : memref<512x256xf32, #tpu.memory_space<vmem>>, vector<512x256xf32>
    %dot_general3A_109 = arith.constant dense<0.000000e+00> : vector<1x256xf32>
    %dot_general3A_110 = tpu.matmul %select_n3A_105, %get3A_108, %dot_general3A_109 {dimension_numbers = #tpu.dot_dimension_numbers<[1], [0], [0], [1], [0, 0, 1, 1], [], []>, transpose_lhs_hint = false} : vector<1x512xf32>, vector<512x256xf32>, vector<1x256xf32> -> vector<1x256xf32>
    %get3A_111 = arith.constant 0 : index
    %get3A_112 = arith.constant 0 : index
    %get3A_113 = vector.load %arg15[%get3A_111, %get3A_112] : memref<1x256xf32, #tpu.memory_space<vmem>>, vector<1x256xf32>
    %add3A_114 = arith.addf %dot_general3A_110, %get3A_113 : vector<1x256xf32>
    %iota3A_115 = tpu.iota {dimensions = array<i32: 1>} : vector<1x256xi32>
    %broadcast_in_dim3A_116 = arith.constant 0.000000e+00 : f32
    %broadcast_in_dim3A_117 = vector.broadcast %broadcast_in_dim3A_116 : f32 to vector<1x256xf32>
    %while3A = arith.constant 0 : i32
    %while3A_118 = arith.subi %get3A_0, %while3A : i32
    %while3A_119 = arith.addi %while3A, %while3A_118 : i32
    %while3A_120 = arith.constant 1 : i32
    %while3A_121 = arith.divsi %while3A_118, %while3A_120 : i32
    %while3A_122 = arith.muli %while3A_121, %while3A_120 : i32
    %while3A_123 = arith.addi %while3A, %while3A_122 : i32
    %while3A_124 = arith.constant 1 : i32
    %while3A_125:3 = scf.for %while3A_130 = %while3A to %while3A_123 step %while3A_124 iter_args(%while3A_131 = %broadcast_in_dim3A_117, %while3A_132 = %broadcast_in_dim3A_117, %while3A_133 = %broadcast_in_dim3A_117) -> (vector<1x256xf32>, vector<1x256xf32>, vector<1x256xf32>)  : i32 {
      %reduce_max3A = vector.shape_cast %while3A_133 : vector<1x256xf32> to vector<1x1x256xf32>
      %reduce_max3A_134 = arith.constant dense<0xFF800000> : vector<1xf32>
      %reduce_max3A_135 = vector.multi_reduction <maximumf>, %reduce_max3A, %reduce_max3A_134 [1, 2] : vector<1x1x256xf32> to vector<1xf32>
      %reduce_max3A_136 = vector.shape_cast %reduce_max3A_135 : vector<1xf32> to vector<1x1x1xf32>
      %reduce_max3A_137 = vector.extract %reduce_max3A_136[0, 0, 0] : f32 from vector<1x1x1xf32>
      %eq3A_138 = vector.broadcast %reduce_max3A_137 : f32 to vector<1x256xf32>
      %eq3A_139 = arith.cmpf oeq, %while3A_133, %eq3A_138 : vector<1x256xf32>
      %jit3A_140 = arith.constant 256 : i32
      %broadcast_in_dim3A_141 = vector.broadcast %jit3A_140 : i32 to vector<1x256xi32>
      %select_n3A_142 = arith.select %eq3A_139, %iota3A_115, %broadcast_in_dim3A_141 : vector<1x256xi1>, vector<1x256xi32>
      %reduce_min3A = vector.shape_cast %select_n3A_142 : vector<1x256xi32> to vector<1x1x256xi32>
      %reduce_min3A_143 = arith.constant dense<2147483647> : vector<1xi32>
      %reduce_min3A_144 = vector.multi_reduction <minsi>, %reduce_min3A, %reduce_min3A_143 [1, 2] : vector<1x1x256xi32> to vector<1xi32>
      %reduce_min3A_145 = vector.shape_cast %reduce_min3A_144 : vector<1xi32> to vector<1x1x1xi32>
      %reduce_min3A_146 = vector.extract %reduce_min3A_145[0, 0, 0] : i32 from vector<1x1x1xi32>
      %ne3A = arith.constant 0 : i32
      %ne3A_147 = arith.cmpi ne, %while3A_130, %ne3A : i32
      %eq3A_148 = vector.broadcast %reduce_min3A_146 : i32 to vector<1x256xi32>
      %eq3A_149 = arith.cmpi eq, %iota3A_115, %eq3A_148 : vector<1x256xi32>
      %and3A = vector.broadcast %ne3A_147 : i1 to vector<1x256xi1>
      %and3A_150 = arith.andi %and3A, %eq3A_149 : vector<1x256xi1>
      %jit3A_151 = arith.constant 9.999000e+03 : f32
      %broadcast_in_dim3A_152 = vector.broadcast %jit3A_151 : f32 to vector<1x256xf32>
      %select_n3A_153 = arith.select %and3A_150, %broadcast_in_dim3A_152, %while3A_131 : vector<1x256xi1>, vector<1x256xf32>
      %sub3A_154 = arith.subf %add3A_114, %select_n3A_153 : vector<1x256xf32>
      %div3A_155 = arith.constant 1.000000e-03 : f32
      %div3A_156 = vector.broadcast %div3A_155 : f32 to vector<1x256xf32>
      %div3A_157 = arith.divf %sub3A_154, %div3A_156 : vector<1x256xf32>
      %reduce_max3A_158 = vector.shape_cast %div3A_157 : vector<1x256xf32> to vector<1x1x256xf32>
      %reduce_max3A_159 = arith.constant dense<0xFF800000> : vector<1xf32>
      %reduce_max3A_160 = vector.multi_reduction <maximumf>, %reduce_max3A_158, %reduce_max3A_159 [1, 2] : vector<1x1x256xf32> to vector<1xf32>
      %reduce_max3A_161 = vector.shape_cast %reduce_max3A_160 : vector<1xf32> to vector<1x1x1xf32>
      %reduce_max3A_162 = vector.extract %reduce_max3A_161[0, 0, 0] : f32 from vector<1x1x1xf32>
      %sub3A_163 = vector.broadcast %reduce_max3A_162 : f32 to vector<1x256xf32>
      %sub3A_164 = arith.subf %div3A_157, %sub3A_163 : vector<1x256xf32>
      %exp3A = math.exp %sub3A_164 : vector<1x256xf32>
      %reduce_sum3A_165 = vector.shape_cast %exp3A : vector<1x256xf32> to vector<1x1x256xf32>
      %reduce_sum3A_166 = arith.constant dense<0.000000e+00> : vector<1xf32>
      %reduce_sum3A_167 = vector.multi_reduction <add>, %reduce_sum3A_165, %reduce_sum3A_166 [1, 2] : vector<1x1x256xf32> to vector<1xf32>
      %reduce_sum3A_168 = vector.shape_cast %reduce_sum3A_167 : vector<1xf32> to vector<1x1x1xf32>
      %reduce_sum3A_169 = vector.extract %reduce_sum3A_168[0, 0, 0] : f32 from vector<1x1x1xf32>
      %div3A_170 = vector.broadcast %reduce_sum3A_169 : f32 to vector<1x256xf32>
      %div3A_171 = arith.divf %exp3A, %div3A_170 : vector<1x256xf32>
      %add3A_172 = arith.addf %while3A_132, %div3A_171 : vector<1x256xf32>
      scf.yield %select_n3A_153, %add3A_172, %div3A_171 : vector<1x256xf32>, vector<1x256xf32>, vector<1x256xf32>
    }
    %while3A_126 = arith.constant 1 : i32
    %while3A_127:3 = scf.for %while3A_130 = %while3A_123 to %while3A_119 step %while3A_126 iter_args(%while3A_131 = %while3A_125#0, %while3A_132 = %while3A_125#1, %while3A_133 = %while3A_125#2) -> (vector<1x256xf32>, vector<1x256xf32>, vector<1x256xf32>)  : i32 {
      %reduce_max3A = vector.shape_cast %while3A_133 : vector<1x256xf32> to vector<1x1x256xf32>
      %reduce_max3A_134 = arith.constant dense<0xFF800000> : vector<1xf32>
      %reduce_max3A_135 = vector.multi_reduction <maximumf>, %reduce_max3A, %reduce_max3A_134 [1, 2] : vector<1x1x256xf32> to vector<1xf32>
      %reduce_max3A_136 = vector.shape_cast %reduce_max3A_135 : vector<1xf32> to vector<1x1x1xf32>
      %reduce_max3A_137 = vector.extract %reduce_max3A_136[0, 0, 0] : f32 from vector<1x1x1xf32>
      %eq3A_138 = vector.broadcast %reduce_max3A_137 : f32 to vector<1x256xf32>
      %eq3A_139 = arith.cmpf oeq, %while3A_133, %eq3A_138 : vector<1x256xf32>
      %jit3A_140 = arith.constant 256 : i32
      %broadcast_in_dim3A_141 = vector.broadcast %jit3A_140 : i32 to vector<1x256xi32>
      %select_n3A_142 = arith.select %eq3A_139, %iota3A_115, %broadcast_in_dim3A_141 : vector<1x256xi1>, vector<1x256xi32>
      %reduce_min3A = vector.shape_cast %select_n3A_142 : vector<1x256xi32> to vector<1x1x256xi32>
      %reduce_min3A_143 = arith.constant dense<2147483647> : vector<1xi32>
      %reduce_min3A_144 = vector.multi_reduction <minsi>, %reduce_min3A, %reduce_min3A_143 [1, 2] : vector<1x1x256xi32> to vector<1xi32>
      %reduce_min3A_145 = vector.shape_cast %reduce_min3A_144 : vector<1xi32> to vector<1x1x1xi32>
      %reduce_min3A_146 = vector.extract %reduce_min3A_145[0, 0, 0] : i32 from vector<1x1x1xi32>
      %ne3A = arith.constant 0 : i32
      %ne3A_147 = arith.cmpi ne, %while3A_130, %ne3A : i32
      %eq3A_148 = vector.broadcast %reduce_min3A_146 : i32 to vector<1x256xi32>
      %eq3A_149 = arith.cmpi eq, %iota3A_115, %eq3A_148 : vector<1x256xi32>
      %and3A = vector.broadcast %ne3A_147 : i1 to vector<1x256xi1>
      %and3A_150 = arith.andi %and3A, %eq3A_149 : vector<1x256xi1>
      %jit3A_151 = arith.constant 9.999000e+03 : f32
      %broadcast_in_dim3A_152 = vector.broadcast %jit3A_151 : f32 to vector<1x256xf32>
      %select_n3A_153 = arith.select %and3A_150, %broadcast_in_dim3A_152, %while3A_131 : vector<1x256xi1>, vector<1x256xf32>
      %sub3A_154 = arith.subf %add3A_114, %select_n3A_153 : vector<1x256xf32>
      %div3A_155 = arith.constant 1.000000e-03 : f32
      %div3A_156 = vector.broadcast %div3A_155 : f32 to vector<1x256xf32>
      %div3A_157 = arith.divf %sub3A_154, %div3A_156 : vector<1x256xf32>
      %reduce_max3A_158 = vector.shape_cast %div3A_157 : vector<1x256xf32> to vector<1x1x256xf32>
      %reduce_max3A_159 = arith.constant dense<0xFF800000> : vector<1xf32>
      %reduce_max3A_160 = vector.multi_reduction <maximumf>, %reduce_max3A_158, %reduce_max3A_159 [1, 2] : vector<1x1x256xf32> to vector<1xf32>
      %reduce_max3A_161 = vector.shape_cast %reduce_max3A_160 : vector<1xf32> to vector<1x1x1xf32>
      %reduce_max3A_162 = vector.extract %reduce_max3A_161[0, 0, 0] : f32 from vector<1x1x1xf32>
      %sub3A_163 = vector.broadcast %reduce_max3A_162 : f32 to vector<1x256xf32>
      %sub3A_164 = arith.subf %div3A_157, %sub3A_163 : vector<1x256xf32>
      %exp3A = math.exp %sub3A_164 : vector<1x256xf32>
      %reduce_sum3A_165 = vector.shape_cast %exp3A : vector<1x256xf32> to vector<1x1x256xf32>
      %reduce_sum3A_166 = arith.constant dense<0.000000e+00> : vector<1xf32>
      %reduce_sum3A_167 = vector.multi_reduction <add>, %reduce_sum3A_165, %reduce_sum3A_166 [1, 2] : vector<1x1x256xf32> to vector<1xf32>
      %reduce_sum3A_168 = vector.shape_cast %reduce_sum3A_167 : vector<1xf32> to vector<1x1x1xf32>
      %reduce_sum3A_169 = vector.extract %reduce_sum3A_168[0, 0, 0] : f32 from vector<1x1x1xf32>
      %div3A_170 = vector.broadcast %reduce_sum3A_169 : f32 to vector<1x256xf32>
      %div3A_171 = arith.divf %exp3A, %div3A_170 : vector<1x256xf32>
      %add3A_172 = arith.addf %while3A_132, %div3A_171 : vector<1x256xf32>
      scf.yield %select_n3A_153, %add3A_172, %div3A_171 : vector<1x256xf32>, vector<1x256xf32>, vector<1x256xf32>
    }
    %swap3A = arith.constant 0 : index
    %swap3A_128 = arith.constant 0 : index
    %swap3A_129 = vector.load %arg16[%swap3A, %swap3A_128] : memref<1x256xf32, #tpu.memory_space<vmem>>, vector<1x256xf32>
    tpu.vector_store %arg16[%swap3A, %swap3A_128], %while3A_127#1 {strides = array<i32>} : memref<1x256xf32, #tpu.memory_space<vmem>>, vector<1x256xf32>,
    return
  }
  func.func @transform_0(%arg0: i32, %arg1: memref<2xi32, #tpu.memory_space<smem>>) -> (i32, i32) {
    %c0_i32 = arith.constant 0 : i32
    %c0_i32_0 = arith.constant 0 : i32
    %c0_i32_1 = arith.constant 0 : i32
    return %c0_i32, %c0_i32_0 : i32, i32
  }
  func.func @transform_1(%arg0: i32, %arg1: memref<2xi32, #tpu.memory_space<smem>>) -> (i32, i32) {
    %get3A = arith.constant 0 : index
    %get3A_0 = memref.load %arg1[%get3A] : memref<2xi32, #tpu.memory_space<smem>>
    %jit3A = arith.constant 8 : i32
    %div3A = arith.divsi %get3A_0, %jit3A : i32
    %sign3A = arith.constant 0 : i32
    %sign3A_1 = arith.cmpi sgt, %get3A_0, %sign3A : i32
    %sign3A_2 = arith.extui %sign3A_1 : i1 to i32
    %sign3A_3 = arith.constant 0 : i32
    %sign3A_4 = arith.cmpi slt, %get3A_0, %sign3A_3 : i32
    %sign3A_5 = arith.extui %sign3A_4 : i1 to i32
    %sign3A_6 = arith.subi %sign3A_2, %sign3A_5 : i32
    %sign3A_7 = arith.constant 0 : i32
    %sign3A_8 = arith.cmpi sgt, %jit3A, %sign3A_7 : i32
    %sign3A_9 = arith.extui %sign3A_8 : i1 to i32
    %sign3A_10 = arith.constant 0 : i32
    %sign3A_11 = arith.cmpi slt, %jit3A, %sign3A_10 : i32
    %sign3A_12 = arith.extui %sign3A_11 : i1 to i32
    %sign3A_13 = arith.subi %sign3A_9, %sign3A_12 : i32
    %ne3A = arith.cmpi ne, %sign3A_6, %sign3A_13 : i32
    %rem3A = arith.remsi %get3A_0, %jit3A : i32
    %ne3A_14 = arith.constant 0 : i32
    %ne3A_15 = arith.cmpi ne, %rem3A, %ne3A_14 : i32
    %and3A = arith.andi %ne3A, %ne3A_15 : i1
    %sub3A = arith.constant 1 : i32
    %sub3A_16 = arith.subi %div3A, %sub3A : i32
    %select_n3A = arith.select %and3A, %sub3A_16, %div3A : i32
    %c0_i32 = arith.constant 0 : i32
    %c0_i32_17 = arith.constant 0 : i32
    return %select_n3A, %c0_i32 : i32, i32
  }
  func.func @transform_2(%arg0: i32, %arg1: memref<2xi32, #tpu.memory_space<smem>>) -> (i32, i32) {
    %get3A = arith.constant 0 : index
    %get3A_0 = memref.load %arg1[%get3A] : memref<2xi32, #tpu.memory_space<smem>>
    %jit3A = arith.constant 8 : i32
    %div3A = arith.divsi %get3A_0, %jit3A : i32
    %sign3A = arith.constant 0 : i32
    %sign3A_1 = arith.cmpi sgt, %get3A_0, %sign3A : i32
    %sign3A_2 = arith.extui %sign3A_1 : i1 to i32
    %sign3A_3 = arith.constant 0 : i32
    %sign3A_4 = arith.cmpi slt, %get3A_0, %sign3A_3 : i32
    %sign3A_5 = arith.extui %sign3A_4 : i1 to i32
    %sign3A_6 = arith.subi %sign3A_2, %sign3A_5 : i32
    %sign3A_7 = arith.constant 0 : i32
    %sign3A_8 = arith.cmpi sgt, %jit3A, %sign3A_7 : i32
    %sign3A_9 = arith.extui %sign3A_8 : i1 to i32
    %sign3A_10 = arith.constant 0 : i32
    %sign3A_11 = arith.cmpi slt, %jit3A, %sign3A_10 : i32
    %sign3A_12 = arith.extui %sign3A_11 : i1 to i32
    %sign3A_13 = arith.subi %sign3A_9, %sign3A_12 : i32
    %ne3A = arith.cmpi ne, %sign3A_6, %sign3A_13 : i32
    %rem3A = arith.remsi %get3A_0, %jit3A : i32
    %ne3A_14 = arith.constant 0 : i32
    %ne3A_15 = arith.cmpi ne, %rem3A, %ne3A_14 : i32
    %and3A = arith.andi %ne3A, %ne3A_15 : i1
    %sub3A = arith.constant 1 : i32
    %sub3A_16 = arith.subi %div3A, %sub3A : i32
    %select_n3A = arith.select %and3A, %sub3A_16, %div3A : i32
    %c0_i32 = arith.constant 0 : i32
    %c0_i32_17 = arith.constant 0 : i32
    return %select_n3A, %c0_i32 : i32, i32
  }
  func.func @transform_3(%arg0: i32, %arg1: memref<2xi32, #tpu.memory_space<smem>>) -> (i32, i32) {
    %c0_i32 = arith.constant 0 : i32
    %c0_i32_0 = arith.constant 0 : i32
    %c0_i32_1 = arith.constant 0 : i32
    return %c0_i32, %c0_i32_0 : i32, i32
  }
  func.func @transform_4(%arg0: i32, %arg1: memref<2xi32, #tpu.memory_space<smem>>) -> (i32, i32) {
    %c0_i32 = arith.constant 0 : i32
    %c0_i32_0 = arith.constant 0 : i32
    %c0_i32_1 = arith.constant 0 : i32
    return %c0_i32, %c0_i32_0 : i32, i32
  }
  func.func @transform_5(%arg0: i32, %arg1: memref<2xi32, #tpu.memory_space<smem>>) -> (i32, i32) {
    %c0_i32 = arith.constant 0 : i32
    %c0_i32_0 = arith.constant 0 : i32
    %c0_i32_1 = arith.constant 0 : i32
    return %c0_i32, %c0_i32_0 : i32, i32
  }
  func.func @transform_6(%arg0: i32, %arg1: memref<2xi32, #tpu.memory_space<smem>>) -> (i32, i32) {
    %c0_i32 = arith.constant 0 : i32
    %c0_i32_0 = arith.constant 0 : i32
    %c0_i32_1 = arith.constant 0 : i32
    return %c0_i32, %c0_i32_0 : i32, i32
  }
  func.func @transform_7(%arg0: i32, %arg1: memref<2xi32, #tpu.memory_space<smem>>) -> (i32, i32) {
    %c0_i32 = arith.constant 0 : i32
    %c0_i32_0 = arith.constant 0 : i32
    %c0_i32_1 = arith.constant 0 : i32
    return %c0_i32, %c0_i32_0 : i32, i32
  }
  func.func @transform_8(%arg0: i32, %arg1: memref<2xi32, #tpu.memory_space<smem>>) -> (i32, i32) {
    %c0_i32 = arith.constant 0 : i32
    %c0_i32_0 = arith.constant 0 : i32
    %c0_i32_1 = arith.constant 0 : i32
    return %c0_i32, %c0_i32_0 : i32, i32
  }
  func.func @transform_9(%arg0: i32, %arg1: memref<2xi32, #tpu.memory_space<smem>>) -> (i32, i32) {
    %c0_i32 = arith.constant 0 : i32
    %c0_i32_0 = arith.constant 0 : i32
    %c0_i32_1 = arith.constant 0 : i32
    return %c0_i32, %c0_i32_0 : i32, i32
  }
  func.func @transform_10(%arg0: i32, %arg1: memref<2xi32, #tpu.memory_space<smem>>) -> (i32, i32) {
    %c0_i32 = arith.constant 0 : i32
    %c0_i32_0 = arith.constant 0 : i32
    %c0_i32_1 = arith.constant 0 : i32
    return %c0_i32, %c0_i32_0 : i32, i32
  }
  func.func @transform_11(%arg0: i32, %arg1: memref<2xi32, #tpu.memory_space<smem>>) -> (i32, i32) {
    %c0_i32 = arith.constant 0 : i32
    %c0_i32_0 = arith.constant 0 : i32
    %c0_i32_1 = arith.constant 0 : i32
    return %c0_i32, %c0_i32_0 : i32, i32
  }
  func.func @transform_12(%arg0: i32, %arg1: memref<2xi32, #tpu.memory_space<smem>>) -> (i32, i32) {
    %c0_i32 = arith.constant 0 : i32
    %c0_i32_0 = arith.constant 0 : i32
    %c0_i32_1 = arith.constant 0 : i32
    return %c0_i32, %c0_i32_0 : i32, i32
  }
  func.func @transform_13(%arg0: i32, %arg1: memref<2xi32, #tpu.memory_space<smem>>) -> (i32, i32) {
    %c0_i32 = arith.constant 0 : i32
    %c0_i32_0 = arith.constant 0 : i32
    %c0_i32_1 = arith.constant 0 : i32
    return %c0_i32, %c0_i32_0 : i32, i32
  }
  func.func @transform_14(%arg0: i32, %arg1: memref<2xi32, #tpu.memory_space<smem>>) -> (i32, i32) {
    %c0_i32 = arith.constant 0 : i32
    %c0_i32_0 = arith.constant 0 : i32
    %c0_i32_1 = arith.constant 0 : i32
    return %c0_i32, %c0_i32_0 : i32, i32
  }
}

</mosaic_0001>

<sc_bundles>
// kernel: kernel.6.cloned.1.call-start
scs
__scs_entry_jumppad:
0x0: {  	(pc) =	sbr.rel $0x88, $3  }
0x1: {  	(tag) =	ssettag $0x0;
	lr =	simm.s32 $0x1  }
0x2: {  	[smem:$0x3F92] =	sst lr;
	_ =	strace $0xD0000000  }
0x3: {  	_ = 	snop  }
0x4: {  	_ = 	snop  }
0x5: {  	_ = 	snop  }
0x6: {  	_ = 	snop  }
0x7: {  	_ = 	snop  }
__scs_overlays_trampoline_lowered:
0x8: {  	[smem:$0x3FA1] =	sst s0  }
0x9: {  	[smem:$0x3FA2] =	sst s1  }
0xa: {  	[smem:$0x3FA3] =	sst s2  }
0xb: {  	[smem:$0x3FA4] =	sst s3  }
0xc: {  	[smem:$0x3FA5] =	sst s4  }
0xd: {  	[smem:$0x3FA6] =	sst s5  }
0xe: {  	[smem:$0x3FA7] =	sst s6  }
0xf: {  	[smem:$0x3FA8] =	sst s7  }
0x10: {  	[smem:$0x3FA9] =	sst s8  }
0x11: {  	[smem:$0x3FAA] =	sst s9;
	s0 =	simm.s32 @!p0 $0x0  }
0x12: {  	s1 =	sld [smem:$0x3F90];
	s0 =	simm.s32 @p0 $0x1  }
0x13: {  	[smem:$0x3FAB] =	sst s0;
	s0 =	simm.s32 @!p1 $0x0  }
0x14: {  	s2 =	sld [smem:$0x3F8F];
	s0 =	simm.s32 @p1 $0x1  }
0x15: {  	[smem:$0x3FAC] =	sst s0;
	s0 =	simm.s32 @!p2 $0x0  }
0x16: {  	s3 =	sld [smem:$0x3FDB];
	s0 =	simm.s32 @p2 $0x1  }
0x17: {  	s4 =	simm.s32 $0x1BF5;
	[smem:$0x3FAE] =	sst s0  }
0x18: {  	s0 =	sld [smem:$0x3F91];
	_ =	swait.ge [sflag:s4], $0x0  }
0x19: {  	s7 =	sld [smem:$0x3F92]  }
0x1a: {  	s8 =	sadd.s32 $0xFFFFE003, lr  }
0x1b: {  	s9 =	sadd.s32 $0xFFFFFEF7, lr;
	s5 =	simm.s32 $0xFFFFFFFF;
	p2 =	slt.u32 s8, $0xFFFFF086  }
0x1c: {  	p1 =	slt.u32 s9, $0xF7A;
	s5 =	simm.s32 @!p2 $0x0  }
0x1d: {  	s5 =	simm.s32 @p1 $0x1;
	p0 =	seq.s32 s7, s2  }
0x1e: {  	s7 =	smul.u32 @!p0 $0xF7A, s2;
	p2 =	seq.s32 @!p0 s5, $0x0  }
0x1f: {  	s9 =	smul.u32 $0xF7A, s1;
	s8 =	simm.s32 @!p0 $0x1BF5;
	p2 =	por !p2, p0  }
0x20: {  	[sflag:s8] =	ssyncset.s32 @!p0 $0xFFFFF086;
	s6 =	sadd.s32 @!p0 s3, s7;
	s7 =	simm.s32 @!p0 $0x108  }
0x21: {  	s3 =	sadd.s32 s3, s9;
	s6 =	sadd.s32 @!p0 $0x88, s6;
	s7 =	simm.s32 @p2 $0x1082  }
0x22: {  	[simem:s7], [sflag:s8] =	dma.local @!p0 [hbm:s6], $0xF7A  }
0x23: {  	s9 =	sor.u32 $0xD0000000, s2;
	s6 =	simm.s32 $0x108;
	_ =	swait.ge @!p0 [sflag:s8], $0x0  }
0x24: {  	s3 =	sadd.s32 $0x88, s3;
	s6 =	simm.s32 @!p1 $0x1082;
	[sflag:s4] =	ssyncset.s32 $0xFFFFF086  }
0x25: {  	[simem:s6], [sflag:s4] =	dma.local [hbm:s3], $0xF7A  }
0x26: {  	[smem:$0x3F92] =	sst s1;
	(tag) =	ssettag s2;
	_ =	strace s9  }
0x27: {  	s1 =	sld [smem:$0x3FA2]  }
0x28: {  	s2 =	sld [smem:$0x3FA3]  }
0x29: {  	s4 =	sld [smem:$0x3FA5]  }
0x2a: {  	p0 =	seq.s32 s5, $0x0;
	s5 =	sld [smem:$0x3FA6]  }
0x2b: {  	s6 =	sld [smem:$0x3FA7]  }
0x2c: {  	s7 =	sld [smem:$0x3FA8]  }
0x2d: {  	s3 =	simm.s32 $0x108;
	s8 =	sld [smem:$0x3FA9]  }
0x2e: {  	s3 =	simm.s32 @!p0 $0x1082;
	s9 =	sld [smem:$0x3FAA]  }
0x2f: {  	lr =	sadd.s32 s0, s3;
	s0 =	sld [smem:$0x3FA1]  }
0x30: {  	s3 =	sld [smem:$0x3FA4]  }
0x31: {  	[smem:$0x3FAD] =	sst s10  }
0x32: {  	s10 =	sld [smem:$0x3FAB];
	_ =	sdelay $0x3  }
0x33: {  	p0 =	seq.s32 s10, $0x1;
	s10 =	sld [smem:$0x3FAD];
	_ =	sdelay $0x3  }
0x34: {  	[smem:$0x3FAD] =	sst s10  }
0x35: {  	s10 =	sld [smem:$0x3FAC];
	_ =	sdelay $0x3  }
0x36: {  	p1 =	seq.s32 s10, $0x1;
	s10 =	sld [smem:$0x3FAD];
	_ =	sdelay $0x3  }
0x37: {  	[smem:$0x3FAD] =	sst s10  }
0x38: {  	s10 =	sld [smem:$0x3FAE]  }
0x39: {  	_ = 	snop;
	(pc) =	sbr.ind lr, $3  }
0x3a: {  	_ = 	snop  }
0x3b: {  	_ = 	snop  }
0x3c: {  	p2 =	seq.s32 s10, $0x1;
	s10 =	sld [smem:$0x3FAD]  }
0x3d: {  	_ =	shalt  }
0x3e: {  	_ =	shalt  }
0x3f: {  	_ =	shalt  }
0x40: {  	_ =	shalt  }
0x41: {  	_ =	shalt  }
0x42: {  	_ =	shalt  }
0x43: {  	_ =	shalt  }
0x44: {  	_ =	shalt  }
0x45: {  	_ =	shalt  }
0x46: {  	_ =	shalt  }
0x47: {  	_ =	shalt  }
0x48: {  	_ =	shalt  }
0x49: {  	_ =	shalt  }
0x4a: {  	_ =	shalt  }
0x4b: {  	_ =	shalt  }
0x4c: {  	_ =	shalt  }
0x4d: {  	_ =	shalt  }
0x4e: {  	_ =	shalt  }
0x4f: {  	_ =	shalt  }
0x50: {  	_ =	shalt  }
0x51: {  	_ =	shalt  }
0x52: {  	_ =	shalt  }
0x53: {  	_ =	shalt  }
0x54: {  	_ =	shalt  }
0x55: {  	_ =	shalt  }
0x56: {  	_ =	shalt  }
0x57: {  	_ =	shalt  }
0x58: {  	_ =	shalt  }
0x59: {  	_ =	shalt  }
0x5a: {  	_ =	shalt  }
0x5b: {  	_ =	shalt  }
0x5c: {  	_ =	shalt  }
0x5d: {  	_ =	shalt  }
0x5e: {  	_ =	shalt  }
0x5f: {  	_ =	shalt  }
0x60: {  	_ =	shalt  }
0x61: {  	_ =	shalt  }
0x62: {  	_ =	shalt  }
0x63: {  	_ =	shalt  }
0x64: {  	_ =	shalt  }
0x65: {  	_ =	shalt  }
0x66: {  	_ =	shalt  }
0x67: {  	_ =	shalt  }
0x68: {  	_ =	shalt  }
0x69: {  	_ =	shalt  }
0x6a: {  	_ =	shalt  }
0x6b: {  	_ =	shalt  }
0x6c: {  	_ =	shalt  }
0x6d: {  	_ =	shalt  }
0x6e: {  	_ =	shalt  }
0x6f: {  	_ =	shalt  }
0x70: {  	_ =	shalt  }
0x71: {  	_ =	shalt  }
0x72: {  	_ =	shalt  }
0x73: {  	_ =	shalt  }
0x74: {  	_ =	shalt  }
0x75: {  	_ =	shalt  }
0x76: {  	_ =	shalt  }
0x77: {  	_ =	shalt  }
0x78: {  	_ =	shalt  }
0x79: {  	_ =	shalt  }
0x7a: {  	_ =	shalt  }
0x7b: {  	_ =	shalt  }
0x7c: {  	_ =	shalt  }
0x7d: {  	_ =	shalt  }
0x7e: {  	_ =	shalt  }
0x7f: {  	_ =	shalt  }
0x80: {  	_ =	shalt  }
0x81: {  	_ =	shalt  }
0x82: {  	_ =	shalt  }
0x83: {  	_ =	shalt  }
0x84: {  	_ =	shalt  }
0x85: {  	_ =	shalt  }
0x86: {  	_ =	shalt  }
0x87: {  	_ =	shalt  }
.Lfunc_end0:
.L_simem_size_0:
called_computation_lowered:
.L_overlay_start_0:
0x88: {  	s2 =	sld [smem:$0x3FD9]  }
0x89: {  	s3 =	sld [smem:$0x3FFE];
	_ =	sdelay $0x1  }
0x8a: {  	s1 =	srdreg.scid  }
0x8b: {  	s0 =	sand.u32 $0x1, s1  }
0x8c: {  	s17 =	sshll.u32 s0, $0xA;
	s2 =	sadd.s32 s3, s2  }
0x8d: {  	s2 =	sadd.s32 s2, s17  }
0x8e: {  	[smem:$0x3FB9] =	sst s2  }
0x8f: {  	_ = 	snop  }
0x90: {  	s2 =	sld [smem:$0x3FC6];
	(tm) =	ssettm $0x1  }
0x91: {  	s18 =	sld [smem:$0x3FFB];
	_ =	sdelay $0x3  }
0x92: {  	_ =	strace s18  }
0x93: {  	s3 =	sld [smem:$0x3FFC];
	_ =	sdelay $0x3  }
0x94: {  	_ =	strace s3  }
0x95: {  	s3 =	sld [smem:$0x3FFD];
	_ =	sdelay $0x3  }
0x96: {  	_ =	strace s3  }
0x97: {  	_ =	strace $0x8FFFFFFF  }
0x98: {  	s19 =	sld [smem:$0x3FDB];
	_ =	sdelay $0x1  }
0x99: {  	s4 =	simm.s32 $_scs_section_size  }
0x9a: {  	s5 =	simm.s32 $_size__tile_overlayer_lowered;
	s6 =	simm.s32 $_tile_overlayer_lowered  }
0x9b: {  	s22 =	simm.s32 $0x1BFF;
	s21 =	sshll.u32 s6, $0x1;
	s3 =	sadd.s32 s4, s19  }
0x9c: {  	s7 =	simm.s32 $0x0;
	s20 =	sshll.u32 s5, $0x1;
	s5 =	sadd.s32 s21, s3  }
0x9d: {  	[timem:s7], [sflag:s22] =	dma.local [hbm:s5], s20  }
0x9e: {  	_ =	swait.ge [sflag:s22], s20  }
0x9f: {  	s4 =	ssub.s32 $0x0, s20;
	[sflag:s22] =	ssyncset.done $0x0  }
0xa0: {  	[sflag:s22] =	ssyncadd.s32 s4;
	_ =	sdelay $0x1  }
0xa1: {  	s23 =	simm.s32 $0x1B8B  }
0xa2: {  	_ =	swait.ge [sflag:s23], $0x1  }
0xa3: {  	[sflag:s23] =	ssyncset.done $0x0  }
0xa4: {  	s25 =	simm.s32 $0x1B8E;
	s24 =	sld [smem:$0x3FFE];
	[sflag:s23] =	ssyncadd.s32 $0xFFFFFFFF  }
0xa5: {  	s26 =	simm.s32 $execute0_lowered;
	[smem:$0x3FD2] =	sst s25  }
0xa6: {  	s5 =	sshll.u32 s26, $0x1;
	_ =	strace $0x80000046;
	[dreg:$0x1] =	wrdreg $0xFFFFFFFF  }
0xa7: {  	s28 =	simm.s32 $_size_execute0_lowered;
	s3 =	sadd.s32 s3, s5;
	[dreg:$0x0] =	wrdreg $0x0  }
0xa8: {  	s5 =	sshll.u32 s28, $0x1;
	[dreg:$0x2] =	wrdreg s3  }
0xa9: {  	[dreg:$0x3] =	wrdreg s5  }
0xaa: {  	[dreg:$0x4] =	wrdreg $0xC0  }
0xab: {  	_ =	task [dreg:s7], $0x5FFFF  }
0xac: {  	[dreg:$0x1] =	wrdreg $0xFFFFFFFF  }
0xad: {  	[dreg:$0x0] =	wrdreg $0x60  }
0xae: {  	[dreg:$0x2] =	wrdreg s2  }
0xaf: {  	[dreg:$0x3] =	wrdreg s24  }
0xb0: {  	[dreg:$0x4] =	wrdreg $0x9  }
0xb1: {  	_ =	task.clear_ibuf [dreg:s7], $0x5FFFF;
	_ =	strace $0x90000046  }
0xb2: {  	s29 =	simm.s32 $0x9;
	_ =	strace $0x80000048  }
0xb3: {  	_ =	swait.ge [sflag:s29], $0x1  }
0xb4: {  	[sflag:s29] =	ssyncadd.s32 $0xFFFFFFFF  }
0xb5: {  	_ =	strace $0x90000048  }
0xb6: {  	_ =	sfence  }
0xb7: {  	s30 =	sld [smem:$0x0];
	_ =	sdelay $0x2  }
0xb8: {  	s31 =	sshll.u32 s1, $0xD;
	s1 =	sshrl.u32 s1, $0x2  }
0xb9: {  	s3 =	sand.u32 $0x4000, s31;
	s1 =	sadd.s32 s1, s30  }
0xba: {  	s0 =	sor.u32 s3, s0;
	s1 =	sshll.u32 s1, $0x11  }
0xbb: {  	s0 =	sor.u32 s1, s0  }
0xbc: {  	s0 =	sadd.s32 $0x8F2B, s0  }
0xbd: {  	[sflag:s0] =	ssyncadd.remote.s32 $0x1  }
0xbe: {  	_ =	sfence.sel $0xFFFF  }
0xbf: {  	[dreg:$0x0] =	wrdreg $0xFFFFFFFF;
	(pc) =	sbr.abs _section_cstart, $3  }
0xc0: {  	[dreg:$0x1] =	wrdreg $0xFFFFFFFF  }
0xc1: {  	_ =	task.clear_ibuf [dreg:s7], $0x2FFFF;
	_ =	strace $0x9FFFFFFF  }
0xc2: {  	(tm) =	ssettm $0x7FFFFFFF  }
0xc3: {  	_ =	shalt  }
tec
execute0_lowered:
.L_overlay_start_1:
0x0: {  	(tag) =	ssettag $0x1  }
0x1: {  	s2 =	rddreg [dreg:$0x0]  }
0x2: {  	s0 =	rddreg [dreg:$0x1]  }
0x3: {  	s1 =	srdreg.scid;
	s6 =	stileid.u32  }
0x4: {  	s3 =	simm.s32 $0x0;
	s19 =	simm.s32 $0x3;
	s8 =	simm.s32 $0x680  }
0x5: {  	s9 =	simm.s32 $0xE80;
	s10 =	simm.s32 $0x1680;
	s11 =	simm.s32 $0x1E80  }
0x6: {  	s23 =	simm.s32 $0x7E80;
	s24 =	simm.s32 $0x8680;
	s28 =	simm.s32 $0x9E80  }
0x7: {  	s29 =	simm.s32 $0xA680;
	s30 =	simm.s32 $0xAE80;
	s31 =	simm.s32 $0xB680  }
0x8: {  	s12 =	simm.s32 $0xEE80;
	s13 =	simm.s32 $0xF680;
	s14 =	simm.s32 $0xFE80  }
0x9: {  	s15 =	simm.s32 $0x1;
	s16 =	simm.s32 $0x2;
	s17 =	simm.s32 $0x0  }
0xa: {  	s1 =	sand.u32 $0x1, s1;
	s4 =	sshll.u32 s6, $0x1;
	[smem:$0x7FF] =	sst s3  }
0xb: {  	s6 =	sshll.u32 s6, $0x6;
	s4 =	sor.u32 s1, s4;
	_ =	strace $0x80000047  }
0xc: {  	s6 =	sand.u32 $0x300, s6;
	s1 =	ssub.s32 $0x2, s1;
	s5 =	smul.u32 $0xC4, s4  }
0xd: {  	s4 =	sshll.u32 s4, $0x4;
	s6 =	sadd.s32 s6, s0;
	s7 =	sshrl.u32 s1, $0x1  }
0xe: {  	s4 =	sand.u32 $0x70, s4;
	s1 =	ssub.s32 s1, s7;
	s7 =	simm.s32 $0xE680  }
0xf: {  	s0 =	sadd.s32 s5, s0;
	s4 =	sadd.s32 s4, s6;
	s26 =	smax.u32 s1, $0x1  }
0x10: {  	s1 =	simm.s32 $0xC680;
	s5 =	simm.s32 $0xD680;
	s6 =	simm.s32 $0xDE80  }
0x11: {  	v2 =	vlaneseq.u32;
	s0 =	sadd.s32 $0x1C00, s0;
	s25 =	sadd.s32 $0x3600, s4;
	[dreg:$0x5] =	wrdreg s26  }
0x12: {  	vm0 =	vmmov $0xffff;
	v1 =	vshrl.u32 v2, $0x3;
	s26 =	simm.s32 $0x9680;
	s4 =	simm.s32 $0xCE80;
	[dreg:$0x3] =	wrdreg s0  }
0x13: {  	v0 =	vand.u32 $0x7, v2;
	v2 =	vor.u32 $0x8, v2;
	v1 =	vmul.u32 $0x8, v1;
	[dreg:$0x4] =	wrdreg s25;
	s25 =	simm.s32 $0x8E80;
	s0 =	simm.s32 $0xBE80  }
.LBB2_1:
0x14: {  	s18 =	rddreg [dreg:$0x3]  }
0x15: {  	[tilespmem:s3], [sflag:$0x3] =	stream.linear.gather [hbm4b:s18+s3], $0x620, $0x38;
	[tilespmem:$0x10780] =	vst v63  }
0x16: {  	_ =	swait.ge [sflag:s19], $0x620  }
0x17: {  	[sflag:s19] =	ssyncset.done $0x0  }
0x18: {  	[sflag:s19] =	ssyncadd.s32 $0xFFFFF9E0  }
0x19: {  	v3 =	vld [tilespmem:$0x0];
	_ =	sdelay $0x4  }
0x1a: {  	v4 =	vshll.u32 v3, $0x1  }
0x1b: {  	v3 =	vand.u32 $0x7, v3;
	v4 =	vand.u32 $0xFFFFFFF0, v4  }
0x1c: {  	v3 =	vor.u32 v3, v4  }
0x1d: {  	v4 =	vperm.xlane v3, v0;
	_ =	sdelay $0x1  }
0x1e: {  	v3 =	vperm.xlane v3, v2;
	v4 =	vadd.s32 v1, v4;
	_ =	sdelay $0x1  }
0x1f: {  	v3 =	vadd.s32 v1, v3;
	_ =	sdelay $0x2  }
0x20: {  	[tilespmem:s8], [sflag:$0x1] =	stream.indirect_vreg.gather [hbm4b:s2+s3], $0x80, v4, vm0, $0xb8;
	[tilespmem:$0x10780] =	vst v63  }
0x21: {  	_ = 	snop  }
0x22: {  	[tilespmem:s9], [sflag:$0x1] =	stream.indirect_vreg.gather [hbm4b:s2+s3], $0x80, v3, vm0, $0xb8;
	[tilespmem:$0x10780] =	vst v63  }
0x23: {  	v3 =	vld [tilespmem:$0x10];
	_ =	sdelay $0x4  }
0x24: {  	v4 =	vshll.u32 v3, $0x1  }
0x25: {  	v3 =	vand.u32 $0x7, v3;
	v4 =	vand.u32 $0xFFFFFFF0, v4  }
0x26: {  	v3 =	vor.u32 v3, v4  }
0x27: {  	v4 =	vperm.xlane v3, v0;
	_ =	sdelay $0x1  }
0x28: {  	v3 =	vperm.xlane v3, v2;
	v4 =	vadd.s32 v1, v4;
	_ =	sdelay $0x1  }
0x29: {  	v3 =	vadd.s32 v1, v3;
	_ =	sdelay $0x2  }
0x2a: {  	[tilespmem:s10], [sflag:$0x1] =	stream.indirect_vreg.gather [hbm4b:s2+s3], $0x80, v4, vm0, $0xb8;
	[tilespmem:$0x10780] =	vst v63  }
0x2b: {  	_ = 	snop  }
0x2c: {  	[tilespmem:s11], [sflag:$0x1] =	stream.indirect_vreg.gather [hbm4b:s2+s3], $0x80, v3, vm0, $0xb8;
	[tilespmem:$0x10780] =	vst v63  }
0x2d: {  	v3 =	vld [tilespmem:$0x20];
	_ =	sdelay $0x4  }
0x2e: {  	v4 =	vshll.u32 v3, $0x1  }
0x2f: {  	v3 =	vand.u32 $0x7, v3;
	v4 =	vand.u32 $0xFFFFFFF0, v4  }
0x30: {  	v3 =	vor.u32 v3, v4  }
0x31: {  	v4 =	vperm.xlane v3, v0;
	_ =	sdelay $0x1  }
0x32: {  	v3 =	vperm.xlane v3, v2;
	v4 =	vadd.s32 v1, v4;
	_ =	sdelay $0x1  }
0x33: {  	v3 =	vadd.s32 v1, v3;
	_ =	sdelay $0x1  }
0x34: {  	s22 =	simm.s32 $0x2680  }
0x35: {  	[tilespmem:s22], [sflag:$0x1] =	stream.indirect_vreg.gather [hbm4b:s2+s3], $0x80, v4, vm0, $0xb8;
	[tilespmem:$0x10780] =	vst v63  }
0x36: {  	s19 =	simm.s32 $0x2E80  }
0x37: {  	[tilespmem:s19], [sflag:$0x1] =	stream.indirect_vreg.gather [hbm4b:s2+s3], $0x80, v3, vm0, $0xb8;
	[tilespmem:$0x10780] =	vst v63  }
0x38: {  	v3 =	vld [tilespmem:$0x30];
	_ =	sdelay $0x4  }
0x39: {  	v4 =	vshll.u32 v3, $0x1  }
0x3a: {  	v3 =	vand.u32 $0x7, v3;
	v4 =	vand.u32 $0xFFFFFFF0, v4  }
0x3b: {  	v3 =	vor.u32 v3, v4  }
0x3c: {  	v4 =	vperm.xlane v3, v0;
	_ =	sdelay $0x1  }
0x3d: {  	v3 =	vperm.xlane v3, v2;
	v4 =	vadd.s32 v1, v4;
	_ =	sdelay $0x1  }
0x3e: {  	v3 =	vadd.s32 v1, v3;
	_ =	sdelay $0x1  }
0x3f: {  	s20 =	simm.s32 $0x3680  }
0x40: {  	[tilespmem:s20], [sflag:$0x1] =	stream.indirect_vreg.gather [hbm4b:s2+s3], $0x80, v4, vm0, $0xb8;
	[tilespmem:$0x10780] =	vst v63  }
0x41: {  	s21 =	simm.s32 $0x3E80  }
0x42: {  	[tilespmem:s21], [sflag:$0x1] =	stream.indirect_vreg.gather [hbm4b:s2+s3], $0x80, v3, vm0, $0xb8;
	[tilespmem:$0x10780] =	vst v63  }
0x43: {  	v3 =	vld [tilespmem:$0x40];
	_ =	sdelay $0x4  }
0x44: {  	v4 =	vshll.u32 v3, $0x1  }
0x45: {  	v3 =	vand.u32 $0x7, v3;
	v4 =	vand.u32 $0xFFFFFFF0, v4  }
0x46: {  	v3 =	vor.u32 v3, v4  }
0x47: {  	v4 =	vperm.xlane v3, v0;
	_ =	sdelay $0x1  }
0x48: {  	v3 =	vperm.xlane v3, v2;
	v4 =	vadd.s32 v1, v4;
	_ =	sdelay $0x1  }
0x49: {  	v3 =	vadd.s32 v1, v3;
	_ =	sdelay $0x1  }
0x4a: {  	s22 =	simm.s32 $0x4680  }
0x4b: {  	[tilespmem:s22], [sflag:$0x1] =	stream.indirect_vreg.gather [hbm4b:s2+s3], $0x80, v4, vm0, $0xb8;
	[tilespmem:$0x10780] =	vst v63  }
0x4c: {  	s19 =	simm.s32 $0x4E80  }
0x4d: {  	[tilespmem:s19], [sflag:$0x1] =	stream.indirect_vreg.gather [hbm4b:s2+s3], $0x80, v3, vm0, $0xb8;
	[tilespmem:$0x10780] =	vst v63  }
0x4e: {  	v3 =	vld [tilespmem:$0x50];
	_ =	sdelay $0x4  }
0x4f: {  	v4 =	vshll.u32 v3, $0x1  }
0x50: {  	v3 =	vand.u32 $0x7, v3;
	v4 =	vand.u32 $0xFFFFFFF0, v4  }
0x51: {  	v3 =	vor.u32 v3, v4  }
0x52: {  	v4 =	vperm.xlane v3, v0;
	_ =	sdelay $0x1  }
0x53: {  	v3 =	vperm.xlane v3, v2;
	v4 =	vadd.s32 v1, v4;
	_ =	sdelay $0x1  }
0x54: {  	v3 =	vadd.s32 v1, v3;
	_ =	sdelay $0x1  }
0x55: {  	s20 =	simm.s32 $0x5680  }
0x56: {  	[tilespmem:s20], [sflag:$0x1] =	stream.indirect_vreg.gather [hbm4b:s2+s3], $0x80, v4, vm0, $0xb8;
	[tilespmem:$0x10780] =	vst v63  }
0x57: {  	s21 =	simm.s32 $0x5E80  }
0x58: {  	[tilespmem:s21], [sflag:$0x1] =	stream.indirect_vreg.gather [hbm4b:s2+s3], $0x80, v3, vm0, $0xb8;
	[tilespmem:$0x10780] =	vst v63  }
0x59: {  	v3 =	vld [tilespmem:$0x60];
	_ =	sdelay $0x4  }
0x5a: {  	v4 =	vshll.u32 v3, $0x1  }
0x5b: {  	v3 =	vand.u32 $0x7, v3;
	v4 =	vand.u32 $0xFFFFFFF0, v4  }
0x5c: {  	v3 =	vor.u32 v3, v4  }
0x5d: {  	v4 =	vperm.xlane v3, v0;
	_ =	sdelay $0x1  }
0x5e: {  	v3 =	vperm.xlane v3, v2;
	v4 =	vadd.s32 v1, v4;
	_ =	sdelay $0x1  }
0x5f: {  	v3 =	vadd.s32 v1, v3;
	_ =	sdelay $0x1  }
0x60: {  	s22 =	simm.s32 $0x6680  }
0x61: {  	[tilespmem:s22], [sflag:$0x1] =	stream.indirect_vreg.gather [hbm4b:s2+s3], $0x80, v4, vm0, $0xb8;
	[tilespmem:$0x10780] =	vst v63  }
0x62: {  	s19 =	simm.s32 $0x6E80  }
0x63: {  	[tilespmem:s19], [sflag:$0x1] =	stream.indirect_vreg.gather [hbm4b:s2+s3], $0x80, v3, vm0, $0xb8;
	[tilespmem:$0x10780] =	vst v63  }
0x64: {  	v3 =	vld [tilespmem:$0x70];
	_ =	sdelay $0x4  }
0x65: {  	v4 =	vshll.u32 v3, $0x1  }
0x66: {  	v3 =	vand.u32 $0x7, v3;
	v4 =	vand.u32 $0xFFFFFFF0, v4  }
0x67: {  	v3 =	vor.u32 v3, v4  }
0x68: {  	v4 =	vperm.xlane v3, v0;
	_ =	sdelay $0x1  }
0x69: {  	v3 =	vperm.xlane v3, v2;
	v4 =	vadd.s32 v1, v4;
	_ =	sdelay $0x1  }
0x6a: {  	v3 =	vadd.s32 v1, v3;
	_ =	sdelay $0x1  }
0x6b: {  	s20 =	simm.s32 $0x7680  }
0x6c: {  	[tilespmem:s20], [sflag:$0x1] =	stream.indirect_vreg.gather [hbm4b:s2+s3], $0x80, v4, vm0, $0xb8;
	[tilespmem:$0x10780] =	vst v63  }
0x6d: {  	_ = 	snop  }
0x6e: {  	[tilespmem:s23], [sflag:$0x1] =	stream.indirect_vreg.gather [hbm4b:s2+s3], $0x80, v3, vm0, $0xb8;
	[tilespmem:$0x10780] =	vst v63  }
0x6f: {  	v3 =	vld [tilespmem:$0x80];
	_ =	sdelay $0x4  }
0x70: {  	v4 =	vshll.u32 v3, $0x1  }
0x71: {  	v3 =	vand.u32 $0x7, v3;
	v4 =	vand.u32 $0xFFFFFFF0, v4  }
0x72: {  	v3 =	vor.u32 v3, v4  }
0x73: {  	v4 =	vperm.xlane v3, v0;
	_ =	sdelay $0x1  }
0x74: {  	v3 =	vperm.xlane v3, v2;
	v4 =	vadd.s32 v1, v4;
	_ =	sdelay $0x1  }
0x75: {  	v3 =	vadd.s32 v1, v3;
	_ =	sdelay $0x2  }
0x76: {  	[tilespmem:s24], [sflag:$0x2] =	stream.indirect_vreg.gather [hbm4b:s2+s3], $0x80, v4, vm0, $0xb8;
	[tilespmem:$0x10780] =	vst v63  }
0x77: {  	_ = 	snop  }
0x78: {  	[tilespmem:s25], [sflag:$0x2] =	stream.indirect_vreg.gather [hbm4b:s2+s3], $0x80, v3, vm0, $0xb8;
	[tilespmem:$0x10780] =	vst v63  }
0x79: {  	v3 =	vld [tilespmem:$0x90];
	_ =	sdelay $0x4  }
0x7a: {  	v4 =	vshll.u32 v3, $0x1  }
0x7b: {  	v3 =	vand.u32 $0x7, v3;
	v4 =	vand.u32 $0xFFFFFFF0, v4  }
0x7c: {  	v3 =	vor.u32 v3, v4  }
0x7d: {  	v4 =	vperm.xlane v3, v0;
	_ =	sdelay $0x1  }
0x7e: {  	v3 =	vperm.xlane v3, v2;
	v4 =	vadd.s32 v1, v4;
	_ =	sdelay $0x1  }
0x7f: {  	v3 =	vadd.s32 v1, v3;
	_ =	sdelay $0x2  }
0x80: {  	[tilespmem:s26], [sflag:$0x2] =	stream.indirect_vreg.gather [hbm4b:s2+s3], $0x80, v4, vm0, $0xb8;
	[tilespmem:$0x10780] =	vst v63  }
0x81: {  	_ = 	snop  }
0x82: {  	[tilespmem:s28], [sflag:$0x2] =	stream.indirect_vreg.gather [hbm4b:s2+s3], $0x80, v3, vm0, $0xb8;
	[tilespmem:$0x10780] =	vst v63  }
0x83: {  	v3 =	vld [tilespmem:$0xA0];
	_ =	sdelay $0x4  }
0x84: {  	v4 =	vshll.u32 v3, $0x1  }
0x85: {  	v3 =	vand.u32 $0x7, v3;
	v4 =	vand.u32 $0xFFFFFFF0, v4  }
0x86: {  	v3 =	vor.u32 v3, v4  }
0x87: {  	v4 =	vperm.xlane v3, v0;
	_ =	sdelay $0x1  }
0x88: {  	v3 =	vperm.xlane v3, v2;
	v4 =	vadd.s32 v1, v4;
	_ =	sdelay $0x1  }
0x89: {  	v3 =	vadd.s32 v1, v3;
	_ =	sdelay $0x2  }
0x8a: {  	[tilespmem:s29], [sflag:$0x2] =	stream.indirect_vreg.gather [hbm4b:s2+s3], $0x80, v4, vm0, $0xb8;
	[tilespmem:$0x10780] =	vst v63  }
0x8b: {  	_ = 	snop  }
0x8c: {  	[tilespmem:s30], [sflag:$0x2] =	stream.indirect_vreg.gather [hbm4b:s2+s3], $0x80, v3, vm0, $0xb8;
	[tilespmem:$0x10780] =	vst v63  }
0x8d: {  	v3 =	vld [tilespmem:$0xB0];
	_ =	sdelay $0x4  }
0x8e: {  	v4 =	vshll.u32 v3, $0x1  }
0x8f: {  	v3 =	vand.u32 $0x7, v3;
	v4 =	vand.u32 $0xFFFFFFF0, v4  }
0x90: {  	v3 =	vor.u32 v3, v4  }
0x91: {  	v4 =	vperm.xlane v3, v0;
	_ =	sdelay $0x1  }
0x92: {  	v3 =	vperm.xlane v3, v2;
	v4 =	vadd.s32 v1, v4;
	_ =	sdelay $0x1  }
0x93: {  	v3 =	vadd.s32 v1, v3;
	_ =	sdelay $0x2  }
0x94: {  	[tilespmem:s31], [sflag:$0x2] =	stream.indirect_vreg.gather [hbm4b:s2+s3], $0x80, v4, vm0, $0xb8;
	[tilespmem:$0x10780] =	vst v63  }
0x95: {  	_ = 	snop  }
0x96: {  	[tilespmem:s0], [sflag:$0x2] =	stream.indirect_vreg.gather [hbm4b:s2+s3], $0x80, v3, vm0, $0xb8;
	[tilespmem:$0x10780] =	vst v63  }
0x97: {  	v3 =	vld [tilespmem:$0xC0];
	_ =	sdelay $0x4  }
0x98: {  	v4 =	vshll.u32 v3, $0x1  }
0x99: {  	v3 =	vand.u32 $0x7, v3;
	v4 =	vand.u32 $0xFFFFFFF0, v4  }
0x9a: {  	v3 =	vor.u32 v3, v4  }
0x9b: {  	v4 =	vperm.xlane v3, v0;
	_ =	sdelay $0x1  }
0x9c: {  	v3 =	vperm.xlane v3, v2;
	v4 =	vadd.s32 v1, v4;
	_ =	sdelay $0x1  }
0x9d: {  	v3 =	vadd.s32 v1, v3;
	_ =	sdelay $0x2  }
0x9e: {  	[tilespmem:s1], [sflag:$0x2] =	stream.indirect_vreg.gather [hbm4b:s2+s3], $0x80, v4, vm0, $0xb8;
	[tilespmem:$0x10780] =	vst v63  }
0x9f: {  	_ = 	snop  }
0xa0: {  	[tilespmem:s4], [sflag:$0x2] =	stream.indirect_vreg.gather [hbm4b:s2+s3], $0x80, v3, vm0, $0xb8;
	[tilespmem:$0x10780] =	vst v63  }
0xa1: {  	v3 =	vld [tilespmem:$0xD0];
	_ =	sdelay $0x4  }
0xa2: {  	v4 =	vshll.u32 v3, $0x1  }
0xa3: {  	v3 =	vand.u32 $0x7, v3;
	v4 =	vand.u32 $0xFFFFFFF0, v4  }
0xa4: {  	v3 =	vor.u32 v3, v4  }
0xa5: {  	v4 =	vperm.xlane v3, v0;
	_ =	sdelay $0x1  }
0xa6: {  	v3 =	vperm.xlane v3, v2;
	v4 =	vadd.s32 v1, v4;
	_ =	sdelay $0x1  }
0xa7: {  	v3 =	vadd.s32 v1, v3;
	_ =	sdelay $0x2  }
0xa8: {  	[tilespmem:s5], [sflag:$0x2] =	stream.indirect_vreg.gather [hbm4b:s2+s3], $0x80, v4, vm0, $0xb8;
	[tilespmem:$0x10780] =	vst v63  }
0xa9: {  	_ = 	snop  }
0xaa: {  	[tilespmem:s6], [sflag:$0x2] =	stream.indirect_vreg.gather [hbm4b:s2+s3], $0x80, v3, vm0, $0xb8;
	[tilespmem:$0x10780] =	vst v63  }
0xab: {  	v3 =	vld [tilespmem:$0xE0];
	_ =	sdelay $0x4  }
0xac: {  	v4 =	vshll.u32 v3, $0x1  }
0xad: {  	v3 =	vand.u32 $0x7, v3;
	v4 =	vand.u32 $0xFFFFFFF0, v4  }
0xae: {  	v3 =	vor.u32 v3, v4  }
0xaf: {  	v4 =	vperm.xlane v3, v0;
	_ =	sdelay $0x1  }
0xb0: {  	v3 =	vperm.xlane v3, v2;
	v4 =	vadd.s32 v1, v4;
	_ =	sdelay $0x1  }
0xb1: {  	v3 =	vadd.s32 v1, v3;
	_ =	sdelay $0x2  }
0xb2: {  	[tilespmem:s7], [sflag:$0x2] =	stream.indirect_vreg.gather [hbm4b:s2+s3], $0x80, v4, vm0, $0xb8;
	[tilespmem:$0x10780] =	vst v63  }
0xb3: {  	_ = 	snop  }
0xb4: {  	[tilespmem:s12], [sflag:$0x2] =	stream.indirect_vreg.gather [hbm4b:s2+s3], $0x80, v3, vm0, $0xb8;
	[tilespmem:$0x10780] =	vst v63  }
0xb5: {  	v3 =	vld [tilespmem:$0xF0];
	_ =	sdelay $0x4  }
0xb6: {  	v4 =	vshll.u32 v3, $0x1  }
0xb7: {  	v3 =	vand.u32 $0x7, v3;
	v4 =	vand.u32 $0xFFFFFFF0, v4  }
0xb8: {  	v3 =	vor.u32 v3, v4  }
0xb9: {  	v4 =	vperm.xlane v3, v0;
	_ =	sdelay $0x1  }
0xba: {  	v3 =	vperm.xlane v3, v2;
	v4 =	vadd.s32 v1, v4;
	_ =	sdelay $0x1  }
0xbb: {  	v3 =	vadd.s32 v1, v3;
	_ =	sdelay $0x2  }
0xbc: {  	[tilespmem:s13], [sflag:$0x2] =	stream.indirect_vreg.gather [hbm4b:s2+s3], $0x80, v4, vm0, $0xb8;
	[tilespmem:$0x10780] =	vst v63  }
0xbd: {  	_ = 	snop  }
0xbe: {  	[tilespmem:s14], [sflag:$0x2] =	stream.indirect_vreg.gather [hbm4b:s2+s3], $0x80, v3, vm0, $0xb8;
	[tilespmem:$0x10780] =	vst v63  }
0xbf: {  	_ =	swait.ge [sflag:s15], $0x8000  }
0xc0: {  	s21 =	sand.u32 $0x7800, s3;
	s22 =	sand.u32 $0x380, s3;
	[sflag:s15] =	ssyncset.done $0x0  }
0xc1: {  	s18 =	sor.u32 s22, s21;
	[sflag:s15] =	ssyncadd.s32 $0xFFFF8000  }
0xc2: {  	v3 =	vld [tilespmem:s18+$0xAF0]  }
0xc3: {  	v4 =	vld [tilespmem:s18+$0x680]  }
0xc4: {  	v6 =	vld [tilespmem:s18+$0x690]  }
0xc5: {  	v7 =	vld [tilespmem:s18+$0x6A0]  }
0xc6: {  	v8 =	vld [tilespmem:s18+$0x6B0]  }
0xc7: {  	v9 =	vld [tilespmem:s18+$0x6C0]  }
0xc8: {  	v10 =	vld [tilespmem:s18+$0x6D0]  }
0xc9: {  	v12 =	vld [tilespmem:s18+$0x6E0]  }
0xca: {  	v13 =	vimm.f32 $0.0e+00;
	v14 =	vld [tilespmem:s18+$0x6F0]  }
0xcb: {  	v15 =	vld [tilespmem:s18+$0xA80];
	v5 =	vadd.f32 v3, v13  }
0xcc: {  	v20 =	vld [tilespmem:s18+$0xA90];
	v11 =	vadd.f32 v4, v13;
	v6 =	vadd.f32 v6, v13  }
0xcd: {  	v18 =	vimm.f32 $0.0e+00;
	v21 =	vld [tilespmem:s18+$0xAA0];
	v7 =	vadd.f32 v7, v13;
	v3 =	vadd.f32 v8, v13  }
0xce: {  	v16 =	vimm.f32 $0.0e+00;
	v19 =	vld [tilespmem:s18+$0xAB0];
	v8 =	vadd.f32 v9, v13;
	v4 =	vadd.f32 v10, v13  }
0xcf: {  	v17 =	vimm.f32 $0.0e+00;
	s19 =	simm.s32 $0x80;
	s20 =	simm.s32 $0x100;
	v22 =	vld [tilespmem:s18+$0xAC0];
	v9 =	vadd.f32 v12, v13;
	v10 =	vadd.f32 v14, v13  }
0xd0: {  	s22 =	sand.u32 $0x380, s19;
	s21 =	sand.u32 $0x7800, s20;
	s20 =	simm.s32 $0x200;
	v23 =	vld [tilespmem:s18+$0xAD0];
	v12 =	vadd.f32 v15, v13;
	v15 =	vimm.f32 $0.0e+00;
	v14 =	vimm.f32 $0.0e+00  }
.LBB2_2:
0xd1: {  	p0 =	sne.s32 s20, $0x7F00;
	v13 =	vadd.f32 v20, v13;
	v20 =	vld [tilespmem:s18+$0xAE0];
	s18 =	sor.u32 s22, s21  }
0xd2: {  	v24 =	vld [tilespmem:s18+$0xAF0];
	v15 =	vadd.f32 v21, v15  }
0xd3: {  	v21 =	vld [tilespmem:s18+$0x680];
	v14 =	vadd.f32 v19, v14  }
0xd4: {  	v19 =	vld [tilespmem:s18+$0x690];
	v18 =	vadd.f32 v22, v18  }
0xd5: {  	v22 =	vld [tilespmem:s18+$0x6A0];
	v16 =	vadd.f32 v23, v16  }
0xd6: {  	v23 =	vld [tilespmem:s18+$0x6B0];
	v17 =	vadd.f32 v20, v17  }
0xd7: {  	v20 =	vld [tilespmem:s18+$0x6C0];
	v5 =	vadd.f32 v24, v5  }
0xd8: {  	v11 =	vadd.f32 v21, v11;
	v21 =	vld [tilespmem:s18+$0x6D0]  }
0xd9: {  	v6 =	vadd.f32 v19, v6;
	v19 =	vld [tilespmem:s18+$0x6E0]  }
0xda: {  	v7 =	vadd.f32 v22, v7;
	v22 =	vld [tilespmem:s18+$0x6F0]  }
0xdb: {  	v3 =	vadd.f32 v23, v3;
	v23 =	vld [tilespmem:s18+$0xA80]  }
.Ltmp0:
0xdc: {  	v8 =	vadd.f32 v20, v8;
	v20 =	vld [tilespmem:s18+$0xA90];
	(pc) =	sbr.rel @p0 .LBB2_2-.Ltmp0, $4  }
0xdd: {  	v4 =	vadd.f32 v21, v4;
	v21 =	vld [tilespmem:s18+$0xAA0]  }
0xde: {  	v9 =	vadd.f32 v19, v9;
	v19 =	vld [tilespmem:s18+$0xAB0]  }
0xdf: {  	s19 =	sadd.s32 $0x80, s19;
	v10 =	vadd.f32 v22, v10;
	v22 =	vld [tilespmem:s18+$0xAC0]  }
0xe0: {  	s21 =	sand.u32 $0x7800, s20;
	s20 =	sadd.s32 $0x100, s20;
	s22 =	sand.u32 $0x380, s19;
	v12 =	vadd.f32 v23, v12;
	v23 =	vld [tilespmem:s18+$0xAD0]  }
0xe1: {  	v24 =	vld [tilespmem:s18+$0xAE0]  }
0xe2: {  	s19 =	sor.u32 s22, s21;
	v27 =	vld [tilespmem:$0x100]  }
0xe3: {  	v25 =	vld [tilespmem:s19+$0xAF0]  }
0xe4: {  	v26 =	vld [tilespmem:s19+$0x680]  }
0xe5: {  	v28 =	vld [tilespmem:s19+$0x690]  }
0xe6: {  	v29 =	vld [tilespmem:s19+$0x6A0]  }
0xe7: {  	v30 =	vld [tilespmem:s19+$0x6B0]  }
0xe8: {  	v31 =	vld [tilespmem:s19+$0x6C0];
	v33 =	vshll.u32 v27, $0x1  }
0xe9: {  	v32 =	vld [tilespmem:s19+$0x6D0];
	v27 =	vand.u32 $0x7, v27;
	v33 =	vand.u32 $0xFFFFFFF0, v33  }
0xea: {  	v34 =	vld [tilespmem:s19+$0x6E0];
	v27 =	vor.u32 v27, v33  }
0xeb: {  	v35 =	vld [tilespmem:s19+$0x6F0];
	v36 =	vperm.xlane v27, v0  }
0xec: {  	v63 =	vld [tilespmem:s19+$0xA80]  }
0xed: {  	v37 =	vld [tilespmem:s19+$0xA90];
	v27 =	vperm.xlane v27, v2;
	v36 =	vadd.s32 v1, v36  }
0xee: {  	v38 =	vld [tilespmem:s19+$0xAA0]  }
0xef: {  	v39 =	vld [tilespmem:s19+$0xAB0];
	v27 =	vadd.s32 v1, v27  }
0xf0: {  	v40 =	vld [tilespmem:s19+$0xAC0]  }
0xf1: {  	s18 =	simm.s32 $0x0;
	v41 =	vld [tilespmem:s19+$0xAD0]  }
0xf2: {  	v42 =	vld [tilespmem:s19+$0xAE0];
	[tilespmem:s8], [sflag:$0x1] =	stream.indirect_vreg.gather [hbm4b:s2+s18], $0x80, v36, vm0, $0xb8  }
0xf3: {  	_ = 	snop  }
0xf4: {  	[tilespmem:s9], [sflag:$0x1] =	stream.indirect_vreg.gather [hbm4b:s2+s18], $0x80, v27, vm0, $0xb8;
	[tilespmem:$0x10780] =	vst v63  }
0xf5: {  	v27 =	vld [tilespmem:$0x110];
	_ =	sdelay $0x4  }
0xf6: {  	v44 =	vshll.u32 v27, $0x1  }
0xf7: {  	v27 =	vand.u32 $0x7, v27;
	v36 =	vand.u32 $0xFFFFFFF0, v44  }
0xf8: {  	v27 =	vor.u32 v27, v36  }
0xf9: {  	v36 =	vperm.xlane v27, v0;
	_ =	sdelay $0x1  }
0xfa: {  	v27 =	vperm.xlane v27, v2;
	v36 =	vadd.s32 v1, v36;
	_ =	sdelay $0x1  }
0xfb: {  	v27 =	vadd.s32 v1, v27;
	_ =	sdelay $0x2  }
0xfc: {  	[tilespmem:s10], [sflag:$0x1] =	stream.indirect_vreg.gather [hbm4b:s2+s18], $0x80, v36, vm0, $0xb8;
	[tilespmem:$0x10780] =	vst v63  }
0xfd: {  	_ = 	snop  }
0xfe: {  	[tilespmem:s11], [sflag:$0x1] =	stream.indirect_vreg.gather [hbm4b:s2+s18], $0x80, v27, vm0, $0xb8;
	[tilespmem:$0x10780] =	vst v63  }
0xff: {  	v27 =	vld [tilespmem:$0x120];
	_ =	sdelay $0x4  }
0x100: {  	v45 =	vshll.u32 v27, $0x1  }
0x101: {  	v27 =	vand.u32 $0x7, v27;
	v36 =	vand.u32 $0xFFFFFFF0, v45  }
0x102: {  	v27 =	vor.u32 v27, v36  }
0x103: {  	v36 =	vperm.xlane v27, v0;
	_ =	sdelay $0x1  }
0x104: {  	v27 =	vperm.xlane v27, v2;
	v36 =	vadd.s32 v1, v36;
	_ =	sdelay $0x1  }
0x105: {  	v27 =	vadd.s32 v1, v27;
	_ =	sdelay $0x1  }
0x106: {  	s20 =	simm.s32 $0x2680  }
0x107: {  	[tilespmem:s20], [sflag:$0x1] =	stream.indirect_vreg.gather [hbm4b:s2+s18], $0x80, v36, vm0, $0xb8;
	[tilespmem:$0x10780] =	vst v63  }
0x108: {  	s21 =	simm.s32 $0x2E80  }
0x109: {  	[tilespmem:s21], [sflag:$0x1] =	stream.indirect_vreg.gather [hbm4b:s2+s18], $0x80, v27, vm0, $0xb8;
	[tilespmem:$0x10780] =	vst v63  }
0x10a: {  	v27 =	vld [tilespmem:$0x130];
	_ =	sdelay $0x4  }
0x10b: {  	v46 =	vshll.u32 v27, $0x1  }
0x10c: {  	v27 =	vand.u32 $0x7, v27;
	v36 =	vand.u32 $0xFFFFFFF0, v46  }
0x10d: {  	v27 =	vor.u32 v27, v36  }
0x10e: {  	v36 =	vperm.xlane v27, v0;
	_ =	sdelay $0x1  }
0x10f: {  	v27 =	vperm.xlane v27, v2;
	v36 =	vadd.s32 v1, v36;
	_ =	sdelay $0x1  }
0x110: {  	v27 =	vadd.s32 v1, v27;
	_ =	sdelay $0x1  }
0x111: {  	s22 =	simm.s32 $0x3680  }
0x112: {  	[tilespmem:s22], [sflag:$0x1] =	stream.indirect_vreg.gather [hbm4b:s2+s18], $0x80, v36, vm0, $0xb8;
	[tilespmem:$0x10780] =	vst v63  }
0x113: {  	s20 =	simm.s32 $0x3E80  }
0x114: {  	[tilespmem:s20], [sflag:$0x1] =	stream.indirect_vreg.gather [hbm4b:s2+s18], $0x80, v27, vm0, $0xb8;
	[tilespmem:$0x10780] =	vst v63  }
0x115: {  	v27 =	vld [tilespmem:$0x140];
	_ =	sdelay $0x4  }
0x116: {  	v47 =	vshll.u32 v27, $0x1  }
0x117: {  	v27 =	vand.u32 $0x7, v27;
	v36 =	vand.u32 $0xFFFFFFF0, v47  }
0x118: {  	v27 =	vor.u32 v27, v36  }
0x119: {  	v36 =	vperm.xlane v27, v0;
	_ =	sdelay $0x1  }
0x11a: {  	v27 =	vperm.xlane v27, v2;
	v36 =	vadd.s32 v1, v36;
	_ =	sdelay $0x1  }
0x11b: {  	v27 =	vadd.s32 v1, v27;
	_ =	sdelay $0x1  }
0x11c: {  	s21 =	simm.s32 $0x4680  }
0x11d: {  	[tilespmem:s21], [sflag:$0x1] =	stream.indirect_vreg.gather [hbm4b:s2+s18], $0x80, v36, vm0, $0xb8;
	[tilespmem:$0x10780] =	vst v63  }
0x11e: {  	s22 =	simm.s32 $0x4E80  }
0x11f: {  	[tilespmem:s22], [sflag:$0x1] =	stream.indirect_vreg.gather [hbm4b:s2+s18], $0x80, v27, vm0, $0xb8;
	[tilespmem:$0x10780] =	vst v63  }
0x120: {  	v27 =	vld [tilespmem:$0x150];
	_ =	sdelay $0x4  }
0x121: {  	v48 =	vshll.u32 v27, $0x1  }
0x122: {  	v27 =	vand.u32 $0x7, v27;
	v36 =	vand.u32 $0xFFFFFFF0, v48  }
0x123: {  	v27 =	vor.u32 v27, v36  }
0x124: {  	v36 =	vperm.xlane v27, v0;
	_ =	sdelay $0x1  }
0x125: {  	v27 =	vperm.xlane v27, v2;
	v36 =	vadd.s32 v1, v36;
	_ =	sdelay $0x1  }
0x126: {  	v27 =	vadd.s32 v1, v27;
	_ =	sdelay $0x1  }
0x127: {  	s20 =	simm.s32 $0x5680  }
0x128: {  	[tilespmem:s20], [sflag:$0x1] =	stream.indirect_vreg.gather [hbm4b:s2+s18], $0x80, v36, vm0, $0xb8;
	[tilespmem:$0x10780] =	vst v63  }
0x129: {  	s21 =	simm.s32 $0x5E80  }
0x12a: {  	[tilespmem:s21], [sflag:$0x1] =	stream.indirect_vreg.gather [hbm4b:s2+s18], $0x80, v27, vm0, $0xb8;
	[tilespmem:$0x10780] =	vst v63  }
0x12b: {  	v27 =	vld [tilespmem:$0x160];
	_ =	sdelay $0x4  }
0x12c: {  	v49 =	vshll.u32 v27, $0x1  }
0x12d: {  	v27 =	vand.u32 $0x7, v27;
	v36 =	vand.u32 $0xFFFFFFF0, v49  }
0x12e: {  	v27 =	vor.u32 v27, v36  }
0x12f: {  	v36 =	vperm.xlane v27, v0;
	_ =	sdelay $0x1  }
0x130: {  	v27 =	vperm.xlane v27, v2;
	v36 =	vadd.s32 v1, v36;
	_ =	sdelay $0x1  }
0x131: {  	v27 =	vadd.s32 v1, v27;
	_ =	sdelay $0x1  }
0x132: {  	s22 =	simm.s32 $0x6680  }
0x133: {  	[tilespmem:s22], [sflag:$0x1] =	stream.indirect_vreg.gather [hbm4b:s2+s18], $0x80, v36, vm0, $0xb8;
	[tilespmem:$0x10780] =	vst v63  }
0x134: {  	s20 =	simm.s32 $0x6E80  }
0x135: {  	[tilespmem:s20], [sflag:$0x1] =	stream.indirect_vreg.gather [hbm4b:s2+s18], $0x80, v27, vm0, $0xb8;
	[tilespmem:$0x10780] =	vst v63  }
0x136: {  	v27 =	vld [tilespmem:$0x170];
	_ =	sdelay $0x4  }
0x137: {  	v50 =	vshll.u32 v27, $0x1  }
0x138: {  	v27 =	vand.u32 $0x7, v27;
	v36 =	vand.u32 $0xFFFFFFF0, v50  }
0x139: {  	v27 =	vor.u32 v27, v36  }
0x13a: {  	v36 =	vperm.xlane v27, v0;
	_ =	sdelay $0x1  }
0x13b: {  	v27 =	vperm.xlane v27, v2;
	v36 =	vadd.s32 v1, v36;
	_ =	sdelay $0x1  }
0x13c: {  	v27 =	vadd.s32 v1, v27;
	_ =	sdelay $0x1  }
0x13d: {  	s21 =	simm.s32 $0x7680  }
0x13e: {  	[tilespmem:s21], [sflag:$0x1] =	stream.indirect_vreg.gather [hbm4b:s2+s18], $0x80, v36, vm0, $0xb8;
	[tilespmem:$0x10780] =	vst v63  }
0x13f: {  	_ = 	snop  }
0x140: {  	[tilespmem:s23], [sflag:$0x1] =	stream.indirect_vreg.gather [hbm4b:s2+s18], $0x80, v27, vm0, $0xb8;
	[tilespmem:$0x10780] =	vst v63  }
0x141: {  	_ =	swait.ge [sflag:s16], $0x8000  }
0x142: {  	s22 =	sand.u32 $0x7800, s18;
	s18 =	sand.u32 $0x380, s18;
	[sflag:s16] =	ssyncset.done $0x0  }
0x143: {  	v13 =	vadd.f32 v20, v13;
	v15 =	vadd.f32 v21, v15;
	s18 =	sor.u32 s18, s22;
	[sflag:s16] =	ssyncadd.s32 $0xFFFF8000  }
0x144: {  	v19 =	vadd.f32 v19, v14;
	v18 =	vadd.f32 v22, v18;
	v20 =	vld [tilespmem:s18+$0x8AF0]  }
0x145: {  	v16 =	vadd.f32 v23, v16;
	v17 =	vadd.f32 v24, v17;
	v21 =	vld [tilespmem:s18+$0x8680]  }
0x146: {  	v22 =	vadd.f32 v25, v5;
	v11 =	vadd.f32 v26, v11;
	v23 =	vld [tilespmem:s18+$0x8690]  }
0x147: {  	v51 =	vadd.f32 v28, v6;
	v52 =	vadd.f32 v29, v7;
	v53 =	vld [tilespmem:s18+$0x86A0]  }
0x148: {  	v54 =	vadd.f32 v30, v3;
	v55 =	vadd.f32 v31, v8;
	v56 =	vld [tilespmem:s18+$0x86B0]  }
0x149: {  	v57 =	vadd.f32 v32, v4;
	v58 =	vadd.f32 v34, v9;
	v59 =	vld [tilespmem:s18+$0x86C0]  }
0x14a: {  	v60 =	vadd.f32 v35, v10;
	v14 =	vadd.f32 v37, v13;
	v61 =	vld [tilespmem:s18+$0x86D0]  }
0x14b: {  	v15 =	vadd.f32 v38, v15;
	v3 =	vadd.f32 v39, v19;
	v62 =	vld [tilespmem:s18+$0x86E0]  }
0x14c: {  	v4 =	vadd.f32 v40, v18;
	v5 =	vadd.f32 v41, v16;
	v18 =	vld [tilespmem:s18+$0x86F0]  }
0x14d: {  	v33 =	vadd.f32 v63, v12;
	v6 =	vadd.f32 v42, v17;
	v63 =	vld [tilespmem:s18+$0x8A80]  }
0x14e: {  	v19 =	vld [tilespmem:s18+$0x8A90];
	v7 =	vadd.f32 v20, v22;
	v8 =	vadd.f32 v21, v11  }
0x14f: {  	v9 =	vadd.f32 v23, v51;
	v10 =	vadd.f32 v53, v52;
	v20 =	vld [tilespmem:s18+$0x8AA0]  }
0x150: {  	v11 =	vadd.f32 v56, v54;
	v12 =	vadd.f32 v59, v55;
	v21 =	vld [tilespmem:s18+$0x8AB0]  }
0x151: {  	s19 =	simm.s32 $0x80;
	s20 =	simm.s32 $0x100;
	v13 =	vadd.f32 v61, v57;
	v16 =	vadd.f32 v62, v58;
	v22 =	vld [tilespmem:s18+$0x8AC0]  }
0x152: {  	s21 =	sand.u32 $0x7800, s20;
	s20 =	simm.s32 $0x200;
	s22 =	sand.u32 $0x380, s19;
	v17 =	vadd.f32 v18, v60;
	v18 =	vadd.f32 v63, v33;
	v23 =	vld [tilespmem:s18+$0x8AD0]  }
.LBB2_4:
0x153: {  	p0 =	sne.s32 s20, $0x7F00;
	v14 =	vadd.f32 v19, v14;
	v19 =	vld [tilespmem:s18+$0x8AE0];
	s18 =	sor.u32 s22, s21  }
0x154: {  	v24 =	vld [tilespmem:s18+$0x8AF0];
	v15 =	vadd.f32 v20, v15  }
0x155: {  	v20 =	vld [tilespmem:s18+$0x8680];
	v3 =	vadd.f32 v21, v3  }
0x156: {  	v21 =	vld [tilespmem:s18+$0x8690];
	v4 =	vadd.f32 v22, v4  }
0x157: {  	v22 =	vld [tilespmem:s18+$0x86A0];
	v5 =	vadd.f32 v23, v5  }
0x158: {  	v23 =	vld [tilespmem:s18+$0x86B0];
	v6 =	vadd.f32 v19, v6  }
0x159: {  	v19 =	vld [tilespmem:s18+$0x86C0];
	v7 =	vadd.f32 v24, v7  }
0x15a: {  	v8 =	vadd.f32 v20, v8;
	v20 =	vld [tilespmem:s18+$0x86D0]  }
0x15b: {  	v9 =	vadd.f32 v21, v9;
	v21 =	vld [tilespmem:s18+$0x86E0]  }
0x15c: {  	v10 =	vadd.f32 v22, v10;
	v22 =	vld [tilespmem:s18+$0x86F0]  }
0x15d: {  	v11 =	vadd.f32 v23, v11;
	v23 =	vld [tilespmem:s18+$0x8A80]  }
.Ltmp1:
0x15e: {  	v12 =	vadd.f32 v19, v12;
	v19 =	vld [tilespmem:s18+$0x8A90];
	(pc) =	sbr.rel @p0 .LBB2_4-.Ltmp1, $4  }
0x15f: {  	v13 =	vadd.f32 v20, v13;
	v20 =	vld [tilespmem:s18+$0x8AA0]  }
0x160: {  	v16 =	vadd.f32 v21, v16;
	v21 =	vld [tilespmem:s18+$0x8AB0]  }
0x161: {  	s19 =	sadd.s32 $0x80, s19;
	v17 =	vadd.f32 v22, v17;
	v22 =	vld [tilespmem:s18+$0x8AC0]  }
0x162: {  	s21 =	sand.u32 $0x7800, s20;
	s20 =	sadd.s32 $0x100, s20;
	s22 =	sand.u32 $0x380, s19;
	v18 =	vadd.f32 v23, v18;
	v23 =	vld [tilespmem:s18+$0x8AD0]  }
0x163: {  	v24 =	vld [tilespmem:s18+$0x8AE0]  }
0x164: {  	s19 =	sor.u32 s22, s21;
	v27 =	vld [tilespmem:$0x180]  }
0x165: {  	v25 =	vld [tilespmem:s19+$0x8AF0]  }
0x166: {  	v26 =	vld [tilespmem:s19+$0x8680]  }
0x167: {  	v28 =	vld [tilespmem:s19+$0x8690]  }
0x168: {  	v29 =	vld [tilespmem:s19+$0x86A0]  }
0x169: {  	v30 =	vld [tilespmem:s19+$0x86B0]  }
0x16a: {  	v31 =	vld [tilespmem:s19+$0x86C0];
	v33 =	vshll.u32 v27, $0x1  }
0x16b: {  	v32 =	vld [tilespmem:s19+$0x86D0];
	v27 =	vand.u32 $0x7, v27;
	v33 =	vand.u32 $0xFFFFFFF0, v33  }
0x16c: {  	v34 =	vld [tilespmem:s19+$0x86E0];
	v27 =	vor.u32 v27, v33  }
0x16d: {  	v35 =	vld [tilespmem:s19+$0x86F0];
	v36 =	vperm.xlane v27, v0  }
0x16e: {  	v51 =	vld [tilespmem:s19+$0x8A80]  }
0x16f: {  	v37 =	vld [tilespmem:s19+$0x8A90];
	v27 =	vperm.xlane v27, v2;
	v36 =	vadd.s32 v1, v36  }
0x170: {  	v38 =	vld [tilespmem:s19+$0x8AA0]  }
0x171: {  	v39 =	vld [tilespmem:s19+$0x8AB0];
	v27 =	vadd.s32 v1, v27  }
0x172: {  	v40 =	vld [tilespmem:s19+$0x8AC0]  }
0x173: {  	s21 =	simm.s32 $0x0;
	v41 =	vld [tilespmem:s19+$0x8AD0]  }
0x174: {  	v42 =	vld [tilespmem:s19+$0x8AE0];
	[tilespmem:s24], [sflag:$0x2] =	stream.indirect_vreg.gather [hbm4b:s2+s21], $0x80, v36, vm0, $0xb8  }
0x175: {  	_ = 	snop  }
0x176: {  	[tilespmem:s25], [sflag:$0x2] =	stream.indirect_vreg.gather [hbm4b:s2+s21], $0x80, v27, vm0, $0xb8;
	[tilespmem:$0x10780] =	vst v63  }
0x177: {  	v27 =	vld [tilespmem:$0x190];
	_ =	sdelay $0x4  }
0x178: {  	v52 =	vshll.u32 v27, $0x1  }
0x179: {  	v27 =	vand.u32 $0x7, v27;
	v36 =	vand.u32 $0xFFFFFFF0, v52  }
0x17a: {  	v27 =	vor.u32 v27, v36  }
0x17b: {  	v36 =	vperm.xlane v27, v0;
	_ =	sdelay $0x1  }
0x17c: {  	v27 =	vperm.xlane v27, v2;
	v36 =	vadd.s32 v1, v36;
	_ =	sdelay $0x1  }
0x17d: {  	v27 =	vadd.s32 v1, v27;
	_ =	sdelay $0x2  }
0x17e: {  	[tilespmem:s26], [sflag:$0x2] =	stream.indirect_vreg.gather [hbm4b:s2+s21], $0x80, v36, vm0, $0xb8;
	[tilespmem:$0x10780] =	vst v63  }
0x17f: {  	_ = 	snop  }
0x180: {  	[tilespmem:s28], [sflag:$0x2] =	stream.indirect_vreg.gather [hbm4b:s2+s21], $0x80, v27, vm0, $0xb8;
	[tilespmem:$0x10780] =	vst v63  }
0x181: {  	v27 =	vld [tilespmem:$0x1A0];
	_ =	sdelay $0x4  }
0x182: {  	v53 =	vshll.u32 v27, $0x1  }
0x183: {  	v27 =	vand.u32 $0x7, v27;
	v36 =	vand.u32 $0xFFFFFFF0, v53  }
0x184: {  	v27 =	vor.u32 v27, v36  }
0x185: {  	v36 =	vperm.xlane v27, v0;
	_ =	sdelay $0x1  }
0x186: {  	v27 =	vperm.xlane v27, v2;
	v36 =	vadd.s32 v1, v36;
	_ =	sdelay $0x1  }
0x187: {  	v27 =	vadd.s32 v1, v27;
	_ =	sdelay $0x2  }
0x188: {  	[tilespmem:s29], [sflag:$0x2] =	stream.indirect_vreg.gather [hbm4b:s2+s21], $0x80, v36, vm0, $0xb8;
	[tilespmem:$0x10780] =	vst v63  }
0x189: {  	_ = 	snop  }
0x18a: {  	[tilespmem:s30], [sflag:$0x2] =	stream.indirect_vreg.gather [hbm4b:s2+s21], $0x80, v27, vm0, $0xb8;
	[tilespmem:$0x10780] =	vst v63  }
0x18b: {  	v27 =	vld [tilespmem:$0x1B0];
	_ =	sdelay $0x4  }
0x18c: {  	v54 =	vshll.u32 v27, $0x1  }
0x18d: {  	v27 =	vand.u32 $0x7, v27;
	v36 =	vand.u32 $0xFFFFFFF0, v54  }
0x18e: {  	v27 =	vor.u32 v27, v36  }
0x18f: {  	v36 =	vperm.xlane v27, v0;
	_ =	sdelay $0x1  }
0x190: {  	v27 =	vperm.xlane v27, v2;
	v36 =	vadd.s32 v1, v36;
	_ =	sdelay $0x1  }
0x191: {  	v27 =	vadd.s32 v1, v27;
	_ =	sdelay $0x2  }
0x192: {  	[tilespmem:s31], [sflag:$0x2] =	stream.indirect_vreg.gather [hbm4b:s2+s21], $0x80, v36, vm0, $0xb8;
	[tilespmem:$0x10780] =	vst v63  }
0x193: {  	_ = 	snop  }
0x194: {  	[tilespmem:s0], [sflag:$0x2] =	stream.indirect_vreg.gather [hbm4b:s2+s21], $0x80, v27, vm0, $0xb8;
	[tilespmem:$0x10780] =	vst v63  }
0x195: {  	v27 =	vld [tilespmem:$0x1C0];
	_ =	sdelay $0x4  }
0x196: {  	v55 =	vshll.u32 v27, $0x1  }
0x197: {  	v27 =	vand.u32 $0x7, v27;
	v36 =	vand.u32 $0xFFFFFFF0, v55  }
0x198: {  	v27 =	vor.u32 v27, v36  }
0x199: {  	v36 =	vperm.xlane v27, v0;
	_ =	sdelay $0x1  }
0x19a: {  	v27 =	vperm.xlane v27, v2;
	v36 =	vadd.s32 v1, v36;
	_ =	sdelay $0x1  }
0x19b: {  	v27 =	vadd.s32 v1, v27;
	_ =	sdelay $0x2  }
0x19c: {  	[tilespmem:s1], [sflag:$0x2] =	stream.indirect_vreg.gather [hbm4b:s2+s21], $0x80, v36, vm0, $0xb8;
	[tilespmem:$0x10780] =	vst v63  }
0x19d: {  	_ = 	snop  }
0x19e: {  	[tilespmem:s4], [sflag:$0x2] =	stream.indirect_vreg.gather [hbm4b:s2+s21], $0x80, v27, vm0, $0xb8;
	[tilespmem:$0x10780] =	vst v63  }
0x19f: {  	v27 =	vld [tilespmem:$0x1D0];
	_ =	sdelay $0x4  }
0x1a0: {  	v56 =	vshll.u32 v27, $0x1  }
0x1a1: {  	v27 =	vand.u32 $0x7, v27;
	v36 =	vand.u32 $0xFFFFFFF0, v56  }
0x1a2: {  	v27 =	vor.u32 v27, v36  }
0x1a3: {  	v36 =	vperm.xlane v27, v0;
	_ =	sdelay $0x1  }
0x1a4: {  	v27 =	vperm.xlane v27, v2;
	v36 =	vadd.s32 v1, v36;
	_ =	sdelay $0x1  }
0x1a5: {  	v27 =	vadd.s32 v1, v27;
	_ =	sdelay $0x2  }
0x1a6: {  	[tilespmem:s5], [sflag:$0x2] =	stream.indirect_vreg.gather [hbm4b:s2+s21], $0x80, v36, vm0, $0xb8;
	[tilespmem:$0x10780] =	vst v63  }
0x1a7: {  	_ = 	snop  }
0x1a8: {  	[tilespmem:s6], [sflag:$0x2] =	stream.indirect_vreg.gather [hbm4b:s2+s21], $0x80, v27, vm0, $0xb8;
	[tilespmem:$0x10780] =	vst v63  }
0x1a9: {  	v27 =	vld [tilespmem:$0x1E0];
	_ =	sdelay $0x4  }
0x1aa: {  	v57 =	vshll.u32 v27, $0x1  }
0x1ab: {  	v27 =	vand.u32 $0x7, v27;
	v36 =	vand.u32 $0xFFFFFFF0, v57  }
0x1ac: {  	v27 =	vor.u32 v27, v36  }
0x1ad: {  	v36 =	vperm.xlane v27, v0;
	_ =	sdelay $0x1  }
0x1ae: {  	v27 =	vperm.xlane v27, v2;
	v36 =	vadd.s32 v1, v36;
	_ =	sdelay $0x1  }
0x1af: {  	v27 =	vadd.s32 v1, v27;
	_ =	sdelay $0x2  }
0x1b0: {  	[tilespmem:s7], [sflag:$0x2] =	stream.indirect_vreg.gather [hbm4b:s2+s21], $0x80, v36, vm0, $0xb8;
	[tilespmem:$0x10780] =	vst v63  }
0x1b1: {  	_ = 	snop  }
0x1b2: {  	[tilespmem:s12], [sflag:$0x2] =	stream.indirect_vreg.gather [hbm4b:s2+s21], $0x80, v27, vm0, $0xb8;
	[tilespmem:$0x10780] =	vst v63  }
0x1b3: {  	v27 =	vld [tilespmem:$0x1F0];
	_ =	sdelay $0x4  }
0x1b4: {  	v58 =	vshll.u32 v27, $0x1  }
0x1b5: {  	v27 =	vand.u32 $0x7, v27;
	v36 =	vand.u32 $0xFFFFFFF0, v58  }
0x1b6: {  	v27 =	vor.u32 v27, v36  }
0x1b7: {  	v36 =	vperm.xlane v27, v0;
	_ =	sdelay $0x1  }
0x1b8: {  	v27 =	vperm.xlane v27, v2;
	v36 =	vadd.s32 v1, v36;
	_ =	sdelay $0x1  }
0x1b9: {  	v27 =	vadd.s32 v1, v27;
	_ =	sdelay $0x2  }
0x1ba: {  	[tilespmem:s13], [sflag:$0x2] =	stream.indirect_vreg.gather [hbm4b:s2+s21], $0x80, v36, vm0, $0xb8;
	[tilespmem:$0x10780] =	vst v63  }
0x1bb: {  	_ = 	snop  }
0x1bc: {  	[tilespmem:s14], [sflag:$0x2] =	stream.indirect_vreg.gather [hbm4b:s2+s21], $0x80, v27, vm0, $0xb8;
	[tilespmem:$0x10780] =	vst v63  }
0x1bd: {  	_ =	swait.ge [sflag:s15], $0x8000  }
0x1be: {  	s22 =	sand.u32 $0x7800, s21;
	s18 =	sand.u32 $0x380, s21;
	[sflag:s15] =	ssyncset.done $0x0  }
0x1bf: {  	v14 =	vadd.f32 v19, v14;
	v15 =	vadd.f32 v20, v15;
	s18 =	sor.u32 s18, s22;
	[sflag:s15] =	ssyncadd.s32 $0xFFFF8000  }
0x1c0: {  	v3 =	vadd.f32 v21, v3;
	v4 =	vadd.f32 v22, v4;
	v19 =	vld [tilespmem:s18+$0xAF0]  }
0x1c1: {  	v5 =	vadd.f32 v23, v5;
	v6 =	vadd.f32 v24, v6;
	v20 =	vld [tilespmem:s18+$0x680]  }
0x1c2: {  	v7 =	vadd.f32 v25, v7;
	v8 =	vadd.f32 v26, v8;
	v21 =	vld [tilespmem:s18+$0x690]  }
0x1c3: {  	v9 =	vadd.f32 v28, v9;
	v10 =	vadd.f32 v29, v10;
	v22 =	vld [tilespmem:s18+$0x6A0]  }
0x1c4: {  	v11 =	vadd.f32 v30, v11;
	v12 =	vadd.f32 v31, v12;
	v23 =	vld [tilespmem:s18+$0x6B0]  }
0x1c5: {  	v13 =	vadd.f32 v32, v13;
	v16 =	vadd.f32 v34, v16;
	v59 =	vld [tilespmem:s18+$0x6C0]  }
0x1c6: {  	v17 =	vadd.f32 v35, v17;
	v18 =	vadd.f32 v51, v18;
	v60 =	vld [tilespmem:s18+$0x6D0]  }
0x1c7: {  	v14 =	vadd.f32 v37, v14;
	v15 =	vadd.f32 v38, v15;
	v61 =	vld [tilespmem:s18+$0x6E0]  }
0x1c8: {  	v3 =	vadd.f32 v39, v3;
	v4 =	vadd.f32 v40, v4;
	v62 =	vld [tilespmem:s18+$0x6F0]  }
0x1c9: {  	v5 =	vadd.f32 v41, v5;
	v6 =	vadd.f32 v42, v6;
	v63 =	vld [tilespmem:s18+$0xA80]  }
0x1ca: {  	v7 =	vadd.f32 v19, v7;
	v8 =	vadd.f32 v20, v8;
	v19 =	vld [tilespmem:s18+$0xA90]  }
0x1cb: {  	v9 =	vadd.f32 v21, v9;
	v10 =	vadd.f32 v22, v10;
	v20 =	vld [tilespmem:s18+$0xAA0]  }
0x1cc: {  	v11 =	vadd.f32 v23, v11;
	v12 =	vadd.f32 v59, v12;
	v21 =	vld [tilespmem:s18+$0xAB0]  }
0x1cd: {  	s20 =	simm.s32 $0x100;
	s19 =	simm.s32 $0x80;
	v13 =	vadd.f32 v60, v13;
	v16 =	vadd.f32 v61, v16;
	v22 =	vld [tilespmem:s18+$0xAC0]  }
0x1ce: {  	s22 =	sand.u32 $0x380, s19;
	s21 =	sand.u32 $0x7800, s20;
	s20 =	simm.s32 $0x200;
	v17 =	vadd.f32 v62, v17;
	v18 =	vadd.f32 v63, v18;
	v23 =	vld [tilespmem:s18+$0xAD0]  }
.LBB2_6:
0x1cf: {  	p0 =	sne.s32 s20, $0x7F00;
	v14 =	vadd.f32 v19, v14;
	v19 =	vld [tilespmem:s18+$0xAE0];
	s18 =	sor.u32 s22, s21  }
0x1d0: {  	v24 =	vld [tilespmem:s18+$0xAF0];
	v15 =	vadd.f32 v20, v15  }
0x1d1: {  	v20 =	vld [tilespmem:s18+$0x680];
	v3 =	vadd.f32 v21, v3  }
0x1d2: {  	v21 =	vld [tilespmem:s18+$0x690];
	v4 =	vadd.f32 v22, v4  }
0x1d3: {  	v22 =	vld [tilespmem:s18+$0x6A0];
	v5 =	vadd.f32 v23, v5  }
0x1d4: {  	v23 =	vld [tilespmem:s18+$0x6B0];
	v6 =	vadd.f32 v19, v6  }
0x1d5: {  	v19 =	vld [tilespmem:s18+$0x6C0];
	v7 =	vadd.f32 v24, v7  }
0x1d6: {  	v8 =	vadd.f32 v20, v8;
	v20 =	vld [tilespmem:s18+$0x6D0]  }
0x1d7: {  	v9 =	vadd.f32 v21, v9;
	v21 =	vld [tilespmem:s18+$0x6E0]  }
0x1d8: {  	v10 =	vadd.f32 v22, v10;
	v22 =	vld [tilespmem:s18+$0x6F0]  }
0x1d9: {  	v11 =	vadd.f32 v23, v11;
	v23 =	vld [tilespmem:s18+$0xA80]  }
.Ltmp2:
0x1da: {  	v12 =	vadd.f32 v19, v12;
	v19 =	vld [tilespmem:s18+$0xA90];
	(pc) =	sbr.rel @p0 .LBB2_6-.Ltmp2, $4  }
0x1db: {  	v13 =	vadd.f32 v20, v13;
	v20 =	vld [tilespmem:s18+$0xAA0]  }
0x1dc: {  	v16 =	vadd.f32 v21, v16;
	v21 =	vld [tilespmem:s18+$0xAB0]  }
0x1dd: {  	s19 =	sadd.s32 $0x80, s19;
	v17 =	vadd.f32 v22, v17;
	v22 =	vld [tilespmem:s18+$0xAC0]  }
0x1de: {  	s21 =	sand.u32 $0x7800, s20;
	s20 =	sadd.s32 $0x100, s20;
	s22 =	sand.u32 $0x380, s19;
	v18 =	vadd.f32 v23, v18;
	v23 =	vld [tilespmem:s18+$0xAD0]  }
0x1df: {  	v24 =	vld [tilespmem:s18+$0xAE0]  }
0x1e0: {  	s19 =	sor.u32 s22, s21;
	v27 =	vld [tilespmem:$0x200]  }
0x1e1: {  	v25 =	vld [tilespmem:s19+$0xAF0]  }
0x1e2: {  	v26 =	vld [tilespmem:s19+$0x680]  }
0x1e3: {  	v28 =	vld [tilespmem:s19+$0x690]  }
0x1e4: {  	v29 =	vld [tilespmem:s19+$0x6A0]  }
0x1e5: {  	v30 =	vld [tilespmem:s19+$0x6B0]  }
0x1e6: {  	v31 =	vld [tilespmem:s19+$0x6C0];
	v33 =	vshll.u32 v27, $0x1  }
0x1e7: {  	v32 =	vld [tilespmem:s19+$0x6D0];
	v27 =	vand.u32 $0x7, v27;
	v33 =	vand.u32 $0xFFFFFFF0, v33  }
0x1e8: {  	v34 =	vld [tilespmem:s19+$0x6E0];
	v27 =	vor.u32 v27, v33  }
0x1e9: {  	v35 =	vld [tilespmem:s19+$0x6F0];
	v36 =	vperm.xlane v27, v0  }
0x1ea: {  	v51 =	vld [tilespmem:s19+$0xA80]  }
0x1eb: {  	v37 =	vld [tilespmem:s19+$0xA90];
	v27 =	vperm.xlane v27, v2;
	v36 =	vadd.s32 v1, v36  }
0x1ec: {  	v38 =	vld [tilespmem:s19+$0xAA0]  }
0x1ed: {  	v39 =	vld [tilespmem:s19+$0xAB0];
	v27 =	vadd.s32 v1, v27  }
0x1ee: {  	v40 =	vld [tilespmem:s19+$0xAC0]  }
0x1ef: {  	s18 =	simm.s32 $0x0;
	v41 =	vld [tilespmem:s19+$0xAD0]  }
0x1f0: {  	v42 =	vld [tilespmem:s19+$0xAE0];
	[tilespmem:s8], [sflag:$0x1] =	stream.indirect_vreg.gather [hbm4b:s2+s18], $0x80, v36, vm0, $0xb8  }
0x1f1: {  	_ = 	snop  }
0x1f2: {  	[tilespmem:s9], [sflag:$0x1] =	stream.indirect_vreg.gather [hbm4b:s2+s18], $0x80, v27, vm0, $0xb8;
	[tilespmem:$0x10780] =	vst v63  }
0x1f3: {  	v27 =	vld [tilespmem:$0x210];
	_ =	sdelay $0x4  }
0x1f4: {  	v52 =	vshll.u32 v27, $0x1  }
0x1f5: {  	v27 =	vand.u32 $0x7, v27;
	v36 =	vand.u32 $0xFFFFFFF0, v52  }
0x1f6: {  	v27 =	vor.u32 v27, v36  }
0x1f7: {  	v36 =	vperm.xlane v27, v0;
	_ =	sdelay $0x1  }
0x1f8: {  	v27 =	vperm.xlane v27, v2;
	v36 =	vadd.s32 v1, v36;
	_ =	sdelay $0x1  }
0x1f9: {  	v27 =	vadd.s32 v1, v27;
	_ =	sdelay $0x2  }
0x1fa: {  	[tilespmem:s10], [sflag:$0x1] =	stream.indirect_vreg.gather [hbm4b:s2+s18], $0x80, v36, vm0, $0xb8;
	[tilespmem:$0x10780] =	vst v63  }
0x1fb: {  	_ = 	snop  }
0x1fc: {  	[tilespmem:s11], [sflag:$0x1] =	stream.indirect_vreg.gather [hbm4b:s2+s18], $0x80, v27, vm0, $0xb8;
	[tilespmem:$0x10780] =	vst v63  }
0x1fd: {  	v27 =	vld [tilespmem:$0x220];
	_ =	sdelay $0x4  }
0x1fe: {  	v53 =	vshll.u32 v27, $0x1  }
0x1ff: {  	v27 =	vand.u32 $0x7, v27;
	v36 =	vand.u32 $0xFFFFFFF0, v53  }
0x200: {  	v27 =	vor.u32 v27, v36  }
0x201: {  	v36 =	vperm.xlane v27, v0;
	_ =	sdelay $0x1  }
0x202: {  	v27 =	vperm.xlane v27, v2;
	v36 =	vadd.s32 v1, v36;
	_ =	sdelay $0x1  }
0x203: {  	v27 =	vadd.s32 v1, v27;
	_ =	sdelay $0x1  }
0x204: {  	s20 =	simm.s32 $0x2680  }
0x205: {  	[tilespmem:s20], [sflag:$0x1] =	stream.indirect_vreg.gather [hbm4b:s2+s18], $0x80, v36, vm0, $0xb8;
	[tilespmem:$0x10780] =	vst v63  }
0x206: {  	s21 =	simm.s32 $0x2E80  }
0x207: {  	[tilespmem:s21], [sflag:$0x1] =	stream.indirect_vreg.gather [hbm4b:s2+s18], $0x80, v27, vm0, $0xb8;
	[tilespmem:$0x10780] =	vst v63  }
0x208: {  	v27 =	vld [tilespmem:$0x230];
	_ =	sdelay $0x4  }
0x209: {  	v54 =	vshll.u32 v27, $0x1  }
0x20a: {  	v27 =	vand.u32 $0x7, v27;
	v36 =	vand.u32 $0xFFFFFFF0, v54  }
0x20b: {  	v27 =	vor.u32 v27, v36  }
0x20c: {  	v36 =	vperm.xlane v27, v0;
	_ =	sdelay $0x1  }
0x20d: {  	v27 =	vperm.xlane v27, v2;
	v36 =	vadd.s32 v1, v36;
	_ =	sdelay $0x1  }
0x20e: {  	v27 =	vadd.s32 v1, v27;
	_ =	sdelay $0x1  }
0x20f: {  	s22 =	simm.s32 $0x3680  }
0x210: {  	[tilespmem:s22], [sflag:$0x1] =	stream.indirect_vreg.gather [hbm4b:s2+s18], $0x80, v36, vm0, $0xb8;
	[tilespmem:$0x10780] =	vst v63  }
0x211: {  	s20 =	simm.s32 $0x3E80  }
0x212: {  	[tilespmem:s20], [sflag:$0x1] =	stream.indirect_vreg.gather [hbm4b:s2+s18], $0x80, v27, vm0, $0xb8;
	[tilespmem:$0x10780] =	vst v63  }
0x213: {  	v27 =	vld [tilespmem:$0x240];
	_ =	sdelay $0x4  }
0x214: {  	v55 =	vshll.u32 v27, $0x1  }
0x215: {  	v27 =	vand.u32 $0x7, v27;
	v36 =	vand.u32 $0xFFFFFFF0, v55  }
0x216: {  	v27 =	vor.u32 v27, v36  }
0x217: {  	v36 =	vperm.xlane v27, v0;
	_ =	sdelay $0x1  }
0x218: {  	v27 =	vperm.xlane v27, v2;
	v36 =	vadd.s32 v1, v36;
	_ =	sdelay $0x1  }
0x219: {  	v27 =	vadd.s32 v1, v27;
	_ =	sdelay $0x1  }
0x21a: {  	s21 =	simm.s32 $0x4680  }
0x21b: {  	[tilespmem:s21], [sflag:$0x1] =	stream.indirect_vreg.gather [hbm4b:s2+s18], $0x80, v36, vm0, $0xb8;
	[tilespmem:$0x10780] =	vst v63  }
0x21c: {  	s22 =	simm.s32 $0x4E80  }
0x21d: {  	[tilespmem:s22], [sflag:$0x1] =	stream.indirect_vreg.gather [hbm4b:s2+s18], $0x80, v27, vm0, $0xb8;
	[tilespmem:$0x10780] =	vst v63  }
0x21e: {  	v27 =	vld [tilespmem:$0x250];
	_ =	sdelay $0x4  }
0x21f: {  	v56 =	vshll.u32 v27, $0x1  }
0x220: {  	v27 =	vand.u32 $0x7, v27;
	v36 =	vand.u32 $0xFFFFFFF0, v56  }
0x221: {  	v27 =	vor.u32 v27, v36  }
0x222: {  	v36 =	vperm.xlane v27, v0;
	_ =	sdelay $0x1  }
0x223: {  	v27 =	vperm.xlane v27, v2;
	v36 =	vadd.s32 v1, v36;
	_ =	sdelay $0x1  }
0x224: {  	v27 =	vadd.s32 v1, v27;
	_ =	sdelay $0x1  }
0x225: {  	s20 =	simm.s32 $0x5680  }
0x226: {  	[tilespmem:s20], [sflag:$0x1] =	stream.indirect_vreg.gather [hbm4b:s2+s18], $0x80, v36, vm0, $0xb8;
	[tilespmem:$0x10780] =	vst v63  }
0x227: {  	s21 =	simm.s32 $0x5E80  }
0x228: {  	[tilespmem:s21], [sflag:$0x1] =	stream.indirect_vreg.gather [hbm4b:s2+s18], $0x80, v27, vm0, $0xb8;
	[tilespmem:$0x10780] =	vst v63  }
0x229: {  	v27 =	vld [tilespmem:$0x260];
	_ =	sdelay $0x4  }
0x22a: {  	v57 =	vshll.u32 v27, $0x1  }
0x22b: {  	v27 =	vand.u32 $0x7, v27;
	v36 =	vand.u32 $0xFFFFFFF0, v57  }
0x22c: {  	v27 =	vor.u32 v27, v36  }
0x22d: {  	v36 =	vperm.xlane v27, v0;
	_ =	sdelay $0x1  }
0x22e: {  	v27 =	vperm.xlane v27, v2;
	v36 =	vadd.s32 v1, v36;
	_ =	sdelay $0x1  }
0x22f: {  	v27 =	vadd.s32 v1, v27;
	_ =	sdelay $0x1  }
0x230: {  	s22 =	simm.s32 $0x6680  }
0x231: {  	[tilespmem:s22], [sflag:$0x1] =	stream.indirect_vreg.gather [hbm4b:s2+s18], $0x80, v36, vm0, $0xb8;
	[tilespmem:$0x10780] =	vst v63  }
0x232: {  	s20 =	simm.s32 $0x6E80  }
0x233: {  	[tilespmem:s20], [sflag:$0x1] =	stream.indirect_vreg.gather [hbm4b:s2+s18], $0x80, v27, vm0, $0xb8;
	[tilespmem:$0x10780] =	vst v63  }
0x234: {  	v27 =	vld [tilespmem:$0x270];
	_ =	sdelay $0x4  }
0x235: {  	v58 =	vshll.u32 v27, $0x1  }
0x236: {  	v27 =	vand.u32 $0x7, v27;
	v36 =	vand.u32 $0xFFFFFFF0, v58  }
0x237: {  	v27 =	vor.u32 v27, v36  }
0x238: {  	v36 =	vperm.xlane v27, v0;
	_ =	sdelay $0x1  }
0x239: {  	v27 =	vperm.xlane v27, v2;
	v36 =	vadd.s32 v1, v36;
	_ =	sdelay $0x1  }
0x23a: {  	v27 =	vadd.s32 v1, v27;
	_ =	sdelay $0x1  }
0x23b: {  	s21 =	simm.s32 $0x7680  }
0x23c: {  	[tilespmem:s21], [sflag:$0x1] =	stream.indirect_vreg.gather [hbm4b:s2+s18], $0x80, v36, vm0, $0xb8;
	[tilespmem:$0x10780] =	vst v63  }
0x23d: {  	_ = 	snop  }
0x23e: {  	[tilespmem:s23], [sflag:$0x1] =	stream.indirect_vreg.gather [hbm4b:s2+s18], $0x80, v27, vm0, $0xb8;
	[tilespmem:$0x10780] =	vst v63  }
0x23f: {  	_ =	swait.ge [sflag:s16], $0x8000  }
0x240: {  	s22 =	sand.u32 $0x7800, s18;
	s18 =	sand.u32 $0x380, s18;
	[sflag:s16] =	ssyncset.done $0x0  }
0x241: {  	v14 =	vadd.f32 v19, v14;
	v15 =	vadd.f32 v20, v15;
	s18 =	sor.u32 s18, s22;
	[sflag:s16] =	ssyncadd.s32 $0xFFFF8000  }
0x242: {  	v3 =	vadd.f32 v21, v3;
	v4 =	vadd.f32 v22, v4;
	v19 =	vld [tilespmem:s18+$0x8AF0]  }
0x243: {  	v5 =	vadd.f32 v23, v5;
	v6 =	vadd.f32 v24, v6;
	v20 =	vld [tilespmem:s18+$0x8680]  }
0x244: {  	v7 =	vadd.f32 v25, v7;
	v8 =	vadd.f32 v26, v8;
	v21 =	vld [tilespmem:s18+$0x8690]  }
0x245: {  	v9 =	vadd.f32 v28, v9;
	v10 =	vadd.f32 v29, v10;
	v22 =	vld [tilespmem:s18+$0x86A0]  }
0x246: {  	v11 =	vadd.f32 v30, v11;
	v12 =	vadd.f32 v31, v12;
	v23 =	vld [tilespmem:s18+$0x86B0]  }
0x247: {  	v13 =	vadd.f32 v32, v13;
	v16 =	vadd.f32 v34, v16;
	v59 =	vld [tilespmem:s18+$0x86C0]  }
0x248: {  	v17 =	vadd.f32 v35, v17;
	v18 =	vadd.f32 v51, v18;
	v60 =	vld [tilespmem:s18+$0x86D0]  }
0x249: {  	v14 =	vadd.f32 v37, v14;
	v15 =	vadd.f32 v38, v15;
	v61 =	vld [tilespmem:s18+$0x86E0]  }
0x24a: {  	v3 =	vadd.f32 v39, v3;
	v4 =	vadd.f32 v40, v4;
	v62 =	vld [tilespmem:s18+$0x86F0]  }
0x24b: {  	v5 =	vadd.f32 v41, v5;
	v6 =	vadd.f32 v42, v6;
	v63 =	vld [tilespmem:s18+$0x8A80]  }
0x24c: {  	v7 =	vadd.f32 v19, v7;
	v8 =	vadd.f32 v20, v8;
	v19 =	vld [tilespmem:s18+$0x8A90]  }
0x24d: {  	v9 =	vadd.f32 v21, v9;
	v10 =	vadd.f32 v22, v10;
	v20 =	vld [tilespmem:s18+$0x8AA0]  }
0x24e: {  	v11 =	vadd.f32 v23, v11;
	v12 =	vadd.f32 v59, v12;
	v21 =	vld [tilespmem:s18+$0x8AB0]  }
0x24f: {  	s19 =	simm.s32 $0x80;
	s20 =	simm.s32 $0x100;
	v13 =	vadd.f32 v60, v13;
	v16 =	vadd.f32 v61, v16;
	v22 =	vld [tilespmem:s18+$0x8AC0]  }
0x250: {  	s21 =	sand.u32 $0x7800, s20;
	s20 =	simm.s32 $0x200;
	s22 =	sand.u32 $0x380, s19;
	v17 =	vadd.f32 v62, v17;
	v18 =	vadd.f32 v63, v18;
	v23 =	vld [tilespmem:s18+$0x8AD0]  }
.LBB2_8:
0x251: {  	p0 =	sne.s32 s20, $0x7F00;
	v14 =	vadd.f32 v19, v14;
	v19 =	vld [tilespmem:s18+$0x8AE0];
	s18 =	sor.u32 s22, s21  }
0x252: {  	v24 =	vld [tilespmem:s18+$0x8AF0];
	v15 =	vadd.f32 v20, v15  }
0x253: {  	v20 =	vld [tilespmem:s18+$0x8680];
	v3 =	vadd.f32 v21, v3  }
0x254: {  	v21 =	vld [tilespmem:s18+$0x8690];
	v4 =	vadd.f32 v22, v4  }
0x255: {  	v22 =	vld [tilespmem:s18+$0x86A0];
	v5 =	vadd.f32 v23, v5  }
0x256: {  	v23 =	vld [tilespmem:s18+$0x86B0];
	v6 =	vadd.f32 v19, v6  }
0x257: {  	v19 =	vld [tilespmem:s18+$0x86C0];
	v7 =	vadd.f32 v24, v7  }
0x258: {  	v8 =	vadd.f32 v20, v8;
	v20 =	vld [tilespmem:s18+$0x86D0]  }
0x259: {  	v9 =	vadd.f32 v21, v9;
	v21 =	vld [tilespmem:s18+$0x86E0]  }
0x25a: {  	v10 =	vadd.f32 v22, v10;
	v22 =	vld [tilespmem:s18+$0x86F0]  }
0x25b: {  	v11 =	vadd.f32 v23, v11;
	v23 =	vld [tilespmem:s18+$0x8A80]  }
.Ltmp3:
0x25c: {  	v12 =	vadd.f32 v19, v12;
	v19 =	vld [tilespmem:s18+$0x8A90];
	(pc) =	sbr.rel @p0 .LBB2_8-.Ltmp3, $4  }
0x25d: {  	v13 =	vadd.f32 v20, v13;
	v20 =	vld [tilespmem:s18+$0x8AA0]  }
0x25e: {  	v16 =	vadd.f32 v21, v16;
	v21 =	vld [tilespmem:s18+$0x8AB0]  }
0x25f: {  	s19 =	sadd.s32 $0x80, s19;
	v17 =	vadd.f32 v22, v17;
	v22 =	vld [tilespmem:s18+$0x8AC0]  }
0x260: {  	s21 =	sand.u32 $0x7800, s20;
	s20 =	sadd.s32 $0x100, s20;
	s22 =	sand.u32 $0x380, s19;
	v18 =	vadd.f32 v23, v18;
	v23 =	vld [tilespmem:s18+$0x8AD0]  }
0x261: {  	v24 =	vld [tilespmem:s18+$0x8AE0]  }
0x262: {  	s19 =	sor.u32 s22, s21;
	v27 =	vld [tilespmem:$0x280]  }
0x263: {  	v25 =	vld [tilespmem:s19+$0x8AF0]  }
0x264: {  	v26 =	vld [tilespmem:s19+$0x8680]  }
0x265: {  	v28 =	vld [tilespmem:s19+$0x8690]  }
0x266: {  	v29 =	vld [tilespmem:s19+$0x86A0]  }
0x267: {  	v30 =	vld [tilespmem:s19+$0x86B0]  }
0x268: {  	v31 =	vld [tilespmem:s19+$0x86C0];
	v33 =	vshll.u32 v27, $0x1  }
0x269: {  	v32 =	vld [tilespmem:s19+$0x86D0];
	v27 =	vand.u32 $0x7, v27;
	v33 =	vand.u32 $0xFFFFFFF0, v33  }
0x26a: {  	v34 =	vld [tilespmem:s19+$0x86E0];
	v27 =	vor.u32 v27, v33  }
0x26b: {  	v35 =	vld [tilespmem:s19+$0x86F0];
	v36 =	vperm.xlane v27, v0  }
0x26c: {  	v51 =	vld [tilespmem:s19+$0x8A80]  }
0x26d: {  	v37 =	vld [tilespmem:s19+$0x8A90];
	v27 =	vperm.xlane v27, v2;
	v36 =	vadd.s32 v1, v36  }
0x26e: {  	v38 =	vld [tilespmem:s19+$0x8AA0]  }
0x26f: {  	v39 =	vld [tilespmem:s19+$0x8AB0];
	v27 =	vadd.s32 v1, v27  }
0x270: {  	v40 =	vld [tilespmem:s19+$0x8AC0]  }
0x271: {  	s21 =	simm.s32 $0x0;
	v41 =	vld [tilespmem:s19+$0x8AD0]  }
0x272: {  	v42 =	vld [tilespmem:s19+$0x8AE0];
	[tilespmem:s24], [sflag:$0x2] =	stream.indirect_vreg.gather [hbm4b:s2+s21], $0x80, v36, vm0, $0xb8  }
0x273: {  	_ = 	snop  }
0x274: {  	[tilespmem:s25], [sflag:$0x2] =	stream.indirect_vreg.gather [hbm4b:s2+s21], $0x80, v27, vm0, $0xb8;
	[tilespmem:$0x10780] =	vst v63  }
0x275: {  	v27 =	vld [tilespmem:$0x290];
	_ =	sdelay $0x4  }
0x276: {  	v52 =	vshll.u32 v27, $0x1  }
0x277: {  	v27 =	vand.u32 $0x7, v27;
	v36 =	vand.u32 $0xFFFFFFF0, v52  }
0x278: {  	v27 =	vor.u32 v27, v36  }
0x279: {  	v36 =	vperm.xlane v27, v0;
	_ =	sdelay $0x1  }
0x27a: {  	v27 =	vperm.xlane v27, v2;
	v36 =	vadd.s32 v1, v36;
	_ =	sdelay $0x1  }
0x27b: {  	v27 =	vadd.s32 v1, v27;
	_ =	sdelay $0x2  }
0x27c: {  	[tilespmem:s26], [sflag:$0x2] =	stream.indirect_vreg.gather [hbm4b:s2+s21], $0x80, v36, vm0, $0xb8;
	[tilespmem:$0x10780] =	vst v63  }
0x27d: {  	_ = 	snop  }
0x27e: {  	[tilespmem:s28], [sflag:$0x2] =	stream.indirect_vreg.gather [hbm4b:s2+s21], $0x80, v27, vm0, $0xb8;
	[tilespmem:$0x10780] =	vst v63  }
0x27f: {  	v27 =	vld [tilespmem:$0x2A0];
	_ =	sdelay $0x4  }
0x280: {  	v53 =	vshll.u32 v27, $0x1  }
0x281: {  	v27 =	vand.u32 $0x7, v27;
	v36 =	vand.u32 $0xFFFFFFF0, v53  }
0x282: {  	v27 =	vor.u32 v27, v36  }
0x283: {  	v36 =	vperm.xlane v27, v0;
	_ =	sdelay $0x1  }
0x284: {  	v27 =	vperm.xlane v27, v2;
	v36 =	vadd.s32 v1, v36;
	_ =	sdelay $0x1  }
0x285: {  	v27 =	vadd.s32 v1, v27;
	_ =	sdelay $0x2  }
0x286: {  	[tilespmem:s29], [sflag:$0x2] =	stream.indirect_vreg.gather [hbm4b:s2+s21], $0x80, v36, vm0, $0xb8;
	[tilespmem:$0x10780] =	vst v63  }
0x287: {  	_ = 	snop  }
0x288: {  	[tilespmem:s30], [sflag:$0x2] =	stream.indirect_vreg.gather [hbm4b:s2+s21], $0x80, v27, vm0, $0xb8;
	[tilespmem:$0x10780] =	vst v63  }
0x289: {  	v27 =	vld [tilespmem:$0x2B0];
	_ =	sdelay $0x4  }
0x28a: {  	v54 =	vshll.u32 v27, $0x1  }
0x28b: {  	v27 =	vand.u32 $0x7, v27;
	v36 =	vand.u32 $0xFFFFFFF0, v54  }
0x28c: {  	v27 =	vor.u32 v27, v36  }
0x28d: {  	v36 =	vperm.xlane v27, v0;
	_ =	sdelay $0x1  }
0x28e: {  	v27 =	vperm.xlane v27, v2;
	v36 =	vadd.s32 v1, v36;
	_ =	sdelay $0x1  }
0x28f: {  	v27 =	vadd.s32 v1, v27;
	_ =	sdelay $0x2  }
0x290: {  	[tilespmem:s31], [sflag:$0x2] =	stream.indirect_vreg.gather [hbm4b:s2+s21], $0x80, v36, vm0, $0xb8;
	[tilespmem:$0x10780] =	vst v63  }
0x291: {  	_ = 	snop  }
0x292: {  	[tilespmem:s0], [sflag:$0x2] =	stream.indirect_vreg.gather [hbm4b:s2+s21], $0x80, v27, vm0, $0xb8;
	[tilespmem:$0x10780] =	vst v63  }
0x293: {  	v27 =	vld [tilespmem:$0x2C0];
	_ =	sdelay $0x4  }
0x294: {  	v55 =	vshll.u32 v27, $0x1  }
0x295: {  	v27 =	vand.u32 $0x7, v27;
	v36 =	vand.u32 $0xFFFFFFF0, v55  }
0x296: {  	v27 =	vor.u32 v27, v36  }
0x297: {  	v36 =	vperm.xlane v27, v0;
	_ =	sdelay $0x1  }
0x298: {  	v27 =	vperm.xlane v27, v2;
	v36 =	vadd.s32 v1, v36;
	_ =	sdelay $0x1  }
0x299: {  	v27 =	vadd.s32 v1, v27;
	_ =	sdelay $0x2  }
0x29a: {  	[tilespmem:s1], [sflag:$0x2] =	stream.indirect_vreg.gather [hbm4b:s2+s21], $0x80, v36, vm0, $0xb8;
	[tilespmem:$0x10780] =	vst v63  }
0x29b: {  	_ = 	snop  }
0x29c: {  	[tilespmem:s4], [sflag:$0x2] =	stream.indirect_vreg.gather [hbm4b:s2+s21], $0x80, v27, vm0, $0xb8;
	[tilespmem:$0x10780] =	vst v63  }
0x29d: {  	v27 =	vld [tilespmem:$0x2D0];
	_ =	sdelay $0x4  }
0x29e: {  	v56 =	vshll.u32 v27, $0x1  }
0x29f: {  	v27 =	vand.u32 $0x7, v27;
	v36 =	vand.u32 $0xFFFFFFF0, v56  }
0x2a0: {  	v27 =	vor.u32 v27, v36  }
0x2a1: {  	v36 =	vperm.xlane v27, v0;
	_ =	sdelay $0x1  }
0x2a2: {  	v27 =	vperm.xlane v27, v2;
	v36 =	vadd.s32 v1, v36;
	_ =	sdelay $0x1  }
0x2a3: {  	v27 =	vadd.s32 v1, v27;
	_ =	sdelay $0x2  }
0x2a4: {  	[tilespmem:s5], [sflag:$0x2] =	stream.indirect_vreg.gather [hbm4b:s2+s21], $0x80, v36, vm0, $0xb8;
	[tilespmem:$0x10780] =	vst v63  }
0x2a5: {  	_ = 	snop  }
0x2a6: {  	[tilespmem:s6], [sflag:$0x2] =	stream.indirect_vreg.gather [hbm4b:s2+s21], $0x80, v27, vm0, $0xb8;
	[tilespmem:$0x10780] =	vst v63  }
0x2a7: {  	v27 =	vld [tilespmem:$0x2E0];
	_ =	sdelay $0x4  }
0x2a8: {  	v57 =	vshll.u32 v27, $0x1  }
0x2a9: {  	v27 =	vand.u32 $0x7, v27;
	v36 =	vand.u32 $0xFFFFFFF0, v57  }
0x2aa: {  	v27 =	vor.u32 v27, v36  }
0x2ab: {  	v36 =	vperm.xlane v27, v0;
	_ =	sdelay $0x1  }
0x2ac: {  	v27 =	vperm.xlane v27, v2;
	v36 =	vadd.s32 v1, v36;
	_ =	sdelay $0x1  }
0x2ad: {  	v27 =	vadd.s32 v1, v27;
	_ =	sdelay $0x2  }
0x2ae: {  	[tilespmem:s7], [sflag:$0x2] =	stream.indirect_vreg.gather [hbm4b:s2+s21], $0x80, v36, vm0, $0xb8;
	[tilespmem:$0x10780] =	vst v63  }
0x2af: {  	_ = 	snop  }
0x2b0: {  	[tilespmem:s12], [sflag:$0x2] =	stream.indirect_vreg.gather [hbm4b:s2+s21], $0x80, v27, vm0, $0xb8;
	[tilespmem:$0x10780] =	vst v63  }
0x2b1: {  	v27 =	vld [tilespmem:$0x2F0];
	_ =	sdelay $0x4  }
0x2b2: {  	v58 =	vshll.u32 v27, $0x1  }
0x2b3: {  	v27 =	vand.u32 $0x7, v27;
	v36 =	vand.u32 $0xFFFFFFF0, v58  }
0x2b4: {  	v27 =	vor.u32 v27, v36  }
0x2b5: {  	v36 =	vperm.xlane v27, v0;
	_ =	sdelay $0x1  }
0x2b6: {  	v27 =	vperm.xlane v27, v2;
	v36 =	vadd.s32 v1, v36;
	_ =	sdelay $0x1  }
0x2b7: {  	v27 =	vadd.s32 v1, v27;
	_ =	sdelay $0x2  }
0x2b8: {  	[tilespmem:s13], [sflag:$0x2] =	stream.indirect_vreg.gather [hbm4b:s2+s21], $0x80, v36, vm0, $0xb8;
	[tilespmem:$0x10780] =	vst v63  }
0x2b9: {  	_ = 	snop  }
0x2ba: {  	[tilespmem:s14], [sflag:$0x2] =	stream.indirect_vreg.gather [hbm4b:s2+s21], $0x80, v27, vm0, $0xb8;
	[tilespmem:$0x10780] =	vst v63  }
0x2bb: {  	_ =	swait.ge [sflag:s15], $0x8000  }
0x2bc: {  	s22 =	sand.u32 $0x7800, s21;
	s18 =	sand.u32 $0x380, s21;
	[sflag:s15] =	ssyncset.done $0x0  }
0x2bd: {  	v14 =	vadd.f32 v19, v14;
	v15 =	vadd.f32 v20, v15;
	s18 =	sor.u32 s18, s22;
	[sflag:s15] =	ssyncadd.s32 $0xFFFF8000  }
0x2be: {  	v3 =	vadd.f32 v21, v3;
	v4 =	vadd.f32 v22, v4;
	v19 =	vld [tilespmem:s18+$0xAF0]  }
0x2bf: {  	v5 =	vadd.f32 v23, v5;
	v6 =	vadd.f32 v24, v6;
	v20 =	vld [tilespmem:s18+$0x680]  }
0x2c0: {  	v7 =	vadd.f32 v25, v7;
	v8 =	vadd.f32 v26, v8;
	v21 =	vld [tilespmem:s18+$0x690]  }
0x2c1: {  	v9 =	vadd.f32 v28, v9;
	v10 =	vadd.f32 v29, v10;
	v22 =	vld [tilespmem:s18+$0x6A0]  }
0x2c2: {  	v11 =	vadd.f32 v30, v11;
	v12 =	vadd.f32 v31, v12;
	v23 =	vld [tilespmem:s18+$0x6B0]  }
0x2c3: {  	v13 =	vadd.f32 v32, v13;
	v16 =	vadd.f32 v34, v16;
	v59 =	vld [tilespmem:s18+$0x6C0]  }
0x2c4: {  	v17 =	vadd.f32 v35, v17;
	v18 =	vadd.f32 v51, v18;
	v60 =	vld [tilespmem:s18+$0x6D0]  }
0x2c5: {  	v14 =	vadd.f32 v37, v14;
	v15 =	vadd.f32 v38, v15;
	v61 =	vld [tilespmem:s18+$0x6E0]  }
0x2c6: {  	v3 =	vadd.f32 v39, v3;
	v4 =	vadd.f32 v40, v4;
	v62 =	vld [tilespmem:s18+$0x6F0]  }
0x2c7: {  	v5 =	vadd.f32 v41, v5;
	v6 =	vadd.f32 v42, v6;
	v63 =	vld [tilespmem:s18+$0xA80]  }
0x2c8: {  	v7 =	vadd.f32 v19, v7;
	v8 =	vadd.f32 v20, v8;
	v19 =	vld [tilespmem:s18+$0xA90]  }
0x2c9: {  	v9 =	vadd.f32 v21, v9;
	v10 =	vadd.f32 v22, v10;
	v20 =	vld [tilespmem:s18+$0xAA0]  }
0x2ca: {  	v11 =	vadd.f32 v23, v11;
	v12 =	vadd.f32 v59, v12;
	v21 =	vld [tilespmem:s18+$0xAB0]  }
0x2cb: {  	s20 =	simm.s32 $0x100;
	s19 =	simm.s32 $0x80;
	v13 =	vadd.f32 v60, v13;
	v16 =	vadd.f32 v61, v16;
	v22 =	vld [tilespmem:s18+$0xAC0]  }
0x2cc: {  	s22 =	sand.u32 $0x380, s19;
	s21 =	sand.u32 $0x7800, s20;
	s20 =	simm.s32 $0x200;
	v17 =	vadd.f32 v62, v17;
	v18 =	vadd.f32 v63, v18;
	v23 =	vld [tilespmem:s18+$0xAD0]  }
.LBB2_10:
0x2cd: {  	p0 =	sne.s32 s20, $0x7F00;
	v14 =	vadd.f32 v19, v14;
	v19 =	vld [tilespmem:s18+$0xAE0];
	s18 =	sor.u32 s22, s21  }
0x2ce: {  	v24 =	vld [tilespmem:s18+$0xAF0];
	v15 =	vadd.f32 v20, v15  }
0x2cf: {  	v20 =	vld [tilespmem:s18+$0x680];
	v3 =	vadd.f32 v21, v3  }
0x2d0: {  	v21 =	vld [tilespmem:s18+$0x690];
	v4 =	vadd.f32 v22, v4  }
0x2d1: {  	v22 =	vld [tilespmem:s18+$0x6A0];
	v5 =	vadd.f32 v23, v5  }
0x2d2: {  	v23 =	vld [tilespmem:s18+$0x6B0];
	v6 =	vadd.f32 v19, v6  }
0x2d3: {  	v19 =	vld [tilespmem:s18+$0x6C0];
	v7 =	vadd.f32 v24, v7  }
0x2d4: {  	v8 =	vadd.f32 v20, v8;
	v20 =	vld [tilespmem:s18+$0x6D0]  }
0x2d5: {  	v9 =	vadd.f32 v21, v9;
	v21 =	vld [tilespmem:s18+$0x6E0]  }
0x2d6: {  	v10 =	vadd.f32 v22, v10;
	v22 =	vld [tilespmem:s18+$0x6F0]  }
0x2d7: {  	v11 =	vadd.f32 v23, v11;
	v23 =	vld [tilespmem:s18+$0xA80]  }
.Ltmp4:
0x2d8: {  	v12 =	vadd.f32 v19, v12;
	v19 =	vld [tilespmem:s18+$0xA90];
	(pc) =	sbr.rel @p0 .LBB2_10-.Ltmp4, $4  }
0x2d9: {  	v13 =	vadd.f32 v20, v13;
	v20 =	vld [tilespmem:s18+$0xAA0]  }
0x2da: {  	v16 =	vadd.f32 v21, v16;
	v21 =	vld [tilespmem:s18+$0xAB0]  }
0x2db: {  	s19 =	sadd.s32 $0x80, s19;
	v17 =	vadd.f32 v22, v17;
	v22 =	vld [tilespmem:s18+$0xAC0]  }
0x2dc: {  	s21 =	sand.u32 $0x7800, s20;
	s20 =	sadd.s32 $0x100, s20;
	s22 =	sand.u32 $0x380, s19;
	v18 =	vadd.f32 v23, v18;
	v23 =	vld [tilespmem:s18+$0xAD0]  }
0x2dd: {  	v24 =	vld [tilespmem:s18+$0xAE0]  }
0x2de: {  	s19 =	sor.u32 s22, s21;
	v27 =	vld [tilespmem:$0x300]  }
0x2df: {  	v25 =	vld [tilespmem:s19+$0xAF0]  }
0x2e0: {  	v26 =	vld [tilespmem:s19+$0x680]  }
0x2e1: {  	v28 =	vld [tilespmem:s19+$0x690]  }
0x2e2: {  	v29 =	vld [tilespmem:s19+$0x6A0]  }
0x2e3: {  	v30 =	vld [tilespmem:s19+$0x6B0]  }
0x2e4: {  	v31 =	vld [tilespmem:s19+$0x6C0];
	v33 =	vshll.u32 v27, $0x1  }
0x2e5: {  	v32 =	vld [tilespmem:s19+$0x6D0];
	v27 =	vand.u32 $0x7, v27;
	v33 =	vand.u32 $0xFFFFFFF0, v33  }
0x2e6: {  	v34 =	vld [tilespmem:s19+$0x6E0];
	v27 =	vor.u32 v27, v33  }
0x2e7: {  	v35 =	vld [tilespmem:s19+$0x6F0];
	v36 =	vperm.xlane v27, v0  }
0x2e8: {  	v51 =	vld [tilespmem:s19+$0xA80]  }
0x2e9: {  	v37 =	vld [tilespmem:s19+$0xA90];
	v27 =	vperm.xlane v27, v2;
	v36 =	vadd.s32 v1, v36  }
0x2ea: {  	v38 =	vld [tilespmem:s19+$0xAA0]  }
0x2eb: {  	v39 =	vld [tilespmem:s19+$0xAB0];
	v27 =	vadd.s32 v1, v27  }
0x2ec: {  	v40 =	vld [tilespmem:s19+$0xAC0]  }
0x2ed: {  	s18 =	simm.s32 $0x0;
	v41 =	vld [tilespmem:s19+$0xAD0]  }
0x2ee: {  	v42 =	vld [tilespmem:s19+$0xAE0];
	[tilespmem:s8], [sflag:$0x1] =	stream.indirect_vreg.gather [hbm4b:s2+s18], $0x80, v36, vm0, $0xb8  }
0x2ef: {  	_ = 	snop  }
0x2f0: {  	[tilespmem:s9], [sflag:$0x1] =	stream.indirect_vreg.gather [hbm4b:s2+s18], $0x80, v27, vm0, $0xb8;
	[tilespmem:$0x10780] =	vst v63  }
0x2f1: {  	v27 =	vld [tilespmem:$0x310];
	_ =	sdelay $0x4  }
0x2f2: {  	v52 =	vshll.u32 v27, $0x1  }
0x2f3: {  	v27 =	vand.u32 $0x7, v27;
	v36 =	vand.u32 $0xFFFFFFF0, v52  }
0x2f4: {  	v27 =	vor.u32 v27, v36  }
0x2f5: {  	v36 =	vperm.xlane v27, v0;
	_ =	sdelay $0x1  }
0x2f6: {  	v27 =	vperm.xlane v27, v2;
	v36 =	vadd.s32 v1, v36;
	_ =	sdelay $0x1  }
0x2f7: {  	v27 =	vadd.s32 v1, v27;
	_ =	sdelay $0x2  }
0x2f8: {  	[tilespmem:s10], [sflag:$0x1] =	stream.indirect_vreg.gather [hbm4b:s2+s18], $0x80, v36, vm0, $0xb8;
	[tilespmem:$0x10780] =	vst v63  }
0x2f9: {  	_ = 	snop  }
0x2fa: {  	[tilespmem:s11], [sflag:$0x1] =	stream.indirect_vreg.gather [hbm4b:s2+s18], $0x80, v27, vm0, $0xb8;
	[tilespmem:$0x10780] =	vst v63  }
0x2fb: {  	v27 =	vld [tilespmem:$0x320];
	_ =	sdelay $0x4  }
0x2fc: {  	v53 =	vshll.u32 v27, $0x1  }
0x2fd: {  	v27 =	vand.u32 $0x7, v27;
	v36 =	vand.u32 $0xFFFFFFF0, v53  }
0x2fe: {  	v27 =	vor.u32 v27, v36  }
0x2ff: {  	v36 =	vperm.xlane v27, v0;
	_ =	sdelay $0x1  }
0x300: {  	v27 =	vperm.xlane v27, v2;
	v36 =	vadd.s32 v1, v36;
	_ =	sdelay $0x1  }
0x301: {  	v27 =	vadd.s32 v1, v27;
	_ =	sdelay $0x1  }
0x302: {  	s20 =	simm.s32 $0x2680  }
0x303: {  	[tilespmem:s20], [sflag:$0x1] =	stream.indirect_vreg.gather [hbm4b:s2+s18], $0x80, v36, vm0, $0xb8;
	[tilespmem:$0x10780] =	vst v63  }
0x304: {  	s21 =	simm.s32 $0x2E80  }
0x305: {  	[tilespmem:s21], [sflag:$0x1] =	stream.indirect_vreg.gather [hbm4b:s2+s18], $0x80, v27, vm0, $0xb8;
	[tilespmem:$0x10780] =	vst v63  }
0x306: {  	v27 =	vld [tilespmem:$0x330];
	_ =	sdelay $0x4  }
0x307: {  	v54 =	vshll.u32 v27, $0x1  }
0x308: {  	v27 =	vand.u32 $0x7, v27;
	v36 =	vand.u32 $0xFFFFFFF0, v54  }
0x309: {  	v27 =	vor.u32 v27, v36  }
0x30a: {  	v36 =	vperm.xlane v27, v0;
	_ =	sdelay $0x1  }
0x30b: {  	v27 =	vperm.xlane v27, v2;
	v36 =	vadd.s32 v1, v36;
	_ =	sdelay $0x1  }
0x30c: {  	v27 =	vadd.s32 v1, v27;
	_ =	sdelay $0x1  }
0x30d: {  	s22 =	simm.s32 $0x3680  }
0x30e: {  	[tilespmem:s22], [sflag:$0x1] =	stream.indirect_vreg.gather [hbm4b:s2+s18], $0x80, v36, vm0, $0xb8;
	[tilespmem:$0x10780] =	vst v63  }
0x30f: {  	s20 =	simm.s32 $0x3E80  }
0x310: {  	[tilespmem:s20], [sflag:$0x1] =	stream.indirect_vreg.gather [hbm4b:s2+s18], $0x80, v27, vm0, $0xb8;
	[tilespmem:$0x10780] =	vst v63  }
0x311: {  	v27 =	vld [tilespmem:$0x340];
	_ =	sdelay $0x4  }
0x312: {  	v55 =	vshll.u32 v27, $0x1  }
0x313: {  	v27 =	vand.u32 $0x7, v27;
	v36 =	vand.u32 $0xFFFFFFF0, v55  }
0x314: {  	v27 =	vor.u32 v27, v36  }
0x315: {  	v36 =	vperm.xlane v27, v0;
	_ =	sdelay $0x1  }
0x316: {  	v27 =	vperm.xlane v27, v2;
	v36 =	vadd.s32 v1, v36;
	_ =	sdelay $0x1  }
0x317: {  	v27 =	vadd.s32 v1, v27;
	_ =	sdelay $0x1  }
0x318: {  	s21 =	simm.s32 $0x4680  }
0x319: {  	[tilespmem:s21], [sflag:$0x1] =	stream.indirect_vreg.gather [hbm4b:s2+s18], $0x80, v36, vm0, $0xb8;
	[tilespmem:$0x10780] =	vst v63  }
0x31a: {  	s22 =	simm.s32 $0x4E80  }
0x31b: {  	[tilespmem:s22], [sflag:$0x1] =	stream.indirect_vreg.gather [hbm4b:s2+s18], $0x80, v27, vm0, $0xb8;
	[tilespmem:$0x10780] =	vst v63  }
0x31c: {  	v27 =	vld [tilespmem:$0x350];
	_ =	sdelay $0x4  }
0x31d: {  	v56 =	vshll.u32 v27, $0x1  }
0x31e: {  	v27 =	vand.u32 $0x7, v27;
	v36 =	vand.u32 $0xFFFFFFF0, v56  }
0x31f: {  	v27 =	vor.u32 v27, v36  }
0x320: {  	v36 =	vperm.xlane v27, v0;
	_ =	sdelay $0x1  }
0x321: {  	v27 =	vperm.xlane v27, v2;
	v36 =	vadd.s32 v1, v36;
	_ =	sdelay $0x1  }
0x322: {  	v27 =	vadd.s32 v1, v27;
	_ =	sdelay $0x1  }
0x323: {  	s20 =	simm.s32 $0x5680  }
0x324: {  	[tilespmem:s20], [sflag:$0x1] =	stream.indirect_vreg.gather [hbm4b:s2+s18], $0x80, v36, vm0, $0xb8;
	[tilespmem:$0x10780] =	vst v63  }
0x325: {  	s21 =	simm.s32 $0x5E80  }
0x326: {  	[tilespmem:s21], [sflag:$0x1] =	stream.indirect_vreg.gather [hbm4b:s2+s18], $0x80, v27, vm0, $0xb8;
	[tilespmem:$0x10780] =	vst v63  }
0x327: {  	v27 =	vld [tilespmem:$0x360];
	_ =	sdelay $0x4  }
0x328: {  	v57 =	vshll.u32 v27, $0x1  }
0x329: {  	v27 =	vand.u32 $0x7, v27;
	v36 =	vand.u32 $0xFFFFFFF0, v57  }
0x32a: {  	v27 =	vor.u32 v27, v36  }
0x32b: {  	v36 =	vperm.xlane v27, v0;
	_ =	sdelay $0x1  }
0x32c: {  	v27 =	vperm.xlane v27, v2;
	v36 =	vadd.s32 v1, v36;
	_ =	sdelay $0x1  }
0x32d: {  	v27 =	vadd.s32 v1, v27;
	_ =	sdelay $0x1  }
0x32e: {  	s22 =	simm.s32 $0x6680  }
0x32f: {  	[tilespmem:s22], [sflag:$0x1] =	stream.indirect_vreg.gather [hbm4b:s2+s18], $0x80, v36, vm0, $0xb8;
	[tilespmem:$0x10780] =	vst v63  }
0x330: {  	s20 =	simm.s32 $0x6E80  }
0x331: {  	[tilespmem:s20], [sflag:$0x1] =	stream.indirect_vreg.gather [hbm4b:s2+s18], $0x80, v27, vm0, $0xb8;
	[tilespmem:$0x10780] =	vst v63  }
0x332: {  	v27 =	vld [tilespmem:$0x370];
	_ =	sdelay $0x4  }
0x333: {  	v58 =	vshll.u32 v27, $0x1  }
0x334: {  	v27 =	vand.u32 $0x7, v27;
	v36 =	vand.u32 $0xFFFFFFF0, v58  }
0x335: {  	v27 =	vor.u32 v27, v36  }
0x336: {  	v36 =	vperm.xlane v27, v0;
	_ =	sdelay $0x1  }
0x337: {  	v27 =	vperm.xlane v27, v2;
	v36 =	vadd.s32 v1, v36;
	_ =	sdelay $0x1  }
0x338: {  	v27 =	vadd.s32 v1, v27;
	_ =	sdelay $0x1  }
0x339: {  	s21 =	simm.s32 $0x7680  }
0x33a: {  	[tilespmem:s21], [sflag:$0x1] =	stream.indirect_vreg.gather [hbm4b:s2+s18], $0x80, v36, vm0, $0xb8;
	[tilespmem:$0x10780] =	vst v63  }
0x33b: {  	_ = 	snop  }
0x33c: {  	[tilespmem:s23], [sflag:$0x1] =	stream.indirect_vreg.gather [hbm4b:s2+s18], $0x80, v27, vm0, $0xb8;
	[tilespmem:$0x10780] =	vst v63  }
0x33d: {  	_ =	swait.ge [sflag:s16], $0x8000  }
0x33e: {  	s22 =	sand.u32 $0x7800, s18;
	s18 =	sand.u32 $0x380, s18;
	[sflag:s16] =	ssyncset.done $0x0  }
0x33f: {  	v14 =	vadd.f32 v19, v14;
	v15 =	vadd.f32 v20, v15;
	s18 =	sor.u32 s18, s22;
	[sflag:s16] =	ssyncadd.s32 $0xFFFF8000  }
0x340: {  	v3 =	vadd.f32 v21, v3;
	v4 =	vadd.f32 v22, v4;
	v19 =	vld [tilespmem:s18+$0x8AF0]  }
0x341: {  	v5 =	vadd.f32 v23, v5;
	v6 =	vadd.f32 v24, v6;
	v20 =	vld [tilespmem:s18+$0x8680]  }
0x342: {  	v7 =	vadd.f32 v25, v7;
	v8 =	vadd.f32 v26, v8;
	v21 =	vld [tilespmem:s18+$0x8690]  }
0x343: {  	v9 =	vadd.f32 v28, v9;
	v10 =	vadd.f32 v29, v10;
	v22 =	vld [tilespmem:s18+$0x86A0]  }
0x344: {  	v11 =	vadd.f32 v30, v11;
	v12 =	vadd.f32 v31, v12;
	v23 =	vld [tilespmem:s18+$0x86B0]  }
0x345: {  	v13 =	vadd.f32 v32, v13;
	v16 =	vadd.f32 v34, v16;
	v59 =	vld [tilespmem:s18+$0x86C0]  }
0x346: {  	v17 =	vadd.f32 v35, v17;
	v18 =	vadd.f32 v51, v18;
	v60 =	vld [tilespmem:s18+$0x86D0]  }
0x347: {  	v14 =	vadd.f32 v37, v14;
	v15 =	vadd.f32 v38, v15;
	v61 =	vld [tilespmem:s18+$0x86E0]  }
0x348: {  	v3 =	vadd.f32 v39, v3;
	v4 =	vadd.f32 v40, v4;
	v62 =	vld [tilespmem:s18+$0x86F0]  }
0x349: {  	v5 =	vadd.f32 v41, v5;
	v6 =	vadd.f32 v42, v6;
	v63 =	vld [tilespmem:s18+$0x8A80]  }
0x34a: {  	v7 =	vadd.f32 v19, v7;
	v8 =	vadd.f32 v20, v8;
	v19 =	vld [tilespmem:s18+$0x8A90]  }
0x34b: {  	v9 =	vadd.f32 v21, v9;
	v10 =	vadd.f32 v22, v10;
	v20 =	vld [tilespmem:s18+$0x8AA0]  }
0x34c: {  	v11 =	vadd.f32 v23, v11;
	v12 =	vadd.f32 v59, v12;
	v21 =	vld [tilespmem:s18+$0x8AB0]  }
0x34d: {  	s19 =	simm.s32 $0x80;
	s20 =	simm.s32 $0x100;
	v13 =	vadd.f32 v60, v13;
	v16 =	vadd.f32 v61, v16;
	v22 =	vld [tilespmem:s18+$0x8AC0]  }
0x34e: {  	s21 =	sand.u32 $0x7800, s20;
	s20 =	simm.s32 $0x200;
	s22 =	sand.u32 $0x380, s19;
	v17 =	vadd.f32 v62, v17;
	v18 =	vadd.f32 v63, v18;
	v23 =	vld [tilespmem:s18+$0x8AD0]  }
.LBB2_12:
0x34f: {  	p0 =	sne.s32 s20, $0x7F00;
	v14 =	vadd.f32 v19, v14;
	v19 =	vld [tilespmem:s18+$0x8AE0];
	s18 =	sor.u32 s22, s21  }
0x350: {  	v24 =	vld [tilespmem:s18+$0x8AF0];
	v15 =	vadd.f32 v20, v15  }
0x351: {  	v20 =	vld [tilespmem:s18+$0x8680];
	v3 =	vadd.f32 v21, v3  }
0x352: {  	v21 =	vld [tilespmem:s18+$0x8690];
	v4 =	vadd.f32 v22, v4  }
0x353: {  	v22 =	vld [tilespmem:s18+$0x86A0];
	v5 =	vadd.f32 v23, v5  }
0x354: {  	v23 =	vld [tilespmem:s18+$0x86B0];
	v6 =	vadd.f32 v19, v6  }
0x355: {  	v19 =	vld [tilespmem:s18+$0x86C0];
	v7 =	vadd.f32 v24, v7  }
0x356: {  	v8 =	vadd.f32 v20, v8;
	v20 =	vld [tilespmem:s18+$0x86D0]  }
0x357: {  	v9 =	vadd.f32 v21, v9;
	v21 =	vld [tilespmem:s18+$0x86E0]  }
0x358: {  	v10 =	vadd.f32 v22, v10;
	v22 =	vld [tilespmem:s18+$0x86F0]  }
0x359: {  	v11 =	vadd.f32 v23, v11;
	v23 =	vld [tilespmem:s18+$0x8A80]  }
.Ltmp5:
0x35a: {  	v12 =	vadd.f32 v19, v12;
	v19 =	vld [tilespmem:s18+$0x8A90];
	(pc) =	sbr.rel @p0 .LBB2_12-.Ltmp5, $4  }
0x35b: {  	v13 =	vadd.f32 v20, v13;
	v20 =	vld [tilespmem:s18+$0x8AA0]  }
0x35c: {  	v16 =	vadd.f32 v21, v16;
	v21 =	vld [tilespmem:s18+$0x8AB0]  }
0x35d: {  	s19 =	sadd.s32 $0x80, s19;
	v17 =	vadd.f32 v22, v17;
	v22 =	vld [tilespmem:s18+$0x8AC0]  }
0x35e: {  	s21 =	sand.u32 $0x7800, s20;
	s20 =	sadd.s32 $0x100, s20;
	s22 =	sand.u32 $0x380, s19;
	v18 =	vadd.f32 v23, v18;
	v23 =	vld [tilespmem:s18+$0x8AD0]  }
0x35f: {  	v24 =	vld [tilespmem:s18+$0x8AE0]  }
0x360: {  	s19 =	sor.u32 s22, s21;
	v27 =	vld [tilespmem:$0x380]  }
0x361: {  	v25 =	vld [tilespmem:s19+$0x8AF0]  }
0x362: {  	v26 =	vld [tilespmem:s19+$0x8680]  }
0x363: {  	v28 =	vld [tilespmem:s19+$0x8690]  }
0x364: {  	v29 =	vld [tilespmem:s19+$0x86A0]  }
0x365: {  	v30 =	vld [tilespmem:s19+$0x86B0]  }
0x366: {  	v31 =	vld [tilespmem:s19+$0x86C0];
	v33 =	vshll.u32 v27, $0x1  }
0x367: {  	v32 =	vld [tilespmem:s19+$0x86D0];
	v27 =	vand.u32 $0x7, v27;
	v33 =	vand.u32 $0xFFFFFFF0, v33  }
0x368: {  	v34 =	vld [tilespmem:s19+$0x86E0];
	v27 =	vor.u32 v27, v33  }
0x369: {  	v35 =	vld [tilespmem:s19+$0x86F0];
	v36 =	vperm.xlane v27, v0  }
0x36a: {  	v51 =	vld [tilespmem:s19+$0x8A80]  }
0x36b: {  	v37 =	vld [tilespmem:s19+$0x8A90];
	v27 =	vperm.xlane v27, v2;
	v36 =	vadd.s32 v1, v36  }
0x36c: {  	v38 =	vld [tilespmem:s19+$0x8AA0]  }
0x36d: {  	v39 =	vld [tilespmem:s19+$0x8AB0];
	v27 =	vadd.s32 v1, v27  }
0x36e: {  	v40 =	vld [tilespmem:s19+$0x8AC0]  }
0x36f: {  	s21 =	simm.s32 $0x0;
	v41 =	vld [tilespmem:s19+$0x8AD0]  }
0x370: {  	v42 =	vld [tilespmem:s19+$0x8AE0];
	[tilespmem:s24], [sflag:$0x2] =	stream.indirect_vreg.gather [hbm4b:s2+s21], $0x80, v36, vm0, $0xb8  }
0x371: {  	_ = 	snop  }
0x372: {  	[tilespmem:s25], [sflag:$0x2] =	stream.indirect_vreg.gather [hbm4b:s2+s21], $0x80, v27, vm0, $0xb8;
	[tilespmem:$0x10780] =	vst v63  }
0x373: {  	v27 =	vld [tilespmem:$0x390];
	_ =	sdelay $0x4  }
0x374: {  	v52 =	vshll.u32 v27, $0x1  }
0x375: {  	v27 =	vand.u32 $0x7, v27;
	v36 =	vand.u32 $0xFFFFFFF0, v52  }
0x376: {  	v27 =	vor.u32 v27, v36  }
0x377: {  	v36 =	vperm.xlane v27, v0;
	_ =	sdelay $0x1  }
0x378: {  	v27 =	vperm.xlane v27, v2;
	v36 =	vadd.s32 v1, v36;
	_ =	sdelay $0x1  }
0x379: {  	v27 =	vadd.s32 v1, v27;
	_ =	sdelay $0x2  }
0x37a: {  	[tilespmem:s26], [sflag:$0x2] =	stream.indirect_vreg.gather [hbm4b:s2+s21], $0x80, v36, vm0, $0xb8;
	[tilespmem:$0x10780] =	vst v63  }
0x37b: {  	_ = 	snop  }
0x37c: {  	[tilespmem:s28], [sflag:$0x2] =	stream.indirect_vreg.gather [hbm4b:s2+s21], $0x80, v27, vm0, $0xb8;
	[tilespmem:$0x10780] =	vst v63  }
0x37d: {  	v27 =	vld [tilespmem:$0x3A0];
	_ =	sdelay $0x4  }
0x37e: {  	v53 =	vshll.u32 v27, $0x1  }
0x37f: {  	v27 =	vand.u32 $0x7, v27;
	v36 =	vand.u32 $0xFFFFFFF0, v53  }
0x380: {  	v27 =	vor.u32 v27, v36  }
0x381: {  	v36 =	vperm.xlane v27, v0;
	_ =	sdelay $0x1  }
0x382: {  	v27 =	vperm.xlane v27, v2;
	v36 =	vadd.s32 v1, v36;
	_ =	sdelay $0x1  }
0x383: {  	v27 =	vadd.s32 v1, v27;
	_ =	sdelay $0x2  }
0x384: {  	[tilespmem:s29], [sflag:$0x2] =	stream.indirect_vreg.gather [hbm4b:s2+s21], $0x80, v36, vm0, $0xb8;
	[tilespmem:$0x10780] =	vst v63  }
0x385: {  	_ = 	snop  }
0x386: {  	[tilespmem:s30], [sflag:$0x2] =	stream.indirect_vreg.gather [hbm4b:s2+s21], $0x80, v27, vm0, $0xb8;
	[tilespmem:$0x10780] =	vst v63  }
0x387: {  	v27 =	vld [tilespmem:$0x3B0];
	_ =	sdelay $0x4  }
0x388: {  	v54 =	vshll.u32 v27, $0x1  }
0x389: {  	v27 =	vand.u32 $0x7, v27;
	v36 =	vand.u32 $0xFFFFFFF0, v54  }
0x38a: {  	v27 =	vor.u32 v27, v36  }
0x38b: {  	v36 =	vperm.xlane v27, v0;
	_ =	sdelay $0x1  }
0x38c: {  	v27 =	vperm.xlane v27, v2;
	v36 =	vadd.s32 v1, v36;
	_ =	sdelay $0x1  }
0x38d: {  	v27 =	vadd.s32 v1, v27;
	_ =	sdelay $0x2  }
0x38e: {  	[tilespmem:s31], [sflag:$0x2] =	stream.indirect_vreg.gather [hbm4b:s2+s21], $0x80, v36, vm0, $0xb8;
	[tilespmem:$0x10780] =	vst v63  }
0x38f: {  	_ = 	snop  }
0x390: {  	[tilespmem:s0], [sflag:$0x2] =	stream.indirect_vreg.gather [hbm4b:s2+s21], $0x80, v27, vm0, $0xb8;
	[tilespmem:$0x10780] =	vst v63  }
0x391: {  	v27 =	vld [tilespmem:$0x3C0];
	_ =	sdelay $0x4  }
0x392: {  	v55 =	vshll.u32 v27, $0x1  }
0x393: {  	v27 =	vand.u32 $0x7, v27;
	v36 =	vand.u32 $0xFFFFFFF0, v55  }
0x394: {  	v27 =	vor.u32 v27, v36  }
0x395: {  	v36 =	vperm.xlane v27, v0;
	_ =	sdelay $0x1  }
0x396: {  	v27 =	vperm.xlane v27, v2;
	v36 =	vadd.s32 v1, v36;
	_ =	sdelay $0x1  }
0x397: {  	v27 =	vadd.s32 v1, v27;
	_ =	sdelay $0x2  }
0x398: {  	[tilespmem:s1], [sflag:$0x2] =	stream.indirect_vreg.gather [hbm4b:s2+s21], $0x80, v36, vm0, $0xb8;
	[tilespmem:$0x10780] =	vst v63  }
0x399: {  	_ = 	snop  }
0x39a: {  	[tilespmem:s4], [sflag:$0x2] =	stream.indirect_vreg.gather [hbm4b:s2+s21], $0x80, v27, vm0, $0xb8;
	[tilespmem:$0x10780] =	vst v63  }
0x39b: {  	v27 =	vld [tilespmem:$0x3D0];
	_ =	sdelay $0x4  }
0x39c: {  	v56 =	vshll.u32 v27, $0x1  }
0x39d: {  	v27 =	vand.u32 $0x7, v27;
	v36 =	vand.u32 $0xFFFFFFF0, v56  }
0x39e: {  	v27 =	vor.u32 v27, v36  }
0x39f: {  	v36 =	vperm.xlane v27, v0;
	_ =	sdelay $0x1  }
0x3a0: {  	v27 =	vperm.xlane v27, v2;
	v36 =	vadd.s32 v1, v36;
	_ =	sdelay $0x1  }
0x3a1: {  	v27 =	vadd.s32 v1, v27;
	_ =	sdelay $0x2  }
0x3a2: {  	[tilespmem:s5], [sflag:$0x2] =	stream.indirect_vreg.gather [hbm4b:s2+s21], $0x80, v36, vm0, $0xb8;
	[tilespmem:$0x10780] =	vst v63  }
0x3a3: {  	_ = 	snop  }
0x3a4: {  	[tilespmem:s6], [sflag:$0x2] =	stream.indirect_vreg.gather [hbm4b:s2+s21], $0x80, v27, vm0, $0xb8;
	[tilespmem:$0x10780] =	vst v63  }
0x3a5: {  	v27 =	vld [tilespmem:$0x3E0];
	_ =	sdelay $0x4  }
0x3a6: {  	v57 =	vshll.u32 v27, $0x1  }
0x3a7: {  	v27 =	vand.u32 $0x7, v27;
	v36 =	vand.u32 $0xFFFFFFF0, v57  }
0x3a8: {  	v27 =	vor.u32 v27, v36  }
0x3a9: {  	v36 =	vperm.xlane v27, v0;
	_ =	sdelay $0x1  }
0x3aa: {  	v27 =	vperm.xlane v27, v2;
	v36 =	vadd.s32 v1, v36;
	_ =	sdelay $0x1  }
0x3ab: {  	v27 =	vadd.s32 v1, v27;
	_ =	sdelay $0x2  }
0x3ac: {  	[tilespmem:s7], [sflag:$0x2] =	stream.indirect_vreg.gather [hbm4b:s2+s21], $0x80, v36, vm0, $0xb8;
	[tilespmem:$0x10780] =	vst v63  }
0x3ad: {  	_ = 	snop  }
0x3ae: {  	[tilespmem:s12], [sflag:$0x2] =	stream.indirect_vreg.gather [hbm4b:s2+s21], $0x80, v27, vm0, $0xb8;
	[tilespmem:$0x10780] =	vst v63  }
0x3af: {  	v27 =	vld [tilespmem:$0x3F0];
	_ =	sdelay $0x4  }
0x3b0: {  	v58 =	vshll.u32 v27, $0x1  }
0x3b1: {  	v27 =	vand.u32 $0x7, v27;
	v36 =	vand.u32 $0xFFFFFFF0, v58  }
0x3b2: {  	v27 =	vor.u32 v27, v36  }
0x3b3: {  	v36 =	vperm.xlane v27, v0;
	_ =	sdelay $0x1  }
0x3b4: {  	v27 =	vperm.xlane v27, v2;
	v36 =	vadd.s32 v1, v36;
	_ =	sdelay $0x1  }
0x3b5: {  	v27 =	vadd.s32 v1, v27;
	_ =	sdelay $0x2  }
0x3b6: {  	[tilespmem:s13], [sflag:$0x2] =	stream.indirect_vreg.gather [hbm4b:s2+s21], $0x80, v36, vm0, $0xb8;
	[tilespmem:$0x10780] =	vst v63  }
0x3b7: {  	_ = 	snop  }
0x3b8: {  	[tilespmem:s14], [sflag:$0x2] =	stream.indirect_vreg.gather [hbm4b:s2+s21], $0x80, v27, vm0, $0xb8;
	[tilespmem:$0x10780] =	vst v63  }
0x3b9: {  	_ =	swait.ge [sflag:s15], $0x8000  }
0x3ba: {  	s22 =	sand.u32 $0x7800, s21;
	s18 =	sand.u32 $0x380, s21;
	[sflag:s15] =	ssyncset.done $0x0  }
0x3bb: {  	v14 =	vadd.f32 v19, v14;
	v15 =	vadd.f32 v20, v15;
	s18 =	sor.u32 s18, s22;
	[sflag:s15] =	ssyncadd.s32 $0xFFFF8000  }
0x3bc: {  	v3 =	vadd.f32 v21, v3;
	v4 =	vadd.f32 v22, v4;
	v19 =	vld [tilespmem:s18+$0xAF0]  }
0x3bd: {  	v5 =	vadd.f32 v23, v5;
	v6 =	vadd.f32 v24, v6;
	v20 =	vld [tilespmem:s18+$0x680]  }
0x3be: {  	v7 =	vadd.f32 v25, v7;
	v8 =	vadd.f32 v26, v8;
	v21 =	vld [tilespmem:s18+$0x690]  }
0x3bf: {  	v9 =	vadd.f32 v28, v9;
	v10 =	vadd.f32 v29, v10;
	v22 =	vld [tilespmem:s18+$0x6A0]  }
0x3c0: {  	v11 =	vadd.f32 v30, v11;
	v12 =	vadd.f32 v31, v12;
	v23 =	vld [tilespmem:s18+$0x6B0]  }
0x3c1: {  	v13 =	vadd.f32 v32, v13;
	v16 =	vadd.f32 v34, v16;
	v59 =	vld [tilespmem:s18+$0x6C0]  }
0x3c2: {  	v17 =	vadd.f32 v35, v17;
	v18 =	vadd.f32 v51, v18;
	v60 =	vld [tilespmem:s18+$0x6D0]  }
0x3c3: {  	v14 =	vadd.f32 v37, v14;
	v15 =	vadd.f32 v38, v15;
	v61 =	vld [tilespmem:s18+$0x6E0]  }
0x3c4: {  	v3 =	vadd.f32 v39, v3;
	v4 =	vadd.f32 v40, v4;
	v62 =	vld [tilespmem:s18+$0x6F0]  }
0x3c5: {  	v5 =	vadd.f32 v41, v5;
	v6 =	vadd.f32 v42, v6;
	v63 =	vld [tilespmem:s18+$0xA80]  }
0x3c6: {  	v7 =	vadd.f32 v19, v7;
	v8 =	vadd.f32 v20, v8;
	v19 =	vld [tilespmem:s18+$0xA90]  }
0x3c7: {  	v9 =	vadd.f32 v21, v9;
	v10 =	vadd.f32 v22, v10;
	v20 =	vld [tilespmem:s18+$0xAA0]  }
0x3c8: {  	v11 =	vadd.f32 v23, v11;
	v12 =	vadd.f32 v59, v12;
	v21 =	vld [tilespmem:s18+$0xAB0]  }
0x3c9: {  	s20 =	simm.s32 $0x100;
	s19 =	simm.s32 $0x80;
	v13 =	vadd.f32 v60, v13;
	v16 =	vadd.f32 v61, v16;
	v22 =	vld [tilespmem:s18+$0xAC0]  }
0x3ca: {  	s22 =	sand.u32 $0x380, s19;
	s21 =	sand.u32 $0x7800, s20;
	s20 =	simm.s32 $0x200;
	v17 =	vadd.f32 v62, v17;
	v18 =	vadd.f32 v63, v18;
	v23 =	vld [tilespmem:s18+$0xAD0]  }
.LBB2_14:
0x3cb: {  	p0 =	sne.s32 s20, $0x7F00;
	v14 =	vadd.f32 v19, v14;
	v19 =	vld [tilespmem:s18+$0xAE0];
	s18 =	sor.u32 s22, s21  }
0x3cc: {  	v24 =	vld [tilespmem:s18+$0xAF0];
	v15 =	vadd.f32 v20, v15  }
0x3cd: {  	v20 =	vld [tilespmem:s18+$0x680];
	v3 =	vadd.f32 v21, v3  }
0x3ce: {  	v21 =	vld [tilespmem:s18+$0x690];
	v4 =	vadd.f32 v22, v4  }
0x3cf: {  	v22 =	vld [tilespmem:s18+$0x6A0];
	v5 =	vadd.f32 v23, v5  }
0x3d0: {  	v23 =	vld [tilespmem:s18+$0x6B0];
	v6 =	vadd.f32 v19, v6  }
0x3d1: {  	v19 =	vld [tilespmem:s18+$0x6C0];
	v7 =	vadd.f32 v24, v7  }
0x3d2: {  	v8 =	vadd.f32 v20, v8;
	v20 =	vld [tilespmem:s18+$0x6D0]  }
0x3d3: {  	v9 =	vadd.f32 v21, v9;
	v21 =	vld [tilespmem:s18+$0x6E0]  }
0x3d4: {  	v10 =	vadd.f32 v22, v10;
	v22 =	vld [tilespmem:s18+$0x6F0]  }
0x3d5: {  	v11 =	vadd.f32 v23, v11;
	v23 =	vld [tilespmem:s18+$0xA80]  }
.Ltmp6:
0x3d6: {  	v12 =	vadd.f32 v19, v12;
	v19 =	vld [tilespmem:s18+$0xA90];
	(pc) =	sbr.rel @p0 .LBB2_14-.Ltmp6, $4  }
0x3d7: {  	v13 =	vadd.f32 v20, v13;
	v20 =	vld [tilespmem:s18+$0xAA0]  }
0x3d8: {  	v16 =	vadd.f32 v21, v16;
	v21 =	vld [tilespmem:s18+$0xAB0]  }
0x3d9: {  	s19 =	sadd.s32 $0x80, s19;
	v17 =	vadd.f32 v22, v17;
	v22 =	vld [tilespmem:s18+$0xAC0]  }
0x3da: {  	s21 =	sand.u32 $0x7800, s20;
	s20 =	sadd.s32 $0x100, s20;
	s22 =	sand.u32 $0x380, s19;
	v18 =	vadd.f32 v23, v18;
	v23 =	vld [tilespmem:s18+$0xAD0]  }
0x3db: {  	v24 =	vld [tilespmem:s18+$0xAE0]  }
0x3dc: {  	s19 =	sor.u32 s22, s21;
	v27 =	vld [tilespmem:$0x400]  }
0x3dd: {  	v25 =	vld [tilespmem:s19+$0xAF0]  }
0x3de: {  	v26 =	vld [tilespmem:s19+$0x680]  }
0x3df: {  	v28 =	vld [tilespmem:s19+$0x690]  }
0x3e0: {  	v29 =	vld [tilespmem:s19+$0x6A0]  }
0x3e1: {  	v30 =	vld [tilespmem:s19+$0x6B0]  }
0x3e2: {  	v31 =	vld [tilespmem:s19+$0x6C0];
	v33 =	vshll.u32 v27, $0x1  }
0x3e3: {  	v32 =	vld [tilespmem:s19+$0x6D0];
	v27 =	vand.u32 $0x7, v27;
	v33 =	vand.u32 $0xFFFFFFF0, v33  }
0x3e4: {  	v34 =	vld [tilespmem:s19+$0x6E0];
	v27 =	vor.u32 v27, v33  }
0x3e5: {  	v35 =	vld [tilespmem:s19+$0x6F0];
	v36 =	vperm.xlane v27, v0  }
0x3e6: {  	v51 =	vld [tilespmem:s19+$0xA80]  }
0x3e7: {  	v37 =	vld [tilespmem:s19+$0xA90];
	v27 =	vperm.xlane v27, v2;
	v36 =	vadd.s32 v1, v36  }
0x3e8: {  	v38 =	vld [tilespmem:s19+$0xAA0]  }
0x3e9: {  	v39 =	vld [tilespmem:s19+$0xAB0];
	v27 =	vadd.s32 v1, v27  }
0x3ea: {  	v40 =	vld [tilespmem:s19+$0xAC0]  }
0x3eb: {  	s18 =	simm.s32 $0x0;
	v41 =	vld [tilespmem:s19+$0xAD0]  }
0x3ec: {  	v42 =	vld [tilespmem:s19+$0xAE0];
	[tilespmem:s8], [sflag:$0x1] =	stream.indirect_vreg.gather [hbm4b:s2+s18], $0x80, v36, vm0, $0xb8  }
0x3ed: {  	_ = 	snop  }
0x3ee: {  	[tilespmem:s9], [sflag:$0x1] =	stream.indirect_vreg.gather [hbm4b:s2+s18], $0x80, v27, vm0, $0xb8;
	[tilespmem:$0x10780] =	vst v63  }
0x3ef: {  	v27 =	vld [tilespmem:$0x410];
	_ =	sdelay $0x4  }
0x3f0: {  	v52 =	vshll.u32 v27, $0x1  }
0x3f1: {  	v27 =	vand.u32 $0x7, v27;
	v36 =	vand.u32 $0xFFFFFFF0, v52  }
0x3f2: {  	v27 =	vor.u32 v27, v36  }
0x3f3: {  	v36 =	vperm.xlane v27, v0;
	_ =	sdelay $0x1  }
0x3f4: {  	v27 =	vperm.xlane v27, v2;
	v36 =	vadd.s32 v1, v36;
	_ =	sdelay $0x1  }
0x3f5: {  	v27 =	vadd.s32 v1, v27;
	_ =	sdelay $0x2  }
0x3f6: {  	[tilespmem:s10], [sflag:$0x1] =	stream.indirect_vreg.gather [hbm4b:s2+s18], $0x80, v36, vm0, $0xb8;
	[tilespmem:$0x10780] =	vst v63  }
0x3f7: {  	_ = 	snop  }
0x3f8: {  	[tilespmem:s11], [sflag:$0x1] =	stream.indirect_vreg.gather [hbm4b:s2+s18], $0x80, v27, vm0, $0xb8;
	[tilespmem:$0x10780] =	vst v63  }
0x3f9: {  	v27 =	vld [tilespmem:$0x420];
	_ =	sdelay $0x4  }
0x3fa: {  	v53 =	vshll.u32 v27, $0x1  }
0x3fb: {  	v27 =	vand.u32 $0x7, v27;
	v36 =	vand.u32 $0xFFFFFFF0, v53  }
0x3fc: {  	v27 =	vor.u32 v27, v36  }
0x3fd: {  	v36 =	vperm.xlane v27, v0;
	_ =	sdelay $0x1  }
0x3fe: {  	v27 =	vperm.xlane v27, v2;
	v36 =	vadd.s32 v1, v36;
	_ =	sdelay $0x1  }
0x3ff: {  	v27 =	vadd.s32 v1, v27;
	_ =	sdelay $0x1  }
0x400: {  	s20 =	simm.s32 $0x2680  }
0x401: {  	[tilespmem:s20], [sflag:$0x1] =	stream.indirect_vreg.gather [hbm4b:s2+s18], $0x80, v36, vm0, $0xb8;
	[tilespmem:$0x10780] =	vst v63  }
0x402: {  	s21 =	simm.s32 $0x2E80  }
0x403: {  	[tilespmem:s21], [sflag:$0x1] =	stream.indirect_vreg.gather [hbm4b:s2+s18], $0x80, v27, vm0, $0xb8;
	[tilespmem:$0x10780] =	vst v63  }
0x404: {  	v27 =	vld [tilespmem:$0x430];
	_ =	sdelay $0x4  }
0x405: {  	v54 =	vshll.u32 v27, $0x1  }
0x406: {  	v27 =	vand.u32 $0x7, v27;
	v36 =	vand.u32 $0xFFFFFFF0, v54  }
0x407: {  	v27 =	vor.u32 v27, v36  }
0x408: {  	v36 =	vperm.xlane v27, v0;
	_ =	sdelay $0x1  }
0x409: {  	v27 =	vperm.xlane v27, v2;
	v36 =	vadd.s32 v1, v36;
	_ =	sdelay $0x1  }
0x40a: {  	v27 =	vadd.s32 v1, v27;
	_ =	sdelay $0x1  }
0x40b: {  	s22 =	simm.s32 $0x3680  }
0x40c: {  	[tilespmem:s22], [sflag:$0x1] =	stream.indirect_vreg.gather [hbm4b:s2+s18], $0x80, v36, vm0, $0xb8;
	[tilespmem:$0x10780] =	vst v63  }
0x40d: {  	s20 =	simm.s32 $0x3E80  }
0x40e: {  	[tilespmem:s20], [sflag:$0x1] =	stream.indirect_vreg.gather [hbm4b:s2+s18], $0x80, v27, vm0, $0xb8;
	[tilespmem:$0x10780] =	vst v63  }
0x40f: {  	v27 =	vld [tilespmem:$0x440];
	_ =	sdelay $0x4  }
0x410: {  	v55 =	vshll.u32 v27, $0x1  }
0x411: {  	v27 =	vand.u32 $0x7, v27;
	v36 =	vand.u32 $0xFFFFFFF0, v55  }
0x412: {  	v27 =	vor.u32 v27, v36  }
0x413: {  	v36 =	vperm.xlane v27, v0;
	_ =	sdelay $0x1  }
0x414: {  	v27 =	vperm.xlane v27, v2;
	v36 =	vadd.s32 v1, v36;
	_ =	sdelay $0x1  }
0x415: {  	v27 =	vadd.s32 v1, v27;
	_ =	sdelay $0x1  }
0x416: {  	s21 =	simm.s32 $0x4680  }
0x417: {  	[tilespmem:s21], [sflag:$0x1] =	stream.indirect_vreg.gather [hbm4b:s2+s18], $0x80, v36, vm0, $0xb8;
	[tilespmem:$0x10780] =	vst v63  }
0x418: {  	s22 =	simm.s32 $0x4E80  }
0x419: {  	[tilespmem:s22], [sflag:$0x1] =	stream.indirect_vreg.gather [hbm4b:s2+s18], $0x80, v27, vm0, $0xb8;
	[tilespmem:$0x10780] =	vst v63  }
0x41a: {  	v27 =	vld [tilespmem:$0x450];
	_ =	sdelay $0x4  }
0x41b: {  	v56 =	vshll.u32 v27, $0x1  }
0x41c: {  	v27 =	vand.u32 $0x7, v27;
	v36 =	vand.u32 $0xFFFFFFF0, v56  }
0x41d: {  	v27 =	vor.u32 v27, v36  }
0x41e: {  	v36 =	vperm.xlane v27, v0;
	_ =	sdelay $0x1  }
0x41f: {  	v27 =	vperm.xlane v27, v2;
	v36 =	vadd.s32 v1, v36;
	_ =	sdelay $0x1  }
0x420: {  	v27 =	vadd.s32 v1, v27;
	_ =	sdelay $0x1  }
0x421: {  	s20 =	simm.s32 $0x5680  }
0x422: {  	[tilespmem:s20], [sflag:$0x1] =	stream.indirect_vreg.gather [hbm4b:s2+s18], $0x80, v36, vm0, $0xb8;
	[tilespmem:$0x10780] =	vst v63  }
0x423: {  	s21 =	simm.s32 $0x5E80  }
0x424: {  	[tilespmem:s21], [sflag:$0x1] =	stream.indirect_vreg.gather [hbm4b:s2+s18], $0x80, v27, vm0, $0xb8;
	[tilespmem:$0x10780] =	vst v63  }
0x425: {  	v27 =	vld [tilespmem:$0x460];
	_ =	sdelay $0x4  }
0x426: {  	v57 =	vshll.u32 v27, $0x1  }
0x427: {  	v27 =	vand.u32 $0x7, v27;
	v36 =	vand.u32 $0xFFFFFFF0, v57  }
0x428: {  	v27 =	vor.u32 v27, v36  }
0x429: {  	v36 =	vperm.xlane v27, v0;
	_ =	sdelay $0x1  }
0x42a: {  	v27 =	vperm.xlane v27, v2;
	v36 =	vadd.s32 v1, v36;
	_ =	sdelay $0x1  }
0x42b: {  	v27 =	vadd.s32 v1, v27;
	_ =	sdelay $0x1  }
0x42c: {  	s22 =	simm.s32 $0x6680  }
0x42d: {  	[tilespmem:s22], [sflag:$0x1] =	stream.indirect_vreg.gather [hbm4b:s2+s18], $0x80, v36, vm0, $0xb8;
	[tilespmem:$0x10780] =	vst v63  }
0x42e: {  	s20 =	simm.s32 $0x6E80  }
0x42f: {  	[tilespmem:s20], [sflag:$0x1] =	stream.indirect_vreg.gather [hbm4b:s2+s18], $0x80, v27, vm0, $0xb8;
	[tilespmem:$0x10780] =	vst v63  }
0x430: {  	v27 =	vld [tilespmem:$0x470];
	_ =	sdelay $0x4  }
0x431: {  	v58 =	vshll.u32 v27, $0x1  }
0x432: {  	v27 =	vand.u32 $0x7, v27;
	v36 =	vand.u32 $0xFFFFFFF0, v58  }
0x433: {  	v27 =	vor.u32 v27, v36  }
0x434: {  	v36 =	vperm.xlane v27, v0;
	_ =	sdelay $0x1  }
0x435: {  	v27 =	vperm.xlane v27, v2;
	v36 =	vadd.s32 v1, v36;
	_ =	sdelay $0x1  }
0x436: {  	v27 =	vadd.s32 v1, v27;
	_ =	sdelay $0x1  }
0x437: {  	s21 =	simm.s32 $0x7680  }
0x438: {  	[tilespmem:s21], [sflag:$0x1] =	stream.indirect_vreg.gather [hbm4b:s2+s18], $0x80, v36, vm0, $0xb8;
	[tilespmem:$0x10780] =	vst v63  }
0x439: {  	_ = 	snop  }
0x43a: {  	[tilespmem:s23], [sflag:$0x1] =	stream.indirect_vreg.gather [hbm4b:s2+s18], $0x80, v27, vm0, $0xb8;
	[tilespmem:$0x10780] =	vst v63  }
0x43b: {  	_ =	swait.ge [sflag:s16], $0x8000  }
0x43c: {  	s22 =	sand.u32 $0x7800, s18;
	s18 =	sand.u32 $0x380, s18;
	[sflag:s16] =	ssyncset.done $0x0  }
0x43d: {  	v14 =	vadd.f32 v19, v14;
	v15 =	vadd.f32 v20, v15;
	s18 =	sor.u32 s18, s22;
	[sflag:s16] =	ssyncadd.s32 $0xFFFF8000  }
0x43e: {  	v3 =	vadd.f32 v21, v3;
	v4 =	vadd.f32 v22, v4;
	v19 =	vld [tilespmem:s18+$0x8AF0]  }
0x43f: {  	v5 =	vadd.f32 v23, v5;
	v6 =	vadd.f32 v24, v6;
	v20 =	vld [tilespmem:s18+$0x8680]  }
0x440: {  	v7 =	vadd.f32 v25, v7;
	v8 =	vadd.f32 v26, v8;
	v21 =	vld [tilespmem:s18+$0x8690]  }
0x441: {  	v9 =	vadd.f32 v28, v9;
	v10 =	vadd.f32 v29, v10;
	v22 =	vld [tilespmem:s18+$0x86A0]  }
0x442: {  	v11 =	vadd.f32 v30, v11;
	v12 =	vadd.f32 v31, v12;
	v23 =	vld [tilespmem:s18+$0x86B0]  }
0x443: {  	v13 =	vadd.f32 v32, v13;
	v16 =	vadd.f32 v34, v16;
	v59 =	vld [tilespmem:s18+$0x86C0]  }
0x444: {  	v17 =	vadd.f32 v35, v17;
	v18 =	vadd.f32 v51, v18;
	v60 =	vld [tilespmem:s18+$0x86D0]  }
0x445: {  	v14 =	vadd.f32 v37, v14;
	v15 =	vadd.f32 v38, v15;
	v61 =	vld [tilespmem:s18+$0x86E0]  }
0x446: {  	v3 =	vadd.f32 v39, v3;
	v4 =	vadd.f32 v40, v4;
	v62 =	vld [tilespmem:s18+$0x86F0]  }
0x447: {  	v5 =	vadd.f32 v41, v5;
	v6 =	vadd.f32 v42, v6;
	v63 =	vld [tilespmem:s18+$0x8A80]  }
0x448: {  	v7 =	vadd.f32 v19, v7;
	v8 =	vadd.f32 v20, v8;
	v19 =	vld [tilespmem:s18+$0x8A90]  }
0x449: {  	v9 =	vadd.f32 v21, v9;
	v10 =	vadd.f32 v22, v10;
	v20 =	vld [tilespmem:s18+$0x8AA0]  }
0x44a: {  	v11 =	vadd.f32 v23, v11;
	v12 =	vadd.f32 v59, v12;
	v21 =	vld [tilespmem:s18+$0x8AB0]  }
0x44b: {  	s19 =	simm.s32 $0x80;
	s20 =	simm.s32 $0x100;
	v13 =	vadd.f32 v60, v13;
	v16 =	vadd.f32 v61, v16;
	v22 =	vld [tilespmem:s18+$0x8AC0]  }
0x44c: {  	s21 =	sand.u32 $0x7800, s20;
	s20 =	simm.s32 $0x200;
	s22 =	sand.u32 $0x380, s19;
	v17 =	vadd.f32 v62, v17;
	v18 =	vadd.f32 v63, v18;
	v23 =	vld [tilespmem:s18+$0x8AD0]  }
.LBB2_16:
0x44d: {  	p0 =	sne.s32 s20, $0x7F00;
	v14 =	vadd.f32 v19, v14;
	v19 =	vld [tilespmem:s18+$0x8AE0];
	s18 =	sor.u32 s22, s21  }
0x44e: {  	v24 =	vld [tilespmem:s18+$0x8AF0];
	v15 =	vadd.f32 v20, v15  }
0x44f: {  	v20 =	vld [tilespmem:s18+$0x8680];
	v3 =	vadd.f32 v21, v3  }
0x450: {  	v21 =	vld [tilespmem:s18+$0x8690];
	v4 =	vadd.f32 v22, v4  }
0x451: {  	v22 =	vld [tilespmem:s18+$0x86A0];
	v5 =	vadd.f32 v23, v5  }
0x452: {  	v23 =	vld [tilespmem:s18+$0x86B0];
	v6 =	vadd.f32 v19, v6  }
0x453: {  	v19 =	vld [tilespmem:s18+$0x86C0];
	v7 =	vadd.f32 v24, v7  }
0x454: {  	v8 =	vadd.f32 v20, v8;
	v20 =	vld [tilespmem:s18+$0x86D0]  }
0x455: {  	v9 =	vadd.f32 v21, v9;
	v21 =	vld [tilespmem:s18+$0x86E0]  }
0x456: {  	v10 =	vadd.f32 v22, v10;
	v22 =	vld [tilespmem:s18+$0x86F0]  }
0x457: {  	v11 =	vadd.f32 v23, v11;
	v23 =	vld [tilespmem:s18+$0x8A80]  }
.Ltmp7:
0x458: {  	v12 =	vadd.f32 v19, v12;
	v19 =	vld [tilespmem:s18+$0x8A90];
	(pc) =	sbr.rel @p0 .LBB2_16-.Ltmp7, $4  }
0x459: {  	v13 =	vadd.f32 v20, v13;
	v20 =	vld [tilespmem:s18+$0x8AA0]  }
0x45a: {  	v16 =	vadd.f32 v21, v16;
	v21 =	vld [tilespmem:s18+$0x8AB0]  }
0x45b: {  	s19 =	sadd.s32 $0x80, s19;
	v17 =	vadd.f32 v22, v17;
	v22 =	vld [tilespmem:s18+$0x8AC0]  }
0x45c: {  	s21 =	sand.u32 $0x7800, s20;
	s20 =	sadd.s32 $0x100, s20;
	s22 =	sand.u32 $0x380, s19;
	v18 =	vadd.f32 v23, v18;
	v23 =	vld [tilespmem:s18+$0x8AD0]  }
0x45d: {  	v24 =	vld [tilespmem:s18+$0x8AE0]  }
0x45e: {  	s19 =	sor.u32 s22, s21;
	v27 =	vld [tilespmem:$0x480]  }
0x45f: {  	v25 =	vld [tilespmem:s19+$0x8AF0]  }
0x460: {  	v26 =	vld [tilespmem:s19+$0x8680]  }
0x461: {  	v28 =	vld [tilespmem:s19+$0x8690]  }
0x462: {  	v29 =	vld [tilespmem:s19+$0x86A0]  }
0x463: {  	v30 =	vld [tilespmem:s19+$0x86B0]  }
0x464: {  	v31 =	vld [tilespmem:s19+$0x86C0];
	v33 =	vshll.u32 v27, $0x1  }
0x465: {  	v32 =	vld [tilespmem:s19+$0x86D0];
	v27 =	vand.u32 $0x7, v27;
	v33 =	vand.u32 $0xFFFFFFF0, v33  }
0x466: {  	v34 =	vld [tilespmem:s19+$0x86E0];
	v27 =	vor.u32 v27, v33  }
0x467: {  	v35 =	vld [tilespmem:s19+$0x86F0];
	v36 =	vperm.xlane v27, v0  }
0x468: {  	v51 =	vld [tilespmem:s19+$0x8A80]  }
0x469: {  	v37 =	vld [tilespmem:s19+$0x8A90];
	v27 =	vperm.xlane v27, v2;
	v36 =	vadd.s32 v1, v36  }
0x46a: {  	v38 =	vld [tilespmem:s19+$0x8AA0]  }
0x46b: {  	v39 =	vld [tilespmem:s19+$0x8AB0];
	v27 =	vadd.s32 v1, v27  }
0x46c: {  	v40 =	vld [tilespmem:s19+$0x8AC0]  }
0x46d: {  	s21 =	simm.s32 $0x0;
	v41 =	vld [tilespmem:s19+$0x8AD0]  }
0x46e: {  	v42 =	vld [tilespmem:s19+$0x8AE0];
	[tilespmem:s24], [sflag:$0x2] =	stream.indirect_vreg.gather [hbm4b:s2+s21], $0x80, v36, vm0, $0xb8  }
0x46f: {  	_ = 	snop  }
0x470: {  	[tilespmem:s25], [sflag:$0x2] =	stream.indirect_vreg.gather [hbm4b:s2+s21], $0x80, v27, vm0, $0xb8;
	[tilespmem:$0x10780] =	vst v63  }
0x471: {  	v27 =	vld [tilespmem:$0x490];
	_ =	sdelay $0x4  }
0x472: {  	v52 =	vshll.u32 v27, $0x1  }
0x473: {  	v27 =	vand.u32 $0x7, v27;
	v36 =	vand.u32 $0xFFFFFFF0, v52  }
0x474: {  	v27 =	vor.u32 v27, v36  }
0x475: {  	v36 =	vperm.xlane v27, v0;
	_ =	sdelay $0x1  }
0x476: {  	v27 =	vperm.xlane v27, v2;
	v36 =	vadd.s32 v1, v36;
	_ =	sdelay $0x1  }
0x477: {  	v27 =	vadd.s32 v1, v27;
	_ =	sdelay $0x2  }
0x478: {  	[tilespmem:s26], [sflag:$0x2] =	stream.indirect_vreg.gather [hbm4b:s2+s21], $0x80, v36, vm0, $0xb8;
	[tilespmem:$0x10780] =	vst v63  }
0x479: {  	_ = 	snop  }
0x47a: {  	[tilespmem:s28], [sflag:$0x2] =	stream.indirect_vreg.gather [hbm4b:s2+s21], $0x80, v27, vm0, $0xb8;
	[tilespmem:$0x10780] =	vst v63  }
0x47b: {  	v27 =	vld [tilespmem:$0x4A0];
	_ =	sdelay $0x4  }
0x47c: {  	v53 =	vshll.u32 v27, $0x1  }
0x47d: {  	v27 =	vand.u32 $0x7, v27;
	v36 =	vand.u32 $0xFFFFFFF0, v53  }
0x47e: {  	v27 =	vor.u32 v27, v36  }
0x47f: {  	v36 =	vperm.xlane v27, v0;
	_ =	sdelay $0x1  }
0x480: {  	v27 =	vperm.xlane v27, v2;
	v36 =	vadd.s32 v1, v36;
	_ =	sdelay $0x1  }
0x481: {  	v27 =	vadd.s32 v1, v27;
	_ =	sdelay $0x2  }
0x482: {  	[tilespmem:s29], [sflag:$0x2] =	stream.indirect_vreg.gather [hbm4b:s2+s21], $0x80, v36, vm0, $0xb8;
	[tilespmem:$0x10780] =	vst v63  }
0x483: {  	_ = 	snop  }
0x484: {  	[tilespmem:s30], [sflag:$0x2] =	stream.indirect_vreg.gather [hbm4b:s2+s21], $0x80, v27, vm0, $0xb8;
	[tilespmem:$0x10780] =	vst v63  }
0x485: {  	v27 =	vld [tilespmem:$0x4B0];
	_ =	sdelay $0x4  }
0x486: {  	v54 =	vshll.u32 v27, $0x1  }
0x487: {  	v27 =	vand.u32 $0x7, v27;
	v36 =	vand.u32 $0xFFFFFFF0, v54  }
0x488: {  	v27 =	vor.u32 v27, v36  }
0x489: {  	v36 =	vperm.xlane v27, v0;
	_ =	sdelay $0x1  }
0x48a: {  	v27 =	vperm.xlane v27, v2;
	v36 =	vadd.s32 v1, v36;
	_ =	sdelay $0x1  }
0x48b: {  	v27 =	vadd.s32 v1, v27;
	_ =	sdelay $0x2  }
0x48c: {  	[tilespmem:s31], [sflag:$0x2] =	stream.indirect_vreg.gather [hbm4b:s2+s21], $0x80, v36, vm0, $0xb8;
	[tilespmem:$0x10780] =	vst v63  }
0x48d: {  	_ = 	snop  }
0x48e: {  	[tilespmem:s0], [sflag:$0x2] =	stream.indirect_vreg.gather [hbm4b:s2+s21], $0x80, v27, vm0, $0xb8;
	[tilespmem:$0x10780] =	vst v63  }
0x48f: {  	v27 =	vld [tilespmem:$0x4C0];
	_ =	sdelay $0x4  }
0x490: {  	v55 =	vshll.u32 v27, $0x1  }
0x491: {  	v27 =	vand.u32 $0x7, v27;
	v36 =	vand.u32 $0xFFFFFFF0, v55  }
0x492: {  	v27 =	vor.u32 v27, v36  }
0x493: {  	v36 =	vperm.xlane v27, v0;
	_ =	sdelay $0x1  }
0x494: {  	v27 =	vperm.xlane v27, v2;
	v36 =	vadd.s32 v1, v36;
	_ =	sdelay $0x1  }
0x495: {  	v27 =	vadd.s32 v1, v27;
	_ =	sdelay $0x2  }
0x496: {  	[tilespmem:s1], [sflag:$0x2] =	stream.indirect_vreg.gather [hbm4b:s2+s21], $0x80, v36, vm0, $0xb8;
	[tilespmem:$0x10780] =	vst v63  }
0x497: {  	_ = 	snop  }
0x498: {  	[tilespmem:s4], [sflag:$0x2] =	stream.indirect_vreg.gather [hbm4b:s2+s21], $0x80, v27, vm0, $0xb8;
	[tilespmem:$0x10780] =	vst v63  }
0x499: {  	v27 =	vld [tilespmem:$0x4D0];
	_ =	sdelay $0x4  }
0x49a: {  	v56 =	vshll.u32 v27, $0x1  }
0x49b: {  	v27 =	vand.u32 $0x7, v27;
	v36 =	vand.u32 $0xFFFFFFF0, v56  }
0x49c: {  	v27 =	vor.u32 v27, v36  }
0x49d: {  	v36 =	vperm.xlane v27, v0;
	_ =	sdelay $0x1  }
0x49e: {  	v27 =	vperm.xlane v27, v2;
	v36 =	vadd.s32 v1, v36;
	_ =	sdelay $0x1  }
0x49f: {  	v27 =	vadd.s32 v1, v27;
	_ =	sdelay $0x2  }
0x4a0: {  	[tilespmem:s5], [sflag:$0x2] =	stream.indirect_vreg.gather [hbm4b:s2+s21], $0x80, v36, vm0, $0xb8;
	[tilespmem:$0x10780] =	vst v63  }
0x4a1: {  	_ = 	snop  }
0x4a2: {  	[tilespmem:s6], [sflag:$0x2] =	stream.indirect_vreg.gather [hbm4b:s2+s21], $0x80, v27, vm0, $0xb8;
	[tilespmem:$0x10780] =	vst v63  }
0x4a3: {  	v27 =	vld [tilespmem:$0x4E0];
	_ =	sdelay $0x4  }
0x4a4: {  	v57 =	vshll.u32 v27, $0x1  }
0x4a5: {  	v27 =	vand.u32 $0x7, v27;
	v36 =	vand.u32 $0xFFFFFFF0, v57  }
0x4a6: {  	v27 =	vor.u32 v27, v36  }
0x4a7: {  	v36 =	vperm.xlane v27, v0;
	_ =	sdelay $0x1  }
0x4a8: {  	v27 =	vperm.xlane v27, v2;
	v36 =	vadd.s32 v1, v36;
	_ =	sdelay $0x1  }
0x4a9: {  	v27 =	vadd.s32 v1, v27;
	_ =	sdelay $0x2  }
0x4aa: {  	[tilespmem:s7], [sflag:$0x2] =	stream.indirect_vreg.gather [hbm4b:s2+s21], $0x80, v36, vm0, $0xb8;
	[tilespmem:$0x10780] =	vst v63  }
0x4ab: {  	_ = 	snop  }
0x4ac: {  	[tilespmem:s12], [sflag:$0x2] =	stream.indirect_vreg.gather [hbm4b:s2+s21], $0x80, v27, vm0, $0xb8;
	[tilespmem:$0x10780] =	vst v63  }
0x4ad: {  	v27 =	vld [tilespmem:$0x4F0];
	_ =	sdelay $0x4  }
0x4ae: {  	v58 =	vshll.u32 v27, $0x1  }
0x4af: {  	v27 =	vand.u32 $0x7, v27;
	v36 =	vand.u32 $0xFFFFFFF0, v58  }
0x4b0: {  	v27 =	vor.u32 v27, v36  }
0x4b1: {  	v36 =	vperm.xlane v27, v0;
	_ =	sdelay $0x1  }
0x4b2: {  	v27 =	vperm.xlane v27, v2;
	v36 =	vadd.s32 v1, v36;
	_ =	sdelay $0x1  }
0x4b3: {  	v27 =	vadd.s32 v1, v27;
	_ =	sdelay $0x2  }
0x4b4: {  	[tilespmem:s13], [sflag:$0x2] =	stream.indirect_vreg.gather [hbm4b:s2+s21], $0x80, v36, vm0, $0xb8;
	[tilespmem:$0x10780] =	vst v63  }
0x4b5: {  	_ = 	snop  }
0x4b6: {  	[tilespmem:s14], [sflag:$0x2] =	stream.indirect_vreg.gather [hbm4b:s2+s21], $0x80, v27, vm0, $0xb8;
	[tilespmem:$0x10780] =	vst v63  }
0x4b7: {  	_ =	swait.ge [sflag:s15], $0x8000  }
0x4b8: {  	s22 =	sand.u32 $0x7800, s21;
	s18 =	sand.u32 $0x380, s21;
	[sflag:s15] =	ssyncset.done $0x0  }
0x4b9: {  	v14 =	vadd.f32 v19, v14;
	v15 =	vadd.f32 v20, v15;
	s18 =	sor.u32 s18, s22;
	[sflag:s15] =	ssyncadd.s32 $0xFFFF8000  }
0x4ba: {  	v3 =	vadd.f32 v21, v3;
	v4 =	vadd.f32 v22, v4;
	v19 =	vld [tilespmem:s18+$0xAF0]  }
0x4bb: {  	v5 =	vadd.f32 v23, v5;
	v6 =	vadd.f32 v24, v6;
	v20 =	vld [tilespmem:s18+$0x680]  }
0x4bc: {  	v7 =	vadd.f32 v25, v7;
	v8 =	vadd.f32 v26, v8;
	v21 =	vld [tilespmem:s18+$0x690]  }
0x4bd: {  	v9 =	vadd.f32 v28, v9;
	v10 =	vadd.f32 v29, v10;
	v22 =	vld [tilespmem:s18+$0x6A0]  }
0x4be: {  	v11 =	vadd.f32 v30, v11;
	v12 =	vadd.f32 v31, v12;
	v23 =	vld [tilespmem:s18+$0x6B0]  }
0x4bf: {  	v13 =	vadd.f32 v32, v13;
	v16 =	vadd.f32 v34, v16;
	v59 =	vld [tilespmem:s18+$0x6C0]  }
0x4c0: {  	v17 =	vadd.f32 v35, v17;
	v18 =	vadd.f32 v51, v18;
	v60 =	vld [tilespmem:s18+$0x6D0]  }
0x4c1: {  	v14 =	vadd.f32 v37, v14;
	v15 =	vadd.f32 v38, v15;
	v61 =	vld [tilespmem:s18+$0x6E0]  }
0x4c2: {  	v3 =	vadd.f32 v39, v3;
	v4 =	vadd.f32 v40, v4;
	v62 =	vld [tilespmem:s18+$0x6F0]  }
0x4c3: {  	v5 =	vadd.f32 v41, v5;
	v6 =	vadd.f32 v42, v6;
	v63 =	vld [tilespmem:s18+$0xA80]  }
0x4c4: {  	v7 =	vadd.f32 v19, v7;
	v8 =	vadd.f32 v20, v8;
	v19 =	vld [tilespmem:s18+$0xA90]  }
0x4c5: {  	v9 =	vadd.f32 v21, v9;
	v10 =	vadd.f32 v22, v10;
	v20 =	vld [tilespmem:s18+$0xAA0]  }
0x4c6: {  	v11 =	vadd.f32 v23, v11;
	v12 =	vadd.f32 v59, v12;
	v21 =	vld [tilespmem:s18+$0xAB0]  }
0x4c7: {  	s20 =	simm.s32 $0x100;
	s19 =	simm.s32 $0x80;
	v13 =	vadd.f32 v60, v13;
	v16 =	vadd.f32 v61, v16;
	v22 =	vld [tilespmem:s18+$0xAC0]  }
0x4c8: {  	s22 =	sand.u32 $0x380, s19;
	s21 =	sand.u32 $0x7800, s20;
	s20 =	simm.s32 $0x200;
	v17 =	vadd.f32 v62, v17;
	v18 =	vadd.f32 v63, v18;
	v23 =	vld [tilespmem:s18+$0xAD0]  }
.LBB2_18:
0x4c9: {  	p0 =	sne.s32 s20, $0x7F00;
	v14 =	vadd.f32 v19, v14;
	v19 =	vld [tilespmem:s18+$0xAE0];
	s18 =	sor.u32 s22, s21  }
0x4ca: {  	v24 =	vld [tilespmem:s18+$0xAF0];
	v15 =	vadd.f32 v20, v15  }
0x4cb: {  	v20 =	vld [tilespmem:s18+$0x680];
	v3 =	vadd.f32 v21, v3  }
0x4cc: {  	v21 =	vld [tilespmem:s18+$0x690];
	v4 =	vadd.f32 v22, v4  }
0x4cd: {  	v22 =	vld [tilespmem:s18+$0x6A0];
	v5 =	vadd.f32 v23, v5  }
0x4ce: {  	v23 =	vld [tilespmem:s18+$0x6B0];
	v6 =	vadd.f32 v19, v6  }
0x4cf: {  	v19 =	vld [tilespmem:s18+$0x6C0];
	v7 =	vadd.f32 v24, v7  }
0x4d0: {  	v8 =	vadd.f32 v20, v8;
	v20 =	vld [tilespmem:s18+$0x6D0]  }
0x4d1: {  	v9 =	vadd.f32 v21, v9;
	v21 =	vld [tilespmem:s18+$0x6E0]  }
0x4d2: {  	v10 =	vadd.f32 v22, v10;
	v22 =	vld [tilespmem:s18+$0x6F0]  }
0x4d3: {  	v11 =	vadd.f32 v23, v11;
	v23 =	vld [tilespmem:s18+$0xA80]  }
.Ltmp8:
0x4d4: {  	v12 =	vadd.f32 v19, v12;
	v19 =	vld [tilespmem:s18+$0xA90];
	(pc) =	sbr.rel @p0 .LBB2_18-.Ltmp8, $4  }
0x4d5: {  	v13 =	vadd.f32 v20, v13;
	v20 =	vld [tilespmem:s18+$0xAA0]  }
0x4d6: {  	v16 =	vadd.f32 v21, v16;
	v21 =	vld [tilespmem:s18+$0xAB0]  }
0x4d7: {  	s19 =	sadd.s32 $0x80, s19;
	v17 =	vadd.f32 v22, v17;
	v22 =	vld [tilespmem:s18+$0xAC0]  }
0x4d8: {  	s21 =	sand.u32 $0x7800, s20;
	s20 =	sadd.s32 $0x100, s20;
	s22 =	sand.u32 $0x380, s19;
	v18 =	vadd.f32 v23, v18;
	v23 =	vld [tilespmem:s18+$0xAD0]  }
0x4d9: {  	v24 =	vld [tilespmem:s18+$0xAE0]  }
0x4da: {  	s19 =	sor.u32 s22, s21;
	v27 =	vld [tilespmem:$0x500]  }
0x4db: {  	v25 =	vld [tilespmem:s19+$0xAF0]  }
0x4dc: {  	v26 =	vld [tilespmem:s19+$0x680]  }
0x4dd: {  	v28 =	vld [tilespmem:s19+$0x690]  }
0x4de: {  	v29 =	vld [tilespmem:s19+$0x6A0]  }
0x4df: {  	v30 =	vld [tilespmem:s19+$0x6B0]  }
0x4e0: {  	v31 =	vld [tilespmem:s19+$0x6C0];
	v33 =	vshll.u32 v27, $0x1  }
0x4e1: {  	v32 =	vld [tilespmem:s19+$0x6D0];
	v27 =	vand.u32 $0x7, v27;
	v33 =	vand.u32 $0xFFFFFFF0, v33  }
0x4e2: {  	v34 =	vld [tilespmem:s19+$0x6E0];
	v27 =	vor.u32 v27, v33  }
0x4e3: {  	v35 =	vld [tilespmem:s19+$0x6F0];
	v36 =	vperm.xlane v27, v0  }
0x4e4: {  	v51 =	vld [tilespmem:s19+$0xA80]  }
0x4e5: {  	v37 =	vld [tilespmem:s19+$0xA90];
	v27 =	vperm.xlane v27, v2;
	v36 =	vadd.s32 v1, v36  }
0x4e6: {  	v38 =	vld [tilespmem:s19+$0xAA0]  }
0x4e7: {  	v39 =	vld [tilespmem:s19+$0xAB0];
	v27 =	vadd.s32 v1, v27  }
0x4e8: {  	v40 =	vld [tilespmem:s19+$0xAC0]  }
0x4e9: {  	s18 =	simm.s32 $0x0;
	v41 =	vld [tilespmem:s19+$0xAD0]  }
0x4ea: {  	v42 =	vld [tilespmem:s19+$0xAE0];
	[tilespmem:s8], [sflag:$0x1] =	stream.indirect_vreg.gather [hbm4b:s2+s18], $0x80, v36, vm0, $0xb8  }
0x4eb: {  	_ = 	snop  }
0x4ec: {  	[tilespmem:s9], [sflag:$0x1] =	stream.indirect_vreg.gather [hbm4b:s2+s18], $0x80, v27, vm0, $0xb8;
	[tilespmem:$0x10780] =	vst v63  }
0x4ed: {  	v27 =	vld [tilespmem:$0x510];
	_ =	sdelay $0x4  }
0x4ee: {  	v52 =	vshll.u32 v27, $0x1  }
0x4ef: {  	v27 =	vand.u32 $0x7, v27;
	v36 =	vand.u32 $0xFFFFFFF0, v52  }
0x4f0: {  	v27 =	vor.u32 v27, v36  }
0x4f1: {  	v36 =	vperm.xlane v27, v0;
	_ =	sdelay $0x1  }
0x4f2: {  	v27 =	vperm.xlane v27, v2;
	v36 =	vadd.s32 v1, v36;
	_ =	sdelay $0x1  }
0x4f3: {  	v27 =	vadd.s32 v1, v27;
	_ =	sdelay $0x2  }
0x4f4: {  	[tilespmem:s10], [sflag:$0x1] =	stream.indirect_vreg.gather [hbm4b:s2+s18], $0x80, v36, vm0, $0xb8;
	[tilespmem:$0x10780] =	vst v63  }
0x4f5: {  	_ = 	snop  }
0x4f6: {  	[tilespmem:s11], [sflag:$0x1] =	stream.indirect_vreg.gather [hbm4b:s2+s18], $0x80, v27, vm0, $0xb8;
	[tilespmem:$0x10780] =	vst v63  }
0x4f7: {  	v27 =	vld [tilespmem:$0x520];
	_ =	sdelay $0x4  }
0x4f8: {  	v53 =	vshll.u32 v27, $0x1  }
0x4f9: {  	v27 =	vand.u32 $0x7, v27;
	v36 =	vand.u32 $0xFFFFFFF0, v53  }
0x4fa: {  	v27 =	vor.u32 v27, v36  }
0x4fb: {  	v36 =	vperm.xlane v27, v0;
	_ =	sdelay $0x1  }
0x4fc: {  	v27 =	vperm.xlane v27, v2;
	v36 =	vadd.s32 v1, v36;
	_ =	sdelay $0x1  }
0x4fd: {  	v27 =	vadd.s32 v1, v27;
	_ =	sdelay $0x1  }
0x4fe: {  	s20 =	simm.s32 $0x2680  }
0x4ff: {  	[tilespmem:s20], [sflag:$0x1] =	stream.indirect_vreg.gather [hbm4b:s2+s18], $0x80, v36, vm0, $0xb8;
	[tilespmem:$0x10780] =	vst v63  }
0x500: {  	s21 =	simm.s32 $0x2E80  }
0x501: {  	[tilespmem:s21], [sflag:$0x1] =	stream.indirect_vreg.gather [hbm4b:s2+s18], $0x80, v27, vm0, $0xb8;
	[tilespmem:$0x10780] =	vst v63  }
0x502: {  	v27 =	vld [tilespmem:$0x530];
	_ =	sdelay $0x4  }
0x503: {  	v54 =	vshll.u32 v27, $0x1  }
0x504: {  	v27 =	vand.u32 $0x7, v27;
	v36 =	vand.u32 $0xFFFFFFF0, v54  }
0x505: {  	v27 =	vor.u32 v27, v36  }
0x506: {  	v36 =	vperm.xlane v27, v0;
	_ =	sdelay $0x1  }
0x507: {  	v27 =	vperm.xlane v27, v2;
	v36 =	vadd.s32 v1, v36;
	_ =	sdelay $0x1  }
0x508: {  	v27 =	vadd.s32 v1, v27;
	_ =	sdelay $0x1  }
0x509: {  	s22 =	simm.s32 $0x3680  }
0x50a: {  	[tilespmem:s22], [sflag:$0x1] =	stream.indirect_vreg.gather [hbm4b:s2+s18], $0x80, v36, vm0, $0xb8;
	[tilespmem:$0x10780] =	vst v63  }
0x50b: {  	s20 =	simm.s32 $0x3E80  }
0x50c: {  	[tilespmem:s20], [sflag:$0x1] =	stream.indirect_vreg.gather [hbm4b:s2+s18], $0x80, v27, vm0, $0xb8;
	[tilespmem:$0x10780] =	vst v63  }
0x50d: {  	v27 =	vld [tilespmem:$0x540];
	_ =	sdelay $0x4  }
0x50e: {  	v55 =	vshll.u32 v27, $0x1  }
0x50f: {  	v27 =	vand.u32 $0x7, v27;
	v36 =	vand.u32 $0xFFFFFFF0, v55  }
0x510: {  	v27 =	vor.u32 v27, v36  }
0x511: {  	v36 =	vperm.xlane v27, v0;
	_ =	sdelay $0x1  }
0x512: {  	v27 =	vperm.xlane v27, v2;
	v36 =	vadd.s32 v1, v36;
	_ =	sdelay $0x1  }
0x513: {  	v27 =	vadd.s32 v1, v27;
	_ =	sdelay $0x1  }
0x514: {  	s21 =	simm.s32 $0x4680  }
0x515: {  	[tilespmem:s21], [sflag:$0x1] =	stream.indirect_vreg.gather [hbm4b:s2+s18], $0x80, v36, vm0, $0xb8;
	[tilespmem:$0x10780] =	vst v63  }
0x516: {  	s22 =	simm.s32 $0x4E80  }
0x517: {  	[tilespmem:s22], [sflag:$0x1] =	stream.indirect_vreg.gather [hbm4b:s2+s18], $0x80, v27, vm0, $0xb8;
	[tilespmem:$0x10780] =	vst v63  }
0x518: {  	v27 =	vld [tilespmem:$0x550];
	_ =	sdelay $0x4  }
0x519: {  	v56 =	vshll.u32 v27, $0x1  }
0x51a: {  	v27 =	vand.u32 $0x7, v27;
	v36 =	vand.u32 $0xFFFFFFF0, v56  }
0x51b: {  	v27 =	vor.u32 v27, v36  }
0x51c: {  	v36 =	vperm.xlane v27, v0;
	_ =	sdelay $0x1  }
0x51d: {  	v27 =	vperm.xlane v27, v2;
	v36 =	vadd.s32 v1, v36;
	_ =	sdelay $0x1  }
0x51e: {  	v27 =	vadd.s32 v1, v27;
	_ =	sdelay $0x1  }
0x51f: {  	s20 =	simm.s32 $0x5680  }
0x520: {  	[tilespmem:s20], [sflag:$0x1] =	stream.indirect_vreg.gather [hbm4b:s2+s18], $0x80, v36, vm0, $0xb8;
	[tilespmem:$0x10780] =	vst v63  }
0x521: {  	s21 =	simm.s32 $0x5E80  }
0x522: {  	[tilespmem:s21], [sflag:$0x1] =	stream.indirect_vreg.gather [hbm4b:s2+s18], $0x80, v27, vm0, $0xb8;
	[tilespmem:$0x10780] =	vst v63  }
0x523: {  	v27 =	vld [tilespmem:$0x560];
	_ =	sdelay $0x4  }
0x524: {  	v57 =	vshll.u32 v27, $0x1  }
0x525: {  	v27 =	vand.u32 $0x7, v27;
	v36 =	vand.u32 $0xFFFFFFF0, v57  }
0x526: {  	v27 =	vor.u32 v27, v36  }
0x527: {  	v36 =	vperm.xlane v27, v0;
	_ =	sdelay $0x1  }
0x528: {  	v27 =	vperm.xlane v27, v2;
	v36 =	vadd.s32 v1, v36;
	_ =	sdelay $0x1  }
0x529: {  	v27 =	vadd.s32 v1, v27;
	_ =	sdelay $0x1  }
0x52a: {  	s22 =	simm.s32 $0x6680  }
0x52b: {  	[tilespmem:s22], [sflag:$0x1] =	stream.indirect_vreg.gather [hbm4b:s2+s18], $0x80, v36, vm0, $0xb8;
	[tilespmem:$0x10780] =	vst v63  }
0x52c: {  	s20 =	simm.s32 $0x6E80  }
0x52d: {  	[tilespmem:s20], [sflag:$0x1] =	stream.indirect_vreg.gather [hbm4b:s2+s18], $0x80, v27, vm0, $0xb8;
	[tilespmem:$0x10780] =	vst v63  }
0x52e: {  	v27 =	vld [tilespmem:$0x570];
	_ =	sdelay $0x4  }
0x52f: {  	v58 =	vshll.u32 v27, $0x1  }
0x530: {  	v27 =	vand.u32 $0x7, v27;
	v36 =	vand.u32 $0xFFFFFFF0, v58  }
0x531: {  	v27 =	vor.u32 v27, v36  }
0x532: {  	v36 =	vperm.xlane v27, v0;
	_ =	sdelay $0x1  }
0x533: {  	v27 =	vperm.xlane v27, v2;
	v36 =	vadd.s32 v1, v36;
	_ =	sdelay $0x1  }
0x534: {  	v27 =	vadd.s32 v1, v27;
	_ =	sdelay $0x1  }
0x535: {  	s21 =	simm.s32 $0x7680  }
0x536: {  	[tilespmem:s21], [sflag:$0x1] =	stream.indirect_vreg.gather [hbm4b:s2+s18], $0x80, v36, vm0, $0xb8;
	[tilespmem:$0x10780] =	vst v63  }
0x537: {  	_ = 	snop  }
0x538: {  	[tilespmem:s23], [sflag:$0x1] =	stream.indirect_vreg.gather [hbm4b:s2+s18], $0x80, v27, vm0, $0xb8;
	[tilespmem:$0x10780] =	vst v63  }
0x539: {  	_ =	swait.ge [sflag:s16], $0x8000  }
0x53a: {  	s22 =	sand.u32 $0x7800, s18;
	s18 =	sand.u32 $0x380, s18;
	[sflag:s16] =	ssyncset.done $0x0  }
0x53b: {  	v14 =	vadd.f32 v19, v14;
	v15 =	vadd.f32 v20, v15;
	s18 =	sor.u32 s18, s22;
	[sflag:s16] =	ssyncadd.s32 $0xFFFF8000  }
0x53c: {  	v3 =	vadd.f32 v21, v3;
	v4 =	vadd.f32 v22, v4;
	v19 =	vld [tilespmem:s18+$0x8AF0]  }
0x53d: {  	v5 =	vadd.f32 v23, v5;
	v6 =	vadd.f32 v24, v6;
	v20 =	vld [tilespmem:s18+$0x8680]  }
0x53e: {  	v7 =	vadd.f32 v25, v7;
	v8 =	vadd.f32 v26, v8;
	v21 =	vld [tilespmem:s18+$0x8690]  }
0x53f: {  	v9 =	vadd.f32 v28, v9;
	v10 =	vadd.f32 v29, v10;
	v22 =	vld [tilespmem:s18+$0x86A0]  }
0x540: {  	v11 =	vadd.f32 v30, v11;
	v12 =	vadd.f32 v31, v12;
	v23 =	vld [tilespmem:s18+$0x86B0]  }
0x541: {  	v13 =	vadd.f32 v32, v13;
	v16 =	vadd.f32 v34, v16;
	v59 =	vld [tilespmem:s18+$0x86C0]  }
0x542: {  	v17 =	vadd.f32 v35, v17;
	v18 =	vadd.f32 v51, v18;
	v60 =	vld [tilespmem:s18+$0x86D0]  }
0x543: {  	v14 =	vadd.f32 v37, v14;
	v15 =	vadd.f32 v38, v15;
	v61 =	vld [tilespmem:s18+$0x86E0]  }
0x544: {  	v3 =	vadd.f32 v39, v3;
	v4 =	vadd.f32 v40, v4;
	v62 =	vld [tilespmem:s18+$0x86F0]  }
0x545: {  	v5 =	vadd.f32 v41, v5;
	v6 =	vadd.f32 v42, v6;
	v63 =	vld [tilespmem:s18+$0x8A80]  }
0x546: {  	v7 =	vadd.f32 v19, v7;
	v8 =	vadd.f32 v20, v8;
	v19 =	vld [tilespmem:s18+$0x8A90]  }
0x547: {  	v9 =	vadd.f32 v21, v9;
	v10 =	vadd.f32 v22, v10;
	v20 =	vld [tilespmem:s18+$0x8AA0]  }
0x548: {  	v11 =	vadd.f32 v23, v11;
	v12 =	vadd.f32 v59, v12;
	v21 =	vld [tilespmem:s18+$0x8AB0]  }
0x549: {  	s19 =	simm.s32 $0x80;
	s20 =	simm.s32 $0x100;
	v13 =	vadd.f32 v60, v13;
	v16 =	vadd.f32 v61, v16;
	v22 =	vld [tilespmem:s18+$0x8AC0]  }
0x54a: {  	s21 =	sand.u32 $0x7800, s20;
	s20 =	simm.s32 $0x200;
	s22 =	sand.u32 $0x380, s19;
	v17 =	vadd.f32 v62, v17;
	v18 =	vadd.f32 v63, v18;
	v23 =	vld [tilespmem:s18+$0x8AD0]  }
.LBB2_20:
0x54b: {  	p0 =	sne.s32 s20, $0x7F00;
	v14 =	vadd.f32 v19, v14;
	v19 =	vld [tilespmem:s18+$0x8AE0];
	s18 =	sor.u32 s22, s21  }
0x54c: {  	v24 =	vld [tilespmem:s18+$0x8AF0];
	v15 =	vadd.f32 v20, v15  }
0x54d: {  	v20 =	vld [tilespmem:s18+$0x8680];
	v3 =	vadd.f32 v21, v3  }
0x54e: {  	v21 =	vld [tilespmem:s18+$0x8690];
	v4 =	vadd.f32 v22, v4  }
0x54f: {  	v22 =	vld [tilespmem:s18+$0x86A0];
	v5 =	vadd.f32 v23, v5  }
0x550: {  	v23 =	vld [tilespmem:s18+$0x86B0];
	v6 =	vadd.f32 v19, v6  }
0x551: {  	v19 =	vld [tilespmem:s18+$0x86C0];
	v7 =	vadd.f32 v24, v7  }
0x552: {  	v8 =	vadd.f32 v20, v8;
	v20 =	vld [tilespmem:s18+$0x86D0]  }
0x553: {  	v9 =	vadd.f32 v21, v9;
	v21 =	vld [tilespmem:s18+$0x86E0]  }
0x554: {  	v10 =	vadd.f32 v22, v10;
	v22 =	vld [tilespmem:s18+$0x86F0]  }
0x555: {  	v11 =	vadd.f32 v23, v11;
	v23 =	vld [tilespmem:s18+$0x8A80]  }
.Ltmp9:
0x556: {  	v12 =	vadd.f32 v19, v12;
	v19 =	vld [tilespmem:s18+$0x8A90];
	(pc) =	sbr.rel @p0 .LBB2_20-.Ltmp9, $4  }
0x557: {  	v13 =	vadd.f32 v20, v13;
	v20 =	vld [tilespmem:s18+$0x8AA0]  }
0x558: {  	v16 =	vadd.f32 v21, v16;
	v21 =	vld [tilespmem:s18+$0x8AB0]  }
0x559: {  	s19 =	sadd.s32 $0x80, s19;
	v17 =	vadd.f32 v22, v17;
	v22 =	vld [tilespmem:s18+$0x8AC0]  }
0x55a: {  	s21 =	sand.u32 $0x7800, s20;
	s20 =	sadd.s32 $0x100, s20;
	s22 =	sand.u32 $0x380, s19;
	v18 =	vadd.f32 v23, v18;
	v23 =	vld [tilespmem:s18+$0x8AD0]  }
0x55b: {  	v24 =	vld [tilespmem:s18+$0x8AE0]  }
0x55c: {  	s19 =	sor.u32 s22, s21;
	v27 =	vld [tilespmem:$0x580]  }
0x55d: {  	v25 =	vld [tilespmem:s19+$0x8AF0]  }
0x55e: {  	v26 =	vld [tilespmem:s19+$0x8680]  }
0x55f: {  	v28 =	vld [tilespmem:s19+$0x8690]  }
0x560: {  	v29 =	vld [tilespmem:s19+$0x86A0]  }
0x561: {  	v30 =	vld [tilespmem:s19+$0x86B0]  }
0x562: {  	v31 =	vld [tilespmem:s19+$0x86C0];
	v33 =	vshll.u32 v27, $0x1  }
0x563: {  	v32 =	vld [tilespmem:s19+$0x86D0];
	v27 =	vand.u32 $0x7, v27;
	v33 =	vand.u32 $0xFFFFFFF0, v33  }
0x564: {  	v34 =	vld [tilespmem:s19+$0x86E0];
	v27 =	vor.u32 v27, v33  }
0x565: {  	v35 =	vld [tilespmem:s19+$0x86F0];
	v36 =	vperm.xlane v27, v0  }
0x566: {  	v51 =	vld [tilespmem:s19+$0x8A80]  }
0x567: {  	v37 =	vld [tilespmem:s19+$0x8A90];
	v27 =	vperm.xlane v27, v2;
	v36 =	vadd.s32 v1, v36  }
0x568: {  	v38 =	vld [tilespmem:s19+$0x8AA0]  }
0x569: {  	v39 =	vld [tilespmem:s19+$0x8AB0];
	v27 =	vadd.s32 v1, v27  }
0x56a: {  	v40 =	vld [tilespmem:s19+$0x8AC0]  }
0x56b: {  	s21 =	simm.s32 $0x0;
	v41 =	vld [tilespmem:s19+$0x8AD0]  }
0x56c: {  	v42 =	vld [tilespmem:s19+$0x8AE0];
	[tilespmem:s24], [sflag:$0x2] =	stream.indirect_vreg.gather [hbm4b:s2+s21], $0x80, v36, vm0, $0xb8  }
0x56d: {  	_ = 	snop  }
0x56e: {  	[tilespmem:s25], [sflag:$0x2] =	stream.indirect_vreg.gather [hbm4b:s2+s21], $0x80, v27, vm0, $0xb8;
	[tilespmem:$0x10780] =	vst v63  }
0x56f: {  	v27 =	vld [tilespmem:$0x590];
	_ =	sdelay $0x4  }
0x570: {  	v52 =	vshll.u32 v27, $0x1  }
0x571: {  	v27 =	vand.u32 $0x7, v27;
	v36 =	vand.u32 $0xFFFFFFF0, v52  }
0x572: {  	v27 =	vor.u32 v27, v36  }
0x573: {  	v36 =	vperm.xlane v27, v0;
	_ =	sdelay $0x1  }
0x574: {  	v27 =	vperm.xlane v27, v2;
	v36 =	vadd.s32 v1, v36;
	_ =	sdelay $0x1  }
0x575: {  	v27 =	vadd.s32 v1, v27;
	_ =	sdelay $0x2  }
0x576: {  	[tilespmem:s26], [sflag:$0x2] =	stream.indirect_vreg.gather [hbm4b:s2+s21], $0x80, v36, vm0, $0xb8;
	[tilespmem:$0x10780] =	vst v63  }
0x577: {  	_ = 	snop  }
0x578: {  	[tilespmem:s28], [sflag:$0x2] =	stream.indirect_vreg.gather [hbm4b:s2+s21], $0x80, v27, vm0, $0xb8;
	[tilespmem:$0x10780] =	vst v63  }
0x579: {  	v27 =	vld [tilespmem:$0x5A0];
	_ =	sdelay $0x4  }
0x57a: {  	v53 =	vshll.u32 v27, $0x1  }
0x57b: {  	v27 =	vand.u32 $0x7, v27;
	v36 =	vand.u32 $0xFFFFFFF0, v53  }
0x57c: {  	v27 =	vor.u32 v27, v36  }
0x57d: {  	v36 =	vperm.xlane v27, v0;
	_ =	sdelay $0x1  }
0x57e: {  	v27 =	vperm.xlane v27, v2;
	v36 =	vadd.s32 v1, v36;
	_ =	sdelay $0x1  }
0x57f: {  	v27 =	vadd.s32 v1, v27;
	_ =	sdelay $0x2  }
0x580: {  	[tilespmem:s29], [sflag:$0x2] =	stream.indirect_vreg.gather [hbm4b:s2+s21], $0x80, v36, vm0, $0xb8;
	[tilespmem:$0x10780] =	vst v63  }
0x581: {  	_ = 	snop  }
0x582: {  	[tilespmem:s30], [sflag:$0x2] =	stream.indirect_vreg.gather [hbm4b:s2+s21], $0x80, v27, vm0, $0xb8;
	[tilespmem:$0x10780] =	vst v63  }
0x583: {  	v27 =	vld [tilespmem:$0x5B0];
	_ =	sdelay $0x4  }
0x584: {  	v54 =	vshll.u32 v27, $0x1  }
0x585: {  	v27 =	vand.u32 $0x7, v27;
	v36 =	vand.u32 $0xFFFFFFF0, v54  }
0x586: {  	v27 =	vor.u32 v27, v36  }
0x587: {  	v36 =	vperm.xlane v27, v0;
	_ =	sdelay $0x1  }
0x588: {  	v27 =	vperm.xlane v27, v2;
	v36 =	vadd.s32 v1, v36;
	_ =	sdelay $0x1  }
0x589: {  	v27 =	vadd.s32 v1, v27;
	_ =	sdelay $0x2  }
0x58a: {  	[tilespmem:s31], [sflag:$0x2] =	stream.indirect_vreg.gather [hbm4b:s2+s21], $0x80, v36, vm0, $0xb8;
	[tilespmem:$0x10780] =	vst v63  }
0x58b: {  	_ = 	snop  }
0x58c: {  	[tilespmem:s0], [sflag:$0x2] =	stream.indirect_vreg.gather [hbm4b:s2+s21], $0x80, v27, vm0, $0xb8;
	[tilespmem:$0x10780] =	vst v63  }
0x58d: {  	v27 =	vld [tilespmem:$0x5C0];
	_ =	sdelay $0x4  }
0x58e: {  	v55 =	vshll.u32 v27, $0x1  }
0x58f: {  	v27 =	vand.u32 $0x7, v27;
	v36 =	vand.u32 $0xFFFFFFF0, v55  }
0x590: {  	v27 =	vor.u32 v27, v36  }
0x591: {  	v36 =	vperm.xlane v27, v0;
	_ =	sdelay $0x1  }
0x592: {  	v27 =	vperm.xlane v27, v2;
	v36 =	vadd.s32 v1, v36;
	_ =	sdelay $0x1  }
0x593: {  	v27 =	vadd.s32 v1, v27;
	_ =	sdelay $0x2  }
0x594: {  	[tilespmem:s1], [sflag:$0x2] =	stream.indirect_vreg.gather [hbm4b:s2+s21], $0x80, v36, vm0, $0xb8;
	[tilespmem:$0x10780] =	vst v63  }
0x595: {  	_ = 	snop  }
0x596: {  	[tilespmem:s4], [sflag:$0x2] =	stream.indirect_vreg.gather [hbm4b:s2+s21], $0x80, v27, vm0, $0xb8;
	[tilespmem:$0x10780] =	vst v63  }
0x597: {  	v27 =	vld [tilespmem:$0x5D0];
	_ =	sdelay $0x4  }
0x598: {  	v56 =	vshll.u32 v27, $0x1  }
0x599: {  	v27 =	vand.u32 $0x7, v27;
	v36 =	vand.u32 $0xFFFFFFF0, v56  }
0x59a: {  	v27 =	vor.u32 v27, v36  }
0x59b: {  	v36 =	vperm.xlane v27, v0;
	_ =	sdelay $0x1  }
0x59c: {  	v27 =	vperm.xlane v27, v2;
	v36 =	vadd.s32 v1, v36;
	_ =	sdelay $0x1  }
0x59d: {  	v27 =	vadd.s32 v1, v27;
	_ =	sdelay $0x2  }
0x59e: {  	[tilespmem:s5], [sflag:$0x2] =	stream.indirect_vreg.gather [hbm4b:s2+s21], $0x80, v36, vm0, $0xb8;
	[tilespmem:$0x10780] =	vst v63  }
0x59f: {  	_ = 	snop  }
0x5a0: {  	[tilespmem:s6], [sflag:$0x2] =	stream.indirect_vreg.gather [hbm4b:s2+s21], $0x80, v27, vm0, $0xb8;
	[tilespmem:$0x10780] =	vst v63  }
0x5a1: {  	v27 =	vld [tilespmem:$0x5E0];
	_ =	sdelay $0x4  }
0x5a2: {  	v57 =	vshll.u32 v27, $0x1  }
0x5a3: {  	v27 =	vand.u32 $0x7, v27;
	v36 =	vand.u32 $0xFFFFFFF0, v57  }
0x5a4: {  	v27 =	vor.u32 v27, v36  }
0x5a5: {  	v36 =	vperm.xlane v27, v0;
	_ =	sdelay $0x1  }
0x5a6: {  	v27 =	vperm.xlane v27, v2;
	v36 =	vadd.s32 v1, v36;
	_ =	sdelay $0x1  }
0x5a7: {  	v27 =	vadd.s32 v1, v27;
	_ =	sdelay $0x2  }
0x5a8: {  	[tilespmem:s7], [sflag:$0x2] =	stream.indirect_vreg.gather [hbm4b:s2+s21], $0x80, v36, vm0, $0xb8;
	[tilespmem:$0x10780] =	vst v63  }
0x5a9: {  	_ = 	snop  }
0x5aa: {  	[tilespmem:s12], [sflag:$0x2] =	stream.indirect_vreg.gather [hbm4b:s2+s21], $0x80, v27, vm0, $0xb8;
	[tilespmem:$0x10780] =	vst v63  }
0x5ab: {  	v27 =	vld [tilespmem:$0x5F0];
	_ =	sdelay $0x4  }
0x5ac: {  	v58 =	vshll.u32 v27, $0x1  }
0x5ad: {  	v27 =	vand.u32 $0x7, v27;
	v36 =	vand.u32 $0xFFFFFFF0, v58  }
0x5ae: {  	v27 =	vor.u32 v27, v36  }
0x5af: {  	v36 =	vperm.xlane v27, v0;
	_ =	sdelay $0x1  }
0x5b0: {  	v27 =	vperm.xlane v27, v2;
	v36 =	vadd.s32 v1, v36;
	_ =	sdelay $0x1  }
0x5b1: {  	v27 =	vadd.s32 v1, v27;
	_ =	sdelay $0x2  }
0x5b2: {  	[tilespmem:s13], [sflag:$0x2] =	stream.indirect_vreg.gather [hbm4b:s2+s21], $0x80, v36, vm0, $0xb8;
	[tilespmem:$0x10780] =	vst v63  }
0x5b3: {  	_ = 	snop  }
0x5b4: {  	[tilespmem:s14], [sflag:$0x2] =	stream.indirect_vreg.gather [hbm4b:s2+s21], $0x80, v27, vm0, $0xb8;
	[tilespmem:$0x10780] =	vst v63  }
0x5b5: {  	_ =	swait.ge [sflag:s15], $0x8000  }
0x5b6: {  	s22 =	sand.u32 $0x7800, s21;
	s18 =	sand.u32 $0x380, s21;
	[sflag:s15] =	ssyncset.done $0x0  }
0x5b7: {  	v14 =	vadd.f32 v19, v14;
	v15 =	vadd.f32 v20, v15;
	s18 =	sor.u32 s18, s22;
	[sflag:s15] =	ssyncadd.s32 $0xFFFF8000  }
0x5b8: {  	v3 =	vadd.f32 v21, v3;
	v4 =	vadd.f32 v22, v4;
	v19 =	vld [tilespmem:s18+$0xAF0]  }
0x5b9: {  	v5 =	vadd.f32 v23, v5;
	v6 =	vadd.f32 v24, v6;
	v20 =	vld [tilespmem:s18+$0x680]  }
0x5ba: {  	v7 =	vadd.f32 v25, v7;
	v8 =	vadd.f32 v26, v8;
	v21 =	vld [tilespmem:s18+$0x690]  }
0x5bb: {  	v9 =	vadd.f32 v28, v9;
	v10 =	vadd.f32 v29, v10;
	v22 =	vld [tilespmem:s18+$0x6A0]  }
0x5bc: {  	v11 =	vadd.f32 v30, v11;
	v12 =	vadd.f32 v31, v12;
	v23 =	vld [tilespmem:s18+$0x6B0]  }
0x5bd: {  	v13 =	vadd.f32 v32, v13;
	v16 =	vadd.f32 v34, v16;
	v59 =	vld [tilespmem:s18+$0x6C0]  }
0x5be: {  	v17 =	vadd.f32 v35, v17;
	v18 =	vadd.f32 v51, v18;
	v60 =	vld [tilespmem:s18+$0x6D0]  }
0x5bf: {  	v14 =	vadd.f32 v37, v14;
	v15 =	vadd.f32 v38, v15;
	v61 =	vld [tilespmem:s18+$0x6E0]  }
0x5c0: {  	v3 =	vadd.f32 v39, v3;
	v4 =	vadd.f32 v40, v4;
	v62 =	vld [tilespmem:s18+$0x6F0]  }
0x5c1: {  	v5 =	vadd.f32 v41, v5;
	v6 =	vadd.f32 v42, v6;
	v63 =	vld [tilespmem:s18+$0xA80]  }
0x5c2: {  	v7 =	vadd.f32 v19, v7;
	v8 =	vadd.f32 v20, v8;
	v19 =	vld [tilespmem:s18+$0xA90]  }
0x5c3: {  	v9 =	vadd.f32 v21, v9;
	v10 =	vadd.f32 v22, v10;
	v20 =	vld [tilespmem:s18+$0xAA0]  }
0x5c4: {  	v11 =	vadd.f32 v23, v11;
	v12 =	vadd.f32 v59, v12;
	v21 =	vld [tilespmem:s18+$0xAB0]  }
0x5c5: {  	s20 =	simm.s32 $0x100;
	s19 =	simm.s32 $0x80;
	v13 =	vadd.f32 v60, v13;
	v16 =	vadd.f32 v61, v16;
	v22 =	vld [tilespmem:s18+$0xAC0]  }
0x5c6: {  	s22 =	sand.u32 $0x380, s19;
	s21 =	sand.u32 $0x7800, s20;
	s20 =	simm.s32 $0x200;
	v17 =	vadd.f32 v62, v17;
	v18 =	vadd.f32 v63, v18;
	v23 =	vld [tilespmem:s18+$0xAD0]  }
.LBB2_22:
0x5c7: {  	p0 =	sne.s32 s20, $0x7F00;
	v14 =	vadd.f32 v19, v14;
	v19 =	vld [tilespmem:s18+$0xAE0];
	s18 =	sor.u32 s22, s21  }
0x5c8: {  	v24 =	vld [tilespmem:s18+$0xAF0];
	v15 =	vadd.f32 v20, v15  }
0x5c9: {  	v20 =	vld [tilespmem:s18+$0x680];
	v3 =	vadd.f32 v21, v3  }
0x5ca: {  	v21 =	vld [tilespmem:s18+$0x690];
	v4 =	vadd.f32 v22, v4  }
0x5cb: {  	v22 =	vld [tilespmem:s18+$0x6A0];
	v5 =	vadd.f32 v23, v5  }
0x5cc: {  	v23 =	vld [tilespmem:s18+$0x6B0];
	v6 =	vadd.f32 v19, v6  }
0x5cd: {  	v19 =	vld [tilespmem:s18+$0x6C0];
	v7 =	vadd.f32 v24, v7  }
0x5ce: {  	v8 =	vadd.f32 v20, v8;
	v20 =	vld [tilespmem:s18+$0x6D0]  }
0x5cf: {  	v9 =	vadd.f32 v21, v9;
	v21 =	vld [tilespmem:s18+$0x6E0]  }
0x5d0: {  	v10 =	vadd.f32 v22, v10;
	v22 =	vld [tilespmem:s18+$0x6F0]  }
0x5d1: {  	v11 =	vadd.f32 v23, v11;
	v23 =	vld [tilespmem:s18+$0xA80]  }
.Ltmp10:
0x5d2: {  	v12 =	vadd.f32 v19, v12;
	v19 =	vld [tilespmem:s18+$0xA90];
	(pc) =	sbr.rel @p0 .LBB2_22-.Ltmp10, $4  }
0x5d3: {  	v13 =	vadd.f32 v20, v13;
	v20 =	vld [tilespmem:s18+$0xAA0]  }
0x5d4: {  	v16 =	vadd.f32 v21, v16;
	v21 =	vld [tilespmem:s18+$0xAB0]  }
0x5d5: {  	s19 =	sadd.s32 $0x80, s19;
	v17 =	vadd.f32 v22, v17;
	v22 =	vld [tilespmem:s18+$0xAC0]  }
0x5d6: {  	s21 =	sand.u32 $0x7800, s20;
	s20 =	sadd.s32 $0x100, s20;
	s22 =	sand.u32 $0x380, s19;
	v18 =	vadd.f32 v23, v18;
	v23 =	vld [tilespmem:s18+$0xAD0]  }
0x5d7: {  	v24 =	vld [tilespmem:s18+$0xAE0]  }
0x5d8: {  	s19 =	sor.u32 s22, s21;
	v27 =	vld [tilespmem:$0x600]  }
0x5d9: {  	v25 =	vld [tilespmem:s19+$0xAF0]  }
0x5da: {  	v26 =	vld [tilespmem:s19+$0x680]  }
0x5db: {  	v28 =	vld [tilespmem:s19+$0x690]  }
0x5dc: {  	v29 =	vld [tilespmem:s19+$0x6A0]  }
0x5dd: {  	v30 =	vld [tilespmem:s19+$0x6B0]  }
0x5de: {  	v31 =	vld [tilespmem:s19+$0x6C0];
	v33 =	vshll.u32 v27, $0x1  }
0x5df: {  	v32 =	vld [tilespmem:s19+$0x6D0];
	v27 =	vand.u32 $0x7, v27;
	v33 =	vand.u32 $0xFFFFFFF0, v33  }
0x5e0: {  	v34 =	vld [tilespmem:s19+$0x6E0];
	v27 =	vor.u32 v27, v33  }
0x5e1: {  	v35 =	vld [tilespmem:s19+$0x6F0];
	v36 =	vperm.xlane v27, v0  }
0x5e2: {  	v57 =	vld [tilespmem:s19+$0xA80]  }
0x5e3: {  	v37 =	vld [tilespmem:s19+$0xA90];
	v27 =	vperm.xlane v27, v2;
	v36 =	vadd.s32 v1, v36  }
0x5e4: {  	v38 =	vld [tilespmem:s19+$0xAA0]  }
0x5e5: {  	v39 =	vld [tilespmem:s19+$0xAB0];
	v27 =	vadd.s32 v1, v27  }
0x5e6: {  	v40 =	vld [tilespmem:s19+$0xAC0]  }
0x5e7: {  	s21 =	simm.s32 $0x0;
	v41 =	vld [tilespmem:s19+$0xAD0]  }
0x5e8: {  	v42 =	vld [tilespmem:s19+$0xAE0];
	[tilespmem:s8], [sflag:$0x1] =	stream.indirect_vreg.gather [hbm4b:s2+s21], $0x80, v36, vm0, $0xb8  }
0x5e9: {  	_ = 	snop  }
0x5ea: {  	[tilespmem:s9], [sflag:$0x1] =	stream.indirect_vreg.gather [hbm4b:s2+s21], $0x80, v27, vm0, $0xb8;
	[tilespmem:$0x10780] =	vst v63  }
0x5eb: {  	v27 =	vld [tilespmem:$0x610];
	_ =	sdelay $0x4  }
0x5ec: {  	v58 =	vshll.u32 v27, $0x1  }
0x5ed: {  	v27 =	vand.u32 $0x7, v27;
	v36 =	vand.u32 $0xFFFFFFF0, v58  }
0x5ee: {  	v27 =	vor.u32 v27, v36  }
0x5ef: {  	v36 =	vperm.xlane v27, v0;
	_ =	sdelay $0x1  }
0x5f0: {  	v27 =	vperm.xlane v27, v2;
	v36 =	vadd.s32 v1, v36;
	_ =	sdelay $0x1  }
0x5f1: {  	v27 =	vadd.s32 v1, v27;
	_ =	sdelay $0x2  }
0x5f2: {  	[tilespmem:s10], [sflag:$0x1] =	stream.indirect_vreg.gather [hbm4b:s2+s21], $0x80, v36, vm0, $0xb8;
	[tilespmem:$0x10780] =	vst v63  }
0x5f3: {  	_ = 	snop  }
0x5f4: {  	[tilespmem:s11], [sflag:$0x1] =	stream.indirect_vreg.gather [hbm4b:s2+s21], $0x80, v27, vm0, $0xb8;
	[tilespmem:$0x10780] =	vst v63  }
0x5f5: {  	_ =	swait.ge [sflag:s16], $0x8000  }
0x5f6: {  	s22 =	sand.u32 $0x7800, s21;
	s18 =	sand.u32 $0x380, s21;
	[sflag:s16] =	ssyncset.done $0x0  }
0x5f7: {  	v14 =	vadd.f32 v19, v14;
	v15 =	vadd.f32 v20, v15;
	s18 =	sor.u32 s18, s22;
	[sflag:s16] =	ssyncadd.s32 $0xFFFF8000  }
0x5f8: {  	v3 =	vadd.f32 v21, v3;
	v4 =	vadd.f32 v22, v4;
	v19 =	vld [tilespmem:s18+$0x8AF0]  }
0x5f9: {  	v5 =	vadd.f32 v23, v5;
	v6 =	vadd.f32 v24, v6;
	v20 =	vld [tilespmem:s18+$0x8680]  }
0x5fa: {  	v7 =	vadd.f32 v25, v7;
	v8 =	vadd.f32 v26, v8;
	v21 =	vld [tilespmem:s18+$0x8690]  }
0x5fb: {  	v9 =	vadd.f32 v28, v9;
	v10 =	vadd.f32 v29, v10;
	v22 =	vld [tilespmem:s18+$0x86A0]  }
0x5fc: {  	v11 =	vadd.f32 v30, v11;
	v12 =	vadd.f32 v31, v12;
	v23 =	vld [tilespmem:s18+$0x86B0]  }
0x5fd: {  	v13 =	vadd.f32 v32, v13;
	v16 =	vadd.f32 v34, v16;
	v59 =	vld [tilespmem:s18+$0x86C0]  }
0x5fe: {  	v17 =	vadd.f32 v35, v17;
	v18 =	vadd.f32 v57, v18;
	v60 =	vld [tilespmem:s18+$0x86D0]  }
0x5ff: {  	v14 =	vadd.f32 v37, v14;
	v15 =	vadd.f32 v38, v15;
	v61 =	vld [tilespmem:s18+$0x86E0]  }
0x600: {  	v3 =	vadd.f32 v39, v3;
	v4 =	vadd.f32 v40, v4;
	v62 =	vld [tilespmem:s18+$0x86F0]  }
0x601: {  	v5 =	vadd.f32 v41, v5;
	v6 =	vadd.f32 v42, v6;
	v63 =	vld [tilespmem:s18+$0x8A80]  }
0x602: {  	v7 =	vadd.f32 v19, v7;
	v8 =	vadd.f32 v20, v8;
	v19 =	vld [tilespmem:s18+$0x8A90]  }
0x603: {  	v9 =	vadd.f32 v21, v9;
	v10 =	vadd.f32 v22, v10;
	v20 =	vld [tilespmem:s18+$0x8AA0]  }
0x604: {  	v11 =	vadd.f32 v23, v11;
	v12 =	vadd.f32 v59, v12;
	v21 =	vld [tilespmem:s18+$0x8AB0]  }
0x605: {  	s20 =	simm.s32 $0x100;
	s19 =	simm.s32 $0x80;
	v13 =	vadd.f32 v60, v13;
	v16 =	vadd.f32 v61, v16;
	v22 =	vld [tilespmem:s18+$0x8AC0]  }
0x606: {  	s22 =	sand.u32 $0x380, s19;
	s21 =	sand.u32 $0x7800, s20;
	s20 =	simm.s32 $0x200;
	v17 =	vadd.f32 v62, v17;
	v18 =	vadd.f32 v63, v18;
	v23 =	vld [tilespmem:s18+$0x8AD0]  }
.LBB2_24:
0x607: {  	p0 =	sne.s32 s20, $0x7F00;
	v14 =	vadd.f32 v19, v14;
	v19 =	vld [tilespmem:s18+$0x8AE0];
	s18 =	sor.u32 s22, s21  }
0x608: {  	v24 =	vld [tilespmem:s18+$0x8AF0];
	v15 =	vadd.f32 v20, v15  }
0x609: {  	v20 =	vld [tilespmem:s18+$0x8680];
	v3 =	vadd.f32 v21, v3  }
0x60a: {  	v21 =	vld [tilespmem:s18+$0x8690];
	v4 =	vadd.f32 v22, v4  }
0x60b: {  	v22 =	vld [tilespmem:s18+$0x86A0];
	v5 =	vadd.f32 v23, v5  }
0x60c: {  	v23 =	vld [tilespmem:s18+$0x86B0];
	v6 =	vadd.f32 v19, v6  }
0x60d: {  	v19 =	vld [tilespmem:s18+$0x86C0];
	v7 =	vadd.f32 v24, v7  }
0x60e: {  	v8 =	vadd.f32 v20, v8;
	v20 =	vld [tilespmem:s18+$0x86D0]  }
0x60f: {  	v9 =	vadd.f32 v21, v9;
	v21 =	vld [tilespmem:s18+$0x86E0]  }
0x610: {  	v10 =	vadd.f32 v22, v10;
	v22 =	vld [tilespmem:s18+$0x86F0]  }
0x611: {  	v11 =	vadd.f32 v23, v11;
	v23 =	vld [tilespmem:s18+$0x8A80]  }
.Ltmp11:
0x612: {  	v12 =	vadd.f32 v19, v12;
	v19 =	vld [tilespmem:s18+$0x8A90];
	(pc) =	sbr.rel @p0 .LBB2_24-.Ltmp11, $4  }
0x613: {  	v13 =	vadd.f32 v20, v13;
	v20 =	vld [tilespmem:s18+$0x8AA0]  }
0x614: {  	v16 =	vadd.f32 v21, v16;
	v21 =	vld [tilespmem:s18+$0x8AB0]  }
0x615: {  	s19 =	sadd.s32 $0x80, s19;
	v17 =	vadd.f32 v22, v17;
	v22 =	vld [tilespmem:s18+$0x8AC0]  }
0x616: {  	s21 =	sand.u32 $0x7800, s20;
	s20 =	sadd.s32 $0x100, s20;
	s22 =	sand.u32 $0x380, s19;
	v18 =	vadd.f32 v23, v18;
	v23 =	vld [tilespmem:s18+$0x8AD0]  }
0x617: {  	s19 =	sor.u32 s22, s21;
	v24 =	vld [tilespmem:s18+$0x8AE0]  }
0x618: {  	v25 =	vld [tilespmem:s19+$0x8AF0]  }
0x619: {  	v26 =	vld [tilespmem:s19+$0x8680]  }
0x61a: {  	v27 =	vld [tilespmem:s19+$0x8690]  }
0x61b: {  	v28 =	vld [tilespmem:s19+$0x86A0]  }
0x61c: {  	v29 =	vld [tilespmem:s19+$0x86B0]  }
0x61d: {  	v30 =	vld [tilespmem:s19+$0x86C0]  }
0x61e: {  	v31 =	vld [tilespmem:s19+$0x86D0]  }
0x61f: {  	v32 =	vld [tilespmem:s19+$0x86E0]  }
0x620: {  	v33 =	vld [tilespmem:s19+$0x86F0]  }
0x621: {  	v34 =	vld [tilespmem:s19+$0x8A80]  }
0x622: {  	v35 =	vld [tilespmem:s19+$0x8A90]  }
0x623: {  	v36 =	vld [tilespmem:s19+$0x8AA0]  }
0x624: {  	v37 =	vld [tilespmem:s19+$0x8AB0]  }
0x625: {  	v38 =	vld [tilespmem:s19+$0x8AC0]  }
0x626: {  	v39 =	vld [tilespmem:s19+$0x8AD0]  }
0x627: {  	s21 =	simm.s32 $0x0;
	v40 =	vld [tilespmem:s19+$0x8AE0];
	_ =	swait.ge [sflag:s15], $0x2000  }
0x628: {  	s22 =	sand.u32 $0x1800, s21;
	s18 =	sand.u32 $0x380, s21;
	[sflag:s15] =	ssyncset.done $0x0  }
0x629: {  	v14 =	vadd.f32 v19, v14;
	v15 =	vadd.f32 v20, v15;
	s18 =	sor.u32 s18, s22;
	[sflag:s15] =	ssyncadd.s32 $0xFFFFE000  }
0x62a: {  	v3 =	vadd.f32 v21, v3;
	v4 =	vadd.f32 v22, v4;
	v19 =	vld [tilespmem:s18+$0xAF0]  }
0x62b: {  	v5 =	vadd.f32 v23, v5;
	v21 =	vld [tilespmem:s18+$0x680];
	v20 =	vadd.f32 v24, v6  }
0x62c: {  	v53 =	vld [tilespmem:s18+$0x690];
	v22 =	vadd.f32 v25, v7;
	v23 =	vadd.f32 v26, v8  }
0x62d: {  	v55 =	vld [tilespmem:s18+$0x6A0];
	v54 =	vadd.f32 v27, v9;
	v10 =	vadd.f32 v28, v10  }
0x62e: {  	v56 =	vld [tilespmem:s18+$0x6B0];
	v11 =	vadd.f32 v29, v11;
	v12 =	vadd.f32 v30, v12  }
0x62f: {  	v57 =	vld [tilespmem:s18+$0x6C0];
	v13 =	vadd.f32 v31, v13;
	v16 =	vadd.f32 v32, v16  }
0x630: {  	v60 =	vld [tilespmem:s18+$0x6D0];
	v58 =	vadd.f32 v33, v17;
	v59 =	vadd.f32 v34, v18  }
0x631: {  	v61 =	vld [tilespmem:s18+$0x6E0];
	v9 =	vadd.f32 v35, v14;
	v8 =	vadd.f32 v36, v15  }
0x632: {  	v62 =	vld [tilespmem:s18+$0x6F0];
	v7 =	vadd.f32 v37, v3;
	v6 =	vadd.f32 v38, v4  }
0x633: {  	v63 =	vld [tilespmem:s18+$0xA80];
	v5 =	vadd.f32 v39, v5;
	v4 =	vadd.f32 v40, v20  }
0x634: {  	v3 =	vadd.f32 v19, v22;
	v17 =	vadd.f32 v21, v23;
	v22 =	vld [tilespmem:s18+$0xA90]  }
0x635: {  	v18 =	vadd.f32 v53, v54;
	v14 =	vadd.f32 v55, v10;
	v19 =	vld [tilespmem:s18+$0xAA0]  }
0x636: {  	v20 =	vld [tilespmem:s18+$0xAB0];
	v15 =	vadd.f32 v56, v11;
	v10 =	vadd.f32 v57, v12  }
0x637: {  	s20 =	simm.s32 $0x100;
	s19 =	simm.s32 $0x80;
	v11 =	vadd.f32 v60, v13;
	v12 =	vadd.f32 v61, v16;
	v21 =	vld [tilespmem:s18+$0xAC0]  }
0x638: {  	s21 =	sand.u32 $0x1800, s20;
	s20 =	simm.s32 $0x200;
	s22 =	sand.u32 $0x380, s19;
	v13 =	vadd.f32 v62, v58;
	v16 =	vadd.f32 v63, v59;
	v23 =	vld [tilespmem:s18+$0xAD0]  }
.LBB2_26:
0x639: {  	p0 =	sne.s32 s20, $0x1F00;
	v9 =	vadd.f32 v22, v9;
	v22 =	vld [tilespmem:s18+$0xAE0];
	s18 =	sor.u32 s22, s21  }
0x63a: {  	v24 =	vld [tilespmem:s18+$0xAF0];
	v8 =	vadd.f32 v19, v8  }
0x63b: {  	v19 =	vld [tilespmem:s18+$0x680];
	v7 =	vadd.f32 v20, v7  }
0x63c: {  	v20 =	vld [tilespmem:s18+$0x690];
	v6 =	vadd.f32 v21, v6  }
0x63d: {  	v21 =	vld [tilespmem:s18+$0x6A0];
	v5 =	vadd.f32 v23, v5  }
0x63e: {  	v23 =	vld [tilespmem:s18+$0x6B0];
	v4 =	vadd.f32 v22, v4  }
0x63f: {  	v22 =	vld [tilespmem:s18+$0x6C0];
	v3 =	vadd.f32 v24, v3  }
0x640: {  	v17 =	vadd.f32 v19, v17;
	v19 =	vld [tilespmem:s18+$0x6D0]  }
0x641: {  	v18 =	vadd.f32 v20, v18;
	v20 =	vld [tilespmem:s18+$0x6E0]  }
0x642: {  	v14 =	vadd.f32 v21, v14;
	v21 =	vld [tilespmem:s18+$0x6F0]  }
0x643: {  	v15 =	vadd.f32 v23, v15;
	v23 =	vld [tilespmem:s18+$0xA80]  }
.Ltmp12:
0x644: {  	v10 =	vadd.f32 v22, v10;
	v22 =	vld [tilespmem:s18+$0xA90];
	(pc) =	sbr.rel @p0 .LBB2_26-.Ltmp12, $4  }
0x645: {  	v11 =	vadd.f32 v19, v11;
	v19 =	vld [tilespmem:s18+$0xAA0]  }
0x646: {  	v12 =	vadd.f32 v20, v12;
	v20 =	vld [tilespmem:s18+$0xAB0]  }
0x647: {  	s19 =	sadd.s32 $0x80, s19;
	v13 =	vadd.f32 v21, v13;
	v21 =	vld [tilespmem:s18+$0xAC0]  }
0x648: {  	s21 =	sand.u32 $0x1800, s20;
	s20 =	sadd.s32 $0x100, s20;
	s22 =	sand.u32 $0x380, s19;
	v16 =	vadd.f32 v23, v16;
	v23 =	vld [tilespmem:s18+$0xAD0]  }
0x649: {  	s19 =	sor.u32 s22, s21;
	v24 =	vld [tilespmem:s18+$0xAE0]  }
0x64a: {  	v25 =	vld [tilespmem:s19+$0xAF0]  }
0x64b: {  	v26 =	vld [tilespmem:s19+$0x680]  }
0x64c: {  	v27 =	vld [tilespmem:s19+$0x690]  }
0x64d: {  	v28 =	vld [tilespmem:s19+$0x6A0]  }
0x64e: {  	v29 =	vld [tilespmem:s19+$0x6B0]  }
0x64f: {  	v30 =	vld [tilespmem:s19+$0x6C0]  }
0x650: {  	v31 =	vld [tilespmem:s19+$0x6D0]  }
0x651: {  	v32 =	vld [tilespmem:s19+$0x6E0]  }
0x652: {  	v33 =	vld [tilespmem:s19+$0x6F0]  }
0x653: {  	v34 =	vld [tilespmem:s19+$0xA80]  }
0x654: {  	v35 =	vld [tilespmem:s19+$0xA90]  }
0x655: {  	v36 =	vld [tilespmem:s19+$0xAA0]  }
0x656: {  	v37 =	vld [tilespmem:s19+$0xAB0]  }
0x657: {  	v38 =	vld [tilespmem:s19+$0xAC0];
	v17 =	vadd.f32 v26, v17  }
0x658: {  	v60 =	vld [tilespmem:s19+$0xAD0];
	v18 =	vadd.f32 v27, v18  }
0x659: {  	v61 =	vld [tilespmem:s19+$0xAE0];
	v14 =	vadd.f32 v28, v14;
	[tilespmem:$0x10680] =	vst v17  }
0x65a: {  	v15 =	vadd.f32 v29, v15;
	[tilespmem:$0x10690] =	vst v18  }
0x65b: {  	v10 =	vadd.f32 v30, v10;
	[tilespmem:$0x106A0] =	vst v14  }
0x65c: {  	v11 =	vadd.f32 v31, v11;
	[tilespmem:$0x106B0] =	vst v15  }
0x65d: {  	v12 =	vadd.f32 v32, v12;
	[tilespmem:$0x106C0] =	vst v10  }
0x65e: {  	v9 =	vadd.f32 v22, v9;
	v62 =	vadd.f32 v33, v13;
	[tilespmem:$0x106D0] =	vst v11  }
0x65f: {  	v8 =	vadd.f32 v19, v8;
	v63 =	vadd.f32 v34, v16;
	[tilespmem:$0x106E0] =	vst v12  }
0x660: {  	v7 =	vadd.f32 v20, v7;
	v9 =	vadd.f32 v35, v9;
	[tilespmem:$0x106F0] =	vst v62  }
0x661: {  	v6 =	vadd.f32 v21, v6;
	v8 =	vadd.f32 v36, v8;
	[tilespmem:$0x10700] =	vst v63  }
0x662: {  	v5 =	vadd.f32 v23, v5;
	v7 =	vadd.f32 v37, v7;
	[tilespmem:$0x10710] =	vst v9  }
0x663: {  	v6 =	vadd.f32 v38, v6;
	[tilespmem:$0x10720] =	vst v8  }
0x664: {  	v4 =	vadd.f32 v24, v4;
	v5 =	vadd.f32 v60, v5;
	[tilespmem:$0x10730] =	vst v7  }
0x665: {  	v3 =	vadd.f32 v25, v3;
	[tilespmem:$0x10740] =	vst v6  }
0x666: {  	v4 =	vadd.f32 v61, v4;
	[tilespmem:$0x10750] =	vst v5  }
0x667: {  	s21 =	simm.s32 $0x80;
	[tilespmem:$0x10770] =	vst v3  }
0x668: {  	s20 =	simm.s32 $0x400;
	s22 =	simm.s32 $0x10680;
	s19 =	rddreg [dreg:$0x4];
	[tilespmem:$0x10760] =	vst v4  }
0x669: {  	[hbm4b:s19+s21] =	stream.strided.scatter [tilespmem:s22], [sflag:$0x3], $0x100, s20, s21, $0x38;
	[tilespmem:$0x10780] =	vst v63  }
0x66a: {  	s19 =	simm.s32 $0x3  }
0x66b: {  	_ =	swait.ge [sflag:s19], $0x100  }
0x66c: {  	s17 =	sadd.s32 $0x1, s17;
	s22 =	rddreg [dreg:$0x5]  }
0x66d: {  	p0 =	sne.s32 s17, s22  }
.Ltmp13:
0x66e: {  	_ = 	snop;
	(pc) =	sbr.rel @p0 .LBB2_1-.Ltmp13, $3  }
0x66f: {  	_ =	sdelay $0x1  }
0x670: {  	[sflag:s19] =	ssyncset.done $0x0  }
0x671: {  	[sflag:s19] =	ssyncadd.s32 $0xFFFFFF00  }
0x672: {  	_ =	sfence.sel $0x180000  }
0x673: {  	[bflag:$0x0] =	sbarrier.arrive $0xFFFF  }
0x674: {  	_ =	strace $0x90000047  }
0x675: {  	s0 =	stileid.u32;
	[bflag:$0x2] =	sbarrier.arrive $0xFFFF  }
0x676: {  	p0 =	sne.s32 s0, $0x0;
	s0 =	rddreg [dreg:$0x2]  }
0x677: {  	s0 =	sadd.s32 @!p0 $0x100000, s0  }
0x678: {  	[sflag:s0] =	ssyncadd.tile.s32 @!p0 $0x1;
	_ =	shalt  }
.Lfunc_end2:
_tile_overlayer_lowered:
.L_overlay_start_2:
0x679: {  	(tag) =	ssettag $0x2  }
0x67a: {  	s0 =	rddreg [dreg:$0x0];
	s2 =	stileid.u32  }
0x67b: {  	s1 =	rddreg [dreg:$0x1];
	p0 =	sne.s32 s2, $0x0  }
0x67c: {  	s3 =	rddreg [dreg:$0x2];
	[bflag:$0x3] =	sbarrier.arrive $0xFFFF;
	s2 =	simm.s32 @!p0 $0x1C03  }
0x67d: {  	[timem:s3], [sflag:s2] =	dma.local @!p0 [hbm:s0], s1  }
0x67e: {  	s0 =	simm.s32 @!p0 $0x3  }
0x67f: {  	_ =	swait.ge @!p0 [sflag:s0], s1  }
0x680: {  	s1 =	ssub.s32 @!p0 $0x0, s1;
	[sflag:s0] =	ssyncset.done @!p0 $0x0  }
0x681: {  	[sflag:s0] =	ssyncadd.s32 @!p0 s1  }
0x682: {  	[bflag:$0x3] =	sbarrier.arrive $0xFFFF  }
0x683: {  	_ =	shalt  }

</sc_bundles>
